<compile_context>
chip_gen: v7x
topology: tpu7x:2x2x1
jax: 0.10.2.dev20260603
libtpu: 0.0.44.dev20260713+nightly
codegen_flags: <defaults>
</compile_context>

<pallas_src>
import functools

import jax
import jax.numpy as jnp
import numpy as np
from jax import lax
from jax.experimental import pallas as pl
from jax.experimental.pallas import tpu as pltpu
from jax.experimental.pallas import tpu_sc as plsc

EMBED = 256
HEADS = 8
LEVELS = 4
POINTS = 4
QDIM = 128
NQ = QDIM * QDIM
SHAPES = [(128, 128), (64, 64), (32, 32), (16, 16)]
CHANNELS = [24, 40, 112, 1280]
HID = 512
HD = EMBED // HEADS
NV = sum(h * w for h, w in SHAPES)
PAIRS = NQ * HEADS
EPP = LEVELS * POINTS * 4

BQ = 2048


def _level_body(g_ref, wp_ref, bp_ref, gg_ref, gb_ref, wval_ref, bval_ref,
                out_ref):
    G = g_ref[...]
    hw = G.shape[1]
    P = jnp.dot(wp_ref[...], G, preferred_element_type=jnp.float32)
    P = P + bp_ref[...][:, None]
    r = lax.broadcasted_iota(jnp.int32, (EMBED, 32), 0) // 8
    c = lax.broadcasted_iota(jnp.int32, (EMBED, 32), 1)
    M = (r == c).astype(jnp.float32)
    rowsum = jnp.sum(P, axis=1)[None, :]
    rowsq = jnp.sum(P * P, axis=1)[None, :]
    cnt = 8.0 * hw
    mu = jnp.dot(rowsum, M, preferred_element_type=jnp.float32) / cnt
    ex2 = jnp.dot(rowsq, M, preferred_element_type=jnp.float32) / cnt
    inv = lax.rsqrt(ex2 - mu * mu + 1e-5)
    mu_rows = jnp.dot(M, mu.T, preferred_element_type=jnp.float32)
    inv_rows = jnp.dot(M, inv.T, preferred_element_type=jnp.float32)
    Xn = (P - mu_rows) * inv_rows * gg_ref[...][:, None] + gb_ref[...][:, None]
    Y = lax.dot_general(Xn, wval_ref[...], (((0,), (1,)), ((), ())),
                        preferred_element_type=jnp.float32)
    out_ref[...] = Y + bval_ref[...][None, :]


def _level_value(g, wp, bp, gg, gb, wval, bval):
    c, hw = g.shape
    return pl.pallas_call(
        _level_body,
        out_shape=jax.ShapeDtypeStruct((hw, EMBED), jnp.float32),
    )(g, wp, bp, gg, gb, wval, bval)


def _qside_body(q_ref, wox_ref, woy_ref, box_ref, boy_ref, wa_ref, ba_ref,
                hcol_ref, loff_ref, wli_ref, hli_ref, wlf_ref, hlf_ref,
                iout, wout):
    qb = q_ref[...]
    dn = (((1,), (1,)), ((), ()))
    offx = lax.dot_general(qb, wox_ref[...], dn,
                           preferred_element_type=jnp.float32)
    offx = offx + box_ref[...][None, :]
    offy = lax.dot_general(qb, woy_ref[...], dn,
                           preferred_element_type=jnp.float32)
    offy = offy + boy_ref[...][None, :]
    logit = lax.dot_general(qb, wa_ref[...], dn,
                            preferred_element_type=jnp.float32)
    logit = logit + ba_ref[...][None, :]
    parts = []
    for h in range(HEADS):
        s = logit[:, h * 16:(h + 1) * 16]
        m = jnp.max(s, axis=1, keepdims=True)
        e = jnp.exp(s - m)
        parts.append(e / jnp.sum(e, axis=1, keepdims=True))
    aw = jnp.concatenate(parts, axis=1)

    qidx = pl.program_id(0) * BQ + lax.broadcasted_iota(jnp.int32, (BQ, 1), 0)
    refx = (qidx % QDIM).astype(jnp.float32) / (QDIM - 1.0)
    refy = (qidx // QDIM).astype(jnp.float32) / (QDIM - 1.0)
    wlf = wlf_ref[...][None, :]
    hlf = hlf_ref[...][None, :]
    wli = wli_ref[...][None, :]
    hli = hli_ref[...][None, :]
    loff = loff_ref[...][None, :]
    hcol = hcol_ref[...][None, :]
    sx = refx * wlf + offx - 0.5
    sy = refy * hlf + offy - 0.5
    x0f = jnp.floor(sx)
    y0f = jnp.floor(sy)
    wx1 = sx - x0f
    wx0 = 1.0 - wx1
    wy1 = sy - y0f
    wy0 = 1.0 - wy1
    x0 = x0f.astype(jnp.int32)
    y0 = y0f.astype(jnp.int32)

    x1 = x0 + 1
    y1 = y0 + 1
    zero = jnp.zeros_like(wx0)
    cxA = jnp.where(x0 >= 0, jnp.where(x0 <= wli - 1, wx0, zero),
                    jnp.where((x1 >= 0) & (x1 <= wli - 1), wx1, zero))
    cxB = jnp.where((x0 >= 0) & (x1 <= wli - 1), wx1, zero)
    cyA = jnp.where(y0 >= 0, jnp.where(y0 <= hli - 1, wy0, zero),
                    jnp.where((y1 >= 0) & (y1 <= hli - 1), wy1, zero))
    cyB = jnp.where((y0 >= 0) & (y1 <= hli - 1), wy1, zero)
    xb = jnp.clip(x0, 0, wli - 1)
    yb = jnp.clip(y0, 0, hli - 1)
    iout[...] = (loff + yb * wli + xb) * HEADS + hcol
    wAf = aw * cyA * cxA
    wBf = aw * cyA * cxB
    wCf = aw * cyB * cxA
    wDf = aw * cyB * cxB
    pieces = []
    for h in range(HEADS):
        sl = slice(h * 16, (h + 1) * 16)
        pieces += [wAf[:, sl], wBf[:, sl], wCf[:, sl], wDf[:, sl]]
    wout[...] = jnp.concatenate(pieces, axis=1)


def _qside(Q2, wox, woy, box, boy, wa, ba, cols):
    grid = (NQ // BQ,)
    qspec = pl.BlockSpec((BQ, EMBED), lambda i: (i, 0))
    full = lambda s: pl.BlockSpec(s, lambda i: tuple(0 for _ in s))
    cspec = full((128,))
    ospec = pl.BlockSpec((BQ, 128), lambda i: (i, 0))
    wspec = pl.BlockSpec((BQ, 512), lambda i: (i, 0))
    oshape = jax.ShapeDtypeStruct((NQ, 128), jnp.int32)
    wshape = jax.ShapeDtypeStruct((NQ, 512), jnp.float32)
    return pl.pallas_call(
        _qside_body,
        grid=grid,
        in_specs=[qspec, full((128, EMBED)), full((128, EMBED)), cspec, cspec,
                  full((128, EMBED)), cspec, cspec, cspec, cspec, cspec,
                  cspec, cspec],
        out_specs=[ospec, wspec],
        out_shape=[oshape, wshape],
    )(Q2, wox, woy, box, boy, wa, ba, *cols)


PT_R = 2048
PT_PAD = 176128


PT_R4 = PT_R // 4


def _patch_body(t4_ref, t4s_ref, o_ref):
    i = pl.program_id(0)
    ys = jnp.where(i < 64, 256,
                   jnp.where(i < 80, 128, jnp.where(i < 84, 64, 32)))
    b = pl.multiple_of(i * PT_R4, PT_R4)
    ys = pl.multiple_of(ys, 32)
    for j in range(4):
        lo = j * HD
        t0 = t4_ref[pl.ds(b, PT_R4), lo:lo + HD]
        t1 = t4s_ref[pl.ds(b, PT_R4), lo:lo + HD]
        t2 = t4_ref[pl.ds(b + ys, PT_R4), lo:lo + HD]
        t3 = t4s_ref[pl.ds(b + ys, PT_R4), lo:lo + HD]
        o_ref[:, j * 4 * HD:j * 4 * HD + HD] = t0
        o_ref[:, j * 4 * HD + HD:j * 4 * HD + 2 * HD] = t1
        o_ref[:, j * 4 * HD + 2 * HD:j * 4 * HD + 3 * HD] = t2
        o_ref[:, j * 4 * HD + 3 * HD:j * 4 * HD + 4 * HD] = t3


def _patch_table(t4, t4s):
    full4 = pl.BlockSpec((PT_PAD // 4, 128), lambda i: (0, 0))
    out = pl.pallas_call(
        _patch_body,
        grid=(NV * HEADS // PT_R,),
        in_specs=[full4, full4],
        out_specs=pl.BlockSpec((PT_R4, 16 * HD), lambda i: (i, 0)),
        out_shape=jax.ShapeDtypeStruct((NV * HEADS // 4, 16 * HD),
                                       jnp.float32),
    )(t4, t4s)
    return out.reshape(NV * HEADS, 4 * HD)


NW = 32
PAIRS_PER_W = PAIRS // NW
CHUNK_PAIRS = 16
N_CHUNKS = PAIRS_PER_W // CHUNK_PAIRS
PPP = LEVELS * POINTS
PW = 4 * HD
CEI = CHUNK_PAIRS * PPP
CW = CHUNK_PAIRS * 4 * PPP


def _sc_body(table_hbm, idx_hbm, w_hbm, out_hbm,
             idx_v0, idx_v1, w_v0, w_v1, rows_v0, rows_v1, out_v0, out_v1,
             sem0, sem1, semo0, semo1):
    wid = lax.axis_index("s") * 2 + lax.axis_index("c")
    idx_vs = (idx_v0, idx_v1)
    w_vs = (w_v0, w_v1)
    rows_vs = (rows_v0, rows_v1)
    out_vs = (out_v0, out_v1)
    sems = (sem0, sem1)
    semos = (semo0, semo1)

    def pair_base(ci):
        return pl.multiple_of(wid * PAIRS_PER_W + ci * CHUNK_PAIRS,
                              CHUNK_PAIRS)

    def stage(ci, b):
        i0 = pl.multiple_of(pair_base(ci) * PPP, CEI)
        e0 = pl.multiple_of(pair_base(ci) * 4 * PPP, CW)
        pltpu.sync_copy(idx_hbm.at[pl.ds(i0, CEI)], idx_vs[b])
        pltpu.sync_copy(w_hbm.at[pl.ds(e0, CW)], w_vs[b])
        pltpu.async_copy(table_hbm.at[idx_vs[b]], rows_vs[b], sems[b])

    def wait_gathers(b):
        pltpu.make_async_copy(table_hbm.at[idx_vs[b]], rows_vs[b],
                              sems[b]).wait()

    def compute(ci, b):
        rows_v = rows_vs[b]
        w_v = w_vs[b]
        out_v = out_vs[b]

        def splat(vec, t):
            return lax.gather(
                vec, jnp.full((16, 1), t, jnp.int32),
                lax.GatherDimensionNumbers(
                    offset_dims=(), collapsed_slice_dims=(0,),
                    start_index_map=(0,)),
                (1,), mode=lax.GatherScatterMode.PROMISE_IN_BOUNDS)

        @pl.when(ci >= 2)
        def _():
            pltpu.make_async_copy(
                out_v, out_hbm.at[pl.ds(pair_base(ci), CHUNK_PAIRS)],
                semos[b]).wait()

        def pair_body(p, carry2):
            w0 = pl.multiple_of(p * 4 * PPP, 16)
            wAg = w_v[pl.ds(w0, 16)]
            wBg = w_v[pl.ds(w0 + 16, 16)]
            wCg = w_v[pl.ds(w0 + 32, 16)]
            wDg = w_v[pl.ds(w0 + 48, 16)]
            r0 = p * PPP
            z = jnp.zeros((16,), jnp.float32)
            a0 = a1 = b0 = b1 = z
            for j in range(0, PPP, 2):
                vA0 = splat(wAg, j)
                vB0 = splat(wBg, j)
                vC0 = splat(wCg, j)
                vD0 = splat(wDg, j)
                a0 = a0 + (vA0 * rows_v[r0 + j, pl.ds(0, 16)]
                           + vB0 * rows_v[r0 + j, pl.ds(32, 16)]
                           + vC0 * rows_v[r0 + j, pl.ds(64, 16)]
                           + vD0 * rows_v[r0 + j, pl.ds(96, 16)])
                a1 = a1 + (vA0 * rows_v[r0 + j, pl.ds(16, 16)]
                           + vB0 * rows_v[r0 + j, pl.ds(48, 16)]
                           + vC0 * rows_v[r0 + j, pl.ds(80, 16)]
                           + vD0 * rows_v[r0 + j, pl.ds(112, 16)])
                vA1 = splat(wAg, j + 1)
                vB1 = splat(wBg, j + 1)
                vC1 = splat(wCg, j + 1)
                vD1 = splat(wDg, j + 1)
                b0 = b0 + (vA1 * rows_v[r0 + j + 1, pl.ds(0, 16)]
                           + vB1 * rows_v[r0 + j + 1, pl.ds(32, 16)]
                           + vC1 * rows_v[r0 + j + 1, pl.ds(64, 16)]
                           + vD1 * rows_v[r0 + j + 1, pl.ds(96, 16)])
                b1 = b1 + (vA1 * rows_v[r0 + j + 1, pl.ds(16, 16)]
                           + vB1 * rows_v[r0 + j + 1, pl.ds(48, 16)]
                           + vC1 * rows_v[r0 + j + 1, pl.ds(80, 16)]
                           + vD1 * rows_v[r0 + j + 1, pl.ds(112, 16)])
            out_v[p, pl.ds(0, 16)] = a0 + b0
            out_v[p, pl.ds(16, 16)] = a1 + b1
            return carry2

        lax.fori_loop(0, CHUNK_PAIRS, pair_body, 0)
        pltpu.async_copy(out_v, out_hbm.at[pl.ds(pair_base(ci), CHUNK_PAIRS)],
                         semos[b])

    stage(0, 0)

    def outer(i, carry):
        for b in (0, 1):
            ci = 2 * i + b

            @pl.when(ci + 1 < N_CHUNKS)
            def _():
                stage(ci + 1, 1 - b)

            wait_gathers(b)
            compute(ci, b)
        return carry

    lax.fori_loop(0, N_CHUNKS // 2, outer, 0)
    for b in (0, 1):
        pltpu.make_async_copy(
            out_vs[b], out_hbm.at[pl.ds(pair_base(N_CHUNKS - 2 + b),
                                        CHUNK_PAIRS)], semos[b]).wait()


def _sc_gather(table, idx2d, wflat):
    mesh = plsc.VectorSubcoreMesh(core_axis_name="c", subcore_axis_name="s")
    f = pl.kernel(
        _sc_body,
        mesh=mesh,
        compiler_params=pltpu.CompilerParams(use_tc_tiling_on_sc=False),
        out_type=jax.ShapeDtypeStruct((PAIRS, HD), jnp.float32),
        scratch_types=[
            pltpu.VMEM((CEI,), jnp.int32),
            pltpu.VMEM((CEI,), jnp.int32),
            pltpu.VMEM((CW,), jnp.float32),
            pltpu.VMEM((CW,), jnp.float32),
            pltpu.VMEM((CEI, PW), jnp.float32),
            pltpu.VMEM((CEI, PW), jnp.float32),
            pltpu.VMEM((CHUNK_PAIRS, HD), jnp.float32),
            pltpu.VMEM((CHUNK_PAIRS, HD), jnp.float32),
            pltpu.SemaphoreType.DMA,
            pltpu.SemaphoreType.DMA,
            pltpu.SemaphoreType.DMA,
            pltpu.SemaphoreType.DMA,
        ],
    )
    return f(table, idx2d, wflat)


def _ffn_body(a_ref, q_ref, wo_ref, bo_ref, w1_ref, b1_ref, w2_ref, b2_ref,
              g_ref, bb_ref, o_ref):
    dn = (((1,), (1,)), ((), ()))
    a = a_ref[...]
    q = q_ref[...]
    fused = lax.dot_general(a, wo_ref[...], dn,
                            preferred_element_type=jnp.float32)
    fused = fused + bo_ref[...][None, :] + 2.0 * q
    h1 = lax.dot_general(fused, w1_ref[...], dn,
                         preferred_element_type=jnp.float32)
    h1 = jnp.maximum(h1 + b1_ref[...][None, :], 0.0)
    h2 = lax.dot_general(h1, w2_ref[...], dn,
                         preferred_element_type=jnp.float32)
    h2 = h2 + b2_ref[...][None, :]
    mu = jnp.mean(h2, axis=1, keepdims=True)
    var = jnp.mean((h2 - mu) ** 2, axis=1, keepdims=True)
    o_ref[...] = fused + ((h2 - mu) * lax.rsqrt(var + 1e-5)) * \
        g_ref[...][None, :] + bb_ref[...][None, :]


def _ffn(attn_raw, Q2, wo, bo, w1, b1, w2, b2, g, b):
    grid = (NQ // BQ,)
    blk = pl.BlockSpec((BQ, EMBED), lambda i: (i, 0))
    full = lambda s: pl.BlockSpec(s, lambda i: tuple(0 for _ in s))
    return pl.pallas_call(
        _ffn_body,
        grid=grid,
        in_specs=[blk, blk, full((EMBED, EMBED)), full((EMBED,)),
                  full((HID, EMBED)), full((HID,)), full((EMBED, HID)),
                  full((EMBED,)), full((EMBED,)), full((EMBED,))],
        out_specs=blk,
        out_shape=jax.ShapeDtypeStruct((NQ, EMBED), jnp.float32),
    )(attn_raw, Q2, wo, bo, w1, b1, w2, b2, g, b)


def _col_consts():
    j = np.arange(HEADS * LEVELS * POINTS)
    lcol = (j % (LEVELS * POINTS)) // POINTS
    hcol = j // (LEVELS * POINTS)
    loff_tab = np.array([0, 16384, 20480, 21504], dtype=np.int32)
    wl = np.array([SHAPES[l][1] for l in range(LEVELS)], dtype=np.int32)
    hl = np.array([SHAPES[l][0] for l in range(LEVELS)], dtype=np.int32)
    return (
        jnp.asarray(hcol, dtype=jnp.int32),
        jnp.asarray(loff_tab[lcol], dtype=jnp.int32),
        jnp.asarray(wl[lcol], dtype=jnp.int32),
        jnp.asarray(hl[lcol], dtype=jnp.int32),
        jnp.asarray(wl[lcol], dtype=jnp.float32),
        jnp.asarray(hl[lcol], dtype=jnp.float32),
    )


def kernel(Q, grd0, grd1, grd2, grd3, batch_size, Wp0, bp0, gn_g0, gn_b0,
           Wp1, bp1, gn_g1, gn_b1, Wp2, bp2, gn_g2, gn_b2, Wp3, bp3, gn_g3,
           gn_b3, W_off, b_off, W_attn, b_attn, W_val, b_val, W_out, b_out,
           W1, b1, W2, b2, ln_g, ln_b):
    Q2 = Q.reshape(NQ, EMBED)
    grds = (grd0, grd1, grd2, grd3)
    projs = ((Wp0, bp0, gn_g0, gn_b0), (Wp1, bp1, gn_g1, gn_b1),
             (Wp2, bp2, gn_g2, gn_b2), (Wp3, bp3, gn_g3, gn_b3))
    vals = []
    for l in range(LEVELS):
        h, w = SHAPES[l]
        g = grds[l].reshape(CHANNELS[l], h * w)
        wp, bp, gg, gb = projs[l]
        vals.append(_level_value(g, wp, bp, gg, gb, W_val, b_val))
    t4 = jnp.concatenate(
        [jnp.concatenate(vals, axis=0).reshape(NV * HEADS // 4, 128),
         jnp.zeros(((PT_PAD - NV * HEADS) // 4, 128), jnp.float32)], axis=0)
    t4s = jnp.concatenate(
        [t4[2:], jnp.zeros((2, 128), jnp.float32)], axis=0)
    table = _patch_table(t4, t4s)

    cols = _col_consts()
    qp = _qside(Q2, W_off[0::2], W_off[1::2], b_off[0::2], b_off[1::2],
                W_attn, b_attn, cols)
    idx = qp[0].reshape(PAIRS * PPP)
    sc_out = _sc_gather(table, idx, qp[1].reshape(PAIRS * 4 * PPP))
    attn_raw = sc_out.reshape(NQ, EMBED)
    final = _ffn(attn_raw, Q2, W_out, b_out, W1, b1, W2, b2, ln_g, ln_b)
    return final.reshape(1, NQ, EMBED)

# --- scband reference (transcript-rebuilt; emitter-appended) ---
"""Pipeline reference for scband-deformable-cross-grd-attention-42769284333656 (READ-ONLY COPY).

The authoritative reference and input builder live on the scoring server;
editing this copy changes nothing except your own understanding.
"""

import jax, jax.numpy as jnp
import numpy as np

EMBED = 256
HEADS = 8
LEVELS = 4
POINTS = 4
QDIM = 128
NQ = QDIM * QDIM
SHAPES = [(128, 128), (64, 64), (32, 32), (16, 16)]
CHANNELS = [24, 40, 112, 1280]
B = 1
HID = 512


def setup_inputs(seed: int = 0):
    key = jax.random.key(seed)
    ks = jax.random.split(key, 64)
    inp = {}
    inp["Q"] = jax.random.normal(ks[0], (B, NQ, EMBED), dtype=jnp.float32)
    for l in range(LEVELS):
        c = CHANNELS[l]
        h, w = SHAPES[l]
        inp["grd%d" % l] = jax.random.normal(ks[1 + l], (B, c, h, w), dtype=jnp.float32)
    inp["batch_size"] = B
    i = 8
    for l in range(LEVELS):
        c = CHANNELS[l]
        inp["Wp%d" % l] = jax.random.normal(ks[i], (EMBED, c), dtype=jnp.float32) * 0.05
        i += 1
        inp["bp%d" % l] = jnp.zeros((EMBED,), dtype=jnp.float32)
        inp["gn_g%d" % l] = jnp.ones((EMBED,), dtype=jnp.float32)
        inp["gn_b%d" % l] = jnp.zeros((EMBED,), dtype=jnp.float32)
    inp["W_off"] = jax.random.normal(ks[i], (HEADS * LEVELS * POINTS * 2, EMBED), dtype=jnp.float32) * 0.01
    i += 1
    inp["b_off"] = jax.random.normal(ks[i], (HEADS * LEVELS * POINTS * 2,), dtype=jnp.float32) * 0.5
    i += 1
    inp["W_attn"] = jax.random.normal(ks[i], (HEADS * LEVELS * POINTS, EMBED), dtype=jnp.float32) * 0.02
    i += 1
    inp["b_attn"] = jnp.zeros((HEADS * LEVELS * POINTS,), dtype=jnp.float32)
    inp["W_val"] = jax.random.normal(ks[i], (EMBED, EMBED), dtype=jnp.float32) * 0.02
    i += 1
    inp["b_val"] = jnp.zeros((EMBED,), dtype=jnp.float32)
    inp["W_out"] = jax.random.normal(ks[i], (EMBED, EMBED), dtype=jnp.float32) * 0.02
    i += 1
    inp["b_out"] = jnp.zeros((EMBED,), dtype=jnp.float32)
    inp["W1"] = jax.random.normal(ks[i], (HID, EMBED), dtype=jnp.float32) * 0.02
    i += 1
    inp["b1"] = jnp.zeros((HID,), dtype=jnp.float32)
    inp["W2"] = jax.random.normal(ks[i], (EMBED, HID), dtype=jnp.float32) * 0.02
    i += 1
    inp["b2"] = jnp.zeros((EMBED,), dtype=jnp.float32)
    inp["ln_g"] = jnp.ones((EMBED,), dtype=jnp.float32)
    inp["ln_b"] = jnp.zeros((EMBED,), dtype=jnp.float32)
    return inp


def _group_norm(x, gamma, beta, groups=32, eps=1e-5):
    b, c, h, w = x.shape
    xg = x.reshape(b, groups, c // groups, h, w)
    mu = xg.mean(axis=(2, 3, 4), keepdims=True)
    var = ((xg - mu) ** 2).mean(axis=(2, 3, 4), keepdims=True)
    xg = (xg - mu) / jnp.sqrt(var + eps)
    x = xg.reshape(b, c, h, w)
    return x * gamma[None, :, None, None] + beta[None, :, None, None]


def _bilinear_sample(im, grid):
    # im: (N, C, H, W); grid: (N, P, 2) xy in [-1, 1]; align_corners=False, zero padding
    n, c, h, w = im.shape
    x = (grid[..., 0] + 1.0) * w / 2.0 - 0.5
    y = (grid[..., 1] + 1.0) * h / 2.0 - 0.5
    x0 = jnp.floor(x)
    y0 = jnp.floor(y)
    x1 = x0 + 1.0
    y1 = y0 + 1.0
    wx1 = x - x0
    wx0 = 1.0 - wx1
    wy1 = y - y0
    wy0 = 1.0 - wy1
    flat = im.reshape(n, c, h * w)

    def gather(ix, iy):
        valid = (ix >= 0) & (ix <= w - 1) & (iy >= 0) & (iy <= h - 1)
        ixc = jnp.clip(ix, 0, w - 1).astype(jnp.int32)
        iyc = jnp.clip(iy, 0, h - 1).astype(jnp.int32)
        idx = iyc * w + ixc
        vals = jnp.take_along_axis(flat, idx[:, None, :], axis=2)
        return vals * valid[:, None, :].astype(im.dtype)

    out = (gather(x0, y0) * (wx0 * wy0)[:, None, :]
           + gather(x1, y0) * (wx1 * wy0)[:, None, :]
           + gather(x0, y1) * (wx0 * wy1)[:, None, :]
           + gather(x1, y1) * (wx1 * wy1)[:, None, :])
    return out


def _forward(Q, grd0, grd1, grd2, grd3, Wp0, bp0, gn_g0, gn_b0, Wp1, bp1, gn_g1, gn_b1,
             Wp2, bp2, gn_g2, gn_b2, Wp3, bp3, gn_g3, gn_b3, W_off, b_off, W_attn, b_attn,
             W_val, b_val, W_out, b_out, W1, b1, W2, b2, ln_g, ln_b):
    grds = [grd0, grd1, grd2, grd3]
    projs = [(Wp0, bp0, gn_g0, gn_b0), (Wp1, bp1, gn_g1, gn_b1),
             (Wp2, bp2, gn_g2, gn_b2), (Wp3, bp3, gn_g3, gn_b3)]
    flats = []
    for l in range(LEVELS):
        Wc, bc, gg, gb = projs[l]
        f = jnp.einsum('bchw,oc->bohw', grds[l], Wc) + bc[None, :, None, None]
        f = _group_norm(f, gg, gb)
        bsz, c, hh, ww = f.shape
        flats.append(f.reshape(bsz, c, hh * ww).transpose(0, 2, 1))
    value_flat = jnp.concatenate(flats, axis=1)
    bsz = Q.shape[0]
    nv = value_flat.shape[1]
    head_dim = EMBED // HEADS
    lin = jnp.linspace(0.0, 1.0, QDIM)
    gx, gy = jnp.meshgrid(lin, lin, indexing='xy')
    ref = jnp.stack((gx, gy), axis=-1).reshape(1, -1, 1, 2)
    value = (value_flat @ W_val.T + b_val).reshape(bsz, nv, HEADS, head_dim)
    off = (Q @ W_off.T + b_off).reshape(bsz, NQ, HEADS, LEVELS, POINTS, 2)
    aw = (Q @ W_attn.T + b_attn).reshape(bsz, NQ, HEADS, LEVELS * POINTS)
    aw = jax.nn.softmax(aw, axis=-1).reshape(bsz, NQ, HEADS, LEVELS, POINTS)
    normalizer = jnp.array([[s[1], s[0]] for s in SHAPES], dtype=jnp.float32)
    loc = ref[:, :, None, :, None, :] + off / normalizer[None, None, None, :, None, :]
    start = 0
    sampled_levels = []
    for l in range(LEVELS):
        hh, ww = SHAPES[l]
        v_l = value[:, start:start + hh * ww]
        start += hh * ww
        v_l = v_l.transpose(0, 2, 3, 1).reshape(bsz * HEADS, head_dim, hh, ww)
        grid = (2.0 * loc[:, :, :, l] - 1.0).transpose(0, 2, 1, 3, 4).reshape(bsz * HEADS, NQ * POINTS, 2)
        samp = _bilinear_sample(v_l, grid)
        sampled_levels.append(samp.reshape(bsz * HEADS, head_dim, NQ, POINTS))
    sampled = jnp.stack(sampled_levels, axis=3).reshape(bsz * HEADS, head_dim, NQ, LEVELS * POINTS)
    aw_t = aw.transpose(0, 2, 1, 3, 4).reshape(bsz * HEADS, 1, NQ, LEVELS * POINTS)
    out = (sampled * aw_t).sum(-1).reshape(bsz, EMBED, NQ).transpose(0, 2, 1)
    attn_out = out @ W_out.T + b_out + Q  # mmcv adds identity inside MSDA (dropout=identity in eval)
    fused = attn_out + Q
    h1 = jnp.maximum(fused @ W1.T + b1, 0.0)
    h2 = h1 @ W2.T + b2
    mu = h2.mean(-1, keepdims=True)
    var = ((h2 - mu) ** 2).mean(-1, keepdims=True)
    fused = fused + ((h2 - mu) / jnp.sqrt(var + 1e-5)) * ln_g + ln_b
    return fused


def reference(Q, grd0, grd1, grd2, grd3, batch_size, Wp0, bp0, gn_g0, gn_b0, Wp1, bp1, gn_g1, gn_b1,
              Wp2, bp2, gn_g2, gn_b2, Wp3, bp3, gn_g3, gn_b3, W_off, b_off, W_attn, b_attn,
              W_val, b_val, W_out, b_out, W1, b1, W2, b2, ln_g, ln_b):
    return _forward(Q, grd0, grd1, grd2, grd3, Wp0, bp0, gn_g0, gn_b0, Wp1, bp1, gn_g1, gn_b1,
                    Wp2, bp2, gn_g2, gn_b2, Wp3, bp3, gn_g3, gn_b3, W_off, b_off, W_attn, b_attn,
                    W_val, b_val, W_out, b_out, W1, b1, W2, b2, ln_g, ln_b)

if __name__ == "__main__":
    import jax
    _d = setup_inputs()
    print(jax.jit(kernel)(*tuple(_d.values())))

</pallas_src>

<mosaic_0001>
#map = affine_map<(d0, d1) -> (0, 0)>
#map1 = affine_map<(d0, d1) -> (0)>
module attributes {stable_mosaic.version = 14 : i64} {
  func.func @_sc_body(%arg0: i32, %arg1: i32, %arg2: memref<174080x128xf32, #tpu.memory_space<hbm>>, %arg3: memref<2097152xi32, #tpu.memory_space<hbm>>, %arg4: memref<8388608xf32, #tpu.memory_space<hbm>>, %arg5: memref<131072x32xf32, #tpu.memory_space<hbm>>, %arg6: memref<256xi32, #tpu.memory_space<vmem>>, %arg7: memref<256xi32, #tpu.memory_space<vmem>>, %arg8: memref<1024xf32, #tpu.memory_space<vmem>>, %arg9: memref<1024xf32, #tpu.memory_space<vmem>>, %arg10: memref<256x128xf32, #tpu.memory_space<vmem>>, %arg11: memref<256x128xf32, #tpu.memory_space<vmem>>, %arg12: memref<16x32xf32, #tpu.memory_space<vmem>>, %arg13: memref<16x32xf32, #tpu.memory_space<vmem>>, %arg14: memref<!tpu.dma_semaphore, #tpu.memory_space<semaphore_mem>>, %arg15: memref<!tpu.dma_semaphore, #tpu.memory_space<semaphore_mem>>, %arg16: memref<!tpu.dma_semaphore, #tpu.memory_space<semaphore_mem>>, %arg17: memref<!tpu.dma_semaphore, #tpu.memory_space<semaphore_mem>>) attributes {dimension_semantics = [#tpu.dimension_semantics<core_parallel>, #tpu.dimension_semantics<subcore_parallel>], iteration_bounds = array<i64: 2, 16>, scalar_prefetch = 0 : i64, scratch_operands = 12 : i64, tpu.core_type = #tpu.core_type<sc_vector_subcore>, window_params = [{transform_indices = #map}, {transform_indices = #map1}, {transform_indices = #map1}, {transform_indices = #map}]} {
    %mul3A = arith.constant 2 : i32
    %mul3A_0 = arith.muli %arg1, %mul3A : i32
    %add3A = arith.addi %mul3A_0, %arg0 : i32
    %mul3A_1 = arith.constant 4096 : i32
    %mul3A_2 = arith.muli %add3A, %mul3A_1 : i32
    %add3A_3 = arith.constant 0 : i32
    %add3A_4 = arith.addi %mul3A_2, %add3A_3 : i32
    %multiple_of3A = tpu.assume_multiple %add3A_4, 16 : i32
    %mul3A_5 = arith.constant 16 : i32
    %mul3A_6 = arith.muli %multiple_of3A, %mul3A_5 : i32
    %multiple_of3A_7 = tpu.assume_multiple %mul3A_6, 256 : i32
    %mul3A_8 = arith.constant 4096 : i32
    %mul3A_9 = arith.muli %add3A, %mul3A_8 : i32
    %add3A_10 = arith.constant 0 : i32
    %add3A_11 = arith.addi %mul3A_9, %add3A_10 : i32
    %multiple_of3A_12 = tpu.assume_multiple %add3A_11, 16 : i32
    %mul3A_13 = arith.constant 4 : i32
    %mul3A_14 = arith.muli %multiple_of3A_12, %mul3A_13 : i32
    %mul3A_15 = arith.constant 16 : i32
    %mul3A_16 = arith.muli %mul3A_14, %mul3A_15 : i32
    %multiple_of3A_17 = tpu.assume_multiple %mul3A_16, 1024 : i32
    "tpu.region"() ({
      %run_scoped3A = tpu.sem_alloc : memref<!tpu.dma_semaphore, #tpu.memory_space<semaphore_mem>>
      %dma_start3A_42 = tpu.memref_slice %arg3[%multiple_of3A_7] : memref<2097152xi32, #tpu.memory_space<hbm>> -> memref<256xi32, #tpu.memory_space<hbm>>
      %dma_start3A_43 = tpu.memref_slice %arg3[%multiple_of3A_7] : memref<2097152xi32, #tpu.memory_space<hbm>> -> memref<256xi32, #tpu.memory_space<hbm>>
      tpu.enqueue_dma source(%dma_start3A_43 : memref<256xi32, #tpu.memory_space<hbm>>) target(%arg6 : memref<256xi32, #tpu.memory_space<vmem>>) target_semaphore(%run_scoped3A : memref<!tpu.dma_semaphore, #tpu.memory_space<semaphore_mem>>)
      %dma_wait3A_44 = tpu.memref_slice %arg3[%multiple_of3A_7] : memref<2097152xi32, #tpu.memory_space<hbm>> -> memref<256xi32, #tpu.memory_space<hbm>>
      %dma_wait3A_45 = tpu.memref_slice %arg3[%multiple_of3A_7] : memref<2097152xi32, #tpu.memory_space<hbm>> -> memref<256xi32, #tpu.memory_space<hbm>>
      tpu.wait_dma2 semaphore(%run_scoped3A : memref<!tpu.dma_semaphore, #tpu.memory_space<semaphore_mem>>) src(%dma_wait3A_45 : memref<256xi32, #tpu.memory_space<hbm>>) dst(%arg6 : memref<256xi32, #tpu.memory_space<vmem>>)
      tpu.yield
    }) : () -> ()
    "tpu.region"() ({
      %run_scoped3A = tpu.sem_alloc : memref<!tpu.dma_semaphore, #tpu.memory_space<semaphore_mem>>
      %dma_start3A_42 = tpu.memref_slice %arg4[%multiple_of3A_17] : memref<8388608xf32, #tpu.memory_space<hbm>> -> memref<1024xf32, #tpu.memory_space<hbm>>
      %dma_start3A_43 = tpu.memref_slice %arg4[%multiple_of3A_17] : memref<8388608xf32, #tpu.memory_space<hbm>> -> memref<1024xf32, #tpu.memory_space<hbm>>
      tpu.enqueue_dma source(%dma_start3A_43 : memref<1024xf32, #tpu.memory_space<hbm>>) target(%arg8 : memref<1024xf32, #tpu.memory_space<vmem>>) target_semaphore(%run_scoped3A : memref<!tpu.dma_semaphore, #tpu.memory_space<semaphore_mem>>)
      %dma_wait3A_44 = tpu.memref_slice %arg4[%multiple_of3A_17] : memref<8388608xf32, #tpu.memory_space<hbm>> -> memref<1024xf32, #tpu.memory_space<hbm>>
      %dma_wait3A_45 = tpu.memref_slice %arg4[%multiple_of3A_17] : memref<8388608xf32, #tpu.memory_space<hbm>> -> memref<1024xf32, #tpu.memory_space<hbm>>
      tpu.wait_dma2 semaphore(%run_scoped3A : memref<!tpu.dma_semaphore, #tpu.memory_space<semaphore_mem>>) src(%dma_wait3A_45 : memref<1024xf32, #tpu.memory_space<hbm>>) dst(%arg8 : memref<1024xf32, #tpu.memory_space<vmem>>)
      tpu.yield
    }) : () -> ()
    %dma_start3A = arith.constant 0 : i32
    %dma_start3A_18 = arith.constant 0 : i32
    %dma_start3A_19 = tpu.memref_slice %arg2[%dma_start3A, %dma_start3A_18] : memref<174080x128xf32, #tpu.memory_space<hbm>> -> memref<174080x128xf32, #tpu.memory_space<hbm>>
    tpu.enqueue_indirect_dma source(%dma_start3A_19 : memref<174080x128xf32, #tpu.memory_space<hbm>>) target(%arg10 : memref<256x128xf32, #tpu.memory_space<vmem>>) offsets(%arg6 : memref<256xi32, #tpu.memory_space<vmem>>) semaphore(%arg14 : memref<!tpu.dma_semaphore, #tpu.memory_space<semaphore_mem>>)
    %scan3A = arith.constant 0 : i32
    %scan3A_20 = arith.constant 0 : i32
    %scan3A_21 = arith.constant 128 : i32
    %scan3A_22 = arith.addi %scan3A_20, %scan3A_21 : i32
    %scan3A_23 = arith.constant 1 : i32
    scf.for %scan3A_42 = %scan3A_20 to %scan3A_22 step %scan3A_23  : i32 {
      %mul3A_43 = arith.constant 2 : i32
      %mul3A_44 = arith.muli %mul3A_43, %scan3A_42 : i32
      %add3A_45 = arith.constant 0 : i32
      %add3A_46 = arith.addi %mul3A_44, %add3A_45 : i32
      %add3A_47 = arith.constant 1 : i32
      %add3A_48 = arith.addi %add3A_46, %add3A_47 : i32
      %lt3A = arith.constant 256 : i32
      %lt3A_49 = arith.cmpi slt, %add3A_48, %lt3A : i32
      %convert_element_type3A = arith.extui %lt3A_49 : i1 to i32
      %cond3A = arith.constant 0 : i32
      %cond3A_50 = arith.cmpi ne, %convert_element_type3A, %cond3A : i32
      scf.if %cond3A_50 {
        %add3A_109 = arith.constant 1 : i32
        %add3A_110 = arith.addi %add3A_46, %add3A_109 : i32
        %mul3A_111 = arith.constant 4096 : i32
        %mul3A_112 = arith.muli %add3A, %mul3A_111 : i32
        %mul3A_113 = arith.constant 16 : i32
        %mul3A_114 = arith.muli %add3A_110, %mul3A_113 : i32
        %add3A_115 = arith.addi %mul3A_112, %mul3A_114 : i32
        %multiple_of3A_116 = tpu.assume_multiple %add3A_115, 16 : i32
        %mul3A_117 = arith.constant 16 : i32
        %mul3A_118 = arith.muli %multiple_of3A_116, %mul3A_117 : i32
        %multiple_of3A_119 = tpu.assume_multiple %mul3A_118, 256 : i32
        %mul3A_120 = arith.constant 4096 : i32
        %mul3A_121 = arith.muli %add3A, %mul3A_120 : i32
        %mul3A_122 = arith.constant 16 : i32
        %mul3A_123 = arith.muli %add3A_110, %mul3A_122 : i32
        %add3A_124 = arith.addi %mul3A_121, %mul3A_123 : i32
        %multiple_of3A_125 = tpu.assume_multiple %add3A_124, 16 : i32
        %mul3A_126 = arith.constant 4 : i32
        %mul3A_127 = arith.muli %multiple_of3A_125, %mul3A_126 : i32
        %mul3A_128 = arith.constant 16 : i32
        %mul3A_129 = arith.muli %mul3A_127, %mul3A_128 : i32
        %multiple_of3A_130 = tpu.assume_multiple %mul3A_129, 1024 : i32
        "tpu.region"() ({
          %run_scoped3A = tpu.sem_alloc : memref<!tpu.dma_semaphore, #tpu.memory_space<semaphore_mem>>
          %dma_start3A_134 = tpu.memref_slice %arg3[%multiple_of3A_119] : memref<2097152xi32, #tpu.memory_space<hbm>> -> memref<256xi32, #tpu.memory_space<hbm>>
          %dma_start3A_135 = tpu.memref_slice %arg3[%multiple_of3A_119] : memref<2097152xi32, #tpu.memory_space<hbm>> -> memref<256xi32, #tpu.memory_space<hbm>>
          tpu.enqueue_dma source(%dma_start3A_135 : memref<256xi32, #tpu.memory_space<hbm>>) target(%arg7 : memref<256xi32, #tpu.memory_space<vmem>>) target_semaphore(%run_scoped3A : memref<!tpu.dma_semaphore, #tpu.memory_space<semaphore_mem>>)
          %dma_wait3A_136 = tpu.memref_slice %arg3[%multiple_of3A_119] : memref<2097152xi32, #tpu.memory_space<hbm>> -> memref<256xi32, #tpu.memory_space<hbm>>
          %dma_wait3A_137 = tpu.memref_slice %arg3[%multiple_of3A_119] : memref<2097152xi32, #tpu.memory_space<hbm>> -> memref<256xi32, #tpu.memory_space<hbm>>
          tpu.wait_dma2 semaphore(%run_scoped3A : memref<!tpu.dma_semaphore, #tpu.memory_space<semaphore_mem>>) src(%dma_wait3A_137 : memref<256xi32, #tpu.memory_space<hbm>>) dst(%arg7 : memref<256xi32, #tpu.memory_space<vmem>>)
          tpu.yield
        }) : () -> ()
        "tpu.region"() ({
          %run_scoped3A = tpu.sem_alloc : memref<!tpu.dma_semaphore, #tpu.memory_space<semaphore_mem>>
          %dma_start3A_134 = tpu.memref_slice %arg4[%multiple_of3A_130] : memref<8388608xf32, #tpu.memory_space<hbm>> -> memref<1024xf32, #tpu.memory_space<hbm>>
          %dma_start3A_135 = tpu.memref_slice %arg4[%multiple_of3A_130] : memref<8388608xf32, #tpu.memory_space<hbm>> -> memref<1024xf32, #tpu.memory_space<hbm>>
          tpu.enqueue_dma source(%dma_start3A_135 : memref<1024xf32, #tpu.memory_space<hbm>>) target(%arg9 : memref<1024xf32, #tpu.memory_space<vmem>>) target_semaphore(%run_scoped3A : memref<!tpu.dma_semaphore, #tpu.memory_space<semaphore_mem>>)
          %dma_wait3A_136 = tpu.memref_slice %arg4[%multiple_of3A_130] : memref<8388608xf32, #tpu.memory_space<hbm>> -> memref<1024xf32, #tpu.memory_space<hbm>>
          %dma_wait3A_137 = tpu.memref_slice %arg4[%multiple_of3A_130] : memref<8388608xf32, #tpu.memory_space<hbm>> -> memref<1024xf32, #tpu.memory_space<hbm>>
          tpu.wait_dma2 semaphore(%run_scoped3A : memref<!tpu.dma_semaphore, #tpu.memory_space<semaphore_mem>>) src(%dma_wait3A_137 : memref<1024xf32, #tpu.memory_space<hbm>>) dst(%arg9 : memref<1024xf32, #tpu.memory_space<vmem>>)
          tpu.yield
        }) : () -> ()
        %dma_start3A_131 = arith.constant 0 : i32
        %dma_start3A_132 = arith.constant 0 : i32
        %dma_start3A_133 = tpu.memref_slice %arg2[%dma_start3A_131, %dma_start3A_132] : memref<174080x128xf32, #tpu.memory_space<hbm>> -> memref<174080x128xf32, #tpu.memory_space<hbm>>
        tpu.enqueue_indirect_dma source(%dma_start3A_133 : memref<174080x128xf32, #tpu.memory_space<hbm>>) target(%arg11 : memref<256x128xf32, #tpu.memory_space<vmem>>) offsets(%arg7 : memref<256xi32, #tpu.memory_space<vmem>>) semaphore(%arg15 : memref<!tpu.dma_semaphore, #tpu.memory_space<semaphore_mem>>)
      } else {
      }
      %dma_wait3A_51 = arith.constant 0 : i32
      %dma_wait3A_52 = arith.constant 0 : i32
      %dma_wait3A_53 = tpu.memref_slice %arg2[%dma_wait3A_51, %dma_wait3A_52] : memref<174080x128xf32, #tpu.memory_space<hbm>> -> memref<174080x128xf32, #tpu.memory_space<hbm>>
      tpu.wait_indirect_dma semaphore(%arg14 : memref<!tpu.dma_semaphore, #tpu.memory_space<semaphore_mem>>) src(%dma_wait3A_53 : memref<174080x128xf32, #tpu.memory_space<hbm>>) dst(%arg10 : memref<256x128xf32, #tpu.memory_space<vmem>>)
      %ge3A = arith.constant 2 : i32
      %ge3A_54 = arith.cmpi sge, %add3A_46, %ge3A : i32
      %convert_element_type3A_55 = arith.extui %ge3A_54 : i1 to i32
      %cond3A_56 = arith.constant 0 : i32
      %cond3A_57 = arith.cmpi ne, %convert_element_type3A_55, %cond3A_56 : i32
      scf.if %cond3A_57 {
        %mul3A_109 = arith.constant 4096 : i32
        %mul3A_110 = arith.muli %add3A, %mul3A_109 : i32
        %mul3A_111 = arith.constant 16 : i32
        %mul3A_112 = arith.muli %add3A_46, %mul3A_111 : i32
        %add3A_113 = arith.addi %mul3A_110, %mul3A_112 : i32
        %multiple_of3A_114 = tpu.assume_multiple %add3A_113, 16 : i32
        %dma_wait3A_115 = arith.constant 0 : i32
        %dma_wait3A_116 = tpu.memref_slice %arg5[%multiple_of3A_114, %dma_wait3A_115] : memref<131072x32xf32, #tpu.memory_space<hbm>> -> memref<16x32xf32, #tpu.memory_space<hbm>>
        %dma_wait3A_117 = arith.constant 0 : i32
        %dma_wait3A_118 = tpu.memref_slice %arg5[%multiple_of3A_114, %dma_wait3A_117] : memref<131072x32xf32, #tpu.memory_space<hbm>> -> memref<16x32xf32, #tpu.memory_space<hbm>>
        tpu.wait_dma2 semaphore(%arg16 : memref<!tpu.dma_semaphore, #tpu.memory_space<semaphore_mem>>) src(%arg12 : memref<16x32xf32, #tpu.memory_space<vmem>>) dst(%dma_wait3A_118 : memref<16x32xf32, #tpu.memory_space<hbm>>)
      } else {
      }
      %scan3A_58 = arith.constant 0 : i32
      %scan3A_59 = arith.constant 0 : i32
      %scan3A_60 = arith.constant 16 : i32
      %scan3A_61 = arith.addi %scan3A_59, %scan3A_60 : i32
      %scan3A_62 = arith.constant 1 : i32
      scf.for %scan3A_109 = %scan3A_59 to %scan3A_61 step %scan3A_62  : i32 {
        %mul3A_110 = arith.constant 4 : i32
        %mul3A_111 = arith.muli %scan3A_109, %mul3A_110 : i32
        %mul3A_112 = arith.constant 16 : i32
        %mul3A_113 = arith.muli %mul3A_111, %mul3A_112 : i32
        %multiple_of3A_114 = tpu.assume_multiple %mul3A_113, 16 : i32
        %get3A = arith.index_cast %multiple_of3A_114 : i32 to index
        %get3A_115 = tpu.vector_load %arg8[%get3A] {strides = array<i32>} : memref<1024xf32, #tpu.memory_space<vmem>>, vector<16xf32>,
        %get3A_116 = vector.shape_cast %get3A_115 : vector<16xf32> to vector<16xf32>
        %add3A_117 = arith.constant 16 : i32
        %add3A_118 = arith.addi %multiple_of3A_114, %add3A_117 : i32
        %get3A_119 = arith.index_cast %add3A_118 : i32 to index
        %get3A_120 = tpu.vector_load %arg8[%get3A_119] {strides = array<i32>} : memref<1024xf32, #tpu.memory_space<vmem>>, vector<16xf32>,
        %get3A_121 = vector.shape_cast %get3A_120 : vector<16xf32> to vector<16xf32>
        %add3A_122 = arith.constant 32 : i32
        %add3A_123 = arith.addi %multiple_of3A_114, %add3A_122 : i32
        %get3A_124 = arith.index_cast %add3A_123 : i32 to index
        %get3A_125 = tpu.vector_load %arg8[%get3A_124] {strides = array<i32>} : memref<1024xf32, #tpu.memory_space<vmem>>, vector<16xf32>,
        %get3A_126 = vector.shape_cast %get3A_125 : vector<16xf32> to vector<16xf32>
        %add3A_127 = arith.constant 48 : i32
        %add3A_128 = arith.addi %multiple_of3A_114, %add3A_127 : i32
        %get3A_129 = arith.index_cast %add3A_128 : i32 to index
        %get3A_130 = tpu.vector_load %arg8[%get3A_129] {strides = array<i32>} : memref<1024xf32, #tpu.memory_space<vmem>>, vector<16xf32>,
        %get3A_131 = vector.shape_cast %get3A_130 : vector<16xf32> to vector<16xf32>
        %mul3A_132 = arith.constant 16 : i32
        %mul3A_133 = arith.muli %scan3A_109, %mul3A_132 : i32
        %broadcast_in_dim3A = arith.constant 0.000000e+00 : f32
        %broadcast_in_dim3A_134 = vector.broadcast %broadcast_in_dim3A : f32 to vector<16xf32>
        %broadcast_in_dim3A_135 = arith.constant 0 : i32
        %broadcast_in_dim3A_136 = vector.broadcast %broadcast_in_dim3A_135 : i32 to vector<16x1xi32>
        %gather3A = vector.shape_cast %broadcast_in_dim3A_136 : vector<16x1xi32> to vector<16xi32>
        %gather3A_137 = tpu.dynamic_gather %get3A_116[%gather3A] in [0] : vector<16xf32>, vector<16xi32> -> vector<16xf32>
        %broadcast_in_dim3A_138 = arith.constant 0 : i32
        %broadcast_in_dim3A_139 = vector.broadcast %broadcast_in_dim3A_138 : i32 to vector<16x1xi32>
        %gather3A_140 = vector.shape_cast %broadcast_in_dim3A_139 : vector<16x1xi32> to vector<16xi32>
        %gather3A_141 = tpu.dynamic_gather %get3A_121[%gather3A_140] in [0] : vector<16xf32>, vector<16xi32> -> vector<16xf32>
        %broadcast_in_dim3A_142 = arith.constant 0 : i32
        %broadcast_in_dim3A_143 = vector.broadcast %broadcast_in_dim3A_142 : i32 to vector<16x1xi32>
        %gather3A_144 = vector.shape_cast %broadcast_in_dim3A_143 : vector<16x1xi32> to vector<16xi32>
        %gather3A_145 = tpu.dynamic_gather %get3A_126[%gather3A_144] in [0] : vector<16xf32>, vector<16xi32> -> vector<16xf32>
        %broadcast_in_dim3A_146 = arith.constant 0 : i32
        %broadcast_in_dim3A_147 = vector.broadcast %broadcast_in_dim3A_146 : i32 to vector<16x1xi32>
        %gather3A_148 = vector.shape_cast %broadcast_in_dim3A_147 : vector<16x1xi32> to vector<16xi32>
        %gather3A_149 = tpu.dynamic_gather %get3A_131[%gather3A_148] in [0] : vector<16xf32>, vector<16xi32> -> vector<16xf32>
        %add3A_150 = arith.constant 0 : i32
        %add3A_151 = arith.addi %mul3A_133, %add3A_150 : i32
        %get3A_152 = arith.index_cast %add3A_151 : i32 to index
        %get3A_153 = arith.constant 0 : index
        %get3A_154 = tpu.vector_load %arg10[%get3A_152, %get3A_153] {strides = array<i32>} : memref<256x128xf32, #tpu.memory_space<vmem>>, vector<1x16xf32>,
        %get3A_155 = vector.shape_cast %get3A_154 : vector<1x16xf32> to vector<16xf32>
        %mul3A_156 = arith.mulf %gather3A_137, %get3A_155 : vector<16xf32>
        %add3A_157 = arith.constant 0 : i32
        %add3A_158 = arith.addi %mul3A_133, %add3A_157 : i32
        %get3A_159 = arith.index_cast %add3A_158 : i32 to index
        %get3A_160 = arith.constant 32 : index
        %get3A_161 = tpu.vector_load %arg10[%get3A_159, %get3A_160] {strides = array<i32>} : memref<256x128xf32, #tpu.memory_space<vmem>>, vector<1x16xf32>,
        %get3A_162 = vector.shape_cast %get3A_161 : vector<1x16xf32> to vector<16xf32>
        %mul3A_163 = arith.mulf %gather3A_141, %get3A_162 : vector<16xf32>
        %add3A_164 = arith.addf %mul3A_156, %mul3A_163 : vector<16xf32>
        %add3A_165 = arith.constant 0 : i32
        %add3A_166 = arith.addi %mul3A_133, %add3A_165 : i32
        %get3A_167 = arith.index_cast %add3A_166 : i32 to index
        %get3A_168 = arith.constant 64 : index
        %get3A_169 = tpu.vector_load %arg10[%get3A_167, %get3A_168] {strides = array<i32>} : memref<256x128xf32, #tpu.memory_space<vmem>>, vector<1x16xf32>,
        %get3A_170 = vector.shape_cast %get3A_169 : vector<1x16xf32> to vector<16xf32>
        %mul3A_171 = arith.mulf %gather3A_145, %get3A_170 : vector<16xf32>
        %add3A_172 = arith.addf %add3A_164, %mul3A_171 : vector<16xf32>
        %add3A_173 = arith.constant 0 : i32
        %add3A_174 = arith.addi %mul3A_133, %add3A_173 : i32
        %get3A_175 = arith.index_cast %add3A_174 : i32 to index
        %get3A_176 = arith.constant 96 : index
        %get3A_177 = tpu.vector_load %arg10[%get3A_175, %get3A_176] {strides = array<i32>} : memref<256x128xf32, #tpu.memory_space<vmem>>, vector<1x16xf32>,
        %get3A_178 = vector.shape_cast %get3A_177 : vector<1x16xf32> to vector<16xf32>
        %mul3A_179 = arith.mulf %gather3A_149, %get3A_178 : vector<16xf32>
        %add3A_180 = arith.addf %add3A_172, %mul3A_179 : vector<16xf32>
        %add3A_181 = arith.addf %broadcast_in_dim3A_134, %add3A_180 : vector<16xf32>
        %add3A_182 = arith.constant 0 : i32
        %add3A_183 = arith.addi %mul3A_133, %add3A_182 : i32
        %get3A_184 = arith.index_cast %add3A_183 : i32 to index
        %get3A_185 = arith.constant 16 : index
        %get3A_186 = tpu.vector_load %arg10[%get3A_184, %get3A_185] {strides = array<i32>} : memref<256x128xf32, #tpu.memory_space<vmem>>, vector<1x16xf32>,
        %get3A_187 = vector.shape_cast %get3A_186 : vector<1x16xf32> to vector<16xf32>
        %mul3A_188 = arith.mulf %gather3A_137, %get3A_187 : vector<16xf32>
        %add3A_189 = arith.constant 0 : i32
        %add3A_190 = arith.addi %mul3A_133, %add3A_189 : i32
        %get3A_191 = arith.index_cast %add3A_190 : i32 to index
        %get3A_192 = arith.constant 48 : index
        %get3A_193 = tpu.vector_load %arg10[%get3A_191, %get3A_192] {strides = array<i32>} : memref<256x128xf32, #tpu.memory_space<vmem>>, vector<1x16xf32>,
        %get3A_194 = vector.shape_cast %get3A_193 : vector<1x16xf32> to vector<16xf32>
        %mul3A_195 = arith.mulf %gather3A_141, %get3A_194 : vector<16xf32>
        %add3A_196 = arith.addf %mul3A_188, %mul3A_195 : vector<16xf32>
        %add3A_197 = arith.constant 0 : i32
        %add3A_198 = arith.addi %mul3A_133, %add3A_197 : i32
        %get3A_199 = arith.index_cast %add3A_198 : i32 to index
        %get3A_200 = arith.constant 80 : index
        %get3A_201 = tpu.vector_load %arg10[%get3A_199, %get3A_200] {strides = array<i32>} : memref<256x128xf32, #tpu.memory_space<vmem>>, vector<1x16xf32>,
        %get3A_202 = vector.shape_cast %get3A_201 : vector<1x16xf32> to vector<16xf32>
        %mul3A_203 = arith.mulf %gather3A_145, %get3A_202 : vector<16xf32>
        %add3A_204 = arith.addf %add3A_196, %mul3A_203 : vector<16xf32>
        %add3A_205 = arith.constant 0 : i32
        %add3A_206 = arith.addi %mul3A_133, %add3A_205 : i32
        %get3A_207 = arith.index_cast %add3A_206 : i32 to index
        %get3A_208 = arith.constant 112 : index
        %get3A_209 = tpu.vector_load %arg10[%get3A_207, %get3A_208] {strides = array<i32>} : memref<256x128xf32, #tpu.memory_space<vmem>>, vector<1x16xf32>,
        %get3A_210 = vector.shape_cast %get3A_209 : vector<1x16xf32> to vector<16xf32>
        %mul3A_211 = arith.mulf %gather3A_149, %get3A_210 : vector<16xf32>
        %add3A_212 = arith.addf %add3A_204, %mul3A_211 : vector<16xf32>
        %add3A_213 = arith.addf %broadcast_in_dim3A_134, %add3A_212 : vector<16xf32>
        %broadcast_in_dim3A_214 = arith.constant 1 : i32
        %broadcast_in_dim3A_215 = vector.broadcast %broadcast_in_dim3A_214 : i32 to vector<16x1xi32>
        %gather3A_216 = vector.shape_cast %broadcast_in_dim3A_215 : vector<16x1xi32> to vector<16xi32>
        %gather3A_217 = tpu.dynamic_gather %get3A_116[%gather3A_216] in [0] : vector<16xf32>, vector<16xi32> -> vector<16xf32>
        %broadcast_in_dim3A_218 = arith.constant 1 : i32
        %broadcast_in_dim3A_219 = vector.broadcast %broadcast_in_dim3A_218 : i32 to vector<16x1xi32>
        %gather3A_220 = vector.shape_cast %broadcast_in_dim3A_219 : vector<16x1xi32> to vector<16xi32>
        %gather3A_221 = tpu.dynamic_gather %get3A_121[%gather3A_220] in [0] : vector<16xf32>, vector<16xi32> -> vector<16xf32>
        %broadcast_in_dim3A_222 = arith.constant 1 : i32
        %broadcast_in_dim3A_223 = vector.broadcast %broadcast_in_dim3A_222 : i32 to vector<16x1xi32>
        %gather3A_224 = vector.shape_cast %broadcast_in_dim3A_223 : vector<16x1xi32> to vector<16xi32>
        %gather3A_225 = tpu.dynamic_gather %get3A_126[%gather3A_224] in [0] : vector<16xf32>, vector<16xi32> -> vector<16xf32>
        %broadcast_in_dim3A_226 = arith.constant 1 : i32
        %broadcast_in_dim3A_227 = vector.broadcast %broadcast_in_dim3A_226 : i32 to vector<16x1xi32>
        %gather3A_228 = vector.shape_cast %broadcast_in_dim3A_227 : vector<16x1xi32> to vector<16xi32>
        %gather3A_229 = tpu.dynamic_gather %get3A_131[%gather3A_228] in [0] : vector<16xf32>, vector<16xi32> -> vector<16xf32>
        %add3A_230 = arith.constant 0 : i32
        %add3A_231 = arith.addi %mul3A_133, %add3A_230 : i32
        %add3A_232 = arith.constant 1 : i32
        %add3A_233 = arith.addi %add3A_231, %add3A_232 : i32
        %get3A_234 = arith.index_cast %add3A_233 : i32 to index
        %get3A_235 = arith.constant 0 : index
        %get3A_236 = tpu.vector_load %arg10[%get3A_234, %get3A_235] {strides = array<i32>} : memref<256x128xf32, #tpu.memory_space<vmem>>, vector<1x16xf32>,
        %get3A_237 = vector.shape_cast %get3A_236 : vector<1x16xf32> to vector<16xf32>
        %mul3A_238 = arith.mulf %gather3A_217, %get3A_237 : vector<16xf32>
        %add3A_239 = arith.constant 0 : i32
        %add3A_240 = arith.addi %mul3A_133, %add3A_239 : i32
        %add3A_241 = arith.constant 1 : i32
        %add3A_242 = arith.addi %add3A_240, %add3A_241 : i32
        %get3A_243 = arith.index_cast %add3A_242 : i32 to index
        %get3A_244 = arith.constant 32 : index
        %get3A_245 = tpu.vector_load %arg10[%get3A_243, %get3A_244] {strides = array<i32>} : memref<256x128xf32, #tpu.memory_space<vmem>>, vector<1x16xf32>,
        %get3A_246 = vector.shape_cast %get3A_245 : vector<1x16xf32> to vector<16xf32>
        %mul3A_247 = arith.mulf %gather3A_221, %get3A_246 : vector<16xf32>
        %add3A_248 = arith.addf %mul3A_238, %mul3A_247 : vector<16xf32>
        %add3A_249 = arith.constant 0 : i32
        %add3A_250 = arith.addi %mul3A_133, %add3A_249 : i32
        %add3A_251 = arith.constant 1 : i32
        %add3A_252 = arith.addi %add3A_250, %add3A_251 : i32
        %get3A_253 = arith.index_cast %add3A_252 : i32 to index
        %get3A_254 = arith.constant 64 : index
        %get3A_255 = tpu.vector_load %arg10[%get3A_253, %get3A_254] {strides = array<i32>} : memref<256x128xf32, #tpu.memory_space<vmem>>, vector<1x16xf32>,
        %get3A_256 = vector.shape_cast %get3A_255 : vector<1x16xf32> to vector<16xf32>
        %mul3A_257 = arith.mulf %gather3A_225, %get3A_256 : vector<16xf32>
        %add3A_258 = arith.addf %add3A_248, %mul3A_257 : vector<16xf32>
        %add3A_259 = arith.constant 0 : i32
        %add3A_260 = arith.addi %mul3A_133, %add3A_259 : i32
        %add3A_261 = arith.constant 1 : i32
        %add3A_262 = arith.addi %add3A_260, %add3A_261 : i32
        %get3A_263 = arith.index_cast %add3A_262 : i32 to index
        %get3A_264 = arith.constant 96 : index
        %get3A_265 = tpu.vector_load %arg10[%get3A_263, %get3A_264] {strides = array<i32>} : memref<256x128xf32, #tpu.memory_space<vmem>>, vector<1x16xf32>,
        %get3A_266 = vector.shape_cast %get3A_265 : vector<1x16xf32> to vector<16xf32>
        %mul3A_267 = arith.mulf %gather3A_229, %get3A_266 : vector<16xf32>
        %add3A_268 = arith.addf %add3A_258, %mul3A_267 : vector<16xf32>
        %add3A_269 = arith.addf %broadcast_in_dim3A_134, %add3A_268 : vector<16xf32>
        %add3A_270 = arith.constant 0 : i32
        %add3A_271 = arith.addi %mul3A_133, %add3A_270 : i32
        %add3A_272 = arith.constant 1 : i32
        %add3A_273 = arith.addi %add3A_271, %add3A_272 : i32
        %get3A_274 = arith.index_cast %add3A_273 : i32 to index
        %get3A_275 = arith.constant 16 : index
        %get3A_276 = tpu.vector_load %arg10[%get3A_274, %get3A_275] {strides = array<i32>} : memref<256x128xf32, #tpu.memory_space<vmem>>, vector<1x16xf32>,
        %get3A_277 = vector.shape_cast %get3A_276 : vector<1x16xf32> to vector<16xf32>
        %mul3A_278 = arith.mulf %gather3A_217, %get3A_277 : vector<16xf32>
        %add3A_279 = arith.constant 0 : i32
        %add3A_280 = arith.addi %mul3A_133, %add3A_279 : i32
        %add3A_281 = arith.constant 1 : i32
        %add3A_282 = arith.addi %add3A_280, %add3A_281 : i32
        %get3A_283 = arith.index_cast %add3A_282 : i32 to index
        %get3A_284 = arith.constant 48 : index
        %get3A_285 = tpu.vector_load %arg10[%get3A_283, %get3A_284] {strides = array<i32>} : memref<256x128xf32, #tpu.memory_space<vmem>>, vector<1x16xf32>,
        %get3A_286 = vector.shape_cast %get3A_285 : vector<1x16xf32> to vector<16xf32>
        %mul3A_287 = arith.mulf %gather3A_221, %get3A_286 : vector<16xf32>
        %add3A_288 = arith.addf %mul3A_278, %mul3A_287 : vector<16xf32>
        %add3A_289 = arith.constant 0 : i32
        %add3A_290 = arith.addi %mul3A_133, %add3A_289 : i32
        %add3A_291 = arith.constant 1 : i32
        %add3A_292 = arith.addi %add3A_290, %add3A_291 : i32
        %get3A_293 = arith.index_cast %add3A_292 : i32 to index
        %get3A_294 = arith.constant 80 : index
        %get3A_295 = tpu.vector_load %arg10[%get3A_293, %get3A_294] {strides = array<i32>} : memref<256x128xf32, #tpu.memory_space<vmem>>, vector<1x16xf32>,
        %get3A_296 = vector.shape_cast %get3A_295 : vector<1x16xf32> to vector<16xf32>
        %mul3A_297 = arith.mulf %gather3A_225, %get3A_296 : vector<16xf32>
        %add3A_298 = arith.addf %add3A_288, %mul3A_297 : vector<16xf32>
        %add3A_299 = arith.constant 0 : i32
        %add3A_300 = arith.addi %mul3A_133, %add3A_299 : i32
        %add3A_301 = arith.constant 1 : i32
        %add3A_302 = arith.addi %add3A_300, %add3A_301 : i32
        %get3A_303 = arith.index_cast %add3A_302 : i32 to index
        %get3A_304 = arith.constant 112 : index
        %get3A_305 = tpu.vector_load %arg10[%get3A_303, %get3A_304] {strides = array<i32>} : memref<256x128xf32, #tpu.memory_space<vmem>>, vector<1x16xf32>,
        %get3A_306 = vector.shape_cast %get3A_305 : vector<1x16xf32> to vector<16xf32>
        %mul3A_307 = arith.mulf %gather3A_229, %get3A_306 : vector<16xf32>
        %add3A_308 = arith.addf %add3A_298, %mul3A_307 : vector<16xf32>
        %add3A_309 = arith.addf %broadcast_in_dim3A_134, %add3A_308 : vector<16xf32>
        %broadcast_in_dim3A_310 = arith.constant 2 : i32
        %broadcast_in_dim3A_311 = vector.broadcast %broadcast_in_dim3A_310 : i32 to vector<16x1xi32>
        %gather3A_312 = vector.shape_cast %broadcast_in_dim3A_311 : vector<16x1xi32> to vector<16xi32>
        %gather3A_313 = tpu.dynamic_gather %get3A_116[%gather3A_312] in [0] : vector<16xf32>, vector<16xi32> -> vector<16xf32>
        %broadcast_in_dim3A_314 = arith.constant 2 : i32
        %broadcast_in_dim3A_315 = vector.broadcast %broadcast_in_dim3A_314 : i32 to vector<16x1xi32>
        %gather3A_316 = vector.shape_cast %broadcast_in_dim3A_315 : vector<16x1xi32> to vector<16xi32>
        %gather3A_317 = tpu.dynamic_gather %get3A_121[%gather3A_316] in [0] : vector<16xf32>, vector<16xi32> -> vector<16xf32>
        %broadcast_in_dim3A_318 = arith.constant 2 : i32
        %broadcast_in_dim3A_319 = vector.broadcast %broadcast_in_dim3A_318 : i32 to vector<16x1xi32>
        %gather3A_320 = vector.shape_cast %broadcast_in_dim3A_319 : vector<16x1xi32> to vector<16xi32>
        %gather3A_321 = tpu.dynamic_gather %get3A_126[%gather3A_320] in [0] : vector<16xf32>, vector<16xi32> -> vector<16xf32>
        %broadcast_in_dim3A_322 = arith.constant 2 : i32
        %broadcast_in_dim3A_323 = vector.broadcast %broadcast_in_dim3A_322 : i32 to vector<16x1xi32>
        %gather3A_324 = vector.shape_cast %broadcast_in_dim3A_323 : vector<16x1xi32> to vector<16xi32>
        %gather3A_325 = tpu.dynamic_gather %get3A_131[%gather3A_324] in [0] : vector<16xf32>, vector<16xi32> -> vector<16xf32>
        %add3A_326 = arith.constant 2 : i32
        %add3A_327 = arith.addi %mul3A_133, %add3A_326 : i32
        %get3A_328 = arith.index_cast %add3A_327 : i32 to index
        %get3A_329 = arith.constant 0 : index
        %get3A_330 = tpu.vector_load %arg10[%get3A_328, %get3A_329] {strides = array<i32>} : memref<256x128xf32, #tpu.memory_space<vmem>>, vector<1x16xf32>,
        %get3A_331 = vector.shape_cast %get3A_330 : vector<1x16xf32> to vector<16xf32>
        %mul3A_332 = arith.mulf %gather3A_313, %get3A_331 : vector<16xf32>
        %add3A_333 = arith.constant 2 : i32
        %add3A_334 = arith.addi %mul3A_133, %add3A_333 : i32
        %get3A_335 = arith.index_cast %add3A_334 : i32 to index
        %get3A_336 = arith.constant 32 : index
        %get3A_337 = tpu.vector_load %arg10[%get3A_335, %get3A_336] {strides = array<i32>} : memref<256x128xf32, #tpu.memory_space<vmem>>, vector<1x16xf32>,
        %get3A_338 = vector.shape_cast %get3A_337 : vector<1x16xf32> to vector<16xf32>
        %mul3A_339 = arith.mulf %gather3A_317, %get3A_338 : vector<16xf32>
        %add3A_340 = arith.addf %mul3A_332, %mul3A_339 : vector<16xf32>
        %add3A_341 = arith.constant 2 : i32
        %add3A_342 = arith.addi %mul3A_133, %add3A_341 : i32
        %get3A_343 = arith.index_cast %add3A_342 : i32 to index
        %get3A_344 = arith.constant 64 : index
        %get3A_345 = tpu.vector_load %arg10[%get3A_343, %get3A_344] {strides = array<i32>} : memref<256x128xf32, #tpu.memory_space<vmem>>, vector<1x16xf32>,
        %get3A_346 = vector.shape_cast %get3A_345 : vector<1x16xf32> to vector<16xf32>
        %mul3A_347 = arith.mulf %gather3A_321, %get3A_346 : vector<16xf32>
        %add3A_348 = arith.addf %add3A_340, %mul3A_347 : vector<16xf32>
        %add3A_349 = arith.constant 2 : i32
        %add3A_350 = arith.addi %mul3A_133, %add3A_349 : i32
        %get3A_351 = arith.index_cast %add3A_350 : i32 to index
        %get3A_352 = arith.constant 96 : index
        %get3A_353 = tpu.vector_load %arg10[%get3A_351, %get3A_352] {strides = array<i32>} : memref<256x128xf32, #tpu.memory_space<vmem>>, vector<1x16xf32>,
        %get3A_354 = vector.shape_cast %get3A_353 : vector<1x16xf32> to vector<16xf32>
        %mul3A_355 = arith.mulf %gather3A_325, %get3A_354 : vector<16xf32>
        %add3A_356 = arith.addf %add3A_348, %mul3A_355 : vector<16xf32>
        %add3A_357 = arith.addf %add3A_181, %add3A_356 : vector<16xf32>
        %add3A_358 = arith.constant 2 : i32
        %add3A_359 = arith.addi %mul3A_133, %add3A_358 : i32
        %get3A_360 = arith.index_cast %add3A_359 : i32 to index
        %get3A_361 = arith.constant 16 : index
        %get3A_362 = tpu.vector_load %arg10[%get3A_360, %get3A_361] {strides = array<i32>} : memref<256x128xf32, #tpu.memory_space<vmem>>, vector<1x16xf32>,
        %get3A_363 = vector.shape_cast %get3A_362 : vector<1x16xf32> to vector<16xf32>
        %mul3A_364 = arith.mulf %gather3A_313, %get3A_363 : vector<16xf32>
        %add3A_365 = arith.constant 2 : i32
        %add3A_366 = arith.addi %mul3A_133, %add3A_365 : i32
        %get3A_367 = arith.index_cast %add3A_366 : i32 to index
        %get3A_368 = arith.constant 48 : index
        %get3A_369 = tpu.vector_load %arg10[%get3A_367, %get3A_368] {strides = array<i32>} : memref<256x128xf32, #tpu.memory_space<vmem>>, vector<1x16xf32>,
        %get3A_370 = vector.shape_cast %get3A_369 : vector<1x16xf32> to vector<16xf32>
        %mul3A_371 = arith.mulf %gather3A_317, %get3A_370 : vector<16xf32>
        %add3A_372 = arith.addf %mul3A_364, %mul3A_371 : vector<16xf32>
        %add3A_373 = arith.constant 2 : i32
        %add3A_374 = arith.addi %mul3A_133, %add3A_373 : i32
        %get3A_375 = arith.index_cast %add3A_374 : i32 to index
        %get3A_376 = arith.constant 80 : index
        %get3A_377 = tpu.vector_load %arg10[%get3A_375, %get3A_376] {strides = array<i32>} : memref<256x128xf32, #tpu.memory_space<vmem>>, vector<1x16xf32>,
        %get3A_378 = vector.shape_cast %get3A_377 : vector<1x16xf32> to vector<16xf32>
        %mul3A_379 = arith.mulf %gather3A_321, %get3A_378 : vector<16xf32>
        %add3A_380 = arith.addf %add3A_372, %mul3A_379 : vector<16xf32>
        %add3A_381 = arith.constant 2 : i32
        %add3A_382 = arith.addi %mul3A_133, %add3A_381 : i32
        %get3A_383 = arith.index_cast %add3A_382 : i32 to index
        %get3A_384 = arith.constant 112 : index
        %get3A_385 = tpu.vector_load %arg10[%get3A_383, %get3A_384] {strides = array<i32>} : memref<256x128xf32, #tpu.memory_space<vmem>>, vector<1x16xf32>,
        %get3A_386 = vector.shape_cast %get3A_385 : vector<1x16xf32> to vector<16xf32>
        %mul3A_387 = arith.mulf %gather3A_325, %get3A_386 : vector<16xf32>
        %add3A_388 = arith.addf %add3A_380, %mul3A_387 : vector<16xf32>
        %add3A_389 = arith.addf %add3A_213, %add3A_388 : vector<16xf32>
        %broadcast_in_dim3A_390 = arith.constant 3 : i32
        %broadcast_in_dim3A_391 = vector.broadcast %broadcast_in_dim3A_390 : i32 to vector<16x1xi32>
        %gather3A_392 = vector.shape_cast %broadcast_in_dim3A_391 : vector<16x1xi32> to vector<16xi32>
        %gather3A_393 = tpu.dynamic_gather %get3A_116[%gather3A_392] in [0] : vector<16xf32>, vector<16xi32> -> vector<16xf32>
        %broadcast_in_dim3A_394 = arith.constant 3 : i32
        %broadcast_in_dim3A_395 = vector.broadcast %broadcast_in_dim3A_394 : i32 to vector<16x1xi32>
        %gather3A_396 = vector.shape_cast %broadcast_in_dim3A_395 : vector<16x1xi32> to vector<16xi32>
        %gather3A_397 = tpu.dynamic_gather %get3A_121[%gather3A_396] in [0] : vector<16xf32>, vector<16xi32> -> vector<16xf32>
        %broadcast_in_dim3A_398 = arith.constant 3 : i32
        %broadcast_in_dim3A_399 = vector.broadcast %broadcast_in_dim3A_398 : i32 to vector<16x1xi32>
        %gather3A_400 = vector.shape_cast %broadcast_in_dim3A_399 : vector<16x1xi32> to vector<16xi32>
        %gather3A_401 = tpu.dynamic_gather %get3A_126[%gather3A_400] in [0] : vector<16xf32>, vector<16xi32> -> vector<16xf32>
        %broadcast_in_dim3A_402 = arith.constant 3 : i32
        %broadcast_in_dim3A_403 = vector.broadcast %broadcast_in_dim3A_402 : i32 to vector<16x1xi32>
        %gather3A_404 = vector.shape_cast %broadcast_in_dim3A_403 : vector<16x1xi32> to vector<16xi32>
        %gather3A_405 = tpu.dynamic_gather %get3A_131[%gather3A_404] in [0] : vector<16xf32>, vector<16xi32> -> vector<16xf32>
        %add3A_406 = arith.constant 2 : i32
        %add3A_407 = arith.addi %mul3A_133, %add3A_406 : i32
        %add3A_408 = arith.constant 1 : i32
        %add3A_409 = arith.addi %add3A_407, %add3A_408 : i32
        %get3A_410 = arith.index_cast %add3A_409 : i32 to index
        %get3A_411 = arith.constant 0 : index
        %get3A_412 = tpu.vector_load %arg10[%get3A_410, %get3A_411] {strides = array<i32>} : memref<256x128xf32, #tpu.memory_space<vmem>>, vector<1x16xf32>,
        %get3A_413 = vector.shape_cast %get3A_412 : vector<1x16xf32> to vector<16xf32>
        %mul3A_414 = arith.mulf %gather3A_393, %get3A_413 : vector<16xf32>
        %add3A_415 = arith.constant 2 : i32
        %add3A_416 = arith.addi %mul3A_133, %add3A_415 : i32
        %add3A_417 = arith.constant 1 : i32
        %add3A_418 = arith.addi %add3A_416, %add3A_417 : i32
        %get3A_419 = arith.index_cast %add3A_418 : i32 to index
        %get3A_420 = arith.constant 32 : index
        %get3A_421 = tpu.vector_load %arg10[%get3A_419, %get3A_420] {strides = array<i32>} : memref<256x128xf32, #tpu.memory_space<vmem>>, vector<1x16xf32>,
        %get3A_422 = vector.shape_cast %get3A_421 : vector<1x16xf32> to vector<16xf32>
        %mul3A_423 = arith.mulf %gather3A_397, %get3A_422 : vector<16xf32>
        %add3A_424 = arith.addf %mul3A_414, %mul3A_423 : vector<16xf32>
        %add3A_425 = arith.constant 2 : i32
        %add3A_426 = arith.addi %mul3A_133, %add3A_425 : i32
        %add3A_427 = arith.constant 1 : i32
        %add3A_428 = arith.addi %add3A_426, %add3A_427 : i32
        %get3A_429 = arith.index_cast %add3A_428 : i32 to index
        %get3A_430 = arith.constant 64 : index
        %get3A_431 = tpu.vector_load %arg10[%get3A_429, %get3A_430] {strides = array<i32>} : memref<256x128xf32, #tpu.memory_space<vmem>>, vector<1x16xf32>,
        %get3A_432 = vector.shape_cast %get3A_431 : vector<1x16xf32> to vector<16xf32>
        %mul3A_433 = arith.mulf %gather3A_401, %get3A_432 : vector<16xf32>
        %add3A_434 = arith.addf %add3A_424, %mul3A_433 : vector<16xf32>
        %add3A_435 = arith.constant 2 : i32
        %add3A_436 = arith.addi %mul3A_133, %add3A_435 : i32
        %add3A_437 = arith.constant 1 : i32
        %add3A_438 = arith.addi %add3A_436, %add3A_437 : i32
        %get3A_439 = arith.index_cast %add3A_438 : i32 to index
        %get3A_440 = arith.constant 96 : index
        %get3A_441 = tpu.vector_load %arg10[%get3A_439, %get3A_440] {strides = array<i32>} : memref<256x128xf32, #tpu.memory_space<vmem>>, vector<1x16xf32>,
        %get3A_442 = vector.shape_cast %get3A_441 : vector<1x16xf32> to vector<16xf32>
        %mul3A_443 = arith.mulf %gather3A_405, %get3A_442 : vector<16xf32>
        %add3A_444 = arith.addf %add3A_434, %mul3A_443 : vector<16xf32>
        %add3A_445 = arith.addf %add3A_269, %add3A_444 : vector<16xf32>
        %add3A_446 = arith.constant 2 : i32
        %add3A_447 = arith.addi %mul3A_133, %add3A_446 : i32
        %add3A_448 = arith.constant 1 : i32
        %add3A_449 = arith.addi %add3A_447, %add3A_448 : i32
        %get3A_450 = arith.index_cast %add3A_449 : i32 to index
        %get3A_451 = arith.constant 16 : index
        %get3A_452 = tpu.vector_load %arg10[%get3A_450, %get3A_451] {strides = array<i32>} : memref<256x128xf32, #tpu.memory_space<vmem>>, vector<1x16xf32>,
        %get3A_453 = vector.shape_cast %get3A_452 : vector<1x16xf32> to vector<16xf32>
        %mul3A_454 = arith.mulf %gather3A_393, %get3A_453 : vector<16xf32>
        %add3A_455 = arith.constant 2 : i32
        %add3A_456 = arith.addi %mul3A_133, %add3A_455 : i32
        %add3A_457 = arith.constant 1 : i32
        %add3A_458 = arith.addi %add3A_456, %add3A_457 : i32
        %get3A_459 = arith.index_cast %add3A_458 : i32 to index
        %get3A_460 = arith.constant 48 : index
        %get3A_461 = tpu.vector_load %arg10[%get3A_459, %get3A_460] {strides = array<i32>} : memref<256x128xf32, #tpu.memory_space<vmem>>, vector<1x16xf32>,
        %get3A_462 = vector.shape_cast %get3A_461 : vector<1x16xf32> to vector<16xf32>
        %mul3A_463 = arith.mulf %gather3A_397, %get3A_462 : vector<16xf32>
        %add3A_464 = arith.addf %mul3A_454, %mul3A_463 : vector<16xf32>
        %add3A_465 = arith.constant 2 : i32
        %add3A_466 = arith.addi %mul3A_133, %add3A_465 : i32
        %add3A_467 = arith.constant 1 : i32
        %add3A_468 = arith.addi %add3A_466, %add3A_467 : i32
        %get3A_469 = arith.index_cast %add3A_468 : i32 to index
        %get3A_470 = arith.constant 80 : index
        %get3A_471 = tpu.vector_load %arg10[%get3A_469, %get3A_470] {strides = array<i32>} : memref<256x128xf32, #tpu.memory_space<vmem>>, vector<1x16xf32>,
        %get3A_472 = vector.shape_cast %get3A_471 : vector<1x16xf32> to vector<16xf32>
        %mul3A_473 = arith.mulf %gather3A_401, %get3A_472 : vector<16xf32>
        %add3A_474 = arith.addf %add3A_464, %mul3A_473 : vector<16xf32>
        %add3A_475 = arith.constant 2 : i32
        %add3A_476 = arith.addi %mul3A_133, %add3A_475 : i32
        %add3A_477 = arith.constant 1 : i32
        %add3A_478 = arith.addi %add3A_476, %add3A_477 : i32
        %get3A_479 = arith.index_cast %add3A_478 : i32 to index
        %get3A_480 = arith.constant 112 : index
        %get3A_481 = tpu.vector_load %arg10[%get3A_479, %get3A_480] {strides = array<i32>} : memref<256x128xf32, #tpu.memory_space<vmem>>, vector<1x16xf32>,
        %get3A_482 = vector.shape_cast %get3A_481 : vector<1x16xf32> to vector<16xf32>
        %mul3A_483 = arith.mulf %gather3A_405, %get3A_482 : vector<16xf32>
        %add3A_484 = arith.addf %add3A_474, %mul3A_483 : vector<16xf32>
        %add3A_485 = arith.addf %add3A_309, %add3A_484 : vector<16xf32>
        %broadcast_in_dim3A_486 = arith.constant 4 : i32
        %broadcast_in_dim3A_487 = vector.broadcast %broadcast_in_dim3A_486 : i32 to vector<16x1xi32>
        %gather3A_488 = vector.shape_cast %broadcast_in_dim3A_487 : vector<16x1xi32> to vector<16xi32>
        %gather3A_489 = tpu.dynamic_gather %get3A_116[%gather3A_488] in [0] : vector<16xf32>, vector<16xi32> -> vector<16xf32>
        %broadcast_in_dim3A_490 = arith.constant 4 : i32
        %broadcast_in_dim3A_491 = vector.broadcast %broadcast_in_dim3A_490 : i32 to vector<16x1xi32>
        %gather3A_492 = vector.shape_cast %broadcast_in_dim3A_491 : vector<16x1xi32> to vector<16xi32>
        %gather3A_493 = tpu.dynamic_gather %get3A_121[%gather3A_492] in [0] : vector<16xf32>, vector<16xi32> -> vector<16xf32>
        %broadcast_in_dim3A_494 = arith.constant 4 : i32
        %broadcast_in_dim3A_495 = vector.broadcast %broadcast_in_dim3A_494 : i32 to vector<16x1xi32>
        %gather3A_496 = vector.shape_cast %broadcast_in_dim3A_495 : vector<16x1xi32> to vector<16xi32>
        %gather3A_497 = tpu.dynamic_gather %get3A_126[%gather3A_496] in [0] : vector<16xf32>, vector<16xi32> -> vector<16xf32>
        %broadcast_in_dim3A_498 = arith.constant 4 : i32
        %broadcast_in_dim3A_499 = vector.broadcast %broadcast_in_dim3A_498 : i32 to vector<16x1xi32>
        %gather3A_500 = vector.shape_cast %broadcast_in_dim3A_499 : vector<16x1xi32> to vector<16xi32>
        %gather3A_501 = tpu.dynamic_gather %get3A_131[%gather3A_500] in [0] : vector<16xf32>, vector<16xi32> -> vector<16xf32>
        %add3A_502 = arith.constant 4 : i32
        %add3A_503 = arith.addi %mul3A_133, %add3A_502 : i32
        %get3A_504 = arith.index_cast %add3A_503 : i32 to index
        %get3A_505 = arith.constant 0 : index
        %get3A_506 = tpu.vector_load %arg10[%get3A_504, %get3A_505] {strides = array<i32>} : memref<256x128xf32, #tpu.memory_space<vmem>>, vector<1x16xf32>,
        %get3A_507 = vector.shape_cast %get3A_506 : vector<1x16xf32> to vector<16xf32>
        %mul3A_508 = arith.mulf %gather3A_489, %get3A_507 : vector<16xf32>
        %add3A_509 = arith.constant 4 : i32
        %add3A_510 = arith.addi %mul3A_133, %add3A_509 : i32
        %get3A_511 = arith.index_cast %add3A_510 : i32 to index
        %get3A_512 = arith.constant 32 : index
        %get3A_513 = tpu.vector_load %arg10[%get3A_511, %get3A_512] {strides = array<i32>} : memref<256x128xf32, #tpu.memory_space<vmem>>, vector<1x16xf32>,
        %get3A_514 = vector.shape_cast %get3A_513 : vector<1x16xf32> to vector<16xf32>
        %mul3A_515 = arith.mulf %gather3A_493, %get3A_514 : vector<16xf32>
        %add3A_516 = arith.addf %mul3A_508, %mul3A_515 : vector<16xf32>
        %add3A_517 = arith.constant 4 : i32
        %add3A_518 = arith.addi %mul3A_133, %add3A_517 : i32
        %get3A_519 = arith.index_cast %add3A_518 : i32 to index
        %get3A_520 = arith.constant 64 : index
        %get3A_521 = tpu.vector_load %arg10[%get3A_519, %get3A_520] {strides = array<i32>} : memref<256x128xf32, #tpu.memory_space<vmem>>, vector<1x16xf32>,
        %get3A_522 = vector.shape_cast %get3A_521 : vector<1x16xf32> to vector<16xf32>
        %mul3A_523 = arith.mulf %gather3A_497, %get3A_522 : vector<16xf32>
        %add3A_524 = arith.addf %add3A_516, %mul3A_523 : vector<16xf32>
        %add3A_525 = arith.constant 4 : i32
        %add3A_526 = arith.addi %mul3A_133, %add3A_525 : i32
        %get3A_527 = arith.index_cast %add3A_526 : i32 to index
        %get3A_528 = arith.constant 96 : index
        %get3A_529 = tpu.vector_load %arg10[%get3A_527, %get3A_528] {strides = array<i32>} : memref<256x128xf32, #tpu.memory_space<vmem>>, vector<1x16xf32>,
        %get3A_530 = vector.shape_cast %get3A_529 : vector<1x16xf32> to vector<16xf32>
        %mul3A_531 = arith.mulf %gather3A_501, %get3A_530 : vector<16xf32>
        %add3A_532 = arith.addf %add3A_524, %mul3A_531 : vector<16xf32>
        %add3A_533 = arith.addf %add3A_357, %add3A_532 : vector<16xf32>
        %add3A_534 = arith.constant 4 : i32
        %add3A_535 = arith.addi %mul3A_133, %add3A_534 : i32
        %get3A_536 = arith.index_cast %add3A_535 : i32 to index
        %get3A_537 = arith.constant 16 : index
        %get3A_538 = tpu.vector_load %arg10[%get3A_536, %get3A_537] {strides = array<i32>} : memref<256x128xf32, #tpu.memory_space<vmem>>, vector<1x16xf32>,
        %get3A_539 = vector.shape_cast %get3A_538 : vector<1x16xf32> to vector<16xf32>
        %mul3A_540 = arith.mulf %gather3A_489, %get3A_539 : vector<16xf32>
        %add3A_541 = arith.constant 4 : i32
        %add3A_542 = arith.addi %mul3A_133, %add3A_541 : i32
        %get3A_543 = arith.index_cast %add3A_542 : i32 to index
        %get3A_544 = arith.constant 48 : index
        %get3A_545 = tpu.vector_load %arg10[%get3A_543, %get3A_544] {strides = array<i32>} : memref<256x128xf32, #tpu.memory_space<vmem>>, vector<1x16xf32>,
        %get3A_546 = vector.shape_cast %get3A_545 : vector<1x16xf32> to vector<16xf32>
        %mul3A_547 = arith.mulf %gather3A_493, %get3A_546 : vector<16xf32>
        %add3A_548 = arith.addf %mul3A_540, %mul3A_547 : vector<16xf32>
        %add3A_549 = arith.constant 4 : i32
        %add3A_550 = arith.addi %mul3A_133, %add3A_549 : i32
        %get3A_551 = arith.index_cast %add3A_550 : i32 to index
        %get3A_552 = arith.constant 80 : index
        %get3A_553 = tpu.vector_load %arg10[%get3A_551, %get3A_552] {strides = array<i32>} : memref<256x128xf32, #tpu.memory_space<vmem>>, vector<1x16xf32>,
        %get3A_554 = vector.shape_cast %get3A_553 : vector<1x16xf32> to vector<16xf32>
        %mul3A_555 = arith.mulf %gather3A_497, %get3A_554 : vector<16xf32>
        %add3A_556 = arith.addf %add3A_548, %mul3A_555 : vector<16xf32>
        %add3A_557 = arith.constant 4 : i32
        %add3A_558 = arith.addi %mul3A_133, %add3A_557 : i32
        %get3A_559 = arith.index_cast %add3A_558 : i32 to index
        %get3A_560 = arith.constant 112 : index
        %get3A_561 = tpu.vector_load %arg10[%get3A_559, %get3A_560] {strides = array<i32>} : memref<256x128xf32, #tpu.memory_space<vmem>>, vector<1x16xf32>,
        %get3A_562 = vector.shape_cast %get3A_561 : vector<1x16xf32> to vector<16xf32>
        %mul3A_563 = arith.mulf %gather3A_501, %get3A_562 : vector<16xf32>
        %add3A_564 = arith.addf %add3A_556, %mul3A_563 : vector<16xf32>
        %add3A_565 = arith.addf %add3A_389, %add3A_564 : vector<16xf32>
        %broadcast_in_dim3A_566 = arith.constant 5 : i32
        %broadcast_in_dim3A_567 = vector.broadcast %broadcast_in_dim3A_566 : i32 to vector<16x1xi32>
        %gather3A_568 = vector.shape_cast %broadcast_in_dim3A_567 : vector<16x1xi32> to vector<16xi32>
        %gather3A_569 = tpu.dynamic_gather %get3A_116[%gather3A_568] in [0] : vector<16xf32>, vector<16xi32> -> vector<16xf32>
        %broadcast_in_dim3A_570 = arith.constant 5 : i32
        %broadcast_in_dim3A_571 = vector.broadcast %broadcast_in_dim3A_570 : i32 to vector<16x1xi32>
        %gather3A_572 = vector.shape_cast %broadcast_in_dim3A_571 : vector<16x1xi32> to vector<16xi32>
        %gather3A_573 = tpu.dynamic_gather %get3A_121[%gather3A_572] in [0] : vector<16xf32>, vector<16xi32> -> vector<16xf32>
        %broadcast_in_dim3A_574 = arith.constant 5 : i32
        %broadcast_in_dim3A_575 = vector.broadcast %broadcast_in_dim3A_574 : i32 to vector<16x1xi32>
        %gather3A_576 = vector.shape_cast %broadcast_in_dim3A_575 : vector<16x1xi32> to vector<16xi32>
        %gather3A_577 = tpu.dynamic_gather %get3A_126[%gather3A_576] in [0] : vector<16xf32>, vector<16xi32> -> vector<16xf32>
        %broadcast_in_dim3A_578 = arith.constant 5 : i32
        %broadcast_in_dim3A_579 = vector.broadcast %broadcast_in_dim3A_578 : i32 to vector<16x1xi32>
        %gather3A_580 = vector.shape_cast %broadcast_in_dim3A_579 : vector<16x1xi32> to vector<16xi32>
        %gather3A_581 = tpu.dynamic_gather %get3A_131[%gather3A_580] in [0] : vector<16xf32>, vector<16xi32> -> vector<16xf32>
        %add3A_582 = arith.constant 4 : i32
        %add3A_583 = arith.addi %mul3A_133, %add3A_582 : i32
        %add3A_584 = arith.constant 1 : i32
        %add3A_585 = arith.addi %add3A_583, %add3A_584 : i32
        %get3A_586 = arith.index_cast %add3A_585 : i32 to index
        %get3A_587 = arith.constant 0 : index
        %get3A_588 = tpu.vector_load %arg10[%get3A_586, %get3A_587] {strides = array<i32>} : memref<256x128xf32, #tpu.memory_space<vmem>>, vector<1x16xf32>,
        %get3A_589 = vector.shape_cast %get3A_588 : vector<1x16xf32> to vector<16xf32>
        %mul3A_590 = arith.mulf %gather3A_569, %get3A_589 : vector<16xf32>
        %add3A_591 = arith.constant 4 : i32
        %add3A_592 = arith.addi %mul3A_133, %add3A_591 : i32
        %add3A_593 = arith.constant 1 : i32
        %add3A_594 = arith.addi %add3A_592, %add3A_593 : i32
        %get3A_595 = arith.index_cast %add3A_594 : i32 to index
        %get3A_596 = arith.constant 32 : index
        %get3A_597 = tpu.vector_load %arg10[%get3A_595, %get3A_596] {strides = array<i32>} : memref<256x128xf32, #tpu.memory_space<vmem>>, vector<1x16xf32>,
        %get3A_598 = vector.shape_cast %get3A_597 : vector<1x16xf32> to vector<16xf32>
        %mul3A_599 = arith.mulf %gather3A_573, %get3A_598 : vector<16xf32>
        %add3A_600 = arith.addf %mul3A_590, %mul3A_599 : vector<16xf32>
        %add3A_601 = arith.constant 4 : i32
        %add3A_602 = arith.addi %mul3A_133, %add3A_601 : i32
        %add3A_603 = arith.constant 1 : i32
        %add3A_604 = arith.addi %add3A_602, %add3A_603 : i32
        %get3A_605 = arith.index_cast %add3A_604 : i32 to index
        %get3A_606 = arith.constant 64 : index
        %get3A_607 = tpu.vector_load %arg10[%get3A_605, %get3A_606] {strides = array<i32>} : memref<256x128xf32, #tpu.memory_space<vmem>>, vector<1x16xf32>,
        %get3A_608 = vector.shape_cast %get3A_607 : vector<1x16xf32> to vector<16xf32>
        %mul3A_609 = arith.mulf %gather3A_577, %get3A_608 : vector<16xf32>
        %add3A_610 = arith.addf %add3A_600, %mul3A_609 : vector<16xf32>
        %add3A_611 = arith.constant 4 : i32
        %add3A_612 = arith.addi %mul3A_133, %add3A_611 : i32
        %add3A_613 = arith.constant 1 : i32
        %add3A_614 = arith.addi %add3A_612, %add3A_613 : i32
        %get3A_615 = arith.index_cast %add3A_614 : i32 to index
        %get3A_616 = arith.constant 96 : index
        %get3A_617 = tpu.vector_load %arg10[%get3A_615, %get3A_616] {strides = array<i32>} : memref<256x128xf32, #tpu.memory_space<vmem>>, vector<1x16xf32>,
        %get3A_618 = vector.shape_cast %get3A_617 : vector<1x16xf32> to vector<16xf32>
        %mul3A_619 = arith.mulf %gather3A_581, %get3A_618 : vector<16xf32>
        %add3A_620 = arith.addf %add3A_610, %mul3A_619 : vector<16xf32>
        %add3A_621 = arith.addf %add3A_445, %add3A_620 : vector<16xf32>
        %add3A_622 = arith.constant 4 : i32
        %add3A_623 = arith.addi %mul3A_133, %add3A_622 : i32
        %add3A_624 = arith.constant 1 : i32
        %add3A_625 = arith.addi %add3A_623, %add3A_624 : i32
        %get3A_626 = arith.index_cast %add3A_625 : i32 to index
        %get3A_627 = arith.constant 16 : index
        %get3A_628 = tpu.vector_load %arg10[%get3A_626, %get3A_627] {strides = array<i32>} : memref<256x128xf32, #tpu.memory_space<vmem>>, vector<1x16xf32>,
        %get3A_629 = vector.shape_cast %get3A_628 : vector<1x16xf32> to vector<16xf32>
        %mul3A_630 = arith.mulf %gather3A_569, %get3A_629 : vector<16xf32>
        %add3A_631 = arith.constant 4 : i32
        %add3A_632 = arith.addi %mul3A_133, %add3A_631 : i32
        %add3A_633 = arith.constant 1 : i32
        %add3A_634 = arith.addi %add3A_632, %add3A_633 : i32
        %get3A_635 = arith.index_cast %add3A_634 : i32 to index
        %get3A_636 = arith.constant 48 : index
        %get3A_637 = tpu.vector_load %arg10[%get3A_635, %get3A_636] {strides = array<i32>} : memref<256x128xf32, #tpu.memory_space<vmem>>, vector<1x16xf32>,
        %get3A_638 = vector.shape_cast %get3A_637 : vector<1x16xf32> to vector<16xf32>
        %mul3A_639 = arith.mulf %gather3A_573, %get3A_638 : vector<16xf32>
        %add3A_640 = arith.addf %mul3A_630, %mul3A_639 : vector<16xf32>
        %add3A_641 = arith.constant 4 : i32
        %add3A_642 = arith.addi %mul3A_133, %add3A_641 : i32
        %add3A_643 = arith.constant 1 : i32
        %add3A_644 = arith.addi %add3A_642, %add3A_643 : i32
        %get3A_645 = arith.index_cast %add3A_644 : i32 to index
        %get3A_646 = arith.constant 80 : index
        %get3A_647 = tpu.vector_load %arg10[%get3A_645, %get3A_646] {strides = array<i32>} : memref<256x128xf32, #tpu.memory_space<vmem>>, vector<1x16xf32>,
        %get3A_648 = vector.shape_cast %get3A_647 : vector<1x16xf32> to vector<16xf32>
        %mul3A_649 = arith.mulf %gather3A_577, %get3A_648 : vector<16xf32>
        %add3A_650 = arith.addf %add3A_640, %mul3A_649 : vector<16xf32>
        %add3A_651 = arith.constant 4 : i32
        %add3A_652 = arith.addi %mul3A_133, %add3A_651 : i32
        %add3A_653 = arith.constant 1 : i32
        %add3A_654 = arith.addi %add3A_652, %add3A_653 : i32
        %get3A_655 = arith.index_cast %add3A_654 : i32 to index
        %get3A_656 = arith.constant 112 : index
        %get3A_657 = tpu.vector_load %arg10[%get3A_655, %get3A_656] {strides = array<i32>} : memref<256x128xf32, #tpu.memory_space<vmem>>, vector<1x16xf32>,
        %get3A_658 = vector.shape_cast %get3A_657 : vector<1x16xf32> to vector<16xf32>
        %mul3A_659 = arith.mulf %gather3A_581, %get3A_658 : vector<16xf32>
        %add3A_660 = arith.addf %add3A_650, %mul3A_659 : vector<16xf32>
        %add3A_661 = arith.addf %add3A_485, %add3A_660 : vector<16xf32>
        %broadcast_in_dim3A_662 = arith.constant 6 : i32
        %broadcast_in_dim3A_663 = vector.broadcast %broadcast_in_dim3A_662 : i32 to vector<16x1xi32>
        %gather3A_664 = vector.shape_cast %broadcast_in_dim3A_663 : vector<16x1xi32> to vector<16xi32>
        %gather3A_665 = tpu.dynamic_gather %get3A_116[%gather3A_664] in [0] : vector<16xf32>, vector<16xi32> -> vector<16xf32>
        %broadcast_in_dim3A_666 = arith.constant 6 : i32
        %broadcast_in_dim3A_667 = vector.broadcast %broadcast_in_dim3A_666 : i32 to vector<16x1xi32>
        %gather3A_668 = vector.shape_cast %broadcast_in_dim3A_667 : vector<16x1xi32> to vector<16xi32>
        %gather3A_669 = tpu.dynamic_gather %get3A_121[%gather3A_668] in [0] : vector<16xf32>, vector<16xi32> -> vector<16xf32>
        %broadcast_in_dim3A_670 = arith.constant 6 : i32
        %broadcast_in_dim3A_671 = vector.broadcast %broadcast_in_dim3A_670 : i32 to vector<16x1xi32>
        %gather3A_672 = vector.shape_cast %broadcast_in_dim3A_671 : vector<16x1xi32> to vector<16xi32>
        %gather3A_673 = tpu.dynamic_gather %get3A_126[%gather3A_672] in [0] : vector<16xf32>, vector<16xi32> -> vector<16xf32>
        %broadcast_in_dim3A_674 = arith.constant 6 : i32
        %broadcast_in_dim3A_675 = vector.broadcast %broadcast_in_dim3A_674 : i32 to vector<16x1xi32>
        %gather3A_676 = vector.shape_cast %broadcast_in_dim3A_675 : vector<16x1xi32> to vector<16xi32>
        %gather3A_677 = tpu.dynamic_gather %get3A_131[%gather3A_676] in [0] : vector<16xf32>, vector<16xi32> -> vector<16xf32>
        %add3A_678 = arith.constant 6 : i32
        %add3A_679 = arith.addi %mul3A_133, %add3A_678 : i32
        %get3A_680 = arith.index_cast %add3A_679 : i32 to index
        %get3A_681 = arith.constant 0 : index
        %get3A_682 = tpu.vector_load %arg10[%get3A_680, %get3A_681] {strides = array<i32>} : memref<256x128xf32, #tpu.memory_space<vmem>>, vector<1x16xf32>,
        %get3A_683 = vector.shape_cast %get3A_682 : vector<1x16xf32> to vector<16xf32>
        %mul3A_684 = arith.mulf %gather3A_665, %get3A_683 : vector<16xf32>
        %add3A_685 = arith.constant 6 : i32
        %add3A_686 = arith.addi %mul3A_133, %add3A_685 : i32
        %get3A_687 = arith.index_cast %add3A_686 : i32 to index
        %get3A_688 = arith.constant 32 : index
        %get3A_689 = tpu.vector_load %arg10[%get3A_687, %get3A_688] {strides = array<i32>} : memref<256x128xf32, #tpu.memory_space<vmem>>, vector<1x16xf32>,
        %get3A_690 = vector.shape_cast %get3A_689 : vector<1x16xf32> to vector<16xf32>
        %mul3A_691 = arith.mulf %gather3A_669, %get3A_690 : vector<16xf32>
        %add3A_692 = arith.addf %mul3A_684, %mul3A_691 : vector<16xf32>
        %add3A_693 = arith.constant 6 : i32
        %add3A_694 = arith.addi %mul3A_133, %add3A_693 : i32
        %get3A_695 = arith.index_cast %add3A_694 : i32 to index
        %get3A_696 = arith.constant 64 : index
        %get3A_697 = tpu.vector_load %arg10[%get3A_695, %get3A_696] {strides = array<i32>} : memref<256x128xf32, #tpu.memory_space<vmem>>, vector<1x16xf32>,
        %get3A_698 = vector.shape_cast %get3A_697 : vector<1x16xf32> to vector<16xf32>
        %mul3A_699 = arith.mulf %gather3A_673, %get3A_698 : vector<16xf32>
        %add3A_700 = arith.addf %add3A_692, %mul3A_699 : vector<16xf32>
        %add3A_701 = arith.constant 6 : i32
        %add3A_702 = arith.addi %mul3A_133, %add3A_701 : i32
        %get3A_703 = arith.index_cast %add3A_702 : i32 to index
        %get3A_704 = arith.constant 96 : index
        %get3A_705 = tpu.vector_load %arg10[%get3A_703, %get3A_704] {strides = array<i32>} : memref<256x128xf32, #tpu.memory_space<vmem>>, vector<1x16xf32>,
        %get3A_706 = vector.shape_cast %get3A_705 : vector<1x16xf32> to vector<16xf32>
        %mul3A_707 = arith.mulf %gather3A_677, %get3A_706 : vector<16xf32>
        %add3A_708 = arith.addf %add3A_700, %mul3A_707 : vector<16xf32>
        %add3A_709 = arith.addf %add3A_533, %add3A_708 : vector<16xf32>
        %add3A_710 = arith.constant 6 : i32
        %add3A_711 = arith.addi %mul3A_133, %add3A_710 : i32
        %get3A_712 = arith.index_cast %add3A_711 : i32 to index
        %get3A_713 = arith.constant 16 : index
        %get3A_714 = tpu.vector_load %arg10[%get3A_712, %get3A_713] {strides = array<i32>} : memref<256x128xf32, #tpu.memory_space<vmem>>, vector<1x16xf32>,
        %get3A_715 = vector.shape_cast %get3A_714 : vector<1x16xf32> to vector<16xf32>
        %mul3A_716 = arith.mulf %gather3A_665, %get3A_715 : vector<16xf32>
        %add3A_717 = arith.constant 6 : i32
        %add3A_718 = arith.addi %mul3A_133, %add3A_717 : i32
        %get3A_719 = arith.index_cast %add3A_718 : i32 to index
        %get3A_720 = arith.constant 48 : index
        %get3A_721 = tpu.vector_load %arg10[%get3A_719, %get3A_720] {strides = array<i32>} : memref<256x128xf32, #tpu.memory_space<vmem>>, vector<1x16xf32>,
        %get3A_722 = vector.shape_cast %get3A_721 : vector<1x16xf32> to vector<16xf32>
        %mul3A_723 = arith.mulf %gather3A_669, %get3A_722 : vector<16xf32>
        %add3A_724 = arith.addf %mul3A_716, %mul3A_723 : vector<16xf32>
        %add3A_725 = arith.constant 6 : i32
        %add3A_726 = arith.addi %mul3A_133, %add3A_725 : i32
        %get3A_727 = arith.index_cast %add3A_726 : i32 to index
        %get3A_728 = arith.constant 80 : index
        %get3A_729 = tpu.vector_load %arg10[%get3A_727, %get3A_728] {strides = array<i32>} : memref<256x128xf32, #tpu.memory_space<vmem>>, vector<1x16xf32>,
        %get3A_730 = vector.shape_cast %get3A_729 : vector<1x16xf32> to vector<16xf32>
        %mul3A_731 = arith.mulf %gather3A_673, %get3A_730 : vector<16xf32>
        %add3A_732 = arith.addf %add3A_724, %mul3A_731 : vector<16xf32>
        %add3A_733 = arith.constant 6 : i32
        %add3A_734 = arith.addi %mul3A_133, %add3A_733 : i32
        %get3A_735 = arith.index_cast %add3A_734 : i32 to index
        %get3A_736 = arith.constant 112 : index
        %get3A_737 = tpu.vector_load %arg10[%get3A_735, %get3A_736] {strides = array<i32>} : memref<256x128xf32, #tpu.memory_space<vmem>>, vector<1x16xf32>,
        %get3A_738 = vector.shape_cast %get3A_737 : vector<1x16xf32> to vector<16xf32>
        %mul3A_739 = arith.mulf %gather3A_677, %get3A_738 : vector<16xf32>
        %add3A_740 = arith.addf %add3A_732, %mul3A_739 : vector<16xf32>
        %add3A_741 = arith.addf %add3A_565, %add3A_740 : vector<16xf32>
        %broadcast_in_dim3A_742 = arith.constant 7 : i32
        %broadcast_in_dim3A_743 = vector.broadcast %broadcast_in_dim3A_742 : i32 to vector<16x1xi32>
        %gather3A_744 = vector.shape_cast %broadcast_in_dim3A_743 : vector<16x1xi32> to vector<16xi32>
        %gather3A_745 = tpu.dynamic_gather %get3A_116[%gather3A_744] in [0] : vector<16xf32>, vector<16xi32> -> vector<16xf32>
        %broadcast_in_dim3A_746 = arith.constant 7 : i32
        %broadcast_in_dim3A_747 = vector.broadcast %broadcast_in_dim3A_746 : i32 to vector<16x1xi32>
        %gather3A_748 = vector.shape_cast %broadcast_in_dim3A_747 : vector<16x1xi32> to vector<16xi32>
        %gather3A_749 = tpu.dynamic_gather %get3A_121[%gather3A_748] in [0] : vector<16xf32>, vector<16xi32> -> vector<16xf32>
        %broadcast_in_dim3A_750 = arith.constant 7 : i32
        %broadcast_in_dim3A_751 = vector.broadcast %broadcast_in_dim3A_750 : i32 to vector<16x1xi32>
        %gather3A_752 = vector.shape_cast %broadcast_in_dim3A_751 : vector<16x1xi32> to vector<16xi32>
        %gather3A_753 = tpu.dynamic_gather %get3A_126[%gather3A_752] in [0] : vector<16xf32>, vector<16xi32> -> vector<16xf32>
        %broadcast_in_dim3A_754 = arith.constant 7 : i32
        %broadcast_in_dim3A_755 = vector.broadcast %broadcast_in_dim3A_754 : i32 to vector<16x1xi32>
        %gather3A_756 = vector.shape_cast %broadcast_in_dim3A_755 : vector<16x1xi32> to vector<16xi32>
        %gather3A_757 = tpu.dynamic_gather %get3A_131[%gather3A_756] in [0] : vector<16xf32>, vector<16xi32> -> vector<16xf32>
        %add3A_758 = arith.constant 6 : i32
        %add3A_759 = arith.addi %mul3A_133, %add3A_758 : i32
        %add3A_760 = arith.constant 1 : i32
        %add3A_761 = arith.addi %add3A_759, %add3A_760 : i32
        %get3A_762 = arith.index_cast %add3A_761 : i32 to index
        %get3A_763 = arith.constant 0 : index
        %get3A_764 = tpu.vector_load %arg10[%get3A_762, %get3A_763] {strides = array<i32>} : memref<256x128xf32, #tpu.memory_space<vmem>>, vector<1x16xf32>,
        %get3A_765 = vector.shape_cast %get3A_764 : vector<1x16xf32> to vector<16xf32>
        %mul3A_766 = arith.mulf %gather3A_745, %get3A_765 : vector<16xf32>
        %add3A_767 = arith.constant 6 : i32
        %add3A_768 = arith.addi %mul3A_133, %add3A_767 : i32
        %add3A_769 = arith.constant 1 : i32
        %add3A_770 = arith.addi %add3A_768, %add3A_769 : i32
        %get3A_771 = arith.index_cast %add3A_770 : i32 to index
        %get3A_772 = arith.constant 32 : index
        %get3A_773 = tpu.vector_load %arg10[%get3A_771, %get3A_772] {strides = array<i32>} : memref<256x128xf32, #tpu.memory_space<vmem>>, vector<1x16xf32>,
        %get3A_774 = vector.shape_cast %get3A_773 : vector<1x16xf32> to vector<16xf32>
        %mul3A_775 = arith.mulf %gather3A_749, %get3A_774 : vector<16xf32>
        %add3A_776 = arith.addf %mul3A_766, %mul3A_775 : vector<16xf32>
        %add3A_777 = arith.constant 6 : i32
        %add3A_778 = arith.addi %mul3A_133, %add3A_777 : i32
        %add3A_779 = arith.constant 1 : i32
        %add3A_780 = arith.addi %add3A_778, %add3A_779 : i32
        %get3A_781 = arith.index_cast %add3A_780 : i32 to index
        %get3A_782 = arith.constant 64 : index
        %get3A_783 = tpu.vector_load %arg10[%get3A_781, %get3A_782] {strides = array<i32>} : memref<256x128xf32, #tpu.memory_space<vmem>>, vector<1x16xf32>,
        %get3A_784 = vector.shape_cast %get3A_783 : vector<1x16xf32> to vector<16xf32>
        %mul3A_785 = arith.mulf %gather3A_753, %get3A_784 : vector<16xf32>
        %add3A_786 = arith.addf %add3A_776, %mul3A_785 : vector<16xf32>
        %add3A_787 = arith.constant 6 : i32
        %add3A_788 = arith.addi %mul3A_133, %add3A_787 : i32
        %add3A_789 = arith.constant 1 : i32
        %add3A_790 = arith.addi %add3A_788, %add3A_789 : i32
        %get3A_791 = arith.index_cast %add3A_790 : i32 to index
        %get3A_792 = arith.constant 96 : index
        %get3A_793 = tpu.vector_load %arg10[%get3A_791, %get3A_792] {strides = array<i32>} : memref<256x128xf32, #tpu.memory_space<vmem>>, vector<1x16xf32>,
        %get3A_794 = vector.shape_cast %get3A_793 : vector<1x16xf32> to vector<16xf32>
        %mul3A_795 = arith.mulf %gather3A_757, %get3A_794 : vector<16xf32>
        %add3A_796 = arith.addf %add3A_786, %mul3A_795 : vector<16xf32>
        %add3A_797 = arith.addf %add3A_621, %add3A_796 : vector<16xf32>
        %add3A_798 = arith.constant 6 : i32
        %add3A_799 = arith.addi %mul3A_133, %add3A_798 : i32
        %add3A_800 = arith.constant 1 : i32
        %add3A_801 = arith.addi %add3A_799, %add3A_800 : i32
        %get3A_802 = arith.index_cast %add3A_801 : i32 to index
        %get3A_803 = arith.constant 16 : index
        %get3A_804 = tpu.vector_load %arg10[%get3A_802, %get3A_803] {strides = array<i32>} : memref<256x128xf32, #tpu.memory_space<vmem>>, vector<1x16xf32>,
        %get3A_805 = vector.shape_cast %get3A_804 : vector<1x16xf32> to vector<16xf32>
        %mul3A_806 = arith.mulf %gather3A_745, %get3A_805 : vector<16xf32>
        %add3A_807 = arith.constant 6 : i32
        %add3A_808 = arith.addi %mul3A_133, %add3A_807 : i32
        %add3A_809 = arith.constant 1 : i32
        %add3A_810 = arith.addi %add3A_808, %add3A_809 : i32
        %get3A_811 = arith.index_cast %add3A_810 : i32 to index
        %get3A_812 = arith.constant 48 : index
        %get3A_813 = tpu.vector_load %arg10[%get3A_811, %get3A_812] {strides = array<i32>} : memref<256x128xf32, #tpu.memory_space<vmem>>, vector<1x16xf32>,
        %get3A_814 = vector.shape_cast %get3A_813 : vector<1x16xf32> to vector<16xf32>
        %mul3A_815 = arith.mulf %gather3A_749, %get3A_814 : vector<16xf32>
        %add3A_816 = arith.addf %mul3A_806, %mul3A_815 : vector<16xf32>
        %add3A_817 = arith.constant 6 : i32
        %add3A_818 = arith.addi %mul3A_133, %add3A_817 : i32
        %add3A_819 = arith.constant 1 : i32
        %add3A_820 = arith.addi %add3A_818, %add3A_819 : i32
        %get3A_821 = arith.index_cast %add3A_820 : i32 to index
        %get3A_822 = arith.constant 80 : index
        %get3A_823 = tpu.vector_load %arg10[%get3A_821, %get3A_822] {strides = array<i32>} : memref<256x128xf32, #tpu.memory_space<vmem>>, vector<1x16xf32>,
        %get3A_824 = vector.shape_cast %get3A_823 : vector<1x16xf32> to vector<16xf32>
        %mul3A_825 = arith.mulf %gather3A_753, %get3A_824 : vector<16xf32>
        %add3A_826 = arith.addf %add3A_816, %mul3A_825 : vector<16xf32>
        %add3A_827 = arith.constant 6 : i32
        %add3A_828 = arith.addi %mul3A_133, %add3A_827 : i32
        %add3A_829 = arith.constant 1 : i32
        %add3A_830 = arith.addi %add3A_828, %add3A_829 : i32
        %get3A_831 = arith.index_cast %add3A_830 : i32 to index
        %get3A_832 = arith.constant 112 : index
        %get3A_833 = tpu.vector_load %arg10[%get3A_831, %get3A_832] {strides = array<i32>} : memref<256x128xf32, #tpu.memory_space<vmem>>, vector<1x16xf32>,
        %get3A_834 = vector.shape_cast %get3A_833 : vector<1x16xf32> to vector<16xf32>
        %mul3A_835 = arith.mulf %gather3A_757, %get3A_834 : vector<16xf32>
        %add3A_836 = arith.addf %add3A_826, %mul3A_835 : vector<16xf32>
        %add3A_837 = arith.addf %add3A_661, %add3A_836 : vector<16xf32>
        %broadcast_in_dim3A_838 = arith.constant 8 : i32
        %broadcast_in_dim3A_839 = vector.broadcast %broadcast_in_dim3A_838 : i32 to vector<16x1xi32>
        %gather3A_840 = vector.shape_cast %broadcast_in_dim3A_839 : vector<16x1xi32> to vector<16xi32>
        %gather3A_841 = tpu.dynamic_gather %get3A_116[%gather3A_840] in [0] : vector<16xf32>, vector<16xi32> -> vector<16xf32>
        %broadcast_in_dim3A_842 = arith.constant 8 : i32
        %broadcast_in_dim3A_843 = vector.broadcast %broadcast_in_dim3A_842 : i32 to vector<16x1xi32>
        %gather3A_844 = vector.shape_cast %broadcast_in_dim3A_843 : vector<16x1xi32> to vector<16xi32>
        %gather3A_845 = tpu.dynamic_gather %get3A_121[%gather3A_844] in [0] : vector<16xf32>, vector<16xi32> -> vector<16xf32>
        %broadcast_in_dim3A_846 = arith.constant 8 : i32
        %broadcast_in_dim3A_847 = vector.broadcast %broadcast_in_dim3A_846 : i32 to vector<16x1xi32>
        %gather3A_848 = vector.shape_cast %broadcast_in_dim3A_847 : vector<16x1xi32> to vector<16xi32>
        %gather3A_849 = tpu.dynamic_gather %get3A_126[%gather3A_848] in [0] : vector<16xf32>, vector<16xi32> -> vector<16xf32>
        %broadcast_in_dim3A_850 = arith.constant 8 : i32
        %broadcast_in_dim3A_851 = vector.broadcast %broadcast_in_dim3A_850 : i32 to vector<16x1xi32>
        %gather3A_852 = vector.shape_cast %broadcast_in_dim3A_851 : vector<16x1xi32> to vector<16xi32>
        %gather3A_853 = tpu.dynamic_gather %get3A_131[%gather3A_852] in [0] : vector<16xf32>, vector<16xi32> -> vector<16xf32>
        %add3A_854 = arith.constant 8 : i32
        %add3A_855 = arith.addi %mul3A_133, %add3A_854 : i32
        %get3A_856 = arith.index_cast %add3A_855 : i32 to index
        %get3A_857 = arith.constant 0 : index
        %get3A_858 = tpu.vector_load %arg10[%get3A_856, %get3A_857] {strides = array<i32>} : memref<256x128xf32, #tpu.memory_space<vmem>>, vector<1x16xf32>,
        %get3A_859 = vector.shape_cast %get3A_858 : vector<1x16xf32> to vector<16xf32>
        %mul3A_860 = arith.mulf %gather3A_841, %get3A_859 : vector<16xf32>
        %add3A_861 = arith.constant 8 : i32
        %add3A_862 = arith.addi %mul3A_133, %add3A_861 : i32
        %get3A_863 = arith.index_cast %add3A_862 : i32 to index
        %get3A_864 = arith.constant 32 : index
        %get3A_865 = tpu.vector_load %arg10[%get3A_863, %get3A_864] {strides = array<i32>} : memref<256x128xf32, #tpu.memory_space<vmem>>, vector<1x16xf32>,
        %get3A_866 = vector.shape_cast %get3A_865 : vector<1x16xf32> to vector<16xf32>
        %mul3A_867 = arith.mulf %gather3A_845, %get3A_866 : vector<16xf32>
        %add3A_868 = arith.addf %mul3A_860, %mul3A_867 : vector<16xf32>
        %add3A_869 = arith.constant 8 : i32
        %add3A_870 = arith.addi %mul3A_133, %add3A_869 : i32
        %get3A_871 = arith.index_cast %add3A_870 : i32 to index
        %get3A_872 = arith.constant 64 : index
        %get3A_873 = tpu.vector_load %arg10[%get3A_871, %get3A_872] {strides = array<i32>} : memref<256x128xf32, #tpu.memory_space<vmem>>, vector<1x16xf32>,
        %get3A_874 = vector.shape_cast %get3A_873 : vector<1x16xf32> to vector<16xf32>
        %mul3A_875 = arith.mulf %gather3A_849, %get3A_874 : vector<16xf32>
        %add3A_876 = arith.addf %add3A_868, %mul3A_875 : vector<16xf32>
        %add3A_877 = arith.constant 8 : i32
        %add3A_878 = arith.addi %mul3A_133, %add3A_877 : i32
        %get3A_879 = arith.index_cast %add3A_878 : i32 to index
        %get3A_880 = arith.constant 96 : index
        %get3A_881 = tpu.vector_load %arg10[%get3A_879, %get3A_880] {strides = array<i32>} : memref<256x128xf32, #tpu.memory_space<vmem>>, vector<1x16xf32>,
        %get3A_882 = vector.shape_cast %get3A_881 : vector<1x16xf32> to vector<16xf32>
        %mul3A_883 = arith.mulf %gather3A_853, %get3A_882 : vector<16xf32>
        %add3A_884 = arith.addf %add3A_876, %mul3A_883 : vector<16xf32>
        %add3A_885 = arith.addf %add3A_709, %add3A_884 : vector<16xf32>
        %add3A_886 = arith.constant 8 : i32
        %add3A_887 = arith.addi %mul3A_133, %add3A_886 : i32
        %get3A_888 = arith.index_cast %add3A_887 : i32 to index
        %get3A_889 = arith.constant 16 : index
        %get3A_890 = tpu.vector_load %arg10[%get3A_888, %get3A_889] {strides = array<i32>} : memref<256x128xf32, #tpu.memory_space<vmem>>, vector<1x16xf32>,
        %get3A_891 = vector.shape_cast %get3A_890 : vector<1x16xf32> to vector<16xf32>
        %mul3A_892 = arith.mulf %gather3A_841, %get3A_891 : vector<16xf32>
        %add3A_893 = arith.constant 8 : i32
        %add3A_894 = arith.addi %mul3A_133, %add3A_893 : i32
        %get3A_895 = arith.index_cast %add3A_894 : i32 to index
        %get3A_896 = arith.constant 48 : index
        %get3A_897 = tpu.vector_load %arg10[%get3A_895, %get3A_896] {strides = array<i32>} : memref<256x128xf32, #tpu.memory_space<vmem>>, vector<1x16xf32>,
        %get3A_898 = vector.shape_cast %get3A_897 : vector<1x16xf32> to vector<16xf32>
        %mul3A_899 = arith.mulf %gather3A_845, %get3A_898 : vector<16xf32>
        %add3A_900 = arith.addf %mul3A_892, %mul3A_899 : vector<16xf32>
        %add3A_901 = arith.constant 8 : i32
        %add3A_902 = arith.addi %mul3A_133, %add3A_901 : i32
        %get3A_903 = arith.index_cast %add3A_902 : i32 to index
        %get3A_904 = arith.constant 80 : index
        %get3A_905 = tpu.vector_load %arg10[%get3A_903, %get3A_904] {strides = array<i32>} : memref<256x128xf32, #tpu.memory_space<vmem>>, vector<1x16xf32>,
        %get3A_906 = vector.shape_cast %get3A_905 : vector<1x16xf32> to vector<16xf32>
        %mul3A_907 = arith.mulf %gather3A_849, %get3A_906 : vector<16xf32>
        %add3A_908 = arith.addf %add3A_900, %mul3A_907 : vector<16xf32>
        %add3A_909 = arith.constant 8 : i32
        %add3A_910 = arith.addi %mul3A_133, %add3A_909 : i32
        %get3A_911 = arith.index_cast %add3A_910 : i32 to index
        %get3A_912 = arith.constant 112 : index
        %get3A_913 = tpu.vector_load %arg10[%get3A_911, %get3A_912] {strides = array<i32>} : memref<256x128xf32, #tpu.memory_space<vmem>>, vector<1x16xf32>,
        %get3A_914 = vector.shape_cast %get3A_913 : vector<1x16xf32> to vector<16xf32>
        %mul3A_915 = arith.mulf %gather3A_853, %get3A_914 : vector<16xf32>
        %add3A_916 = arith.addf %add3A_908, %mul3A_915 : vector<16xf32>
        %add3A_917 = arith.addf %add3A_741, %add3A_916 : vector<16xf32>
        %broadcast_in_dim3A_918 = arith.constant 9 : i32
        %broadcast_in_dim3A_919 = vector.broadcast %broadcast_in_dim3A_918 : i32 to vector<16x1xi32>
        %gather3A_920 = vector.shape_cast %broadcast_in_dim3A_919 : vector<16x1xi32> to vector<16xi32>
        %gather3A_921 = tpu.dynamic_gather %get3A_116[%gather3A_920] in [0] : vector<16xf32>, vector<16xi32> -> vector<16xf32>
        %broadcast_in_dim3A_922 = arith.constant 9 : i32
        %broadcast_in_dim3A_923 = vector.broadcast %broadcast_in_dim3A_922 : i32 to vector<16x1xi32>
        %gather3A_924 = vector.shape_cast %broadcast_in_dim3A_923 : vector<16x1xi32> to vector<16xi32>
        %gather3A_925 = tpu.dynamic_gather %get3A_121[%gather3A_924] in [0] : vector<16xf32>, vector<16xi32> -> vector<16xf32>
        %broadcast_in_dim3A_926 = arith.constant 9 : i32
        %broadcast_in_dim3A_927 = vector.broadcast %broadcast_in_dim3A_926 : i32 to vector<16x1xi32>
        %gather3A_928 = vector.shape_cast %broadcast_in_dim3A_927 : vector<16x1xi32> to vector<16xi32>
        %gather3A_929 = tpu.dynamic_gather %get3A_126[%gather3A_928] in [0] : vector<16xf32>, vector<16xi32> -> vector<16xf32>
        %broadcast_in_dim3A_930 = arith.constant 9 : i32
        %broadcast_in_dim3A_931 = vector.broadcast %broadcast_in_dim3A_930 : i32 to vector<16x1xi32>
        %gather3A_932 = vector.shape_cast %broadcast_in_dim3A_931 : vector<16x1xi32> to vector<16xi32>
        %gather3A_933 = tpu.dynamic_gather %get3A_131[%gather3A_932] in [0] : vector<16xf32>, vector<16xi32> -> vector<16xf32>
        %add3A_934 = arith.constant 8 : i32
        %add3A_935 = arith.addi %mul3A_133, %add3A_934 : i32
        %add3A_936 = arith.constant 1 : i32
        %add3A_937 = arith.addi %add3A_935, %add3A_936 : i32
        %get3A_938 = arith.index_cast %add3A_937 : i32 to index
        %get3A_939 = arith.constant 0 : index
        %get3A_940 = tpu.vector_load %arg10[%get3A_938, %get3A_939] {strides = array<i32>} : memref<256x128xf32, #tpu.memory_space<vmem>>, vector<1x16xf32>,
        %get3A_941 = vector.shape_cast %get3A_940 : vector<1x16xf32> to vector<16xf32>
        %mul3A_942 = arith.mulf %gather3A_921, %get3A_941 : vector<16xf32>
        %add3A_943 = arith.constant 8 : i32
        %add3A_944 = arith.addi %mul3A_133, %add3A_943 : i32
        %add3A_945 = arith.constant 1 : i32
        %add3A_946 = arith.addi %add3A_944, %add3A_945 : i32
        %get3A_947 = arith.index_cast %add3A_946 : i32 to index
        %get3A_948 = arith.constant 32 : index
        %get3A_949 = tpu.vector_load %arg10[%get3A_947, %get3A_948] {strides = array<i32>} : memref<256x128xf32, #tpu.memory_space<vmem>>, vector<1x16xf32>,
        %get3A_950 = vector.shape_cast %get3A_949 : vector<1x16xf32> to vector<16xf32>
        %mul3A_951 = arith.mulf %gather3A_925, %get3A_950 : vector<16xf32>
        %add3A_952 = arith.addf %mul3A_942, %mul3A_951 : vector<16xf32>
        %add3A_953 = arith.constant 8 : i32
        %add3A_954 = arith.addi %mul3A_133, %add3A_953 : i32
        %add3A_955 = arith.constant 1 : i32
        %add3A_956 = arith.addi %add3A_954, %add3A_955 : i32
        %get3A_957 = arith.index_cast %add3A_956 : i32 to index
        %get3A_958 = arith.constant 64 : index
        %get3A_959 = tpu.vector_load %arg10[%get3A_957, %get3A_958] {strides = array<i32>} : memref<256x128xf32, #tpu.memory_space<vmem>>, vector<1x16xf32>,
        %get3A_960 = vector.shape_cast %get3A_959 : vector<1x16xf32> to vector<16xf32>
        %mul3A_961 = arith.mulf %gather3A_929, %get3A_960 : vector<16xf32>
        %add3A_962 = arith.addf %add3A_952, %mul3A_961 : vector<16xf32>
        %add3A_963 = arith.constant 8 : i32
        %add3A_964 = arith.addi %mul3A_133, %add3A_963 : i32
        %add3A_965 = arith.constant 1 : i32
        %add3A_966 = arith.addi %add3A_964, %add3A_965 : i32
        %get3A_967 = arith.index_cast %add3A_966 : i32 to index
        %get3A_968 = arith.constant 96 : index
        %get3A_969 = tpu.vector_load %arg10[%get3A_967, %get3A_968] {strides = array<i32>} : memref<256x128xf32, #tpu.memory_space<vmem>>, vector<1x16xf32>,
        %get3A_970 = vector.shape_cast %get3A_969 : vector<1x16xf32> to vector<16xf32>
        %mul3A_971 = arith.mulf %gather3A_933, %get3A_970 : vector<16xf32>
        %add3A_972 = arith.addf %add3A_962, %mul3A_971 : vector<16xf32>
        %add3A_973 = arith.addf %add3A_797, %add3A_972 : vector<16xf32>
        %add3A_974 = arith.constant 8 : i32
        %add3A_975 = arith.addi %mul3A_133, %add3A_974 : i32
        %add3A_976 = arith.constant 1 : i32
        %add3A_977 = arith.addi %add3A_975, %add3A_976 : i32
        %get3A_978 = arith.index_cast %add3A_977 : i32 to index
        %get3A_979 = arith.constant 16 : index
        %get3A_980 = tpu.vector_load %arg10[%get3A_978, %get3A_979] {strides = array<i32>} : memref<256x128xf32, #tpu.memory_space<vmem>>, vector<1x16xf32>,
        %get3A_981 = vector.shape_cast %get3A_980 : vector<1x16xf32> to vector<16xf32>
        %mul3A_982 = arith.mulf %gather3A_921, %get3A_981 : vector<16xf32>
        %add3A_983 = arith.constant 8 : i32
        %add3A_984 = arith.addi %mul3A_133, %add3A_983 : i32
        %add3A_985 = arith.constant 1 : i32
        %add3A_986 = arith.addi %add3A_984, %add3A_985 : i32
        %get3A_987 = arith.index_cast %add3A_986 : i32 to index
        %get3A_988 = arith.constant 48 : index
        %get3A_989 = tpu.vector_load %arg10[%get3A_987, %get3A_988] {strides = array<i32>} : memref<256x128xf32, #tpu.memory_space<vmem>>, vector<1x16xf32>,
        %get3A_990 = vector.shape_cast %get3A_989 : vector<1x16xf32> to vector<16xf32>
        %mul3A_991 = arith.mulf %gather3A_925, %get3A_990 : vector<16xf32>
        %add3A_992 = arith.addf %mul3A_982, %mul3A_991 : vector<16xf32>
        %add3A_993 = arith.constant 8 : i32
        %add3A_994 = arith.addi %mul3A_133, %add3A_993 : i32
        %add3A_995 = arith.constant 1 : i32
        %add3A_996 = arith.addi %add3A_994, %add3A_995 : i32
        %get3A_997 = arith.index_cast %add3A_996 : i32 to index
        %get3A_998 = arith.constant 80 : index
        %get3A_999 = tpu.vector_load %arg10[%get3A_997, %get3A_998] {strides = array<i32>} : memref<256x128xf32, #tpu.memory_space<vmem>>, vector<1x16xf32>,
        %get3A_1000 = vector.shape_cast %get3A_999 : vector<1x16xf32> to vector<16xf32>
        %mul3A_1001 = arith.mulf %gather3A_929, %get3A_1000 : vector<16xf32>
        %add3A_1002 = arith.addf %add3A_992, %mul3A_1001 : vector<16xf32>
        %add3A_1003 = arith.constant 8 : i32
        %add3A_1004 = arith.addi %mul3A_133, %add3A_1003 : i32
        %add3A_1005 = arith.constant 1 : i32
        %add3A_1006 = arith.addi %add3A_1004, %add3A_1005 : i32
        %get3A_1007 = arith.index_cast %add3A_1006 : i32 to index
        %get3A_1008 = arith.constant 112 : index
        %get3A_1009 = tpu.vector_load %arg10[%get3A_1007, %get3A_1008] {strides = array<i32>} : memref<256x128xf32, #tpu.memory_space<vmem>>, vector<1x16xf32>,
        %get3A_1010 = vector.shape_cast %get3A_1009 : vector<1x16xf32> to vector<16xf32>
        %mul3A_1011 = arith.mulf %gather3A_933, %get3A_1010 : vector<16xf32>
        %add3A_1012 = arith.addf %add3A_1002, %mul3A_1011 : vector<16xf32>
        %add3A_1013 = arith.addf %add3A_837, %add3A_1012 : vector<16xf32>
        %broadcast_in_dim3A_1014 = arith.constant 10 : i32
        %broadcast_in_dim3A_1015 = vector.broadcast %broadcast_in_dim3A_1014 : i32 to vector<16x1xi32>
        %gather3A_1016 = vector.shape_cast %broadcast_in_dim3A_1015 : vector<16x1xi32> to vector<16xi32>
        %gather3A_1017 = tpu.dynamic_gather %get3A_116[%gather3A_1016] in [0] : vector<16xf32>, vector<16xi32> -> vector<16xf32>
        %broadcast_in_dim3A_1018 = arith.constant 10 : i32
        %broadcast_in_dim3A_1019 = vector.broadcast %broadcast_in_dim3A_1018 : i32 to vector<16x1xi32>
        %gather3A_1020 = vector.shape_cast %broadcast_in_dim3A_1019 : vector<16x1xi32> to vector<16xi32>
        %gather3A_1021 = tpu.dynamic_gather %get3A_121[%gather3A_1020] in [0] : vector<16xf32>, vector<16xi32> -> vector<16xf32>
        %broadcast_in_dim3A_1022 = arith.constant 10 : i32
        %broadcast_in_dim3A_1023 = vector.broadcast %broadcast_in_dim3A_1022 : i32 to vector<16x1xi32>
        %gather3A_1024 = vector.shape_cast %broadcast_in_dim3A_1023 : vector<16x1xi32> to vector<16xi32>
        %gather3A_1025 = tpu.dynamic_gather %get3A_126[%gather3A_1024] in [0] : vector<16xf32>, vector<16xi32> -> vector<16xf32>
        %broadcast_in_dim3A_1026 = arith.constant 10 : i32
        %broadcast_in_dim3A_1027 = vector.broadcast %broadcast_in_dim3A_1026 : i32 to vector<16x1xi32>
        %gather3A_1028 = vector.shape_cast %broadcast_in_dim3A_1027 : vector<16x1xi32> to vector<16xi32>
        %gather3A_1029 = tpu.dynamic_gather %get3A_131[%gather3A_1028] in [0] : vector<16xf32>, vector<16xi32> -> vector<16xf32>
        %add3A_1030 = arith.constant 10 : i32
        %add3A_1031 = arith.addi %mul3A_133, %add3A_1030 : i32
        %get3A_1032 = arith.index_cast %add3A_1031 : i32 to index
        %get3A_1033 = arith.constant 0 : index
        %get3A_1034 = tpu.vector_load %arg10[%get3A_1032, %get3A_1033] {strides = array<i32>} : memref<256x128xf32, #tpu.memory_space<vmem>>, vector<1x16xf32>,
        %get3A_1035 = vector.shape_cast %get3A_1034 : vector<1x16xf32> to vector<16xf32>
        %mul3A_1036 = arith.mulf %gather3A_1017, %get3A_1035 : vector<16xf32>
        %add3A_1037 = arith.constant 10 : i32
        %add3A_1038 = arith.addi %mul3A_133, %add3A_1037 : i32
        %get3A_1039 = arith.index_cast %add3A_1038 : i32 to index
        %get3A_1040 = arith.constant 32 : index
        %get3A_1041 = tpu.vector_load %arg10[%get3A_1039, %get3A_1040] {strides = array<i32>} : memref<256x128xf32, #tpu.memory_space<vmem>>, vector<1x16xf32>,
        %get3A_1042 = vector.shape_cast %get3A_1041 : vector<1x16xf32> to vector<16xf32>
        %mul3A_1043 = arith.mulf %gather3A_1021, %get3A_1042 : vector<16xf32>
        %add3A_1044 = arith.addf %mul3A_1036, %mul3A_1043 : vector<16xf32>
        %add3A_1045 = arith.constant 10 : i32
        %add3A_1046 = arith.addi %mul3A_133, %add3A_1045 : i32
        %get3A_1047 = arith.index_cast %add3A_1046 : i32 to index
        %get3A_1048 = arith.constant 64 : index
        %get3A_1049 = tpu.vector_load %arg10[%get3A_1047, %get3A_1048] {strides = array<i32>} : memref<256x128xf32, #tpu.memory_space<vmem>>, vector<1x16xf32>,
        %get3A_1050 = vector.shape_cast %get3A_1049 : vector<1x16xf32> to vector<16xf32>
        %mul3A_1051 = arith.mulf %gather3A_1025, %get3A_1050 : vector<16xf32>
        %add3A_1052 = arith.addf %add3A_1044, %mul3A_1051 : vector<16xf32>
        %add3A_1053 = arith.constant 10 : i32
        %add3A_1054 = arith.addi %mul3A_133, %add3A_1053 : i32
        %get3A_1055 = arith.index_cast %add3A_1054 : i32 to index
        %get3A_1056 = arith.constant 96 : index
        %get3A_1057 = tpu.vector_load %arg10[%get3A_1055, %get3A_1056] {strides = array<i32>} : memref<256x128xf32, #tpu.memory_space<vmem>>, vector<1x16xf32>,
        %get3A_1058 = vector.shape_cast %get3A_1057 : vector<1x16xf32> to vector<16xf32>
        %mul3A_1059 = arith.mulf %gather3A_1029, %get3A_1058 : vector<16xf32>
        %add3A_1060 = arith.addf %add3A_1052, %mul3A_1059 : vector<16xf32>
        %add3A_1061 = arith.addf %add3A_885, %add3A_1060 : vector<16xf32>
        %add3A_1062 = arith.constant 10 : i32
        %add3A_1063 = arith.addi %mul3A_133, %add3A_1062 : i32
        %get3A_1064 = arith.index_cast %add3A_1063 : i32 to index
        %get3A_1065 = arith.constant 16 : index
        %get3A_1066 = tpu.vector_load %arg10[%get3A_1064, %get3A_1065] {strides = array<i32>} : memref<256x128xf32, #tpu.memory_space<vmem>>, vector<1x16xf32>,
        %get3A_1067 = vector.shape_cast %get3A_1066 : vector<1x16xf32> to vector<16xf32>
        %mul3A_1068 = arith.mulf %gather3A_1017, %get3A_1067 : vector<16xf32>
        %add3A_1069 = arith.constant 10 : i32
        %add3A_1070 = arith.addi %mul3A_133, %add3A_1069 : i32
        %get3A_1071 = arith.index_cast %add3A_1070 : i32 to index
        %get3A_1072 = arith.constant 48 : index
        %get3A_1073 = tpu.vector_load %arg10[%get3A_1071, %get3A_1072] {strides = array<i32>} : memref<256x128xf32, #tpu.memory_space<vmem>>, vector<1x16xf32>,
        %get3A_1074 = vector.shape_cast %get3A_1073 : vector<1x16xf32> to vector<16xf32>
        %mul3A_1075 = arith.mulf %gather3A_1021, %get3A_1074 : vector<16xf32>
        %add3A_1076 = arith.addf %mul3A_1068, %mul3A_1075 : vector<16xf32>
        %add3A_1077 = arith.constant 10 : i32
        %add3A_1078 = arith.addi %mul3A_133, %add3A_1077 : i32
        %get3A_1079 = arith.index_cast %add3A_1078 : i32 to index
        %get3A_1080 = arith.constant 80 : index
        %get3A_1081 = tpu.vector_load %arg10[%get3A_1079, %get3A_1080] {strides = array<i32>} : memref<256x128xf32, #tpu.memory_space<vmem>>, vector<1x16xf32>,
        %get3A_1082 = vector.shape_cast %get3A_1081 : vector<1x16xf32> to vector<16xf32>
        %mul3A_1083 = arith.mulf %gather3A_1025, %get3A_1082 : vector<16xf32>
        %add3A_1084 = arith.addf %add3A_1076, %mul3A_1083 : vector<16xf32>
        %add3A_1085 = arith.constant 10 : i32
        %add3A_1086 = arith.addi %mul3A_133, %add3A_1085 : i32
        %get3A_1087 = arith.index_cast %add3A_1086 : i32 to index
        %get3A_1088 = arith.constant 112 : index
        %get3A_1089 = tpu.vector_load %arg10[%get3A_1087, %get3A_1088] {strides = array<i32>} : memref<256x128xf32, #tpu.memory_space<vmem>>, vector<1x16xf32>,
        %get3A_1090 = vector.shape_cast %get3A_1089 : vector<1x16xf32> to vector<16xf32>
        %mul3A_1091 = arith.mulf %gather3A_1029, %get3A_1090 : vector<16xf32>
        %add3A_1092 = arith.addf %add3A_1084, %mul3A_1091 : vector<16xf32>
        %add3A_1093 = arith.addf %add3A_917, %add3A_1092 : vector<16xf32>
        %broadcast_in_dim3A_1094 = arith.constant 11 : i32
        %broadcast_in_dim3A_1095 = vector.broadcast %broadcast_in_dim3A_1094 : i32 to vector<16x1xi32>
        %gather3A_1096 = vector.shape_cast %broadcast_in_dim3A_1095 : vector<16x1xi32> to vector<16xi32>
        %gather3A_1097 = tpu.dynamic_gather %get3A_116[%gather3A_1096] in [0] : vector<16xf32>, vector<16xi32> -> vector<16xf32>
        %broadcast_in_dim3A_1098 = arith.constant 11 : i32
        %broadcast_in_dim3A_1099 = vector.broadcast %broadcast_in_dim3A_1098 : i32 to vector<16x1xi32>
        %gather3A_1100 = vector.shape_cast %broadcast_in_dim3A_1099 : vector<16x1xi32> to vector<16xi32>
        %gather3A_1101 = tpu.dynamic_gather %get3A_121[%gather3A_1100] in [0] : vector<16xf32>, vector<16xi32> -> vector<16xf32>
        %broadcast_in_dim3A_1102 = arith.constant 11 : i32
        %broadcast_in_dim3A_1103 = vector.broadcast %broadcast_in_dim3A_1102 : i32 to vector<16x1xi32>
        %gather3A_1104 = vector.shape_cast %broadcast_in_dim3A_1103 : vector<16x1xi32> to vector<16xi32>
        %gather3A_1105 = tpu.dynamic_gather %get3A_126[%gather3A_1104] in [0] : vector<16xf32>, vector<16xi32> -> vector<16xf32>
        %broadcast_in_dim3A_1106 = arith.constant 11 : i32
        %broadcast_in_dim3A_1107 = vector.broadcast %broadcast_in_dim3A_1106 : i32 to vector<16x1xi32>
        %gather3A_1108 = vector.shape_cast %broadcast_in_dim3A_1107 : vector<16x1xi32> to vector<16xi32>
        %gather3A_1109 = tpu.dynamic_gather %get3A_131[%gather3A_1108] in [0] : vector<16xf32>, vector<16xi32> -> vector<16xf32>
        %add3A_1110 = arith.constant 10 : i32
        %add3A_1111 = arith.addi %mul3A_133, %add3A_1110 : i32
        %add3A_1112 = arith.constant 1 : i32
        %add3A_1113 = arith.addi %add3A_1111, %add3A_1112 : i32
        %get3A_1114 = arith.index_cast %add3A_1113 : i32 to index
        %get3A_1115 = arith.constant 0 : index
        %get3A_1116 = tpu.vector_load %arg10[%get3A_1114, %get3A_1115] {strides = array<i32>} : memref<256x128xf32, #tpu.memory_space<vmem>>, vector<1x16xf32>,
        %get3A_1117 = vector.shape_cast %get3A_1116 : vector<1x16xf32> to vector<16xf32>
        %mul3A_1118 = arith.mulf %gather3A_1097, %get3A_1117 : vector<16xf32>
        %add3A_1119 = arith.constant 10 : i32
        %add3A_1120 = arith.addi %mul3A_133, %add3A_1119 : i32
        %add3A_1121 = arith.constant 1 : i32
        %add3A_1122 = arith.addi %add3A_1120, %add3A_1121 : i32
        %get3A_1123 = arith.index_cast %add3A_1122 : i32 to index
        %get3A_1124 = arith.constant 32 : index
        %get3A_1125 = tpu.vector_load %arg10[%get3A_1123, %get3A_1124] {strides = array<i32>} : memref<256x128xf32, #tpu.memory_space<vmem>>, vector<1x16xf32>,
        %get3A_1126 = vector.shape_cast %get3A_1125 : vector<1x16xf32> to vector<16xf32>
        %mul3A_1127 = arith.mulf %gather3A_1101, %get3A_1126 : vector<16xf32>
        %add3A_1128 = arith.addf %mul3A_1118, %mul3A_1127 : vector<16xf32>
        %add3A_1129 = arith.constant 10 : i32
        %add3A_1130 = arith.addi %mul3A_133, %add3A_1129 : i32
        %add3A_1131 = arith.constant 1 : i32
        %add3A_1132 = arith.addi %add3A_1130, %add3A_1131 : i32
        %get3A_1133 = arith.index_cast %add3A_1132 : i32 to index
        %get3A_1134 = arith.constant 64 : index
        %get3A_1135 = tpu.vector_load %arg10[%get3A_1133, %get3A_1134] {strides = array<i32>} : memref<256x128xf32, #tpu.memory_space<vmem>>, vector<1x16xf32>,
        %get3A_1136 = vector.shape_cast %get3A_1135 : vector<1x16xf32> to vector<16xf32>
        %mul3A_1137 = arith.mulf %gather3A_1105, %get3A_1136 : vector<16xf32>
        %add3A_1138 = arith.addf %add3A_1128, %mul3A_1137 : vector<16xf32>
        %add3A_1139 = arith.constant 10 : i32
        %add3A_1140 = arith.addi %mul3A_133, %add3A_1139 : i32
        %add3A_1141 = arith.constant 1 : i32
        %add3A_1142 = arith.addi %add3A_1140, %add3A_1141 : i32
        %get3A_1143 = arith.index_cast %add3A_1142 : i32 to index
        %get3A_1144 = arith.constant 96 : index
        %get3A_1145 = tpu.vector_load %arg10[%get3A_1143, %get3A_1144] {strides = array<i32>} : memref<256x128xf32, #tpu.memory_space<vmem>>, vector<1x16xf32>,
        %get3A_1146 = vector.shape_cast %get3A_1145 : vector<1x16xf32> to vector<16xf32>
        %mul3A_1147 = arith.mulf %gather3A_1109, %get3A_1146 : vector<16xf32>
        %add3A_1148 = arith.addf %add3A_1138, %mul3A_1147 : vector<16xf32>
        %add3A_1149 = arith.addf %add3A_973, %add3A_1148 : vector<16xf32>
        %add3A_1150 = arith.constant 10 : i32
        %add3A_1151 = arith.addi %mul3A_133, %add3A_1150 : i32
        %add3A_1152 = arith.constant 1 : i32
        %add3A_1153 = arith.addi %add3A_1151, %add3A_1152 : i32
        %get3A_1154 = arith.index_cast %add3A_1153 : i32 to index
        %get3A_1155 = arith.constant 16 : index
        %get3A_1156 = tpu.vector_load %arg10[%get3A_1154, %get3A_1155] {strides = array<i32>} : memref<256x128xf32, #tpu.memory_space<vmem>>, vector<1x16xf32>,
        %get3A_1157 = vector.shape_cast %get3A_1156 : vector<1x16xf32> to vector<16xf32>
        %mul3A_1158 = arith.mulf %gather3A_1097, %get3A_1157 : vector<16xf32>
        %add3A_1159 = arith.constant 10 : i32
        %add3A_1160 = arith.addi %mul3A_133, %add3A_1159 : i32
        %add3A_1161 = arith.constant 1 : i32
        %add3A_1162 = arith.addi %add3A_1160, %add3A_1161 : i32
        %get3A_1163 = arith.index_cast %add3A_1162 : i32 to index
        %get3A_1164 = arith.constant 48 : index
        %get3A_1165 = tpu.vector_load %arg10[%get3A_1163, %get3A_1164] {strides = array<i32>} : memref<256x128xf32, #tpu.memory_space<vmem>>, vector<1x16xf32>,
        %get3A_1166 = vector.shape_cast %get3A_1165 : vector<1x16xf32> to vector<16xf32>
        %mul3A_1167 = arith.mulf %gather3A_1101, %get3A_1166 : vector<16xf32>
        %add3A_1168 = arith.addf %mul3A_1158, %mul3A_1167 : vector<16xf32>
        %add3A_1169 = arith.constant 10 : i32
        %add3A_1170 = arith.addi %mul3A_133, %add3A_1169 : i32
        %add3A_1171 = arith.constant 1 : i32
        %add3A_1172 = arith.addi %add3A_1170, %add3A_1171 : i32
        %get3A_1173 = arith.index_cast %add3A_1172 : i32 to index
        %get3A_1174 = arith.constant 80 : index
        %get3A_1175 = tpu.vector_load %arg10[%get3A_1173, %get3A_1174] {strides = array<i32>} : memref<256x128xf32, #tpu.memory_space<vmem>>, vector<1x16xf32>,
        %get3A_1176 = vector.shape_cast %get3A_1175 : vector<1x16xf32> to vector<16xf32>
        %mul3A_1177 = arith.mulf %gather3A_1105, %get3A_1176 : vector<16xf32>
        %add3A_1178 = arith.addf %add3A_1168, %mul3A_1177 : vector<16xf32>
        %add3A_1179 = arith.constant 10 : i32
        %add3A_1180 = arith.addi %mul3A_133, %add3A_1179 : i32
        %add3A_1181 = arith.constant 1 : i32
        %add3A_1182 = arith.addi %add3A_1180, %add3A_1181 : i32
        %get3A_1183 = arith.index_cast %add3A_1182 : i32 to index
        %get3A_1184 = arith.constant 112 : index
        %get3A_1185 = tpu.vector_load %arg10[%get3A_1183, %get3A_1184] {strides = array<i32>} : memref<256x128xf32, #tpu.memory_space<vmem>>, vector<1x16xf32>,
        %get3A_1186 = vector.shape_cast %get3A_1185 : vector<1x16xf32> to vector<16xf32>
        %mul3A_1187 = arith.mulf %gather3A_1109, %get3A_1186 : vector<16xf32>
        %add3A_1188 = arith.addf %add3A_1178, %mul3A_1187 : vector<16xf32>
        %add3A_1189 = arith.addf %add3A_1013, %add3A_1188 : vector<16xf32>
        %broadcast_in_dim3A_1190 = arith.constant 12 : i32
        %broadcast_in_dim3A_1191 = vector.broadcast %broadcast_in_dim3A_1190 : i32 to vector<16x1xi32>
        %gather3A_1192 = vector.shape_cast %broadcast_in_dim3A_1191 : vector<16x1xi32> to vector<16xi32>
        %gather3A_1193 = tpu.dynamic_gather %get3A_116[%gather3A_1192] in [0] : vector<16xf32>, vector<16xi32> -> vector<16xf32>
        %broadcast_in_dim3A_1194 = arith.constant 12 : i32
        %broadcast_in_dim3A_1195 = vector.broadcast %broadcast_in_dim3A_1194 : i32 to vector<16x1xi32>
        %gather3A_1196 = vector.shape_cast %broadcast_in_dim3A_1195 : vector<16x1xi32> to vector<16xi32>
        %gather3A_1197 = tpu.dynamic_gather %get3A_121[%gather3A_1196] in [0] : vector<16xf32>, vector<16xi32> -> vector<16xf32>
        %broadcast_in_dim3A_1198 = arith.constant 12 : i32
        %broadcast_in_dim3A_1199 = vector.broadcast %broadcast_in_dim3A_1198 : i32 to vector<16x1xi32>
        %gather3A_1200 = vector.shape_cast %broadcast_in_dim3A_1199 : vector<16x1xi32> to vector<16xi32>
        %gather3A_1201 = tpu.dynamic_gather %get3A_126[%gather3A_1200] in [0] : vector<16xf32>, vector<16xi32> -> vector<16xf32>
        %broadcast_in_dim3A_1202 = arith.constant 12 : i32
        %broadcast_in_dim3A_1203 = vector.broadcast %broadcast_in_dim3A_1202 : i32 to vector<16x1xi32>
        %gather3A_1204 = vector.shape_cast %broadcast_in_dim3A_1203 : vector<16x1xi32> to vector<16xi32>
        %gather3A_1205 = tpu.dynamic_gather %get3A_131[%gather3A_1204] in [0] : vector<16xf32>, vector<16xi32> -> vector<16xf32>
        %add3A_1206 = arith.constant 12 : i32
        %add3A_1207 = arith.addi %mul3A_133, %add3A_1206 : i32
        %get3A_1208 = arith.index_cast %add3A_1207 : i32 to index
        %get3A_1209 = arith.constant 0 : index
        %get3A_1210 = tpu.vector_load %arg10[%get3A_1208, %get3A_1209] {strides = array<i32>} : memref<256x128xf32, #tpu.memory_space<vmem>>, vector<1x16xf32>,
        %get3A_1211 = vector.shape_cast %get3A_1210 : vector<1x16xf32> to vector<16xf32>
        %mul3A_1212 = arith.mulf %gather3A_1193, %get3A_1211 : vector<16xf32>
        %add3A_1213 = arith.constant 12 : i32
        %add3A_1214 = arith.addi %mul3A_133, %add3A_1213 : i32
        %get3A_1215 = arith.index_cast %add3A_1214 : i32 to index
        %get3A_1216 = arith.constant 32 : index
        %get3A_1217 = tpu.vector_load %arg10[%get3A_1215, %get3A_1216] {strides = array<i32>} : memref<256x128xf32, #tpu.memory_space<vmem>>, vector<1x16xf32>,
        %get3A_1218 = vector.shape_cast %get3A_1217 : vector<1x16xf32> to vector<16xf32>
        %mul3A_1219 = arith.mulf %gather3A_1197, %get3A_1218 : vector<16xf32>
        %add3A_1220 = arith.addf %mul3A_1212, %mul3A_1219 : vector<16xf32>
        %add3A_1221 = arith.constant 12 : i32
        %add3A_1222 = arith.addi %mul3A_133, %add3A_1221 : i32
        %get3A_1223 = arith.index_cast %add3A_1222 : i32 to index
        %get3A_1224 = arith.constant 64 : index
        %get3A_1225 = tpu.vector_load %arg10[%get3A_1223, %get3A_1224] {strides = array<i32>} : memref<256x128xf32, #tpu.memory_space<vmem>>, vector<1x16xf32>,
        %get3A_1226 = vector.shape_cast %get3A_1225 : vector<1x16xf32> to vector<16xf32>
        %mul3A_1227 = arith.mulf %gather3A_1201, %get3A_1226 : vector<16xf32>
        %add3A_1228 = arith.addf %add3A_1220, %mul3A_1227 : vector<16xf32>
        %add3A_1229 = arith.constant 12 : i32
        %add3A_1230 = arith.addi %mul3A_133, %add3A_1229 : i32
        %get3A_1231 = arith.index_cast %add3A_1230 : i32 to index
        %get3A_1232 = arith.constant 96 : index
        %get3A_1233 = tpu.vector_load %arg10[%get3A_1231, %get3A_1232] {strides = array<i32>} : memref<256x128xf32, #tpu.memory_space<vmem>>, vector<1x16xf32>,
        %get3A_1234 = vector.shape_cast %get3A_1233 : vector<1x16xf32> to vector<16xf32>
        %mul3A_1235 = arith.mulf %gather3A_1205, %get3A_1234 : vector<16xf32>
        %add3A_1236 = arith.addf %add3A_1228, %mul3A_1235 : vector<16xf32>
        %add3A_1237 = arith.addf %add3A_1061, %add3A_1236 : vector<16xf32>
        %add3A_1238 = arith.constant 12 : i32
        %add3A_1239 = arith.addi %mul3A_133, %add3A_1238 : i32
        %get3A_1240 = arith.index_cast %add3A_1239 : i32 to index
        %get3A_1241 = arith.constant 16 : index
        %get3A_1242 = tpu.vector_load %arg10[%get3A_1240, %get3A_1241] {strides = array<i32>} : memref<256x128xf32, #tpu.memory_space<vmem>>, vector<1x16xf32>,
        %get3A_1243 = vector.shape_cast %get3A_1242 : vector<1x16xf32> to vector<16xf32>
        %mul3A_1244 = arith.mulf %gather3A_1193, %get3A_1243 : vector<16xf32>
        %add3A_1245 = arith.constant 12 : i32
        %add3A_1246 = arith.addi %mul3A_133, %add3A_1245 : i32
        %get3A_1247 = arith.index_cast %add3A_1246 : i32 to index
        %get3A_1248 = arith.constant 48 : index
        %get3A_1249 = tpu.vector_load %arg10[%get3A_1247, %get3A_1248] {strides = array<i32>} : memref<256x128xf32, #tpu.memory_space<vmem>>, vector<1x16xf32>,
        %get3A_1250 = vector.shape_cast %get3A_1249 : vector<1x16xf32> to vector<16xf32>
        %mul3A_1251 = arith.mulf %gather3A_1197, %get3A_1250 : vector<16xf32>
        %add3A_1252 = arith.addf %mul3A_1244, %mul3A_1251 : vector<16xf32>
        %add3A_1253 = arith.constant 12 : i32
        %add3A_1254 = arith.addi %mul3A_133, %add3A_1253 : i32
        %get3A_1255 = arith.index_cast %add3A_1254 : i32 to index
        %get3A_1256 = arith.constant 80 : index
        %get3A_1257 = tpu.vector_load %arg10[%get3A_1255, %get3A_1256] {strides = array<i32>} : memref<256x128xf32, #tpu.memory_space<vmem>>, vector<1x16xf32>,
        %get3A_1258 = vector.shape_cast %get3A_1257 : vector<1x16xf32> to vector<16xf32>
        %mul3A_1259 = arith.mulf %gather3A_1201, %get3A_1258 : vector<16xf32>
        %add3A_1260 = arith.addf %add3A_1252, %mul3A_1259 : vector<16xf32>
        %add3A_1261 = arith.constant 12 : i32
        %add3A_1262 = arith.addi %mul3A_133, %add3A_1261 : i32
        %get3A_1263 = arith.index_cast %add3A_1262 : i32 to index
        %get3A_1264 = arith.constant 112 : index
        %get3A_1265 = tpu.vector_load %arg10[%get3A_1263, %get3A_1264] {strides = array<i32>} : memref<256x128xf32, #tpu.memory_space<vmem>>, vector<1x16xf32>,
        %get3A_1266 = vector.shape_cast %get3A_1265 : vector<1x16xf32> to vector<16xf32>
        %mul3A_1267 = arith.mulf %gather3A_1205, %get3A_1266 : vector<16xf32>
        %add3A_1268 = arith.addf %add3A_1260, %mul3A_1267 : vector<16xf32>
        %add3A_1269 = arith.addf %add3A_1093, %add3A_1268 : vector<16xf32>
        %broadcast_in_dim3A_1270 = arith.constant 13 : i32
        %broadcast_in_dim3A_1271 = vector.broadcast %broadcast_in_dim3A_1270 : i32 to vector<16x1xi32>
        %gather3A_1272 = vector.shape_cast %broadcast_in_dim3A_1271 : vector<16x1xi32> to vector<16xi32>
        %gather3A_1273 = tpu.dynamic_gather %get3A_116[%gather3A_1272] in [0] : vector<16xf32>, vector<16xi32> -> vector<16xf32>
        %broadcast_in_dim3A_1274 = arith.constant 13 : i32
        %broadcast_in_dim3A_1275 = vector.broadcast %broadcast_in_dim3A_1274 : i32 to vector<16x1xi32>
        %gather3A_1276 = vector.shape_cast %broadcast_in_dim3A_1275 : vector<16x1xi32> to vector<16xi32>
        %gather3A_1277 = tpu.dynamic_gather %get3A_121[%gather3A_1276] in [0] : vector<16xf32>, vector<16xi32> -> vector<16xf32>
        %broadcast_in_dim3A_1278 = arith.constant 13 : i32
        %broadcast_in_dim3A_1279 = vector.broadcast %broadcast_in_dim3A_1278 : i32 to vector<16x1xi32>
        %gather3A_1280 = vector.shape_cast %broadcast_in_dim3A_1279 : vector<16x1xi32> to vector<16xi32>
        %gather3A_1281 = tpu.dynamic_gather %get3A_126[%gather3A_1280] in [0] : vector<16xf32>, vector<16xi32> -> vector<16xf32>
        %broadcast_in_dim3A_1282 = arith.constant 13 : i32
        %broadcast_in_dim3A_1283 = vector.broadcast %broadcast_in_dim3A_1282 : i32 to vector<16x1xi32>
        %gather3A_1284 = vector.shape_cast %broadcast_in_dim3A_1283 : vector<16x1xi32> to vector<16xi32>
        %gather3A_1285 = tpu.dynamic_gather %get3A_131[%gather3A_1284] in [0] : vector<16xf32>, vector<16xi32> -> vector<16xf32>
        %add3A_1286 = arith.constant 12 : i32
        %add3A_1287 = arith.addi %mul3A_133, %add3A_1286 : i32
        %add3A_1288 = arith.constant 1 : i32
        %add3A_1289 = arith.addi %add3A_1287, %add3A_1288 : i32
        %get3A_1290 = arith.index_cast %add3A_1289 : i32 to index
        %get3A_1291 = arith.constant 0 : index
        %get3A_1292 = tpu.vector_load %arg10[%get3A_1290, %get3A_1291] {strides = array<i32>} : memref<256x128xf32, #tpu.memory_space<vmem>>, vector<1x16xf32>,
        %get3A_1293 = vector.shape_cast %get3A_1292 : vector<1x16xf32> to vector<16xf32>
        %mul3A_1294 = arith.mulf %gather3A_1273, %get3A_1293 : vector<16xf32>
        %add3A_1295 = arith.constant 12 : i32
        %add3A_1296 = arith.addi %mul3A_133, %add3A_1295 : i32
        %add3A_1297 = arith.constant 1 : i32
        %add3A_1298 = arith.addi %add3A_1296, %add3A_1297 : i32
        %get3A_1299 = arith.index_cast %add3A_1298 : i32 to index
        %get3A_1300 = arith.constant 32 : index
        %get3A_1301 = tpu.vector_load %arg10[%get3A_1299, %get3A_1300] {strides = array<i32>} : memref<256x128xf32, #tpu.memory_space<vmem>>, vector<1x16xf32>,
        %get3A_1302 = vector.shape_cast %get3A_1301 : vector<1x16xf32> to vector<16xf32>
        %mul3A_1303 = arith.mulf %gather3A_1277, %get3A_1302 : vector<16xf32>
        %add3A_1304 = arith.addf %mul3A_1294, %mul3A_1303 : vector<16xf32>
        %add3A_1305 = arith.constant 12 : i32
        %add3A_1306 = arith.addi %mul3A_133, %add3A_1305 : i32
        %add3A_1307 = arith.constant 1 : i32
        %add3A_1308 = arith.addi %add3A_1306, %add3A_1307 : i32
        %get3A_1309 = arith.index_cast %add3A_1308 : i32 to index
        %get3A_1310 = arith.constant 64 : index
        %get3A_1311 = tpu.vector_load %arg10[%get3A_1309, %get3A_1310] {strides = array<i32>} : memref<256x128xf32, #tpu.memory_space<vmem>>, vector<1x16xf32>,
        %get3A_1312 = vector.shape_cast %get3A_1311 : vector<1x16xf32> to vector<16xf32>
        %mul3A_1313 = arith.mulf %gather3A_1281, %get3A_1312 : vector<16xf32>
        %add3A_1314 = arith.addf %add3A_1304, %mul3A_1313 : vector<16xf32>
        %add3A_1315 = arith.constant 12 : i32
        %add3A_1316 = arith.addi %mul3A_133, %add3A_1315 : i32
        %add3A_1317 = arith.constant 1 : i32
        %add3A_1318 = arith.addi %add3A_1316, %add3A_1317 : i32
        %get3A_1319 = arith.index_cast %add3A_1318 : i32 to index
        %get3A_1320 = arith.constant 96 : index
        %get3A_1321 = tpu.vector_load %arg10[%get3A_1319, %get3A_1320] {strides = array<i32>} : memref<256x128xf32, #tpu.memory_space<vmem>>, vector<1x16xf32>,
        %get3A_1322 = vector.shape_cast %get3A_1321 : vector<1x16xf32> to vector<16xf32>
        %mul3A_1323 = arith.mulf %gather3A_1285, %get3A_1322 : vector<16xf32>
        %add3A_1324 = arith.addf %add3A_1314, %mul3A_1323 : vector<16xf32>
        %add3A_1325 = arith.addf %add3A_1149, %add3A_1324 : vector<16xf32>
        %add3A_1326 = arith.constant 12 : i32
        %add3A_1327 = arith.addi %mul3A_133, %add3A_1326 : i32
        %add3A_1328 = arith.constant 1 : i32
        %add3A_1329 = arith.addi %add3A_1327, %add3A_1328 : i32
        %get3A_1330 = arith.index_cast %add3A_1329 : i32 to index
        %get3A_1331 = arith.constant 16 : index
        %get3A_1332 = tpu.vector_load %arg10[%get3A_1330, %get3A_1331] {strides = array<i32>} : memref<256x128xf32, #tpu.memory_space<vmem>>, vector<1x16xf32>,
        %get3A_1333 = vector.shape_cast %get3A_1332 : vector<1x16xf32> to vector<16xf32>
        %mul3A_1334 = arith.mulf %gather3A_1273, %get3A_1333 : vector<16xf32>
        %add3A_1335 = arith.constant 12 : i32
        %add3A_1336 = arith.addi %mul3A_133, %add3A_1335 : i32
        %add3A_1337 = arith.constant 1 : i32
        %add3A_1338 = arith.addi %add3A_1336, %add3A_1337 : i32
        %get3A_1339 = arith.index_cast %add3A_1338 : i32 to index
        %get3A_1340 = arith.constant 48 : index
        %get3A_1341 = tpu.vector_load %arg10[%get3A_1339, %get3A_1340] {strides = array<i32>} : memref<256x128xf32, #tpu.memory_space<vmem>>, vector<1x16xf32>,
        %get3A_1342 = vector.shape_cast %get3A_1341 : vector<1x16xf32> to vector<16xf32>
        %mul3A_1343 = arith.mulf %gather3A_1277, %get3A_1342 : vector<16xf32>
        %add3A_1344 = arith.addf %mul3A_1334, %mul3A_1343 : vector<16xf32>
        %add3A_1345 = arith.constant 12 : i32
        %add3A_1346 = arith.addi %mul3A_133, %add3A_1345 : i32
        %add3A_1347 = arith.constant 1 : i32
        %add3A_1348 = arith.addi %add3A_1346, %add3A_1347 : i32
        %get3A_1349 = arith.index_cast %add3A_1348 : i32 to index
        %get3A_1350 = arith.constant 80 : index
        %get3A_1351 = tpu.vector_load %arg10[%get3A_1349, %get3A_1350] {strides = array<i32>} : memref<256x128xf32, #tpu.memory_space<vmem>>, vector<1x16xf32>,
        %get3A_1352 = vector.shape_cast %get3A_1351 : vector<1x16xf32> to vector<16xf32>
        %mul3A_1353 = arith.mulf %gather3A_1281, %get3A_1352 : vector<16xf32>
        %add3A_1354 = arith.addf %add3A_1344, %mul3A_1353 : vector<16xf32>
        %add3A_1355 = arith.constant 12 : i32
        %add3A_1356 = arith.addi %mul3A_133, %add3A_1355 : i32
        %add3A_1357 = arith.constant 1 : i32
        %add3A_1358 = arith.addi %add3A_1356, %add3A_1357 : i32
        %get3A_1359 = arith.index_cast %add3A_1358 : i32 to index
        %get3A_1360 = arith.constant 112 : index
        %get3A_1361 = tpu.vector_load %arg10[%get3A_1359, %get3A_1360] {strides = array<i32>} : memref<256x128xf32, #tpu.memory_space<vmem>>, vector<1x16xf32>,
        %get3A_1362 = vector.shape_cast %get3A_1361 : vector<1x16xf32> to vector<16xf32>
        %mul3A_1363 = arith.mulf %gather3A_1285, %get3A_1362 : vector<16xf32>
        %add3A_1364 = arith.addf %add3A_1354, %mul3A_1363 : vector<16xf32>
        %add3A_1365 = arith.addf %add3A_1189, %add3A_1364 : vector<16xf32>
        %broadcast_in_dim3A_1366 = arith.constant 14 : i32
        %broadcast_in_dim3A_1367 = vector.broadcast %broadcast_in_dim3A_1366 : i32 to vector<16x1xi32>
        %gather3A_1368 = vector.shape_cast %broadcast_in_dim3A_1367 : vector<16x1xi32> to vector<16xi32>
        %gather3A_1369 = tpu.dynamic_gather %get3A_116[%gather3A_1368] in [0] : vector<16xf32>, vector<16xi32> -> vector<16xf32>
        %broadcast_in_dim3A_1370 = arith.constant 14 : i32
        %broadcast_in_dim3A_1371 = vector.broadcast %broadcast_in_dim3A_1370 : i32 to vector<16x1xi32>
        %gather3A_1372 = vector.shape_cast %broadcast_in_dim3A_1371 : vector<16x1xi32> to vector<16xi32>
        %gather3A_1373 = tpu.dynamic_gather %get3A_121[%gather3A_1372] in [0] : vector<16xf32>, vector<16xi32> -> vector<16xf32>
        %broadcast_in_dim3A_1374 = arith.constant 14 : i32
        %broadcast_in_dim3A_1375 = vector.broadcast %broadcast_in_dim3A_1374 : i32 to vector<16x1xi32>
        %gather3A_1376 = vector.shape_cast %broadcast_in_dim3A_1375 : vector<16x1xi32> to vector<16xi32>
        %gather3A_1377 = tpu.dynamic_gather %get3A_126[%gather3A_1376] in [0] : vector<16xf32>, vector<16xi32> -> vector<16xf32>
        %broadcast_in_dim3A_1378 = arith.constant 14 : i32
        %broadcast_in_dim3A_1379 = vector.broadcast %broadcast_in_dim3A_1378 : i32 to vector<16x1xi32>
        %gather3A_1380 = vector.shape_cast %broadcast_in_dim3A_1379 : vector<16x1xi32> to vector<16xi32>
        %gather3A_1381 = tpu.dynamic_gather %get3A_131[%gather3A_1380] in [0] : vector<16xf32>, vector<16xi32> -> vector<16xf32>
        %add3A_1382 = arith.constant 14 : i32
        %add3A_1383 = arith.addi %mul3A_133, %add3A_1382 : i32
        %get3A_1384 = arith.index_cast %add3A_1383 : i32 to index
        %get3A_1385 = arith.constant 0 : index
        %get3A_1386 = tpu.vector_load %arg10[%get3A_1384, %get3A_1385] {strides = array<i32>} : memref<256x128xf32, #tpu.memory_space<vmem>>, vector<1x16xf32>,
        %get3A_1387 = vector.shape_cast %get3A_1386 : vector<1x16xf32> to vector<16xf32>
        %mul3A_1388 = arith.mulf %gather3A_1369, %get3A_1387 : vector<16xf32>
        %add3A_1389 = arith.constant 14 : i32
        %add3A_1390 = arith.addi %mul3A_133, %add3A_1389 : i32
        %get3A_1391 = arith.index_cast %add3A_1390 : i32 to index
        %get3A_1392 = arith.constant 32 : index
        %get3A_1393 = tpu.vector_load %arg10[%get3A_1391, %get3A_1392] {strides = array<i32>} : memref<256x128xf32, #tpu.memory_space<vmem>>, vector<1x16xf32>,
        %get3A_1394 = vector.shape_cast %get3A_1393 : vector<1x16xf32> to vector<16xf32>
        %mul3A_1395 = arith.mulf %gather3A_1373, %get3A_1394 : vector<16xf32>
        %add3A_1396 = arith.addf %mul3A_1388, %mul3A_1395 : vector<16xf32>
        %add3A_1397 = arith.constant 14 : i32
        %add3A_1398 = arith.addi %mul3A_133, %add3A_1397 : i32
        %get3A_1399 = arith.index_cast %add3A_1398 : i32 to index
        %get3A_1400 = arith.constant 64 : index
        %get3A_1401 = tpu.vector_load %arg10[%get3A_1399, %get3A_1400] {strides = array<i32>} : memref<256x128xf32, #tpu.memory_space<vmem>>, vector<1x16xf32>,
        %get3A_1402 = vector.shape_cast %get3A_1401 : vector<1x16xf32> to vector<16xf32>
        %mul3A_1403 = arith.mulf %gather3A_1377, %get3A_1402 : vector<16xf32>
        %add3A_1404 = arith.addf %add3A_1396, %mul3A_1403 : vector<16xf32>
        %add3A_1405 = arith.constant 14 : i32
        %add3A_1406 = arith.addi %mul3A_133, %add3A_1405 : i32
        %get3A_1407 = arith.index_cast %add3A_1406 : i32 to index
        %get3A_1408 = arith.constant 96 : index
        %get3A_1409 = tpu.vector_load %arg10[%get3A_1407, %get3A_1408] {strides = array<i32>} : memref<256x128xf32, #tpu.memory_space<vmem>>, vector<1x16xf32>,
        %get3A_1410 = vector.shape_cast %get3A_1409 : vector<1x16xf32> to vector<16xf32>
        %mul3A_1411 = arith.mulf %gather3A_1381, %get3A_1410 : vector<16xf32>
        %add3A_1412 = arith.addf %add3A_1404, %mul3A_1411 : vector<16xf32>
        %add3A_1413 = arith.addf %add3A_1237, %add3A_1412 : vector<16xf32>
        %add3A_1414 = arith.constant 14 : i32
        %add3A_1415 = arith.addi %mul3A_133, %add3A_1414 : i32
        %get3A_1416 = arith.index_cast %add3A_1415 : i32 to index
        %get3A_1417 = arith.constant 16 : index
        %get3A_1418 = tpu.vector_load %arg10[%get3A_1416, %get3A_1417] {strides = array<i32>} : memref<256x128xf32, #tpu.memory_space<vmem>>, vector<1x16xf32>,
        %get3A_1419 = vector.shape_cast %get3A_1418 : vector<1x16xf32> to vector<16xf32>
        %mul3A_1420 = arith.mulf %gather3A_1369, %get3A_1419 : vector<16xf32>
        %add3A_1421 = arith.constant 14 : i32
        %add3A_1422 = arith.addi %mul3A_133, %add3A_1421 : i32
        %get3A_1423 = arith.index_cast %add3A_1422 : i32 to index
        %get3A_1424 = arith.constant 48 : index
        %get3A_1425 = tpu.vector_load %arg10[%get3A_1423, %get3A_1424] {strides = array<i32>} : memref<256x128xf32, #tpu.memory_space<vmem>>, vector<1x16xf32>,
        %get3A_1426 = vector.shape_cast %get3A_1425 : vector<1x16xf32> to vector<16xf32>
        %mul3A_1427 = arith.mulf %gather3A_1373, %get3A_1426 : vector<16xf32>
        %add3A_1428 = arith.addf %mul3A_1420, %mul3A_1427 : vector<16xf32>
        %add3A_1429 = arith.constant 14 : i32
        %add3A_1430 = arith.addi %mul3A_133, %add3A_1429 : i32
        %get3A_1431 = arith.index_cast %add3A_1430 : i32 to index
        %get3A_1432 = arith.constant 80 : index
        %get3A_1433 = tpu.vector_load %arg10[%get3A_1431, %get3A_1432] {strides = array<i32>} : memref<256x128xf32, #tpu.memory_space<vmem>>, vector<1x16xf32>,
        %get3A_1434 = vector.shape_cast %get3A_1433 : vector<1x16xf32> to vector<16xf32>
        %mul3A_1435 = arith.mulf %gather3A_1377, %get3A_1434 : vector<16xf32>
        %add3A_1436 = arith.addf %add3A_1428, %mul3A_1435 : vector<16xf32>
        %add3A_1437 = arith.constant 14 : i32
        %add3A_1438 = arith.addi %mul3A_133, %add3A_1437 : i32
        %get3A_1439 = arith.index_cast %add3A_1438 : i32 to index
        %get3A_1440 = arith.constant 112 : index
        %get3A_1441 = tpu.vector_load %arg10[%get3A_1439, %get3A_1440] {strides = array<i32>} : memref<256x128xf32, #tpu.memory_space<vmem>>, vector<1x16xf32>,
        %get3A_1442 = vector.shape_cast %get3A_1441 : vector<1x16xf32> to vector<16xf32>
        %mul3A_1443 = arith.mulf %gather3A_1381, %get3A_1442 : vector<16xf32>
        %add3A_1444 = arith.addf %add3A_1436, %mul3A_1443 : vector<16xf32>
        %add3A_1445 = arith.addf %add3A_1269, %add3A_1444 : vector<16xf32>
        %broadcast_in_dim3A_1446 = arith.constant 15 : i32
        %broadcast_in_dim3A_1447 = vector.broadcast %broadcast_in_dim3A_1446 : i32 to vector<16x1xi32>
        %gather3A_1448 = vector.shape_cast %broadcast_in_dim3A_1447 : vector<16x1xi32> to vector<16xi32>
        %gather3A_1449 = tpu.dynamic_gather %get3A_116[%gather3A_1448] in [0] : vector<16xf32>, vector<16xi32> -> vector<16xf32>
        %broadcast_in_dim3A_1450 = arith.constant 15 : i32
        %broadcast_in_dim3A_1451 = vector.broadcast %broadcast_in_dim3A_1450 : i32 to vector<16x1xi32>
        %gather3A_1452 = vector.shape_cast %broadcast_in_dim3A_1451 : vector<16x1xi32> to vector<16xi32>
        %gather3A_1453 = tpu.dynamic_gather %get3A_121[%gather3A_1452] in [0] : vector<16xf32>, vector<16xi32> -> vector<16xf32>
        %broadcast_in_dim3A_1454 = arith.constant 15 : i32
        %broadcast_in_dim3A_1455 = vector.broadcast %broadcast_in_dim3A_1454 : i32 to vector<16x1xi32>
        %gather3A_1456 = vector.shape_cast %broadcast_in_dim3A_1455 : vector<16x1xi32> to vector<16xi32>
        %gather3A_1457 = tpu.dynamic_gather %get3A_126[%gather3A_1456] in [0] : vector<16xf32>, vector<16xi32> -> vector<16xf32>
        %broadcast_in_dim3A_1458 = arith.constant 15 : i32
        %broadcast_in_dim3A_1459 = vector.broadcast %broadcast_in_dim3A_1458 : i32 to vector<16x1xi32>
        %gather3A_1460 = vector.shape_cast %broadcast_in_dim3A_1459 : vector<16x1xi32> to vector<16xi32>
        %gather3A_1461 = tpu.dynamic_gather %get3A_131[%gather3A_1460] in [0] : vector<16xf32>, vector<16xi32> -> vector<16xf32>
        %add3A_1462 = arith.constant 14 : i32
        %add3A_1463 = arith.addi %mul3A_133, %add3A_1462 : i32
        %add3A_1464 = arith.constant 1 : i32
        %add3A_1465 = arith.addi %add3A_1463, %add3A_1464 : i32
        %get3A_1466 = arith.index_cast %add3A_1465 : i32 to index
        %get3A_1467 = arith.constant 0 : index
        %get3A_1468 = tpu.vector_load %arg10[%get3A_1466, %get3A_1467] {strides = array<i32>} : memref<256x128xf32, #tpu.memory_space<vmem>>, vector<1x16xf32>,
        %get3A_1469 = vector.shape_cast %get3A_1468 : vector<1x16xf32> to vector<16xf32>
        %mul3A_1470 = arith.mulf %gather3A_1449, %get3A_1469 : vector<16xf32>
        %add3A_1471 = arith.constant 14 : i32
        %add3A_1472 = arith.addi %mul3A_133, %add3A_1471 : i32
        %add3A_1473 = arith.constant 1 : i32
        %add3A_1474 = arith.addi %add3A_1472, %add3A_1473 : i32
        %get3A_1475 = arith.index_cast %add3A_1474 : i32 to index
        %get3A_1476 = arith.constant 32 : index
        %get3A_1477 = tpu.vector_load %arg10[%get3A_1475, %get3A_1476] {strides = array<i32>} : memref<256x128xf32, #tpu.memory_space<vmem>>, vector<1x16xf32>,
        %get3A_1478 = vector.shape_cast %get3A_1477 : vector<1x16xf32> to vector<16xf32>
        %mul3A_1479 = arith.mulf %gather3A_1453, %get3A_1478 : vector<16xf32>
        %add3A_1480 = arith.addf %mul3A_1470, %mul3A_1479 : vector<16xf32>
        %add3A_1481 = arith.constant 14 : i32
        %add3A_1482 = arith.addi %mul3A_133, %add3A_1481 : i32
        %add3A_1483 = arith.constant 1 : i32
        %add3A_1484 = arith.addi %add3A_1482, %add3A_1483 : i32
        %get3A_1485 = arith.index_cast %add3A_1484 : i32 to index
        %get3A_1486 = arith.constant 64 : index
        %get3A_1487 = tpu.vector_load %arg10[%get3A_1485, %get3A_1486] {strides = array<i32>} : memref<256x128xf32, #tpu.memory_space<vmem>>, vector<1x16xf32>,
        %get3A_1488 = vector.shape_cast %get3A_1487 : vector<1x16xf32> to vector<16xf32>
        %mul3A_1489 = arith.mulf %gather3A_1457, %get3A_1488 : vector<16xf32>
        %add3A_1490 = arith.addf %add3A_1480, %mul3A_1489 : vector<16xf32>
        %add3A_1491 = arith.constant 14 : i32
        %add3A_1492 = arith.addi %mul3A_133, %add3A_1491 : i32
        %add3A_1493 = arith.constant 1 : i32
        %add3A_1494 = arith.addi %add3A_1492, %add3A_1493 : i32
        %get3A_1495 = arith.index_cast %add3A_1494 : i32 to index
        %get3A_1496 = arith.constant 96 : index
        %get3A_1497 = tpu.vector_load %arg10[%get3A_1495, %get3A_1496] {strides = array<i32>} : memref<256x128xf32, #tpu.memory_space<vmem>>, vector<1x16xf32>,
        %get3A_1498 = vector.shape_cast %get3A_1497 : vector<1x16xf32> to vector<16xf32>
        %mul3A_1499 = arith.mulf %gather3A_1461, %get3A_1498 : vector<16xf32>
        %add3A_1500 = arith.addf %add3A_1490, %mul3A_1499 : vector<16xf32>
        %add3A_1501 = arith.addf %add3A_1325, %add3A_1500 : vector<16xf32>
        %add3A_1502 = arith.constant 14 : i32
        %add3A_1503 = arith.addi %mul3A_133, %add3A_1502 : i32
        %add3A_1504 = arith.constant 1 : i32
        %add3A_1505 = arith.addi %add3A_1503, %add3A_1504 : i32
        %get3A_1506 = arith.index_cast %add3A_1505 : i32 to index
        %get3A_1507 = arith.constant 16 : index
        %get3A_1508 = tpu.vector_load %arg10[%get3A_1506, %get3A_1507] {strides = array<i32>} : memref<256x128xf32, #tpu.memory_space<vmem>>, vector<1x16xf32>,
        %get3A_1509 = vector.shape_cast %get3A_1508 : vector<1x16xf32> to vector<16xf32>
        %mul3A_1510 = arith.mulf %gather3A_1449, %get3A_1509 : vector<16xf32>
        %add3A_1511 = arith.constant 14 : i32
        %add3A_1512 = arith.addi %mul3A_133, %add3A_1511 : i32
        %add3A_1513 = arith.constant 1 : i32
        %add3A_1514 = arith.addi %add3A_1512, %add3A_1513 : i32
        %get3A_1515 = arith.index_cast %add3A_1514 : i32 to index
        %get3A_1516 = arith.constant 48 : index
        %get3A_1517 = tpu.vector_load %arg10[%get3A_1515, %get3A_1516] {strides = array<i32>} : memref<256x128xf32, #tpu.memory_space<vmem>>, vector<1x16xf32>,
        %get3A_1518 = vector.shape_cast %get3A_1517 : vector<1x16xf32> to vector<16xf32>
        %mul3A_1519 = arith.mulf %gather3A_1453, %get3A_1518 : vector<16xf32>
        %add3A_1520 = arith.addf %mul3A_1510, %mul3A_1519 : vector<16xf32>
        %add3A_1521 = arith.constant 14 : i32
        %add3A_1522 = arith.addi %mul3A_133, %add3A_1521 : i32
        %add3A_1523 = arith.constant 1 : i32
        %add3A_1524 = arith.addi %add3A_1522, %add3A_1523 : i32
        %get3A_1525 = arith.index_cast %add3A_1524 : i32 to index
        %get3A_1526 = arith.constant 80 : index
        %get3A_1527 = tpu.vector_load %arg10[%get3A_1525, %get3A_1526] {strides = array<i32>} : memref<256x128xf32, #tpu.memory_space<vmem>>, vector<1x16xf32>,
        %get3A_1528 = vector.shape_cast %get3A_1527 : vector<1x16xf32> to vector<16xf32>
        %mul3A_1529 = arith.mulf %gather3A_1457, %get3A_1528 : vector<16xf32>
        %add3A_1530 = arith.addf %add3A_1520, %mul3A_1529 : vector<16xf32>
        %add3A_1531 = arith.constant 14 : i32
        %add3A_1532 = arith.addi %mul3A_133, %add3A_1531 : i32
        %add3A_1533 = arith.constant 1 : i32
        %add3A_1534 = arith.addi %add3A_1532, %add3A_1533 : i32
        %get3A_1535 = arith.index_cast %add3A_1534 : i32 to index
        %get3A_1536 = arith.constant 112 : index
        %get3A_1537 = tpu.vector_load %arg10[%get3A_1535, %get3A_1536] {strides = array<i32>} : memref<256x128xf32, #tpu.memory_space<vmem>>, vector<1x16xf32>,
        %get3A_1538 = vector.shape_cast %get3A_1537 : vector<1x16xf32> to vector<16xf32>
        %mul3A_1539 = arith.mulf %gather3A_1461, %get3A_1538 : vector<16xf32>
        %add3A_1540 = arith.addf %add3A_1530, %mul3A_1539 : vector<16xf32>
        %add3A_1541 = arith.addf %add3A_1365, %add3A_1540 : vector<16xf32>
        %add3A_1542 = arith.addf %add3A_1413, %add3A_1501 : vector<16xf32>
        %swap3A = arith.index_cast %scan3A_109 : i32 to index
        %swap3A_1543 = arith.constant 0 : index
        %swap3A_1544 = tpu.vector_load %arg12[%swap3A, %swap3A_1543] {strides = array<i32>} : memref<16x32xf32, #tpu.memory_space<vmem>>, vector<1x16xf32>,
        %swap3A_1545 = vector.shape_cast %swap3A_1544 : vector<1x16xf32> to vector<16xf32>
        %swap3A_1546 = vector.shape_cast %add3A_1542 : vector<16xf32> to vector<1x16xf32>
        tpu.vector_store %arg12[%swap3A, %swap3A_1543], %swap3A_1546 {strides = array<i32>} : memref<16x32xf32, #tpu.memory_space<vmem>>, vector<1x16xf32>,
        %add3A_1547 = arith.addf %add3A_1445, %add3A_1541 : vector<16xf32>
        %swap3A_1548 = arith.index_cast %scan3A_109 : i32 to index
        %swap3A_1549 = arith.constant 16 : index
        %swap3A_1550 = tpu.vector_load %arg12[%swap3A_1548, %swap3A_1549] {strides = array<i32>} : memref<16x32xf32, #tpu.memory_space<vmem>>, vector<1x16xf32>,
        %swap3A_1551 = vector.shape_cast %swap3A_1550 : vector<1x16xf32> to vector<16xf32>
        %swap3A_1552 = vector.shape_cast %add3A_1547 : vector<16xf32> to vector<1x16xf32>
        tpu.vector_store %arg12[%swap3A_1548, %swap3A_1549], %swap3A_1552 {strides = array<i32>} : memref<16x32xf32, #tpu.memory_space<vmem>>, vector<1x16xf32>,
      }
      %scan3A_63 = arith.constant 16 : i32
      %mul3A_64 = arith.constant 4096 : i32
      %mul3A_65 = arith.muli %add3A, %mul3A_64 : i32
      %mul3A_66 = arith.constant 16 : i32
      %mul3A_67 = arith.muli %add3A_46, %mul3A_66 : i32
      %add3A_68 = arith.addi %mul3A_65, %mul3A_67 : i32
      %multiple_of3A_69 = tpu.assume_multiple %add3A_68, 16 : i32
      %dma_start3A_70 = arith.constant 0 : i32
      %dma_start3A_71 = tpu.memref_slice %arg5[%multiple_of3A_69, %dma_start3A_70] : memref<131072x32xf32, #tpu.memory_space<hbm>> -> memref<16x32xf32, #tpu.memory_space<hbm>>
      %dma_start3A_72 = arith.constant 0 : i32
      %dma_start3A_73 = tpu.memref_slice %arg5[%multiple_of3A_69, %dma_start3A_72] : memref<131072x32xf32, #tpu.memory_space<hbm>> -> memref<16x32xf32, #tpu.memory_space<hbm>>
      tpu.enqueue_dma source(%arg12 : memref<16x32xf32, #tpu.memory_space<vmem>>) target(%dma_start3A_73 : memref<16x32xf32, #tpu.memory_space<hbm>>) target_semaphore(%arg16 : memref<!tpu.dma_semaphore, #tpu.memory_space<semaphore_mem>>)
      %mul3A_74 = arith.constant 2 : i32
      %mul3A_75 = arith.muli %mul3A_74, %scan3A_42 : i32
      %add3A_76 = arith.constant 1 : i32
      %add3A_77 = arith.addi %mul3A_75, %add3A_76 : i32
      %add3A_78 = arith.constant 1 : i32
      %add3A_79 = arith.addi %add3A_77, %add3A_78 : i32
      %lt3A_80 = arith.constant 256 : i32
      %lt3A_81 = arith.cmpi slt, %add3A_79, %lt3A_80 : i32
      %convert_element_type3A_82 = arith.extui %lt3A_81 : i1 to i32
      %cond3A_83 = arith.constant 0 : i32
      %cond3A_84 = arith.cmpi ne, %convert_element_type3A_82, %cond3A_83 : i32
      scf.if %cond3A_84 {
        %add3A_109 = arith.constant 1 : i32
        %add3A_110 = arith.addi %add3A_77, %add3A_109 : i32
        %mul3A_111 = arith.constant 4096 : i32
        %mul3A_112 = arith.muli %add3A, %mul3A_111 : i32
        %mul3A_113 = arith.constant 16 : i32
        %mul3A_114 = arith.muli %add3A_110, %mul3A_113 : i32
        %add3A_115 = arith.addi %mul3A_112, %mul3A_114 : i32
        %multiple_of3A_116 = tpu.assume_multiple %add3A_115, 16 : i32
        %mul3A_117 = arith.constant 16 : i32
        %mul3A_118 = arith.muli %multiple_of3A_116, %mul3A_117 : i32
        %multiple_of3A_119 = tpu.assume_multiple %mul3A_118, 256 : i32
        %mul3A_120 = arith.constant 4096 : i32
        %mul3A_121 = arith.muli %add3A, %mul3A_120 : i32
        %mul3A_122 = arith.constant 16 : i32
        %mul3A_123 = arith.muli %add3A_110, %mul3A_122 : i32
        %add3A_124 = arith.addi %mul3A_121, %mul3A_123 : i32
        %multiple_of3A_125 = tpu.assume_multiple %add3A_124, 16 : i32
        %mul3A_126 = arith.constant 4 : i32
        %mul3A_127 = arith.muli %multiple_of3A_125, %mul3A_126 : i32
        %mul3A_128 = arith.constant 16 : i32
        %mul3A_129 = arith.muli %mul3A_127, %mul3A_128 : i32
        %multiple_of3A_130 = tpu.assume_multiple %mul3A_129, 1024 : i32
        "tpu.region"() ({
          %run_scoped3A = tpu.sem_alloc : memref<!tpu.dma_semaphore, #tpu.memory_space<semaphore_mem>>
          %dma_start3A_134 = tpu.memref_slice %arg3[%multiple_of3A_119] : memref<2097152xi32, #tpu.memory_space<hbm>> -> memref<256xi32, #tpu.memory_space<hbm>>
          %dma_start3A_135 = tpu.memref_slice %arg3[%multiple_of3A_119] : memref<2097152xi32, #tpu.memory_space<hbm>> -> memref<256xi32, #tpu.memory_space<hbm>>
          tpu.enqueue_dma source(%dma_start3A_135 : memref<256xi32, #tpu.memory_space<hbm>>) target(%arg6 : memref<256xi32, #tpu.memory_space<vmem>>) target_semaphore(%run_scoped3A : memref<!tpu.dma_semaphore, #tpu.memory_space<semaphore_mem>>)
          %dma_wait3A_136 = tpu.memref_slice %arg3[%multiple_of3A_119] : memref<2097152xi32, #tpu.memory_space<hbm>> -> memref<256xi32, #tpu.memory_space<hbm>>
          %dma_wait3A_137 = tpu.memref_slice %arg3[%multiple_of3A_119] : memref<2097152xi32, #tpu.memory_space<hbm>> -> memref<256xi32, #tpu.memory_space<hbm>>
          tpu.wait_dma2 semaphore(%run_scoped3A : memref<!tpu.dma_semaphore, #tpu.memory_space<semaphore_mem>>) src(%dma_wait3A_137 : memref<256xi32, #tpu.memory_space<hbm>>) dst(%arg6 : memref<256xi32, #tpu.memory_space<vmem>>)
          tpu.yield
        }) : () -> ()
        "tpu.region"() ({
          %run_scoped3A = tpu.sem_alloc : memref<!tpu.dma_semaphore, #tpu.memory_space<semaphore_mem>>
          %dma_start3A_134 = tpu.memref_slice %arg4[%multiple_of3A_130] : memref<8388608xf32, #tpu.memory_space<hbm>> -> memref<1024xf32, #tpu.memory_space<hbm>>
          %dma_start3A_135 = tpu.memref_slice %arg4[%multiple_of3A_130] : memref<8388608xf32, #tpu.memory_space<hbm>> -> memref<1024xf32, #tpu.memory_space<hbm>>
          tpu.enqueue_dma source(%dma_start3A_135 : memref<1024xf32, #tpu.memory_space<hbm>>) target(%arg8 : memref<1024xf32, #tpu.memory_space<vmem>>) target_semaphore(%run_scoped3A : memref<!tpu.dma_semaphore, #tpu.memory_space<semaphore_mem>>)
          %dma_wait3A_136 = tpu.memref_slice %arg4[%multiple_of3A_130] : memref<8388608xf32, #tpu.memory_space<hbm>> -> memref<1024xf32, #tpu.memory_space<hbm>>
          %dma_wait3A_137 = tpu.memref_slice %arg4[%multiple_of3A_130] : memref<8388608xf32, #tpu.memory_space<hbm>> -> memref<1024xf32, #tpu.memory_space<hbm>>
          tpu.wait_dma2 semaphore(%run_scoped3A : memref<!tpu.dma_semaphore, #tpu.memory_space<semaphore_mem>>) src(%dma_wait3A_137 : memref<1024xf32, #tpu.memory_space<hbm>>) dst(%arg8 : memref<1024xf32, #tpu.memory_space<vmem>>)
          tpu.yield
        }) : () -> ()
        %dma_start3A_131 = arith.constant 0 : i32
        %dma_start3A_132 = arith.constant 0 : i32
        %dma_start3A_133 = tpu.memref_slice %arg2[%dma_start3A_131, %dma_start3A_132] : memref<174080x128xf32, #tpu.memory_space<hbm>> -> memref<174080x128xf32, #tpu.memory_space<hbm>>
        tpu.enqueue_indirect_dma source(%dma_start3A_133 : memref<174080x128xf32, #tpu.memory_space<hbm>>) target(%arg10 : memref<256x128xf32, #tpu.memory_space<vmem>>) offsets(%arg6 : memref<256xi32, #tpu.memory_space<vmem>>) semaphore(%arg14 : memref<!tpu.dma_semaphore, #tpu.memory_space<semaphore_mem>>)
      } else {
      }
      %dma_wait3A_85 = arith.constant 0 : i32
      %dma_wait3A_86 = arith.constant 0 : i32
      %dma_wait3A_87 = tpu.memref_slice %arg2[%dma_wait3A_85, %dma_wait3A_86] : memref<174080x128xf32, #tpu.memory_space<hbm>> -> memref<174080x128xf32, #tpu.memory_space<hbm>>
      tpu.wait_indirect_dma semaphore(%arg15 : memref<!tpu.dma_semaphore, #tpu.memory_space<semaphore_mem>>) src(%dma_wait3A_87 : memref<174080x128xf32, #tpu.memory_space<hbm>>) dst(%arg11 : memref<256x128xf32, #tpu.memory_space<vmem>>)
      %ge3A_88 = arith.constant 2 : i32
      %ge3A_89 = arith.cmpi sge, %add3A_77, %ge3A_88 : i32
      %convert_element_type3A_90 = arith.extui %ge3A_89 : i1 to i32
      %cond3A_91 = arith.constant 0 : i32
      %cond3A_92 = arith.cmpi ne, %convert_element_type3A_90, %cond3A_91 : i32
      scf.if %cond3A_92 {
        %mul3A_109 = arith.constant 4096 : i32
        %mul3A_110 = arith.muli %add3A, %mul3A_109 : i32
        %mul3A_111 = arith.constant 16 : i32
        %mul3A_112 = arith.muli %add3A_77, %mul3A_111 : i32
        %add3A_113 = arith.addi %mul3A_110, %mul3A_112 : i32
        %multiple_of3A_114 = tpu.assume_multiple %add3A_113, 16 : i32
        %dma_wait3A_115 = arith.constant 0 : i32
        %dma_wait3A_116 = tpu.memref_slice %arg5[%multiple_of3A_114, %dma_wait3A_115] : memref<131072x32xf32, #tpu.memory_space<hbm>> -> memref<16x32xf32, #tpu.memory_space<hbm>>
        %dma_wait3A_117 = arith.constant 0 : i32
        %dma_wait3A_118 = tpu.memref_slice %arg5[%multiple_of3A_114, %dma_wait3A_117] : memref<131072x32xf32, #tpu.memory_space<hbm>> -> memref<16x32xf32, #tpu.memory_space<hbm>>
        tpu.wait_dma2 semaphore(%arg17 : memref<!tpu.dma_semaphore, #tpu.memory_space<semaphore_mem>>) src(%arg13 : memref<16x32xf32, #tpu.memory_space<vmem>>) dst(%dma_wait3A_118 : memref<16x32xf32, #tpu.memory_space<hbm>>)
      } else {
      }
      %scan3A_93 = arith.constant 0 : i32
      %scan3A_94 = arith.constant 0 : i32
      %scan3A_95 = arith.constant 16 : i32
      %scan3A_96 = arith.addi %scan3A_94, %scan3A_95 : i32
      %scan3A_97 = arith.constant 1 : i32
      scf.for %scan3A_109 = %scan3A_94 to %scan3A_96 step %scan3A_97  : i32 {
        %mul3A_110 = arith.constant 4 : i32
        %mul3A_111 = arith.muli %scan3A_109, %mul3A_110 : i32
        %mul3A_112 = arith.constant 16 : i32
        %mul3A_113 = arith.muli %mul3A_111, %mul3A_112 : i32
        %multiple_of3A_114 = tpu.assume_multiple %mul3A_113, 16 : i32
        %get3A = arith.index_cast %multiple_of3A_114 : i32 to index
        %get3A_115 = tpu.vector_load %arg9[%get3A] {strides = array<i32>} : memref<1024xf32, #tpu.memory_space<vmem>>, vector<16xf32>,
        %get3A_116 = vector.shape_cast %get3A_115 : vector<16xf32> to vector<16xf32>
        %add3A_117 = arith.constant 16 : i32
        %add3A_118 = arith.addi %multiple_of3A_114, %add3A_117 : i32
        %get3A_119 = arith.index_cast %add3A_118 : i32 to index
        %get3A_120 = tpu.vector_load %arg9[%get3A_119] {strides = array<i32>} : memref<1024xf32, #tpu.memory_space<vmem>>, vector<16xf32>,
        %get3A_121 = vector.shape_cast %get3A_120 : vector<16xf32> to vector<16xf32>
        %add3A_122 = arith.constant 32 : i32
        %add3A_123 = arith.addi %multiple_of3A_114, %add3A_122 : i32
        %get3A_124 = arith.index_cast %add3A_123 : i32 to index
        %get3A_125 = tpu.vector_load %arg9[%get3A_124] {strides = array<i32>} : memref<1024xf32, #tpu.memory_space<vmem>>, vector<16xf32>,
        %get3A_126 = vector.shape_cast %get3A_125 : vector<16xf32> to vector<16xf32>
        %add3A_127 = arith.constant 48 : i32
        %add3A_128 = arith.addi %multiple_of3A_114, %add3A_127 : i32
        %get3A_129 = arith.index_cast %add3A_128 : i32 to index
        %get3A_130 = tpu.vector_load %arg9[%get3A_129] {strides = array<i32>} : memref<1024xf32, #tpu.memory_space<vmem>>, vector<16xf32>,
        %get3A_131 = vector.shape_cast %get3A_130 : vector<16xf32> to vector<16xf32>
        %mul3A_132 = arith.constant 16 : i32
        %mul3A_133 = arith.muli %scan3A_109, %mul3A_132 : i32
        %broadcast_in_dim3A = arith.constant 0.000000e+00 : f32
        %broadcast_in_dim3A_134 = vector.broadcast %broadcast_in_dim3A : f32 to vector<16xf32>
        %broadcast_in_dim3A_135 = arith.constant 0 : i32
        %broadcast_in_dim3A_136 = vector.broadcast %broadcast_in_dim3A_135 : i32 to vector<16x1xi32>
        %gather3A = vector.shape_cast %broadcast_in_dim3A_136 : vector<16x1xi32> to vector<16xi32>
        %gather3A_137 = tpu.dynamic_gather %get3A_116[%gather3A] in [0] : vector<16xf32>, vector<16xi32> -> vector<16xf32>
        %broadcast_in_dim3A_138 = arith.constant 0 : i32
        %broadcast_in_dim3A_139 = vector.broadcast %broadcast_in_dim3A_138 : i32 to vector<16x1xi32>
        %gather3A_140 = vector.shape_cast %broadcast_in_dim3A_139 : vector<16x1xi32> to vector<16xi32>
        %gather3A_141 = tpu.dynamic_gather %get3A_121[%gather3A_140] in [0] : vector<16xf32>, vector<16xi32> -> vector<16xf32>
        %broadcast_in_dim3A_142 = arith.constant 0 : i32
        %broadcast_in_dim3A_143 = vector.broadcast %broadcast_in_dim3A_142 : i32 to vector<16x1xi32>
        %gather3A_144 = vector.shape_cast %broadcast_in_dim3A_143 : vector<16x1xi32> to vector<16xi32>
        %gather3A_145 = tpu.dynamic_gather %get3A_126[%gather3A_144] in [0] : vector<16xf32>, vector<16xi32> -> vector<16xf32>
        %broadcast_in_dim3A_146 = arith.constant 0 : i32
        %broadcast_in_dim3A_147 = vector.broadcast %broadcast_in_dim3A_146 : i32 to vector<16x1xi32>
        %gather3A_148 = vector.shape_cast %broadcast_in_dim3A_147 : vector<16x1xi32> to vector<16xi32>
        %gather3A_149 = tpu.dynamic_gather %get3A_131[%gather3A_148] in [0] : vector<16xf32>, vector<16xi32> -> vector<16xf32>
        %add3A_150 = arith.constant 0 : i32
        %add3A_151 = arith.addi %mul3A_133, %add3A_150 : i32
        %get3A_152 = arith.index_cast %add3A_151 : i32 to index
        %get3A_153 = arith.constant 0 : index
        %get3A_154 = tpu.vector_load %arg11[%get3A_152, %get3A_153] {strides = array<i32>} : memref<256x128xf32, #tpu.memory_space<vmem>>, vector<1x16xf32>,
        %get3A_155 = vector.shape_cast %get3A_154 : vector<1x16xf32> to vector<16xf32>
        %mul3A_156 = arith.mulf %gather3A_137, %get3A_155 : vector<16xf32>
        %add3A_157 = arith.constant 0 : i32
        %add3A_158 = arith.addi %mul3A_133, %add3A_157 : i32
        %get3A_159 = arith.index_cast %add3A_158 : i32 to index
        %get3A_160 = arith.constant 32 : index
        %get3A_161 = tpu.vector_load %arg11[%get3A_159, %get3A_160] {strides = array<i32>} : memref<256x128xf32, #tpu.memory_space<vmem>>, vector<1x16xf32>,
        %get3A_162 = vector.shape_cast %get3A_161 : vector<1x16xf32> to vector<16xf32>
        %mul3A_163 = arith.mulf %gather3A_141, %get3A_162 : vector<16xf32>
        %add3A_164 = arith.addf %mul3A_156, %mul3A_163 : vector<16xf32>
        %add3A_165 = arith.constant 0 : i32
        %add3A_166 = arith.addi %mul3A_133, %add3A_165 : i32
        %get3A_167 = arith.index_cast %add3A_166 : i32 to index
        %get3A_168 = arith.constant 64 : index
        %get3A_169 = tpu.vector_load %arg11[%get3A_167, %get3A_168] {strides = array<i32>} : memref<256x128xf32, #tpu.memory_space<vmem>>, vector<1x16xf32>,
        %get3A_170 = vector.shape_cast %get3A_169 : vector<1x16xf32> to vector<16xf32>
        %mul3A_171 = arith.mulf %gather3A_145, %get3A_170 : vector<16xf32>
        %add3A_172 = arith.addf %add3A_164, %mul3A_171 : vector<16xf32>
        %add3A_173 = arith.constant 0 : i32
        %add3A_174 = arith.addi %mul3A_133, %add3A_173 : i32
        %get3A_175 = arith.index_cast %add3A_174 : i32 to index
        %get3A_176 = arith.constant 96 : index
        %get3A_177 = tpu.vector_load %arg11[%get3A_175, %get3A_176] {strides = array<i32>} : memref<256x128xf32, #tpu.memory_space<vmem>>, vector<1x16xf32>,
        %get3A_178 = vector.shape_cast %get3A_177 : vector<1x16xf32> to vector<16xf32>
        %mul3A_179 = arith.mulf %gather3A_149, %get3A_178 : vector<16xf32>
        %add3A_180 = arith.addf %add3A_172, %mul3A_179 : vector<16xf32>
        %add3A_181 = arith.addf %broadcast_in_dim3A_134, %add3A_180 : vector<16xf32>
        %add3A_182 = arith.constant 0 : i32
        %add3A_183 = arith.addi %mul3A_133, %add3A_182 : i32
        %get3A_184 = arith.index_cast %add3A_183 : i32 to index
        %get3A_185 = arith.constant 16 : index
        %get3A_186 = tpu.vector_load %arg11[%get3A_184, %get3A_185] {strides = array<i32>} : memref<256x128xf32, #tpu.memory_space<vmem>>, vector<1x16xf32>,
        %get3A_187 = vector.shape_cast %get3A_186 : vector<1x16xf32> to vector<16xf32>
        %mul3A_188 = arith.mulf %gather3A_137, %get3A_187 : vector<16xf32>
        %add3A_189 = arith.constant 0 : i32
        %add3A_190 = arith.addi %mul3A_133, %add3A_189 : i32
        %get3A_191 = arith.index_cast %add3A_190 : i32 to index
        %get3A_192 = arith.constant 48 : index
        %get3A_193 = tpu.vector_load %arg11[%get3A_191, %get3A_192] {strides = array<i32>} : memref<256x128xf32, #tpu.memory_space<vmem>>, vector<1x16xf32>,
        %get3A_194 = vector.shape_cast %get3A_193 : vector<1x16xf32> to vector<16xf32>
        %mul3A_195 = arith.mulf %gather3A_141, %get3A_194 : vector<16xf32>
        %add3A_196 = arith.addf %mul3A_188, %mul3A_195 : vector<16xf32>
        %add3A_197 = arith.constant 0 : i32
        %add3A_198 = arith.addi %mul3A_133, %add3A_197 : i32
        %get3A_199 = arith.index_cast %add3A_198 : i32 to index
        %get3A_200 = arith.constant 80 : index
        %get3A_201 = tpu.vector_load %arg11[%get3A_199, %get3A_200] {strides = array<i32>} : memref<256x128xf32, #tpu.memory_space<vmem>>, vector<1x16xf32>,
        %get3A_202 = vector.shape_cast %get3A_201 : vector<1x16xf32> to vector<16xf32>
        %mul3A_203 = arith.mulf %gather3A_145, %get3A_202 : vector<16xf32>
        %add3A_204 = arith.addf %add3A_196, %mul3A_203 : vector<16xf32>
        %add3A_205 = arith.constant 0 : i32
        %add3A_206 = arith.addi %mul3A_133, %add3A_205 : i32
        %get3A_207 = arith.index_cast %add3A_206 : i32 to index
        %get3A_208 = arith.constant 112 : index
        %get3A_209 = tpu.vector_load %arg11[%get3A_207, %get3A_208] {strides = array<i32>} : memref<256x128xf32, #tpu.memory_space<vmem>>, vector<1x16xf32>,
        %get3A_210 = vector.shape_cast %get3A_209 : vector<1x16xf32> to vector<16xf32>
        %mul3A_211 = arith.mulf %gather3A_149, %get3A_210 : vector<16xf32>
        %add3A_212 = arith.addf %add3A_204, %mul3A_211 : vector<16xf32>
        %add3A_213 = arith.addf %broadcast_in_dim3A_134, %add3A_212 : vector<16xf32>
        %broadcast_in_dim3A_214 = arith.constant 1 : i32
        %broadcast_in_dim3A_215 = vector.broadcast %broadcast_in_dim3A_214 : i32 to vector<16x1xi32>
        %gather3A_216 = vector.shape_cast %broadcast_in_dim3A_215 : vector<16x1xi32> to vector<16xi32>
        %gather3A_217 = tpu.dynamic_gather %get3A_116[%gather3A_216] in [0] : vector<16xf32>, vector<16xi32> -> vector<16xf32>
        %broadcast_in_dim3A_218 = arith.constant 1 : i32
        %broadcast_in_dim3A_219 = vector.broadcast %broadcast_in_dim3A_218 : i32 to vector<16x1xi32>
        %gather3A_220 = vector.shape_cast %broadcast_in_dim3A_219 : vector<16x1xi32> to vector<16xi32>
        %gather3A_221 = tpu.dynamic_gather %get3A_121[%gather3A_220] in [0] : vector<16xf32>, vector<16xi32> -> vector<16xf32>
        %broadcast_in_dim3A_222 = arith.constant 1 : i32
        %broadcast_in_dim3A_223 = vector.broadcast %broadcast_in_dim3A_222 : i32 to vector<16x1xi32>
        %gather3A_224 = vector.shape_cast %broadcast_in_dim3A_223 : vector<16x1xi32> to vector<16xi32>
        %gather3A_225 = tpu.dynamic_gather %get3A_126[%gather3A_224] in [0] : vector<16xf32>, vector<16xi32> -> vector<16xf32>
        %broadcast_in_dim3A_226 = arith.constant 1 : i32
        %broadcast_in_dim3A_227 = vector.broadcast %broadcast_in_dim3A_226 : i32 to vector<16x1xi32>
        %gather3A_228 = vector.shape_cast %broadcast_in_dim3A_227 : vector<16x1xi32> to vector<16xi32>
        %gather3A_229 = tpu.dynamic_gather %get3A_131[%gather3A_228] in [0] : vector<16xf32>, vector<16xi32> -> vector<16xf32>
        %add3A_230 = arith.constant 0 : i32
        %add3A_231 = arith.addi %mul3A_133, %add3A_230 : i32
        %add3A_232 = arith.constant 1 : i32
        %add3A_233 = arith.addi %add3A_231, %add3A_232 : i32
        %get3A_234 = arith.index_cast %add3A_233 : i32 to index
        %get3A_235 = arith.constant 0 : index
        %get3A_236 = tpu.vector_load %arg11[%get3A_234, %get3A_235] {strides = array<i32>} : memref<256x128xf32, #tpu.memory_space<vmem>>, vector<1x16xf32>,
        %get3A_237 = vector.shape_cast %get3A_236 : vector<1x16xf32> to vector<16xf32>
        %mul3A_238 = arith.mulf %gather3A_217, %get3A_237 : vector<16xf32>
        %add3A_239 = arith.constant 0 : i32
        %add3A_240 = arith.addi %mul3A_133, %add3A_239 : i32
        %add3A_241 = arith.constant 1 : i32
        %add3A_242 = arith.addi %add3A_240, %add3A_241 : i32
        %get3A_243 = arith.index_cast %add3A_242 : i32 to index
        %get3A_244 = arith.constant 32 : index
        %get3A_245 = tpu.vector_load %arg11[%get3A_243, %get3A_244] {strides = array<i32>} : memref<256x128xf32, #tpu.memory_space<vmem>>, vector<1x16xf32>,
        %get3A_246 = vector.shape_cast %get3A_245 : vector<1x16xf32> to vector<16xf32>
        %mul3A_247 = arith.mulf %gather3A_221, %get3A_246 : vector<16xf32>
        %add3A_248 = arith.addf %mul3A_238, %mul3A_247 : vector<16xf32>
        %add3A_249 = arith.constant 0 : i32
        %add3A_250 = arith.addi %mul3A_133, %add3A_249 : i32
        %add3A_251 = arith.constant 1 : i32
        %add3A_252 = arith.addi %add3A_250, %add3A_251 : i32
        %get3A_253 = arith.index_cast %add3A_252 : i32 to index
        %get3A_254 = arith.constant 64 : index
        %get3A_255 = tpu.vector_load %arg11[%get3A_253, %get3A_254] {strides = array<i32>} : memref<256x128xf32, #tpu.memory_space<vmem>>, vector<1x16xf32>,
        %get3A_256 = vector.shape_cast %get3A_255 : vector<1x16xf32> to vector<16xf32>
        %mul3A_257 = arith.mulf %gather3A_225, %get3A_256 : vector<16xf32>
        %add3A_258 = arith.addf %add3A_248, %mul3A_257 : vector<16xf32>
        %add3A_259 = arith.constant 0 : i32
        %add3A_260 = arith.addi %mul3A_133, %add3A_259 : i32
        %add3A_261 = arith.constant 1 : i32
        %add3A_262 = arith.addi %add3A_260, %add3A_261 : i32
        %get3A_263 = arith.index_cast %add3A_262 : i32 to index
        %get3A_264 = arith.constant 96 : index
        %get3A_265 = tpu.vector_load %arg11[%get3A_263, %get3A_264] {strides = array<i32>} : memref<256x128xf32, #tpu.memory_space<vmem>>, vector<1x16xf32>,
        %get3A_266 = vector.shape_cast %get3A_265 : vector<1x16xf32> to vector<16xf32>
        %mul3A_267 = arith.mulf %gather3A_229, %get3A_266 : vector<16xf32>
        %add3A_268 = arith.addf %add3A_258, %mul3A_267 : vector<16xf32>
        %add3A_269 = arith.addf %broadcast_in_dim3A_134, %add3A_268 : vector<16xf32>
        %add3A_270 = arith.constant 0 : i32
        %add3A_271 = arith.addi %mul3A_133, %add3A_270 : i32
        %add3A_272 = arith.constant 1 : i32
        %add3A_273 = arith.addi %add3A_271, %add3A_272 : i32
        %get3A_274 = arith.index_cast %add3A_273 : i32 to index
        %get3A_275 = arith.constant 16 : index
        %get3A_276 = tpu.vector_load %arg11[%get3A_274, %get3A_275] {strides = array<i32>} : memref<256x128xf32, #tpu.memory_space<vmem>>, vector<1x16xf32>,
        %get3A_277 = vector.shape_cast %get3A_276 : vector<1x16xf32> to vector<16xf32>
        %mul3A_278 = arith.mulf %gather3A_217, %get3A_277 : vector<16xf32>
        %add3A_279 = arith.constant 0 : i32
        %add3A_280 = arith.addi %mul3A_133, %add3A_279 : i32
        %add3A_281 = arith.constant 1 : i32
        %add3A_282 = arith.addi %add3A_280, %add3A_281 : i32
        %get3A_283 = arith.index_cast %add3A_282 : i32 to index
        %get3A_284 = arith.constant 48 : index
        %get3A_285 = tpu.vector_load %arg11[%get3A_283, %get3A_284] {strides = array<i32>} : memref<256x128xf32, #tpu.memory_space<vmem>>, vector<1x16xf32>,
        %get3A_286 = vector.shape_cast %get3A_285 : vector<1x16xf32> to vector<16xf32>
        %mul3A_287 = arith.mulf %gather3A_221, %get3A_286 : vector<16xf32>
        %add3A_288 = arith.addf %mul3A_278, %mul3A_287 : vector<16xf32>
        %add3A_289 = arith.constant 0 : i32
        %add3A_290 = arith.addi %mul3A_133, %add3A_289 : i32
        %add3A_291 = arith.constant 1 : i32
        %add3A_292 = arith.addi %add3A_290, %add3A_291 : i32
        %get3A_293 = arith.index_cast %add3A_292 : i32 to index
        %get3A_294 = arith.constant 80 : index
        %get3A_295 = tpu.vector_load %arg11[%get3A_293, %get3A_294] {strides = array<i32>} : memref<256x128xf32, #tpu.memory_space<vmem>>, vector<1x16xf32>,
        %get3A_296 = vector.shape_cast %get3A_295 : vector<1x16xf32> to vector<16xf32>
        %mul3A_297 = arith.mulf %gather3A_225, %get3A_296 : vector<16xf32>
        %add3A_298 = arith.addf %add3A_288, %mul3A_297 : vector<16xf32>
        %add3A_299 = arith.constant 0 : i32
        %add3A_300 = arith.addi %mul3A_133, %add3A_299 : i32
        %add3A_301 = arith.constant 1 : i32
        %add3A_302 = arith.addi %add3A_300, %add3A_301 : i32
        %get3A_303 = arith.index_cast %add3A_302 : i32 to index
        %get3A_304 = arith.constant 112 : index
        %get3A_305 = tpu.vector_load %arg11[%get3A_303, %get3A_304] {strides = array<i32>} : memref<256x128xf32, #tpu.memory_space<vmem>>, vector<1x16xf32>,
        %get3A_306 = vector.shape_cast %get3A_305 : vector<1x16xf32> to vector<16xf32>
        %mul3A_307 = arith.mulf %gather3A_229, %get3A_306 : vector<16xf32>
        %add3A_308 = arith.addf %add3A_298, %mul3A_307 : vector<16xf32>
        %add3A_309 = arith.addf %broadcast_in_dim3A_134, %add3A_308 : vector<16xf32>
        %broadcast_in_dim3A_310 = arith.constant 2 : i32
        %broadcast_in_dim3A_311 = vector.broadcast %broadcast_in_dim3A_310 : i32 to vector<16x1xi32>
        %gather3A_312 = vector.shape_cast %broadcast_in_dim3A_311 : vector<16x1xi32> to vector<16xi32>
        %gather3A_313 = tpu.dynamic_gather %get3A_116[%gather3A_312] in [0] : vector<16xf32>, vector<16xi32> -> vector<16xf32>
        %broadcast_in_dim3A_314 = arith.constant 2 : i32
        %broadcast_in_dim3A_315 = vector.broadcast %broadcast_in_dim3A_314 : i32 to vector<16x1xi32>
        %gather3A_316 = vector.shape_cast %broadcast_in_dim3A_315 : vector<16x1xi32> to vector<16xi32>
        %gather3A_317 = tpu.dynamic_gather %get3A_121[%gather3A_316] in [0] : vector<16xf32>, vector<16xi32> -> vector<16xf32>
        %broadcast_in_dim3A_318 = arith.constant 2 : i32
        %broadcast_in_dim3A_319 = vector.broadcast %broadcast_in_dim3A_318 : i32 to vector<16x1xi32>
        %gather3A_320 = vector.shape_cast %broadcast_in_dim3A_319 : vector<16x1xi32> to vector<16xi32>
        %gather3A_321 = tpu.dynamic_gather %get3A_126[%gather3A_320] in [0] : vector<16xf32>, vector<16xi32> -> vector<16xf32>
        %broadcast_in_dim3A_322 = arith.constant 2 : i32
        %broadcast_in_dim3A_323 = vector.broadcast %broadcast_in_dim3A_322 : i32 to vector<16x1xi32>
        %gather3A_324 = vector.shape_cast %broadcast_in_dim3A_323 : vector<16x1xi32> to vector<16xi32>
        %gather3A_325 = tpu.dynamic_gather %get3A_131[%gather3A_324] in [0] : vector<16xf32>, vector<16xi32> -> vector<16xf32>
        %add3A_326 = arith.constant 2 : i32
        %add3A_327 = arith.addi %mul3A_133, %add3A_326 : i32
        %get3A_328 = arith.index_cast %add3A_327 : i32 to index
        %get3A_329 = arith.constant 0 : index
        %get3A_330 = tpu.vector_load %arg11[%get3A_328, %get3A_329] {strides = array<i32>} : memref<256x128xf32, #tpu.memory_space<vmem>>, vector<1x16xf32>,
        %get3A_331 = vector.shape_cast %get3A_330 : vector<1x16xf32> to vector<16xf32>
        %mul3A_332 = arith.mulf %gather3A_313, %get3A_331 : vector<16xf32>
        %add3A_333 = arith.constant 2 : i32
        %add3A_334 = arith.addi %mul3A_133, %add3A_333 : i32
        %get3A_335 = arith.index_cast %add3A_334 : i32 to index
        %get3A_336 = arith.constant 32 : index
        %get3A_337 = tpu.vector_load %arg11[%get3A_335, %get3A_336] {strides = array<i32>} : memref<256x128xf32, #tpu.memory_space<vmem>>, vector<1x16xf32>,
        %get3A_338 = vector.shape_cast %get3A_337 : vector<1x16xf32> to vector<16xf32>
        %mul3A_339 = arith.mulf %gather3A_317, %get3A_338 : vector<16xf32>
        %add3A_340 = arith.addf %mul3A_332, %mul3A_339 : vector<16xf32>
        %add3A_341 = arith.constant 2 : i32
        %add3A_342 = arith.addi %mul3A_133, %add3A_341 : i32
        %get3A_343 = arith.index_cast %add3A_342 : i32 to index
        %get3A_344 = arith.constant 64 : index
        %get3A_345 = tpu.vector_load %arg11[%get3A_343, %get3A_344] {strides = array<i32>} : memref<256x128xf32, #tpu.memory_space<vmem>>, vector<1x16xf32>,
        %get3A_346 = vector.shape_cast %get3A_345 : vector<1x16xf32> to vector<16xf32>
        %mul3A_347 = arith.mulf %gather3A_321, %get3A_346 : vector<16xf32>
        %add3A_348 = arith.addf %add3A_340, %mul3A_347 : vector<16xf32>
        %add3A_349 = arith.constant 2 : i32
        %add3A_350 = arith.addi %mul3A_133, %add3A_349 : i32
        %get3A_351 = arith.index_cast %add3A_350 : i32 to index
        %get3A_352 = arith.constant 96 : index
        %get3A_353 = tpu.vector_load %arg11[%get3A_351, %get3A_352] {strides = array<i32>} : memref<256x128xf32, #tpu.memory_space<vmem>>, vector<1x16xf32>,
        %get3A_354 = vector.shape_cast %get3A_353 : vector<1x16xf32> to vector<16xf32>
        %mul3A_355 = arith.mulf %gather3A_325, %get3A_354 : vector<16xf32>
        %add3A_356 = arith.addf %add3A_348, %mul3A_355 : vector<16xf32>
        %add3A_357 = arith.addf %add3A_181, %add3A_356 : vector<16xf32>
        %add3A_358 = arith.constant 2 : i32
        %add3A_359 = arith.addi %mul3A_133, %add3A_358 : i32
        %get3A_360 = arith.index_cast %add3A_359 : i32 to index
        %get3A_361 = arith.constant 16 : index
        %get3A_362 = tpu.vector_load %arg11[%get3A_360, %get3A_361] {strides = array<i32>} : memref<256x128xf32, #tpu.memory_space<vmem>>, vector<1x16xf32>,
        %get3A_363 = vector.shape_cast %get3A_362 : vector<1x16xf32> to vector<16xf32>
        %mul3A_364 = arith.mulf %gather3A_313, %get3A_363 : vector<16xf32>
        %add3A_365 = arith.constant 2 : i32
        %add3A_366 = arith.addi %mul3A_133, %add3A_365 : i32
        %get3A_367 = arith.index_cast %add3A_366 : i32 to index
        %get3A_368 = arith.constant 48 : index
        %get3A_369 = tpu.vector_load %arg11[%get3A_367, %get3A_368] {strides = array<i32>} : memref<256x128xf32, #tpu.memory_space<vmem>>, vector<1x16xf32>,
        %get3A_370 = vector.shape_cast %get3A_369 : vector<1x16xf32> to vector<16xf32>
        %mul3A_371 = arith.mulf %gather3A_317, %get3A_370 : vector<16xf32>
        %add3A_372 = arith.addf %mul3A_364, %mul3A_371 : vector<16xf32>
        %add3A_373 = arith.constant 2 : i32
        %add3A_374 = arith.addi %mul3A_133, %add3A_373 : i32
        %get3A_375 = arith.index_cast %add3A_374 : i32 to index
        %get3A_376 = arith.constant 80 : index
        %get3A_377 = tpu.vector_load %arg11[%get3A_375, %get3A_376] {strides = array<i32>} : memref<256x128xf32, #tpu.memory_space<vmem>>, vector<1x16xf32>,
        %get3A_378 = vector.shape_cast %get3A_377 : vector<1x16xf32> to vector<16xf32>
        %mul3A_379 = arith.mulf %gather3A_321, %get3A_378 : vector<16xf32>
        %add3A_380 = arith.addf %add3A_372, %mul3A_379 : vector<16xf32>
        %add3A_381 = arith.constant 2 : i32
        %add3A_382 = arith.addi %mul3A_133, %add3A_381 : i32
        %get3A_383 = arith.index_cast %add3A_382 : i32 to index
        %get3A_384 = arith.constant 112 : index
        %get3A_385 = tpu.vector_load %arg11[%get3A_383, %get3A_384] {strides = array<i32>} : memref<256x128xf32, #tpu.memory_space<vmem>>, vector<1x16xf32>,
        %get3A_386 = vector.shape_cast %get3A_385 : vector<1x16xf32> to vector<16xf32>
        %mul3A_387 = arith.mulf %gather3A_325, %get3A_386 : vector<16xf32>
        %add3A_388 = arith.addf %add3A_380, %mul3A_387 : vector<16xf32>
        %add3A_389 = arith.addf %add3A_213, %add3A_388 : vector<16xf32>
        %broadcast_in_dim3A_390 = arith.constant 3 : i32
        %broadcast_in_dim3A_391 = vector.broadcast %broadcast_in_dim3A_390 : i32 to vector<16x1xi32>
        %gather3A_392 = vector.shape_cast %broadcast_in_dim3A_391 : vector<16x1xi32> to vector<16xi32>
        %gather3A_393 = tpu.dynamic_gather %get3A_116[%gather3A_392] in [0] : vector<16xf32>, vector<16xi32> -> vector<16xf32>
        %broadcast_in_dim3A_394 = arith.constant 3 : i32
        %broadcast_in_dim3A_395 = vector.broadcast %broadcast_in_dim3A_394 : i32 to vector<16x1xi32>
        %gather3A_396 = vector.shape_cast %broadcast_in_dim3A_395 : vector<16x1xi32> to vector<16xi32>
        %gather3A_397 = tpu.dynamic_gather %get3A_121[%gather3A_396] in [0] : vector<16xf32>, vector<16xi32> -> vector<16xf32>
        %broadcast_in_dim3A_398 = arith.constant 3 : i32
        %broadcast_in_dim3A_399 = vector.broadcast %broadcast_in_dim3A_398 : i32 to vector<16x1xi32>
        %gather3A_400 = vector.shape_cast %broadcast_in_dim3A_399 : vector<16x1xi32> to vector<16xi32>
        %gather3A_401 = tpu.dynamic_gather %get3A_126[%gather3A_400] in [0] : vector<16xf32>, vector<16xi32> -> vector<16xf32>
        %broadcast_in_dim3A_402 = arith.constant 3 : i32
        %broadcast_in_dim3A_403 = vector.broadcast %broadcast_in_dim3A_402 : i32 to vector<16x1xi32>
        %gather3A_404 = vector.shape_cast %broadcast_in_dim3A_403 : vector<16x1xi32> to vector<16xi32>
        %gather3A_405 = tpu.dynamic_gather %get3A_131[%gather3A_404] in [0] : vector<16xf32>, vector<16xi32> -> vector<16xf32>
        %add3A_406 = arith.constant 2 : i32
        %add3A_407 = arith.addi %mul3A_133, %add3A_406 : i32
        %add3A_408 = arith.constant 1 : i32
        %add3A_409 = arith.addi %add3A_407, %add3A_408 : i32
        %get3A_410 = arith.index_cast %add3A_409 : i32 to index
        %get3A_411 = arith.constant 0 : index
        %get3A_412 = tpu.vector_load %arg11[%get3A_410, %get3A_411] {strides = array<i32>} : memref<256x128xf32, #tpu.memory_space<vmem>>, vector<1x16xf32>,
        %get3A_413 = vector.shape_cast %get3A_412 : vector<1x16xf32> to vector<16xf32>
        %mul3A_414 = arith.mulf %gather3A_393, %get3A_413 : vector<16xf32>
        %add3A_415 = arith.constant 2 : i32
        %add3A_416 = arith.addi %mul3A_133, %add3A_415 : i32
        %add3A_417 = arith.constant 1 : i32
        %add3A_418 = arith.addi %add3A_416, %add3A_417 : i32
        %get3A_419 = arith.index_cast %add3A_418 : i32 to index
        %get3A_420 = arith.constant 32 : index
        %get3A_421 = tpu.vector_load %arg11[%get3A_419, %get3A_420] {strides = array<i32>} : memref<256x128xf32, #tpu.memory_space<vmem>>, vector<1x16xf32>,
        %get3A_422 = vector.shape_cast %get3A_421 : vector<1x16xf32> to vector<16xf32>
        %mul3A_423 = arith.mulf %gather3A_397, %get3A_422 : vector<16xf32>
        %add3A_424 = arith.addf %mul3A_414, %mul3A_423 : vector<16xf32>
        %add3A_425 = arith.constant 2 : i32
        %add3A_426 = arith.addi %mul3A_133, %add3A_425 : i32
        %add3A_427 = arith.constant 1 : i32
        %add3A_428 = arith.addi %add3A_426, %add3A_427 : i32
        %get3A_429 = arith.index_cast %add3A_428 : i32 to index
        %get3A_430 = arith.constant 64 : index
        %get3A_431 = tpu.vector_load %arg11[%get3A_429, %get3A_430] {strides = array<i32>} : memref<256x128xf32, #tpu.memory_space<vmem>>, vector<1x16xf32>,
        %get3A_432 = vector.shape_cast %get3A_431 : vector<1x16xf32> to vector<16xf32>
        %mul3A_433 = arith.mulf %gather3A_401, %get3A_432 : vector<16xf32>
        %add3A_434 = arith.addf %add3A_424, %mul3A_433 : vector<16xf32>
        %add3A_435 = arith.constant 2 : i32
        %add3A_436 = arith.addi %mul3A_133, %add3A_435 : i32
        %add3A_437 = arith.constant 1 : i32
        %add3A_438 = arith.addi %add3A_436, %add3A_437 : i32
        %get3A_439 = arith.index_cast %add3A_438 : i32 to index
        %get3A_440 = arith.constant 96 : index
        %get3A_441 = tpu.vector_load %arg11[%get3A_439, %get3A_440] {strides = array<i32>} : memref<256x128xf32, #tpu.memory_space<vmem>>, vector<1x16xf32>,
        %get3A_442 = vector.shape_cast %get3A_441 : vector<1x16xf32> to vector<16xf32>
        %mul3A_443 = arith.mulf %gather3A_405, %get3A_442 : vector<16xf32>
        %add3A_444 = arith.addf %add3A_434, %mul3A_443 : vector<16xf32>
        %add3A_445 = arith.addf %add3A_269, %add3A_444 : vector<16xf32>
        %add3A_446 = arith.constant 2 : i32
        %add3A_447 = arith.addi %mul3A_133, %add3A_446 : i32
        %add3A_448 = arith.constant 1 : i32
        %add3A_449 = arith.addi %add3A_447, %add3A_448 : i32
        %get3A_450 = arith.index_cast %add3A_449 : i32 to index
        %get3A_451 = arith.constant 16 : index
        %get3A_452 = tpu.vector_load %arg11[%get3A_450, %get3A_451] {strides = array<i32>} : memref<256x128xf32, #tpu.memory_space<vmem>>, vector<1x16xf32>,
        %get3A_453 = vector.shape_cast %get3A_452 : vector<1x16xf32> to vector<16xf32>
        %mul3A_454 = arith.mulf %gather3A_393, %get3A_453 : vector<16xf32>
        %add3A_455 = arith.constant 2 : i32
        %add3A_456 = arith.addi %mul3A_133, %add3A_455 : i32
        %add3A_457 = arith.constant 1 : i32
        %add3A_458 = arith.addi %add3A_456, %add3A_457 : i32
        %get3A_459 = arith.index_cast %add3A_458 : i32 to index
        %get3A_460 = arith.constant 48 : index
        %get3A_461 = tpu.vector_load %arg11[%get3A_459, %get3A_460] {strides = array<i32>} : memref<256x128xf32, #tpu.memory_space<vmem>>, vector<1x16xf32>,
        %get3A_462 = vector.shape_cast %get3A_461 : vector<1x16xf32> to vector<16xf32>
        %mul3A_463 = arith.mulf %gather3A_397, %get3A_462 : vector<16xf32>
        %add3A_464 = arith.addf %mul3A_454, %mul3A_463 : vector<16xf32>
        %add3A_465 = arith.constant 2 : i32
        %add3A_466 = arith.addi %mul3A_133, %add3A_465 : i32
        %add3A_467 = arith.constant 1 : i32
        %add3A_468 = arith.addi %add3A_466, %add3A_467 : i32
        %get3A_469 = arith.index_cast %add3A_468 : i32 to index
        %get3A_470 = arith.constant 80 : index
        %get3A_471 = tpu.vector_load %arg11[%get3A_469, %get3A_470] {strides = array<i32>} : memref<256x128xf32, #tpu.memory_space<vmem>>, vector<1x16xf32>,
        %get3A_472 = vector.shape_cast %get3A_471 : vector<1x16xf32> to vector<16xf32>
        %mul3A_473 = arith.mulf %gather3A_401, %get3A_472 : vector<16xf32>
        %add3A_474 = arith.addf %add3A_464, %mul3A_473 : vector<16xf32>
        %add3A_475 = arith.constant 2 : i32
        %add3A_476 = arith.addi %mul3A_133, %add3A_475 : i32
        %add3A_477 = arith.constant 1 : i32
        %add3A_478 = arith.addi %add3A_476, %add3A_477 : i32
        %get3A_479 = arith.index_cast %add3A_478 : i32 to index
        %get3A_480 = arith.constant 112 : index
        %get3A_481 = tpu.vector_load %arg11[%get3A_479, %get3A_480] {strides = array<i32>} : memref<256x128xf32, #tpu.memory_space<vmem>>, vector<1x16xf32>,
        %get3A_482 = vector.shape_cast %get3A_481 : vector<1x16xf32> to vector<16xf32>
        %mul3A_483 = arith.mulf %gather3A_405, %get3A_482 : vector<16xf32>
        %add3A_484 = arith.addf %add3A_474, %mul3A_483 : vector<16xf32>
        %add3A_485 = arith.addf %add3A_309, %add3A_484 : vector<16xf32>
        %broadcast_in_dim3A_486 = arith.constant 4 : i32
        %broadcast_in_dim3A_487 = vector.broadcast %broadcast_in_dim3A_486 : i32 to vector<16x1xi32>
        %gather3A_488 = vector.shape_cast %broadcast_in_dim3A_487 : vector<16x1xi32> to vector<16xi32>
        %gather3A_489 = tpu.dynamic_gather %get3A_116[%gather3A_488] in [0] : vector<16xf32>, vector<16xi32> -> vector<16xf32>
        %broadcast_in_dim3A_490 = arith.constant 4 : i32
        %broadcast_in_dim3A_491 = vector.broadcast %broadcast_in_dim3A_490 : i32 to vector<16x1xi32>
        %gather3A_492 = vector.shape_cast %broadcast_in_dim3A_491 : vector<16x1xi32> to vector<16xi32>
        %gather3A_493 = tpu.dynamic_gather %get3A_121[%gather3A_492] in [0] : vector<16xf32>, vector<16xi32> -> vector<16xf32>
        %broadcast_in_dim3A_494 = arith.constant 4 : i32
        %broadcast_in_dim3A_495 = vector.broadcast %broadcast_in_dim3A_494 : i32 to vector<16x1xi32>
        %gather3A_496 = vector.shape_cast %broadcast_in_dim3A_495 : vector<16x1xi32> to vector<16xi32>
        %gather3A_497 = tpu.dynamic_gather %get3A_126[%gather3A_496] in [0] : vector<16xf32>, vector<16xi32> -> vector<16xf32>
        %broadcast_in_dim3A_498 = arith.constant 4 : i32
        %broadcast_in_dim3A_499 = vector.broadcast %broadcast_in_dim3A_498 : i32 to vector<16x1xi32>
        %gather3A_500 = vector.shape_cast %broadcast_in_dim3A_499 : vector<16x1xi32> to vector<16xi32>
        %gather3A_501 = tpu.dynamic_gather %get3A_131[%gather3A_500] in [0] : vector<16xf32>, vector<16xi32> -> vector<16xf32>
        %add3A_502 = arith.constant 4 : i32
        %add3A_503 = arith.addi %mul3A_133, %add3A_502 : i32
        %get3A_504 = arith.index_cast %add3A_503 : i32 to index
        %get3A_505 = arith.constant 0 : index
        %get3A_506 = tpu.vector_load %arg11[%get3A_504, %get3A_505] {strides = array<i32>} : memref<256x128xf32, #tpu.memory_space<vmem>>, vector<1x16xf32>,
        %get3A_507 = vector.shape_cast %get3A_506 : vector<1x16xf32> to vector<16xf32>
        %mul3A_508 = arith.mulf %gather3A_489, %get3A_507 : vector<16xf32>
        %add3A_509 = arith.constant 4 : i32
        %add3A_510 = arith.addi %mul3A_133, %add3A_509 : i32
        %get3A_511 = arith.index_cast %add3A_510 : i32 to index
        %get3A_512 = arith.constant 32 : index
        %get3A_513 = tpu.vector_load %arg11[%get3A_511, %get3A_512] {strides = array<i32>} : memref<256x128xf32, #tpu.memory_space<vmem>>, vector<1x16xf32>,
        %get3A_514 = vector.shape_cast %get3A_513 : vector<1x16xf32> to vector<16xf32>
        %mul3A_515 = arith.mulf %gather3A_493, %get3A_514 : vector<16xf32>
        %add3A_516 = arith.addf %mul3A_508, %mul3A_515 : vector<16xf32>
        %add3A_517 = arith.constant 4 : i32
        %add3A_518 = arith.addi %mul3A_133, %add3A_517 : i32
        %get3A_519 = arith.index_cast %add3A_518 : i32 to index
        %get3A_520 = arith.constant 64 : index
        %get3A_521 = tpu.vector_load %arg11[%get3A_519, %get3A_520] {strides = array<i32>} : memref<256x128xf32, #tpu.memory_space<vmem>>, vector<1x16xf32>,
        %get3A_522 = vector.shape_cast %get3A_521 : vector<1x16xf32> to vector<16xf32>
        %mul3A_523 = arith.mulf %gather3A_497, %get3A_522 : vector<16xf32>
        %add3A_524 = arith.addf %add3A_516, %mul3A_523 : vector<16xf32>
        %add3A_525 = arith.constant 4 : i32
        %add3A_526 = arith.addi %mul3A_133, %add3A_525 : i32
        %get3A_527 = arith.index_cast %add3A_526 : i32 to index
        %get3A_528 = arith.constant 96 : index
        %get3A_529 = tpu.vector_load %arg11[%get3A_527, %get3A_528] {strides = array<i32>} : memref<256x128xf32, #tpu.memory_space<vmem>>, vector<1x16xf32>,
        %get3A_530 = vector.shape_cast %get3A_529 : vector<1x16xf32> to vector<16xf32>
        %mul3A_531 = arith.mulf %gather3A_501, %get3A_530 : vector<16xf32>
        %add3A_532 = arith.addf %add3A_524, %mul3A_531 : vector<16xf32>
        %add3A_533 = arith.addf %add3A_357, %add3A_532 : vector<16xf32>
        %add3A_534 = arith.constant 4 : i32
        %add3A_535 = arith.addi %mul3A_133, %add3A_534 : i32
        %get3A_536 = arith.index_cast %add3A_535 : i32 to index
        %get3A_537 = arith.constant 16 : index
        %get3A_538 = tpu.vector_load %arg11[%get3A_536, %get3A_537] {strides = array<i32>} : memref<256x128xf32, #tpu.memory_space<vmem>>, vector<1x16xf32>,
        %get3A_539 = vector.shape_cast %get3A_538 : vector<1x16xf32> to vector<16xf32>
        %mul3A_540 = arith.mulf %gather3A_489, %get3A_539 : vector<16xf32>
        %add3A_541 = arith.constant 4 : i32
        %add3A_542 = arith.addi %mul3A_133, %add3A_541 : i32
        %get3A_543 = arith.index_cast %add3A_542 : i32 to index
        %get3A_544 = arith.constant 48 : index
        %get3A_545 = tpu.vector_load %arg11[%get3A_543, %get3A_544] {strides = array<i32>} : memref<256x128xf32, #tpu.memory_space<vmem>>, vector<1x16xf32>,
        %get3A_546 = vector.shape_cast %get3A_545 : vector<1x16xf32> to vector<16xf32>
        %mul3A_547 = arith.mulf %gather3A_493, %get3A_546 : vector<16xf32>
        %add3A_548 = arith.addf %mul3A_540, %mul3A_547 : vector<16xf32>
        %add3A_549 = arith.constant 4 : i32
        %add3A_550 = arith.addi %mul3A_133, %add3A_549 : i32
        %get3A_551 = arith.index_cast %add3A_550 : i32 to index
        %get3A_552 = arith.constant 80 : index
        %get3A_553 = tpu.vector_load %arg11[%get3A_551, %get3A_552] {strides = array<i32>} : memref<256x128xf32, #tpu.memory_space<vmem>>, vector<1x16xf32>,
        %get3A_554 = vector.shape_cast %get3A_553 : vector<1x16xf32> to vector<16xf32>
        %mul3A_555 = arith.mulf %gather3A_497, %get3A_554 : vector<16xf32>
        %add3A_556 = arith.addf %add3A_548, %mul3A_555 : vector<16xf32>
        %add3A_557 = arith.constant 4 : i32
        %add3A_558 = arith.addi %mul3A_133, %add3A_557 : i32
        %get3A_559 = arith.index_cast %add3A_558 : i32 to index
        %get3A_560 = arith.constant 112 : index
        %get3A_561 = tpu.vector_load %arg11[%get3A_559, %get3A_560] {strides = array<i32>} : memref<256x128xf32, #tpu.memory_space<vmem>>, vector<1x16xf32>,
        %get3A_562 = vector.shape_cast %get3A_561 : vector<1x16xf32> to vector<16xf32>
        %mul3A_563 = arith.mulf %gather3A_501, %get3A_562 : vector<16xf32>
        %add3A_564 = arith.addf %add3A_556, %mul3A_563 : vector<16xf32>
        %add3A_565 = arith.addf %add3A_389, %add3A_564 : vector<16xf32>
        %broadcast_in_dim3A_566 = arith.constant 5 : i32
        %broadcast_in_dim3A_567 = vector.broadcast %broadcast_in_dim3A_566 : i32 to vector<16x1xi32>
        %gather3A_568 = vector.shape_cast %broadcast_in_dim3A_567 : vector<16x1xi32> to vector<16xi32>
        %gather3A_569 = tpu.dynamic_gather %get3A_116[%gather3A_568] in [0] : vector<16xf32>, vector<16xi32> -> vector<16xf32>
        %broadcast_in_dim3A_570 = arith.constant 5 : i32
        %broadcast_in_dim3A_571 = vector.broadcast %broadcast_in_dim3A_570 : i32 to vector<16x1xi32>
        %gather3A_572 = vector.shape_cast %broadcast_in_dim3A_571 : vector<16x1xi32> to vector<16xi32>
        %gather3A_573 = tpu.dynamic_gather %get3A_121[%gather3A_572] in [0] : vector<16xf32>, vector<16xi32> -> vector<16xf32>
        %broadcast_in_dim3A_574 = arith.constant 5 : i32
        %broadcast_in_dim3A_575 = vector.broadcast %broadcast_in_dim3A_574 : i32 to vector<16x1xi32>
        %gather3A_576 = vector.shape_cast %broadcast_in_dim3A_575 : vector<16x1xi32> to vector<16xi32>
        %gather3A_577 = tpu.dynamic_gather %get3A_126[%gather3A_576] in [0] : vector<16xf32>, vector<16xi32> -> vector<16xf32>
        %broadcast_in_dim3A_578 = arith.constant 5 : i32
        %broadcast_in_dim3A_579 = vector.broadcast %broadcast_in_dim3A_578 : i32 to vector<16x1xi32>
        %gather3A_580 = vector.shape_cast %broadcast_in_dim3A_579 : vector<16x1xi32> to vector<16xi32>
        %gather3A_581 = tpu.dynamic_gather %get3A_131[%gather3A_580] in [0] : vector<16xf32>, vector<16xi32> -> vector<16xf32>
        %add3A_582 = arith.constant 4 : i32
        %add3A_583 = arith.addi %mul3A_133, %add3A_582 : i32
        %add3A_584 = arith.constant 1 : i32
        %add3A_585 = arith.addi %add3A_583, %add3A_584 : i32
        %get3A_586 = arith.index_cast %add3A_585 : i32 to index
        %get3A_587 = arith.constant 0 : index
        %get3A_588 = tpu.vector_load %arg11[%get3A_586, %get3A_587] {strides = array<i32>} : memref<256x128xf32, #tpu.memory_space<vmem>>, vector<1x16xf32>,
        %get3A_589 = vector.shape_cast %get3A_588 : vector<1x16xf32> to vector<16xf32>
        %mul3A_590 = arith.mulf %gather3A_569, %get3A_589 : vector<16xf32>
        %add3A_591 = arith.constant 4 : i32
        %add3A_592 = arith.addi %mul3A_133, %add3A_591 : i32
        %add3A_593 = arith.constant 1 : i32
        %add3A_594 = arith.addi %add3A_592, %add3A_593 : i32
        %get3A_595 = arith.index_cast %add3A_594 : i32 to index
        %get3A_596 = arith.constant 32 : index
        %get3A_597 = tpu.vector_load %arg11[%get3A_595, %get3A_596] {strides = array<i32>} : memref<256x128xf32, #tpu.memory_space<vmem>>, vector<1x16xf32>,
        %get3A_598 = vector.shape_cast %get3A_597 : vector<1x16xf32> to vector<16xf32>
        %mul3A_599 = arith.mulf %gather3A_573, %get3A_598 : vector<16xf32>
        %add3A_600 = arith.addf %mul3A_590, %mul3A_599 : vector<16xf32>
        %add3A_601 = arith.constant 4 : i32
        %add3A_602 = arith.addi %mul3A_133, %add3A_601 : i32
        %add3A_603 = arith.constant 1 : i32
        %add3A_604 = arith.addi %add3A_602, %add3A_603 : i32
        %get3A_605 = arith.index_cast %add3A_604 : i32 to index
        %get3A_606 = arith.constant 64 : index
        %get3A_607 = tpu.vector_load %arg11[%get3A_605, %get3A_606] {strides = array<i32>} : memref<256x128xf32, #tpu.memory_space<vmem>>, vector<1x16xf32>,
        %get3A_608 = vector.shape_cast %get3A_607 : vector<1x16xf32> to vector<16xf32>
        %mul3A_609 = arith.mulf %gather3A_577, %get3A_608 : vector<16xf32>
        %add3A_610 = arith.addf %add3A_600, %mul3A_609 : vector<16xf32>
        %add3A_611 = arith.constant 4 : i32
        %add3A_612 = arith.addi %mul3A_133, %add3A_611 : i32
        %add3A_613 = arith.constant 1 : i32
        %add3A_614 = arith.addi %add3A_612, %add3A_613 : i32
        %get3A_615 = arith.index_cast %add3A_614 : i32 to index
        %get3A_616 = arith.constant 96 : index
        %get3A_617 = tpu.vector_load %arg11[%get3A_615, %get3A_616] {strides = array<i32>} : memref<256x128xf32, #tpu.memory_space<vmem>>, vector<1x16xf32>,
        %get3A_618 = vector.shape_cast %get3A_617 : vector<1x16xf32> to vector<16xf32>
        %mul3A_619 = arith.mulf %gather3A_581, %get3A_618 : vector<16xf32>
        %add3A_620 = arith.addf %add3A_610, %mul3A_619 : vector<16xf32>
        %add3A_621 = arith.addf %add3A_445, %add3A_620 : vector<16xf32>
        %add3A_622 = arith.constant 4 : i32
        %add3A_623 = arith.addi %mul3A_133, %add3A_622 : i32
        %add3A_624 = arith.constant 1 : i32
        %add3A_625 = arith.addi %add3A_623, %add3A_624 : i32
        %get3A_626 = arith.index_cast %add3A_625 : i32 to index
        %get3A_627 = arith.constant 16 : index
        %get3A_628 = tpu.vector_load %arg11[%get3A_626, %get3A_627] {strides = array<i32>} : memref<256x128xf32, #tpu.memory_space<vmem>>, vector<1x16xf32>,
        %get3A_629 = vector.shape_cast %get3A_628 : vector<1x16xf32> to vector<16xf32>
        %mul3A_630 = arith.mulf %gather3A_569, %get3A_629 : vector<16xf32>
        %add3A_631 = arith.constant 4 : i32
        %add3A_632 = arith.addi %mul3A_133, %add3A_631 : i32
        %add3A_633 = arith.constant 1 : i32
        %add3A_634 = arith.addi %add3A_632, %add3A_633 : i32
        %get3A_635 = arith.index_cast %add3A_634 : i32 to index
        %get3A_636 = arith.constant 48 : index
        %get3A_637 = tpu.vector_load %arg11[%get3A_635, %get3A_636] {strides = array<i32>} : memref<256x128xf32, #tpu.memory_space<vmem>>, vector<1x16xf32>,
        %get3A_638 = vector.shape_cast %get3A_637 : vector<1x16xf32> to vector<16xf32>
        %mul3A_639 = arith.mulf %gather3A_573, %get3A_638 : vector<16xf32>
        %add3A_640 = arith.addf %mul3A_630, %mul3A_639 : vector<16xf32>
        %add3A_641 = arith.constant 4 : i32
        %add3A_642 = arith.addi %mul3A_133, %add3A_641 : i32
        %add3A_643 = arith.constant 1 : i32
        %add3A_644 = arith.addi %add3A_642, %add3A_643 : i32
        %get3A_645 = arith.index_cast %add3A_644 : i32 to index
        %get3A_646 = arith.constant 80 : index
        %get3A_647 = tpu.vector_load %arg11[%get3A_645, %get3A_646] {strides = array<i32>} : memref<256x128xf32, #tpu.memory_space<vmem>>, vector<1x16xf32>,
        %get3A_648 = vector.shape_cast %get3A_647 : vector<1x16xf32> to vector<16xf32>
        %mul3A_649 = arith.mulf %gather3A_577, %get3A_648 : vector<16xf32>
        %add3A_650 = arith.addf %add3A_640, %mul3A_649 : vector<16xf32>
        %add3A_651 = arith.constant 4 : i32
        %add3A_652 = arith.addi %mul3A_133, %add3A_651 : i32
        %add3A_653 = arith.constant 1 : i32
        %add3A_654 = arith.addi %add3A_652, %add3A_653 : i32
        %get3A_655 = arith.index_cast %add3A_654 : i32 to index
        %get3A_656 = arith.constant 112 : index
        %get3A_657 = tpu.vector_load %arg11[%get3A_655, %get3A_656] {strides = array<i32>} : memref<256x128xf32, #tpu.memory_space<vmem>>, vector<1x16xf32>,
        %get3A_658 = vector.shape_cast %get3A_657 : vector<1x16xf32> to vector<16xf32>
        %mul3A_659 = arith.mulf %gather3A_581, %get3A_658 : vector<16xf32>
        %add3A_660 = arith.addf %add3A_650, %mul3A_659 : vector<16xf32>
        %add3A_661 = arith.addf %add3A_485, %add3A_660 : vector<16xf32>
        %broadcast_in_dim3A_662 = arith.constant 6 : i32
        %broadcast_in_dim3A_663 = vector.broadcast %broadcast_in_dim3A_662 : i32 to vector<16x1xi32>
        %gather3A_664 = vector.shape_cast %broadcast_in_dim3A_663 : vector<16x1xi32> to vector<16xi32>
        %gather3A_665 = tpu.dynamic_gather %get3A_116[%gather3A_664] in [0] : vector<16xf32>, vector<16xi32> -> vector<16xf32>
        %broadcast_in_dim3A_666 = arith.constant 6 : i32
        %broadcast_in_dim3A_667 = vector.broadcast %broadcast_in_dim3A_666 : i32 to vector<16x1xi32>
        %gather3A_668 = vector.shape_cast %broadcast_in_dim3A_667 : vector<16x1xi32> to vector<16xi32>
        %gather3A_669 = tpu.dynamic_gather %get3A_121[%gather3A_668] in [0] : vector<16xf32>, vector<16xi32> -> vector<16xf32>
        %broadcast_in_dim3A_670 = arith.constant 6 : i32
        %broadcast_in_dim3A_671 = vector.broadcast %broadcast_in_dim3A_670 : i32 to vector<16x1xi32>
        %gather3A_672 = vector.shape_cast %broadcast_in_dim3A_671 : vector<16x1xi32> to vector<16xi32>
        %gather3A_673 = tpu.dynamic_gather %get3A_126[%gather3A_672] in [0] : vector<16xf32>, vector<16xi32> -> vector<16xf32>
        %broadcast_in_dim3A_674 = arith.constant 6 : i32
        %broadcast_in_dim3A_675 = vector.broadcast %broadcast_in_dim3A_674 : i32 to vector<16x1xi32>
        %gather3A_676 = vector.shape_cast %broadcast_in_dim3A_675 : vector<16x1xi32> to vector<16xi32>
        %gather3A_677 = tpu.dynamic_gather %get3A_131[%gather3A_676] in [0] : vector<16xf32>, vector<16xi32> -> vector<16xf32>
        %add3A_678 = arith.constant 6 : i32
        %add3A_679 = arith.addi %mul3A_133, %add3A_678 : i32
        %get3A_680 = arith.index_cast %add3A_679 : i32 to index
        %get3A_681 = arith.constant 0 : index
        %get3A_682 = tpu.vector_load %arg11[%get3A_680, %get3A_681] {strides = array<i32>} : memref<256x128xf32, #tpu.memory_space<vmem>>, vector<1x16xf32>,
        %get3A_683 = vector.shape_cast %get3A_682 : vector<1x16xf32> to vector<16xf32>
        %mul3A_684 = arith.mulf %gather3A_665, %get3A_683 : vector<16xf32>
        %add3A_685 = arith.constant 6 : i32
        %add3A_686 = arith.addi %mul3A_133, %add3A_685 : i32
        %get3A_687 = arith.index_cast %add3A_686 : i32 to index
        %get3A_688 = arith.constant 32 : index
        %get3A_689 = tpu.vector_load %arg11[%get3A_687, %get3A_688] {strides = array<i32>} : memref<256x128xf32, #tpu.memory_space<vmem>>, vector<1x16xf32>,
        %get3A_690 = vector.shape_cast %get3A_689 : vector<1x16xf32> to vector<16xf32>
        %mul3A_691 = arith.mulf %gather3A_669, %get3A_690 : vector<16xf32>
        %add3A_692 = arith.addf %mul3A_684, %mul3A_691 : vector<16xf32>
        %add3A_693 = arith.constant 6 : i32
        %add3A_694 = arith.addi %mul3A_133, %add3A_693 : i32
        %get3A_695 = arith.index_cast %add3A_694 : i32 to index
        %get3A_696 = arith.constant 64 : index
        %get3A_697 = tpu.vector_load %arg11[%get3A_695, %get3A_696] {strides = array<i32>} : memref<256x128xf32, #tpu.memory_space<vmem>>, vector<1x16xf32>,
        %get3A_698 = vector.shape_cast %get3A_697 : vector<1x16xf32> to vector<16xf32>
        %mul3A_699 = arith.mulf %gather3A_673, %get3A_698 : vector<16xf32>
        %add3A_700 = arith.addf %add3A_692, %mul3A_699 : vector<16xf32>
        %add3A_701 = arith.constant 6 : i32
        %add3A_702 = arith.addi %mul3A_133, %add3A_701 : i32
        %get3A_703 = arith.index_cast %add3A_702 : i32 to index
        %get3A_704 = arith.constant 96 : index
        %get3A_705 = tpu.vector_load %arg11[%get3A_703, %get3A_704] {strides = array<i32>} : memref<256x128xf32, #tpu.memory_space<vmem>>, vector<1x16xf32>,
        %get3A_706 = vector.shape_cast %get3A_705 : vector<1x16xf32> to vector<16xf32>
        %mul3A_707 = arith.mulf %gather3A_677, %get3A_706 : vector<16xf32>
        %add3A_708 = arith.addf %add3A_700, %mul3A_707 : vector<16xf32>
        %add3A_709 = arith.addf %add3A_533, %add3A_708 : vector<16xf32>
        %add3A_710 = arith.constant 6 : i32
        %add3A_711 = arith.addi %mul3A_133, %add3A_710 : i32
        %get3A_712 = arith.index_cast %add3A_711 : i32 to index
        %get3A_713 = arith.constant 16 : index
        %get3A_714 = tpu.vector_load %arg11[%get3A_712, %get3A_713] {strides = array<i32>} : memref<256x128xf32, #tpu.memory_space<vmem>>, vector<1x16xf32>,
        %get3A_715 = vector.shape_cast %get3A_714 : vector<1x16xf32> to vector<16xf32>
        %mul3A_716 = arith.mulf %gather3A_665, %get3A_715 : vector<16xf32>
        %add3A_717 = arith.constant 6 : i32
        %add3A_718 = arith.addi %mul3A_133, %add3A_717 : i32
        %get3A_719 = arith.index_cast %add3A_718 : i32 to index
        %get3A_720 = arith.constant 48 : index
        %get3A_721 = tpu.vector_load %arg11[%get3A_719, %get3A_720] {strides = array<i32>} : memref<256x128xf32, #tpu.memory_space<vmem>>, vector<1x16xf32>,
        %get3A_722 = vector.shape_cast %get3A_721 : vector<1x16xf32> to vector<16xf32>
        %mul3A_723 = arith.mulf %gather3A_669, %get3A_722 : vector<16xf32>
        %add3A_724 = arith.addf %mul3A_716, %mul3A_723 : vector<16xf32>
        %add3A_725 = arith.constant 6 : i32
        %add3A_726 = arith.addi %mul3A_133, %add3A_725 : i32
        %get3A_727 = arith.index_cast %add3A_726 : i32 to index
        %get3A_728 = arith.constant 80 : index
        %get3A_729 = tpu.vector_load %arg11[%get3A_727, %get3A_728] {strides = array<i32>} : memref<256x128xf32, #tpu.memory_space<vmem>>, vector<1x16xf32>,
        %get3A_730 = vector.shape_cast %get3A_729 : vector<1x16xf32> to vector<16xf32>
        %mul3A_731 = arith.mulf %gather3A_673, %get3A_730 : vector<16xf32>
        %add3A_732 = arith.addf %add3A_724, %mul3A_731 : vector<16xf32>
        %add3A_733 = arith.constant 6 : i32
        %add3A_734 = arith.addi %mul3A_133, %add3A_733 : i32
        %get3A_735 = arith.index_cast %add3A_734 : i32 to index
        %get3A_736 = arith.constant 112 : index
        %get3A_737 = tpu.vector_load %arg11[%get3A_735, %get3A_736] {strides = array<i32>} : memref<256x128xf32, #tpu.memory_space<vmem>>, vector<1x16xf32>,
        %get3A_738 = vector.shape_cast %get3A_737 : vector<1x16xf32> to vector<16xf32>
        %mul3A_739 = arith.mulf %gather3A_677, %get3A_738 : vector<16xf32>
        %add3A_740 = arith.addf %add3A_732, %mul3A_739 : vector<16xf32>
        %add3A_741 = arith.addf %add3A_565, %add3A_740 : vector<16xf32>
        %broadcast_in_dim3A_742 = arith.constant 7 : i32
        %broadcast_in_dim3A_743 = vector.broadcast %broadcast_in_dim3A_742 : i32 to vector<16x1xi32>
        %gather3A_744 = vector.shape_cast %broadcast_in_dim3A_743 : vector<16x1xi32> to vector<16xi32>
        %gather3A_745 = tpu.dynamic_gather %get3A_116[%gather3A_744] in [0] : vector<16xf32>, vector<16xi32> -> vector<16xf32>
        %broadcast_in_dim3A_746 = arith.constant 7 : i32
        %broadcast_in_dim3A_747 = vector.broadcast %broadcast_in_dim3A_746 : i32 to vector<16x1xi32>
        %gather3A_748 = vector.shape_cast %broadcast_in_dim3A_747 : vector<16x1xi32> to vector<16xi32>
        %gather3A_749 = tpu.dynamic_gather %get3A_121[%gather3A_748] in [0] : vector<16xf32>, vector<16xi32> -> vector<16xf32>
        %broadcast_in_dim3A_750 = arith.constant 7 : i32
        %broadcast_in_dim3A_751 = vector.broadcast %broadcast_in_dim3A_750 : i32 to vector<16x1xi32>
        %gather3A_752 = vector.shape_cast %broadcast_in_dim3A_751 : vector<16x1xi32> to vector<16xi32>
        %gather3A_753 = tpu.dynamic_gather %get3A_126[%gather3A_752] in [0] : vector<16xf32>, vector<16xi32> -> vector<16xf32>
        %broadcast_in_dim3A_754 = arith.constant 7 : i32
        %broadcast_in_dim3A_755 = vector.broadcast %broadcast_in_dim3A_754 : i32 to vector<16x1xi32>
        %gather3A_756 = vector.shape_cast %broadcast_in_dim3A_755 : vector<16x1xi32> to vector<16xi32>
        %gather3A_757 = tpu.dynamic_gather %get3A_131[%gather3A_756] in [0] : vector<16xf32>, vector<16xi32> -> vector<16xf32>
        %add3A_758 = arith.constant 6 : i32
        %add3A_759 = arith.addi %mul3A_133, %add3A_758 : i32
        %add3A_760 = arith.constant 1 : i32
        %add3A_761 = arith.addi %add3A_759, %add3A_760 : i32
        %get3A_762 = arith.index_cast %add3A_761 : i32 to index
        %get3A_763 = arith.constant 0 : index
        %get3A_764 = tpu.vector_load %arg11[%get3A_762, %get3A_763] {strides = array<i32>} : memref<256x128xf32, #tpu.memory_space<vmem>>, vector<1x16xf32>,
        %get3A_765 = vector.shape_cast %get3A_764 : vector<1x16xf32> to vector<16xf32>
        %mul3A_766 = arith.mulf %gather3A_745, %get3A_765 : vector<16xf32>
        %add3A_767 = arith.constant 6 : i32
        %add3A_768 = arith.addi %mul3A_133, %add3A_767 : i32
        %add3A_769 = arith.constant 1 : i32
        %add3A_770 = arith.addi %add3A_768, %add3A_769 : i32
        %get3A_771 = arith.index_cast %add3A_770 : i32 to index
        %get3A_772 = arith.constant 32 : index
        %get3A_773 = tpu.vector_load %arg11[%get3A_771, %get3A_772] {strides = array<i32>} : memref<256x128xf32, #tpu.memory_space<vmem>>, vector<1x16xf32>,
        %get3A_774 = vector.shape_cast %get3A_773 : vector<1x16xf32> to vector<16xf32>
        %mul3A_775 = arith.mulf %gather3A_749, %get3A_774 : vector<16xf32>
        %add3A_776 = arith.addf %mul3A_766, %mul3A_775 : vector<16xf32>
        %add3A_777 = arith.constant 6 : i32
        %add3A_778 = arith.addi %mul3A_133, %add3A_777 : i32
        %add3A_779 = arith.constant 1 : i32
        %add3A_780 = arith.addi %add3A_778, %add3A_779 : i32
        %get3A_781 = arith.index_cast %add3A_780 : i32 to index
        %get3A_782 = arith.constant 64 : index
        %get3A_783 = tpu.vector_load %arg11[%get3A_781, %get3A_782] {strides = array<i32>} : memref<256x128xf32, #tpu.memory_space<vmem>>, vector<1x16xf32>,
        %get3A_784 = vector.shape_cast %get3A_783 : vector<1x16xf32> to vector<16xf32>
        %mul3A_785 = arith.mulf %gather3A_753, %get3A_784 : vector<16xf32>
        %add3A_786 = arith.addf %add3A_776, %mul3A_785 : vector<16xf32>
        %add3A_787 = arith.constant 6 : i32
        %add3A_788 = arith.addi %mul3A_133, %add3A_787 : i32
        %add3A_789 = arith.constant 1 : i32
        %add3A_790 = arith.addi %add3A_788, %add3A_789 : i32
        %get3A_791 = arith.index_cast %add3A_790 : i32 to index
        %get3A_792 = arith.constant 96 : index
        %get3A_793 = tpu.vector_load %arg11[%get3A_791, %get3A_792] {strides = array<i32>} : memref<256x128xf32, #tpu.memory_space<vmem>>, vector<1x16xf32>,
        %get3A_794 = vector.shape_cast %get3A_793 : vector<1x16xf32> to vector<16xf32>
        %mul3A_795 = arith.mulf %gather3A_757, %get3A_794 : vector<16xf32>
        %add3A_796 = arith.addf %add3A_786, %mul3A_795 : vector<16xf32>
        %add3A_797 = arith.addf %add3A_621, %add3A_796 : vector<16xf32>
        %add3A_798 = arith.constant 6 : i32
        %add3A_799 = arith.addi %mul3A_133, %add3A_798 : i32
        %add3A_800 = arith.constant 1 : i32
        %add3A_801 = arith.addi %add3A_799, %add3A_800 : i32
        %get3A_802 = arith.index_cast %add3A_801 : i32 to index
        %get3A_803 = arith.constant 16 : index
        %get3A_804 = tpu.vector_load %arg11[%get3A_802, %get3A_803] {strides = array<i32>} : memref<256x128xf32, #tpu.memory_space<vmem>>, vector<1x16xf32>,
        %get3A_805 = vector.shape_cast %get3A_804 : vector<1x16xf32> to vector<16xf32>
        %mul3A_806 = arith.mulf %gather3A_745, %get3A_805 : vector<16xf32>
        %add3A_807 = arith.constant 6 : i32
        %add3A_808 = arith.addi %mul3A_133, %add3A_807 : i32
        %add3A_809 = arith.constant 1 : i32
        %add3A_810 = arith.addi %add3A_808, %add3A_809 : i32
        %get3A_811 = arith.index_cast %add3A_810 : i32 to index
        %get3A_812 = arith.constant 48 : index
        %get3A_813 = tpu.vector_load %arg11[%get3A_811, %get3A_812] {strides = array<i32>} : memref<256x128xf32, #tpu.memory_space<vmem>>, vector<1x16xf32>,
        %get3A_814 = vector.shape_cast %get3A_813 : vector<1x16xf32> to vector<16xf32>
        %mul3A_815 = arith.mulf %gather3A_749, %get3A_814 : vector<16xf32>
        %add3A_816 = arith.addf %mul3A_806, %mul3A_815 : vector<16xf32>
        %add3A_817 = arith.constant 6 : i32
        %add3A_818 = arith.addi %mul3A_133, %add3A_817 : i32
        %add3A_819 = arith.constant 1 : i32
        %add3A_820 = arith.addi %add3A_818, %add3A_819 : i32
        %get3A_821 = arith.index_cast %add3A_820 : i32 to index
        %get3A_822 = arith.constant 80 : index
        %get3A_823 = tpu.vector_load %arg11[%get3A_821, %get3A_822] {strides = array<i32>} : memref<256x128xf32, #tpu.memory_space<vmem>>, vector<1x16xf32>,
        %get3A_824 = vector.shape_cast %get3A_823 : vector<1x16xf32> to vector<16xf32>
        %mul3A_825 = arith.mulf %gather3A_753, %get3A_824 : vector<16xf32>
        %add3A_826 = arith.addf %add3A_816, %mul3A_825 : vector<16xf32>
        %add3A_827 = arith.constant 6 : i32
        %add3A_828 = arith.addi %mul3A_133, %add3A_827 : i32
        %add3A_829 = arith.constant 1 : i32
        %add3A_830 = arith.addi %add3A_828, %add3A_829 : i32
        %get3A_831 = arith.index_cast %add3A_830 : i32 to index
        %get3A_832 = arith.constant 112 : index
        %get3A_833 = tpu.vector_load %arg11[%get3A_831, %get3A_832] {strides = array<i32>} : memref<256x128xf32, #tpu.memory_space<vmem>>, vector<1x16xf32>,
        %get3A_834 = vector.shape_cast %get3A_833 : vector<1x16xf32> to vector<16xf32>
        %mul3A_835 = arith.mulf %gather3A_757, %get3A_834 : vector<16xf32>
        %add3A_836 = arith.addf %add3A_826, %mul3A_835 : vector<16xf32>
        %add3A_837 = arith.addf %add3A_661, %add3A_836 : vector<16xf32>
        %broadcast_in_dim3A_838 = arith.constant 8 : i32
        %broadcast_in_dim3A_839 = vector.broadcast %broadcast_in_dim3A_838 : i32 to vector<16x1xi32>
        %gather3A_840 = vector.shape_cast %broadcast_in_dim3A_839 : vector<16x1xi32> to vector<16xi32>
        %gather3A_841 = tpu.dynamic_gather %get3A_116[%gather3A_840] in [0] : vector<16xf32>, vector<16xi32> -> vector<16xf32>
        %broadcast_in_dim3A_842 = arith.constant 8 : i32
        %broadcast_in_dim3A_843 = vector.broadcast %broadcast_in_dim3A_842 : i32 to vector<16x1xi32>
        %gather3A_844 = vector.shape_cast %broadcast_in_dim3A_843 : vector<16x1xi32> to vector<16xi32>
        %gather3A_845 = tpu.dynamic_gather %get3A_121[%gather3A_844] in [0] : vector<16xf32>, vector<16xi32> -> vector<16xf32>
        %broadcast_in_dim3A_846 = arith.constant 8 : i32
        %broadcast_in_dim3A_847 = vector.broadcast %broadcast_in_dim3A_846 : i32 to vector<16x1xi32>
        %gather3A_848 = vector.shape_cast %broadcast_in_dim3A_847 : vector<16x1xi32> to vector<16xi32>
        %gather3A_849 = tpu.dynamic_gather %get3A_126[%gather3A_848] in [0] : vector<16xf32>, vector<16xi32> -> vector<16xf32>
        %broadcast_in_dim3A_850 = arith.constant 8 : i32
        %broadcast_in_dim3A_851 = vector.broadcast %broadcast_in_dim3A_850 : i32 to vector<16x1xi32>
        %gather3A_852 = vector.shape_cast %broadcast_in_dim3A_851 : vector<16x1xi32> to vector<16xi32>
        %gather3A_853 = tpu.dynamic_gather %get3A_131[%gather3A_852] in [0] : vector<16xf32>, vector<16xi32> -> vector<16xf32>
        %add3A_854 = arith.constant 8 : i32
        %add3A_855 = arith.addi %mul3A_133, %add3A_854 : i32
        %get3A_856 = arith.index_cast %add3A_855 : i32 to index
        %get3A_857 = arith.constant 0 : index
        %get3A_858 = tpu.vector_load %arg11[%get3A_856, %get3A_857] {strides = array<i32>} : memref<256x128xf32, #tpu.memory_space<vmem>>, vector<1x16xf32>,
        %get3A_859 = vector.shape_cast %get3A_858 : vector<1x16xf32> to vector<16xf32>
        %mul3A_860 = arith.mulf %gather3A_841, %get3A_859 : vector<16xf32>
        %add3A_861 = arith.constant 8 : i32
        %add3A_862 = arith.addi %mul3A_133, %add3A_861 : i32
        %get3A_863 = arith.index_cast %add3A_862 : i32 to index
        %get3A_864 = arith.constant 32 : index
        %get3A_865 = tpu.vector_load %arg11[%get3A_863, %get3A_864] {strides = array<i32>} : memref<256x128xf32, #tpu.memory_space<vmem>>, vector<1x16xf32>,
        %get3A_866 = vector.shape_cast %get3A_865 : vector<1x16xf32> to vector<16xf32>
        %mul3A_867 = arith.mulf %gather3A_845, %get3A_866 : vector<16xf32>
        %add3A_868 = arith.addf %mul3A_860, %mul3A_867 : vector<16xf32>
        %add3A_869 = arith.constant 8 : i32
        %add3A_870 = arith.addi %mul3A_133, %add3A_869 : i32
        %get3A_871 = arith.index_cast %add3A_870 : i32 to index
        %get3A_872 = arith.constant 64 : index
        %get3A_873 = tpu.vector_load %arg11[%get3A_871, %get3A_872] {strides = array<i32>} : memref<256x128xf32, #tpu.memory_space<vmem>>, vector<1x16xf32>,
        %get3A_874 = vector.shape_cast %get3A_873 : vector<1x16xf32> to vector<16xf32>
        %mul3A_875 = arith.mulf %gather3A_849, %get3A_874 : vector<16xf32>
        %add3A_876 = arith.addf %add3A_868, %mul3A_875 : vector<16xf32>
        %add3A_877 = arith.constant 8 : i32
        %add3A_878 = arith.addi %mul3A_133, %add3A_877 : i32
        %get3A_879 = arith.index_cast %add3A_878 : i32 to index
        %get3A_880 = arith.constant 96 : index
        %get3A_881 = tpu.vector_load %arg11[%get3A_879, %get3A_880] {strides = array<i32>} : memref<256x128xf32, #tpu.memory_space<vmem>>, vector<1x16xf32>,
        %get3A_882 = vector.shape_cast %get3A_881 : vector<1x16xf32> to vector<16xf32>
        %mul3A_883 = arith.mulf %gather3A_853, %get3A_882 : vector<16xf32>
        %add3A_884 = arith.addf %add3A_876, %mul3A_883 : vector<16xf32>
        %add3A_885 = arith.addf %add3A_709, %add3A_884 : vector<16xf32>
        %add3A_886 = arith.constant 8 : i32
        %add3A_887 = arith.addi %mul3A_133, %add3A_886 : i32
        %get3A_888 = arith.index_cast %add3A_887 : i32 to index
        %get3A_889 = arith.constant 16 : index
        %get3A_890 = tpu.vector_load %arg11[%get3A_888, %get3A_889] {strides = array<i32>} : memref<256x128xf32, #tpu.memory_space<vmem>>, vector<1x16xf32>,
        %get3A_891 = vector.shape_cast %get3A_890 : vector<1x16xf32> to vector<16xf32>
        %mul3A_892 = arith.mulf %gather3A_841, %get3A_891 : vector<16xf32>
        %add3A_893 = arith.constant 8 : i32
        %add3A_894 = arith.addi %mul3A_133, %add3A_893 : i32
        %get3A_895 = arith.index_cast %add3A_894 : i32 to index
        %get3A_896 = arith.constant 48 : index
        %get3A_897 = tpu.vector_load %arg11[%get3A_895, %get3A_896] {strides = array<i32>} : memref<256x128xf32, #tpu.memory_space<vmem>>, vector<1x16xf32>,
        %get3A_898 = vector.shape_cast %get3A_897 : vector<1x16xf32> to vector<16xf32>
        %mul3A_899 = arith.mulf %gather3A_845, %get3A_898 : vector<16xf32>
        %add3A_900 = arith.addf %mul3A_892, %mul3A_899 : vector<16xf32>
        %add3A_901 = arith.constant 8 : i32
        %add3A_902 = arith.addi %mul3A_133, %add3A_901 : i32
        %get3A_903 = arith.index_cast %add3A_902 : i32 to index
        %get3A_904 = arith.constant 80 : index
        %get3A_905 = tpu.vector_load %arg11[%get3A_903, %get3A_904] {strides = array<i32>} : memref<256x128xf32, #tpu.memory_space<vmem>>, vector<1x16xf32>,
        %get3A_906 = vector.shape_cast %get3A_905 : vector<1x16xf32> to vector<16xf32>
        %mul3A_907 = arith.mulf %gather3A_849, %get3A_906 : vector<16xf32>
        %add3A_908 = arith.addf %add3A_900, %mul3A_907 : vector<16xf32>
        %add3A_909 = arith.constant 8 : i32
        %add3A_910 = arith.addi %mul3A_133, %add3A_909 : i32
        %get3A_911 = arith.index_cast %add3A_910 : i32 to index
        %get3A_912 = arith.constant 112 : index
        %get3A_913 = tpu.vector_load %arg11[%get3A_911, %get3A_912] {strides = array<i32>} : memref<256x128xf32, #tpu.memory_space<vmem>>, vector<1x16xf32>,
        %get3A_914 = vector.shape_cast %get3A_913 : vector<1x16xf32> to vector<16xf32>
        %mul3A_915 = arith.mulf %gather3A_853, %get3A_914 : vector<16xf32>
        %add3A_916 = arith.addf %add3A_908, %mul3A_915 : vector<16xf32>
        %add3A_917 = arith.addf %add3A_741, %add3A_916 : vector<16xf32>
        %broadcast_in_dim3A_918 = arith.constant 9 : i32
        %broadcast_in_dim3A_919 = vector.broadcast %broadcast_in_dim3A_918 : i32 to vector<16x1xi32>
        %gather3A_920 = vector.shape_cast %broadcast_in_dim3A_919 : vector<16x1xi32> to vector<16xi32>
        %gather3A_921 = tpu.dynamic_gather %get3A_116[%gather3A_920] in [0] : vector<16xf32>, vector<16xi32> -> vector<16xf32>
        %broadcast_in_dim3A_922 = arith.constant 9 : i32
        %broadcast_in_dim3A_923 = vector.broadcast %broadcast_in_dim3A_922 : i32 to vector<16x1xi32>
        %gather3A_924 = vector.shape_cast %broadcast_in_dim3A_923 : vector<16x1xi32> to vector<16xi32>
        %gather3A_925 = tpu.dynamic_gather %get3A_121[%gather3A_924] in [0] : vector<16xf32>, vector<16xi32> -> vector<16xf32>
        %broadcast_in_dim3A_926 = arith.constant 9 : i32
        %broadcast_in_dim3A_927 = vector.broadcast %broadcast_in_dim3A_926 : i32 to vector<16x1xi32>
        %gather3A_928 = vector.shape_cast %broadcast_in_dim3A_927 : vector<16x1xi32> to vector<16xi32>
        %gather3A_929 = tpu.dynamic_gather %get3A_126[%gather3A_928] in [0] : vector<16xf32>, vector<16xi32> -> vector<16xf32>
        %broadcast_in_dim3A_930 = arith.constant 9 : i32
        %broadcast_in_dim3A_931 = vector.broadcast %broadcast_in_dim3A_930 : i32 to vector<16x1xi32>
        %gather3A_932 = vector.shape_cast %broadcast_in_dim3A_931 : vector<16x1xi32> to vector<16xi32>
        %gather3A_933 = tpu.dynamic_gather %get3A_131[%gather3A_932] in [0] : vector<16xf32>, vector<16xi32> -> vector<16xf32>
        %add3A_934 = arith.constant 8 : i32
        %add3A_935 = arith.addi %mul3A_133, %add3A_934 : i32
        %add3A_936 = arith.constant 1 : i32
        %add3A_937 = arith.addi %add3A_935, %add3A_936 : i32
        %get3A_938 = arith.index_cast %add3A_937 : i32 to index
        %get3A_939 = arith.constant 0 : index
        %get3A_940 = tpu.vector_load %arg11[%get3A_938, %get3A_939] {strides = array<i32>} : memref<256x128xf32, #tpu.memory_space<vmem>>, vector<1x16xf32>,
        %get3A_941 = vector.shape_cast %get3A_940 : vector<1x16xf32> to vector<16xf32>
        %mul3A_942 = arith.mulf %gather3A_921, %get3A_941 : vector<16xf32>
        %add3A_943 = arith.constant 8 : i32
        %add3A_944 = arith.addi %mul3A_133, %add3A_943 : i32
        %add3A_945 = arith.constant 1 : i32
        %add3A_946 = arith.addi %add3A_944, %add3A_945 : i32
        %get3A_947 = arith.index_cast %add3A_946 : i32 to index
        %get3A_948 = arith.constant 32 : index
        %get3A_949 = tpu.vector_load %arg11[%get3A_947, %get3A_948] {strides = array<i32>} : memref<256x128xf32, #tpu.memory_space<vmem>>, vector<1x16xf32>,
        %get3A_950 = vector.shape_cast %get3A_949 : vector<1x16xf32> to vector<16xf32>
        %mul3A_951 = arith.mulf %gather3A_925, %get3A_950 : vector<16xf32>
        %add3A_952 = arith.addf %mul3A_942, %mul3A_951 : vector<16xf32>
        %add3A_953 = arith.constant 8 : i32
        %add3A_954 = arith.addi %mul3A_133, %add3A_953 : i32
        %add3A_955 = arith.constant 1 : i32
        %add3A_956 = arith.addi %add3A_954, %add3A_955 : i32
        %get3A_957 = arith.index_cast %add3A_956 : i32 to index
        %get3A_958 = arith.constant 64 : index
        %get3A_959 = tpu.vector_load %arg11[%get3A_957, %get3A_958] {strides = array<i32>} : memref<256x128xf32, #tpu.memory_space<vmem>>, vector<1x16xf32>,
        %get3A_960 = vector.shape_cast %get3A_959 : vector<1x16xf32> to vector<16xf32>
        %mul3A_961 = arith.mulf %gather3A_929, %get3A_960 : vector<16xf32>
        %add3A_962 = arith.addf %add3A_952, %mul3A_961 : vector<16xf32>
        %add3A_963 = arith.constant 8 : i32
        %add3A_964 = arith.addi %mul3A_133, %add3A_963 : i32
        %add3A_965 = arith.constant 1 : i32
        %add3A_966 = arith.addi %add3A_964, %add3A_965 : i32
        %get3A_967 = arith.index_cast %add3A_966 : i32 to index
        %get3A_968 = arith.constant 96 : index
        %get3A_969 = tpu.vector_load %arg11[%get3A_967, %get3A_968] {strides = array<i32>} : memref<256x128xf32, #tpu.memory_space<vmem>>, vector<1x16xf32>,
        %get3A_970 = vector.shape_cast %get3A_969 : vector<1x16xf32> to vector<16xf32>
        %mul3A_971 = arith.mulf %gather3A_933, %get3A_970 : vector<16xf32>
        %add3A_972 = arith.addf %add3A_962, %mul3A_971 : vector<16xf32>
        %add3A_973 = arith.addf %add3A_797, %add3A_972 : vector<16xf32>
        %add3A_974 = arith.constant 8 : i32
        %add3A_975 = arith.addi %mul3A_133, %add3A_974 : i32
        %add3A_976 = arith.constant 1 : i32
        %add3A_977 = arith.addi %add3A_975, %add3A_976 : i32
        %get3A_978 = arith.index_cast %add3A_977 : i32 to index
        %get3A_979 = arith.constant 16 : index
        %get3A_980 = tpu.vector_load %arg11[%get3A_978, %get3A_979] {strides = array<i32>} : memref<256x128xf32, #tpu.memory_space<vmem>>, vector<1x16xf32>,
        %get3A_981 = vector.shape_cast %get3A_980 : vector<1x16xf32> to vector<16xf32>
        %mul3A_982 = arith.mulf %gather3A_921, %get3A_981 : vector<16xf32>
        %add3A_983 = arith.constant 8 : i32
        %add3A_984 = arith.addi %mul3A_133, %add3A_983 : i32
        %add3A_985 = arith.constant 1 : i32
        %add3A_986 = arith.addi %add3A_984, %add3A_985 : i32
        %get3A_987 = arith.index_cast %add3A_986 : i32 to index
        %get3A_988 = arith.constant 48 : index
        %get3A_989 = tpu.vector_load %arg11[%get3A_987, %get3A_988] {strides = array<i32>} : memref<256x128xf32, #tpu.memory_space<vmem>>, vector<1x16xf32>,
        %get3A_990 = vector.shape_cast %get3A_989 : vector<1x16xf32> to vector<16xf32>
        %mul3A_991 = arith.mulf %gather3A_925, %get3A_990 : vector<16xf32>
        %add3A_992 = arith.addf %mul3A_982, %mul3A_991 : vector<16xf32>
        %add3A_993 = arith.constant 8 : i32
        %add3A_994 = arith.addi %mul3A_133, %add3A_993 : i32
        %add3A_995 = arith.constant 1 : i32
        %add3A_996 = arith.addi %add3A_994, %add3A_995 : i32
        %get3A_997 = arith.index_cast %add3A_996 : i32 to index
        %get3A_998 = arith.constant 80 : index
        %get3A_999 = tpu.vector_load %arg11[%get3A_997, %get3A_998] {strides = array<i32>} : memref<256x128xf32, #tpu.memory_space<vmem>>, vector<1x16xf32>,
        %get3A_1000 = vector.shape_cast %get3A_999 : vector<1x16xf32> to vector<16xf32>
        %mul3A_1001 = arith.mulf %gather3A_929, %get3A_1000 : vector<16xf32>
        %add3A_1002 = arith.addf %add3A_992, %mul3A_1001 : vector<16xf32>
        %add3A_1003 = arith.constant 8 : i32
        %add3A_1004 = arith.addi %mul3A_133, %add3A_1003 : i32
        %add3A_1005 = arith.constant 1 : i32
        %add3A_1006 = arith.addi %add3A_1004, %add3A_1005 : i32
        %get3A_1007 = arith.index_cast %add3A_1006 : i32 to index
        %get3A_1008 = arith.constant 112 : index
        %get3A_1009 = tpu.vector_load %arg11[%get3A_1007, %get3A_1008] {strides = array<i32>} : memref<256x128xf32, #tpu.memory_space<vmem>>, vector<1x16xf32>,
        %get3A_1010 = vector.shape_cast %get3A_1009 : vector<1x16xf32> to vector<16xf32>
        %mul3A_1011 = arith.mulf %gather3A_933, %get3A_1010 : vector<16xf32>
        %add3A_1012 = arith.addf %add3A_1002, %mul3A_1011 : vector<16xf32>
        %add3A_1013 = arith.addf %add3A_837, %add3A_1012 : vector<16xf32>
        %broadcast_in_dim3A_1014 = arith.constant 10 : i32
        %broadcast_in_dim3A_1015 = vector.broadcast %broadcast_in_dim3A_1014 : i32 to vector<16x1xi32>
        %gather3A_1016 = vector.shape_cast %broadcast_in_dim3A_1015 : vector<16x1xi32> to vector<16xi32>
        %gather3A_1017 = tpu.dynamic_gather %get3A_116[%gather3A_1016] in [0] : vector<16xf32>, vector<16xi32> -> vector<16xf32>
        %broadcast_in_dim3A_1018 = arith.constant 10 : i32
        %broadcast_in_dim3A_1019 = vector.broadcast %broadcast_in_dim3A_1018 : i32 to vector<16x1xi32>
        %gather3A_1020 = vector.shape_cast %broadcast_in_dim3A_1019 : vector<16x1xi32> to vector<16xi32>
        %gather3A_1021 = tpu.dynamic_gather %get3A_121[%gather3A_1020] in [0] : vector<16xf32>, vector<16xi32> -> vector<16xf32>
        %broadcast_in_dim3A_1022 = arith.constant 10 : i32
        %broadcast_in_dim3A_1023 = vector.broadcast %broadcast_in_dim3A_1022 : i32 to vector<16x1xi32>
        %gather3A_1024 = vector.shape_cast %broadcast_in_dim3A_1023 : vector<16x1xi32> to vector<16xi32>
        %gather3A_1025 = tpu.dynamic_gather %get3A_126[%gather3A_1024] in [0] : vector<16xf32>, vector<16xi32> -> vector<16xf32>
        %broadcast_in_dim3A_1026 = arith.constant 10 : i32
        %broadcast_in_dim3A_1027 = vector.broadcast %broadcast_in_dim3A_1026 : i32 to vector<16x1xi32>
        %gather3A_1028 = vector.shape_cast %broadcast_in_dim3A_1027 : vector<16x1xi32> to vector<16xi32>
        %gather3A_1029 = tpu.dynamic_gather %get3A_131[%gather3A_1028] in [0] : vector<16xf32>, vector<16xi32> -> vector<16xf32>
        %add3A_1030 = arith.constant 10 : i32
        %add3A_1031 = arith.addi %mul3A_133, %add3A_1030 : i32
        %get3A_1032 = arith.index_cast %add3A_1031 : i32 to index
        %get3A_1033 = arith.constant 0 : index
        %get3A_1034 = tpu.vector_load %arg11[%get3A_1032, %get3A_1033] {strides = array<i32>} : memref<256x128xf32, #tpu.memory_space<vmem>>, vector<1x16xf32>,
        %get3A_1035 = vector.shape_cast %get3A_1034 : vector<1x16xf32> to vector<16xf32>
        %mul3A_1036 = arith.mulf %gather3A_1017, %get3A_1035 : vector<16xf32>
        %add3A_1037 = arith.constant 10 : i32
        %add3A_1038 = arith.addi %mul3A_133, %add3A_1037 : i32
        %get3A_1039 = arith.index_cast %add3A_1038 : i32 to index
        %get3A_1040 = arith.constant 32 : index
        %get3A_1041 = tpu.vector_load %arg11[%get3A_1039, %get3A_1040] {strides = array<i32>} : memref<256x128xf32, #tpu.memory_space<vmem>>, vector<1x16xf32>,
        %get3A_1042 = vector.shape_cast %get3A_1041 : vector<1x16xf32> to vector<16xf32>
        %mul3A_1043 = arith.mulf %gather3A_1021, %get3A_1042 : vector<16xf32>
        %add3A_1044 = arith.addf %mul3A_1036, %mul3A_1043 : vector<16xf32>
        %add3A_1045 = arith.constant 10 : i32
        %add3A_1046 = arith.addi %mul3A_133, %add3A_1045 : i32
        %get3A_1047 = arith.index_cast %add3A_1046 : i32 to index
        %get3A_1048 = arith.constant 64 : index
        %get3A_1049 = tpu.vector_load %arg11[%get3A_1047, %get3A_1048] {strides = array<i32>} : memref<256x128xf32, #tpu.memory_space<vmem>>, vector<1x16xf32>,
        %get3A_1050 = vector.shape_cast %get3A_1049 : vector<1x16xf32> to vector<16xf32>
        %mul3A_1051 = arith.mulf %gather3A_1025, %get3A_1050 : vector<16xf32>
        %add3A_1052 = arith.addf %add3A_1044, %mul3A_1051 : vector<16xf32>
        %add3A_1053 = arith.constant 10 : i32
        %add3A_1054 = arith.addi %mul3A_133, %add3A_1053 : i32
        %get3A_1055 = arith.index_cast %add3A_1054 : i32 to index
        %get3A_1056 = arith.constant 96 : index
        %get3A_1057 = tpu.vector_load %arg11[%get3A_1055, %get3A_1056] {strides = array<i32>} : memref<256x128xf32, #tpu.memory_space<vmem>>, vector<1x16xf32>,
        %get3A_1058 = vector.shape_cast %get3A_1057 : vector<1x16xf32> to vector<16xf32>
        %mul3A_1059 = arith.mulf %gather3A_1029, %get3A_1058 : vector<16xf32>
        %add3A_1060 = arith.addf %add3A_1052, %mul3A_1059 : vector<16xf32>
        %add3A_1061 = arith.addf %add3A_885, %add3A_1060 : vector<16xf32>
        %add3A_1062 = arith.constant 10 : i32
        %add3A_1063 = arith.addi %mul3A_133, %add3A_1062 : i32
        %get3A_1064 = arith.index_cast %add3A_1063 : i32 to index
        %get3A_1065 = arith.constant 16 : index
        %get3A_1066 = tpu.vector_load %arg11[%get3A_1064, %get3A_1065] {strides = array<i32>} : memref<256x128xf32, #tpu.memory_space<vmem>>, vector<1x16xf32>,
        %get3A_1067 = vector.shape_cast %get3A_1066 : vector<1x16xf32> to vector<16xf32>
        %mul3A_1068 = arith.mulf %gather3A_1017, %get3A_1067 : vector<16xf32>
        %add3A_1069 = arith.constant 10 : i32
        %add3A_1070 = arith.addi %mul3A_133, %add3A_1069 : i32
        %get3A_1071 = arith.index_cast %add3A_1070 : i32 to index
        %get3A_1072 = arith.constant 48 : index
        %get3A_1073 = tpu.vector_load %arg11[%get3A_1071, %get3A_1072] {strides = array<i32>} : memref<256x128xf32, #tpu.memory_space<vmem>>, vector<1x16xf32>,
        %get3A_1074 = vector.shape_cast %get3A_1073 : vector<1x16xf32> to vector<16xf32>
        %mul3A_1075 = arith.mulf %gather3A_1021, %get3A_1074 : vector<16xf32>
        %add3A_1076 = arith.addf %mul3A_1068, %mul3A_1075 : vector<16xf32>
        %add3A_1077 = arith.constant 10 : i32
        %add3A_1078 = arith.addi %mul3A_133, %add3A_1077 : i32
        %get3A_1079 = arith.index_cast %add3A_1078 : i32 to index
        %get3A_1080 = arith.constant 80 : index
        %get3A_1081 = tpu.vector_load %arg11[%get3A_1079, %get3A_1080] {strides = array<i32>} : memref<256x128xf32, #tpu.memory_space<vmem>>, vector<1x16xf32>,
        %get3A_1082 = vector.shape_cast %get3A_1081 : vector<1x16xf32> to vector<16xf32>
        %mul3A_1083 = arith.mulf %gather3A_1025, %get3A_1082 : vector<16xf32>
        %add3A_1084 = arith.addf %add3A_1076, %mul3A_1083 : vector<16xf32>
        %add3A_1085 = arith.constant 10 : i32
        %add3A_1086 = arith.addi %mul3A_133, %add3A_1085 : i32
        %get3A_1087 = arith.index_cast %add3A_1086 : i32 to index
        %get3A_1088 = arith.constant 112 : index
        %get3A_1089 = tpu.vector_load %arg11[%get3A_1087, %get3A_1088] {strides = array<i32>} : memref<256x128xf32, #tpu.memory_space<vmem>>, vector<1x16xf32>,
        %get3A_1090 = vector.shape_cast %get3A_1089 : vector<1x16xf32> to vector<16xf32>
        %mul3A_1091 = arith.mulf %gather3A_1029, %get3A_1090 : vector<16xf32>
        %add3A_1092 = arith.addf %add3A_1084, %mul3A_1091 : vector<16xf32>
        %add3A_1093 = arith.addf %add3A_917, %add3A_1092 : vector<16xf32>
        %broadcast_in_dim3A_1094 = arith.constant 11 : i32
        %broadcast_in_dim3A_1095 = vector.broadcast %broadcast_in_dim3A_1094 : i32 to vector<16x1xi32>
        %gather3A_1096 = vector.shape_cast %broadcast_in_dim3A_1095 : vector<16x1xi32> to vector<16xi32>
        %gather3A_1097 = tpu.dynamic_gather %get3A_116[%gather3A_1096] in [0] : vector<16xf32>, vector<16xi32> -> vector<16xf32>
        %broadcast_in_dim3A_1098 = arith.constant 11 : i32
        %broadcast_in_dim3A_1099 = vector.broadcast %broadcast_in_dim3A_1098 : i32 to vector<16x1xi32>
        %gather3A_1100 = vector.shape_cast %broadcast_in_dim3A_1099 : vector<16x1xi32> to vector<16xi32>
        %gather3A_1101 = tpu.dynamic_gather %get3A_121[%gather3A_1100] in [0] : vector<16xf32>, vector<16xi32> -> vector<16xf32>
        %broadcast_in_dim3A_1102 = arith.constant 11 : i32
        %broadcast_in_dim3A_1103 = vector.broadcast %broadcast_in_dim3A_1102 : i32 to vector<16x1xi32>
        %gather3A_1104 = vector.shape_cast %broadcast_in_dim3A_1103 : vector<16x1xi32> to vector<16xi32>
        %gather3A_1105 = tpu.dynamic_gather %get3A_126[%gather3A_1104] in [0] : vector<16xf32>, vector<16xi32> -> vector<16xf32>
        %broadcast_in_dim3A_1106 = arith.constant 11 : i32
        %broadcast_in_dim3A_1107 = vector.broadcast %broadcast_in_dim3A_1106 : i32 to vector<16x1xi32>
        %gather3A_1108 = vector.shape_cast %broadcast_in_dim3A_1107 : vector<16x1xi32> to vector<16xi32>
        %gather3A_1109 = tpu.dynamic_gather %get3A_131[%gather3A_1108] in [0] : vector<16xf32>, vector<16xi32> -> vector<16xf32>
        %add3A_1110 = arith.constant 10 : i32
        %add3A_1111 = arith.addi %mul3A_133, %add3A_1110 : i32
        %add3A_1112 = arith.constant 1 : i32
        %add3A_1113 = arith.addi %add3A_1111, %add3A_1112 : i32
        %get3A_1114 = arith.index_cast %add3A_1113 : i32 to index
        %get3A_1115 = arith.constant 0 : index
        %get3A_1116 = tpu.vector_load %arg11[%get3A_1114, %get3A_1115] {strides = array<i32>} : memref<256x128xf32, #tpu.memory_space<vmem>>, vector<1x16xf32>,
        %get3A_1117 = vector.shape_cast %get3A_1116 : vector<1x16xf32> to vector<16xf32>
        %mul3A_1118 = arith.mulf %gather3A_1097, %get3A_1117 : vector<16xf32>
        %add3A_1119 = arith.constant 10 : i32
        %add3A_1120 = arith.addi %mul3A_133, %add3A_1119 : i32
        %add3A_1121 = arith.constant 1 : i32
        %add3A_1122 = arith.addi %add3A_1120, %add3A_1121 : i32
        %get3A_1123 = arith.index_cast %add3A_1122 : i32 to index
        %get3A_1124 = arith.constant 32 : index
        %get3A_1125 = tpu.vector_load %arg11[%get3A_1123, %get3A_1124] {strides = array<i32>} : memref<256x128xf32, #tpu.memory_space<vmem>>, vector<1x16xf32>,
        %get3A_1126 = vector.shape_cast %get3A_1125 : vector<1x16xf32> to vector<16xf32>
        %mul3A_1127 = arith.mulf %gather3A_1101, %get3A_1126 : vector<16xf32>
        %add3A_1128 = arith.addf %mul3A_1118, %mul3A_1127 : vector<16xf32>
        %add3A_1129 = arith.constant 10 : i32
        %add3A_1130 = arith.addi %mul3A_133, %add3A_1129 : i32
        %add3A_1131 = arith.constant 1 : i32
        %add3A_1132 = arith.addi %add3A_1130, %add3A_1131 : i32
        %get3A_1133 = arith.index_cast %add3A_1132 : i32 to index
        %get3A_1134 = arith.constant 64 : index
        %get3A_1135 = tpu.vector_load %arg11[%get3A_1133, %get3A_1134] {strides = array<i32>} : memref<256x128xf32, #tpu.memory_space<vmem>>, vector<1x16xf32>,
        %get3A_1136 = vector.shape_cast %get3A_1135 : vector<1x16xf32> to vector<16xf32>
        %mul3A_1137 = arith.mulf %gather3A_1105, %get3A_1136 : vector<16xf32>
        %add3A_1138 = arith.addf %add3A_1128, %mul3A_1137 : vector<16xf32>
        %add3A_1139 = arith.constant 10 : i32
        %add3A_1140 = arith.addi %mul3A_133, %add3A_1139 : i32
        %add3A_1141 = arith.constant 1 : i32
        %add3A_1142 = arith.addi %add3A_1140, %add3A_1141 : i32
        %get3A_1143 = arith.index_cast %add3A_1142 : i32 to index
        %get3A_1144 = arith.constant 96 : index
        %get3A_1145 = tpu.vector_load %arg11[%get3A_1143, %get3A_1144] {strides = array<i32>} : memref<256x128xf32, #tpu.memory_space<vmem>>, vector<1x16xf32>,
        %get3A_1146 = vector.shape_cast %get3A_1145 : vector<1x16xf32> to vector<16xf32>
        %mul3A_1147 = arith.mulf %gather3A_1109, %get3A_1146 : vector<16xf32>
        %add3A_1148 = arith.addf %add3A_1138, %mul3A_1147 : vector<16xf32>
        %add3A_1149 = arith.addf %add3A_973, %add3A_1148 : vector<16xf32>
        %add3A_1150 = arith.constant 10 : i32
        %add3A_1151 = arith.addi %mul3A_133, %add3A_1150 : i32
        %add3A_1152 = arith.constant 1 : i32
        %add3A_1153 = arith.addi %add3A_1151, %add3A_1152 : i32
        %get3A_1154 = arith.index_cast %add3A_1153 : i32 to index
        %get3A_1155 = arith.constant 16 : index
        %get3A_1156 = tpu.vector_load %arg11[%get3A_1154, %get3A_1155] {strides = array<i32>} : memref<256x128xf32, #tpu.memory_space<vmem>>, vector<1x16xf32>,
        %get3A_1157 = vector.shape_cast %get3A_1156 : vector<1x16xf32> to vector<16xf32>
        %mul3A_1158 = arith.mulf %gather3A_1097, %get3A_1157 : vector<16xf32>
        %add3A_1159 = arith.constant 10 : i32
        %add3A_1160 = arith.addi %mul3A_133, %add3A_1159 : i32
        %add3A_1161 = arith.constant 1 : i32
        %add3A_1162 = arith.addi %add3A_1160, %add3A_1161 : i32
        %get3A_1163 = arith.index_cast %add3A_1162 : i32 to index
        %get3A_1164 = arith.constant 48 : index
        %get3A_1165 = tpu.vector_load %arg11[%get3A_1163, %get3A_1164] {strides = array<i32>} : memref<256x128xf32, #tpu.memory_space<vmem>>, vector<1x16xf32>,
        %get3A_1166 = vector.shape_cast %get3A_1165 : vector<1x16xf32> to vector<16xf32>
        %mul3A_1167 = arith.mulf %gather3A_1101, %get3A_1166 : vector<16xf32>
        %add3A_1168 = arith.addf %mul3A_1158, %mul3A_1167 : vector<16xf32>
        %add3A_1169 = arith.constant 10 : i32
        %add3A_1170 = arith.addi %mul3A_133, %add3A_1169 : i32
        %add3A_1171 = arith.constant 1 : i32
        %add3A_1172 = arith.addi %add3A_1170, %add3A_1171 : i32
        %get3A_1173 = arith.index_cast %add3A_1172 : i32 to index
        %get3A_1174 = arith.constant 80 : index
        %get3A_1175 = tpu.vector_load %arg11[%get3A_1173, %get3A_1174] {strides = array<i32>} : memref<256x128xf32, #tpu.memory_space<vmem>>, vector<1x16xf32>,
        %get3A_1176 = vector.shape_cast %get3A_1175 : vector<1x16xf32> to vector<16xf32>
        %mul3A_1177 = arith.mulf %gather3A_1105, %get3A_1176 : vector<16xf32>
        %add3A_1178 = arith.addf %add3A_1168, %mul3A_1177 : vector<16xf32>
        %add3A_1179 = arith.constant 10 : i32
        %add3A_1180 = arith.addi %mul3A_133, %add3A_1179 : i32
        %add3A_1181 = arith.constant 1 : i32
        %add3A_1182 = arith.addi %add3A_1180, %add3A_1181 : i32
        %get3A_1183 = arith.index_cast %add3A_1182 : i32 to index
        %get3A_1184 = arith.constant 112 : index
        %get3A_1185 = tpu.vector_load %arg11[%get3A_1183, %get3A_1184] {strides = array<i32>} : memref<256x128xf32, #tpu.memory_space<vmem>>, vector<1x16xf32>,
        %get3A_1186 = vector.shape_cast %get3A_1185 : vector<1x16xf32> to vector<16xf32>
        %mul3A_1187 = arith.mulf %gather3A_1109, %get3A_1186 : vector<16xf32>
        %add3A_1188 = arith.addf %add3A_1178, %mul3A_1187 : vector<16xf32>
        %add3A_1189 = arith.addf %add3A_1013, %add3A_1188 : vector<16xf32>
        %broadcast_in_dim3A_1190 = arith.constant 12 : i32
        %broadcast_in_dim3A_1191 = vector.broadcast %broadcast_in_dim3A_1190 : i32 to vector<16x1xi32>
        %gather3A_1192 = vector.shape_cast %broadcast_in_dim3A_1191 : vector<16x1xi32> to vector<16xi32>
        %gather3A_1193 = tpu.dynamic_gather %get3A_116[%gather3A_1192] in [0] : vector<16xf32>, vector<16xi32> -> vector<16xf32>
        %broadcast_in_dim3A_1194 = arith.constant 12 : i32
        %broadcast_in_dim3A_1195 = vector.broadcast %broadcast_in_dim3A_1194 : i32 to vector<16x1xi32>
        %gather3A_1196 = vector.shape_cast %broadcast_in_dim3A_1195 : vector<16x1xi32> to vector<16xi32>
        %gather3A_1197 = tpu.dynamic_gather %get3A_121[%gather3A_1196] in [0] : vector<16xf32>, vector<16xi32> -> vector<16xf32>
        %broadcast_in_dim3A_1198 = arith.constant 12 : i32
        %broadcast_in_dim3A_1199 = vector.broadcast %broadcast_in_dim3A_1198 : i32 to vector<16x1xi32>
        %gather3A_1200 = vector.shape_cast %broadcast_in_dim3A_1199 : vector<16x1xi32> to vector<16xi32>
        %gather3A_1201 = tpu.dynamic_gather %get3A_126[%gather3A_1200] in [0] : vector<16xf32>, vector<16xi32> -> vector<16xf32>
        %broadcast_in_dim3A_1202 = arith.constant 12 : i32
        %broadcast_in_dim3A_1203 = vector.broadcast %broadcast_in_dim3A_1202 : i32 to vector<16x1xi32>
        %gather3A_1204 = vector.shape_cast %broadcast_in_dim3A_1203 : vector<16x1xi32> to vector<16xi32>
        %gather3A_1205 = tpu.dynamic_gather %get3A_131[%gather3A_1204] in [0] : vector<16xf32>, vector<16xi32> -> vector<16xf32>
        %add3A_1206 = arith.constant 12 : i32
        %add3A_1207 = arith.addi %mul3A_133, %add3A_1206 : i32
        %get3A_1208 = arith.index_cast %add3A_1207 : i32 to index
        %get3A_1209 = arith.constant 0 : index
        %get3A_1210 = tpu.vector_load %arg11[%get3A_1208, %get3A_1209] {strides = array<i32>} : memref<256x128xf32, #tpu.memory_space<vmem>>, vector<1x16xf32>,
        %get3A_1211 = vector.shape_cast %get3A_1210 : vector<1x16xf32> to vector<16xf32>
        %mul3A_1212 = arith.mulf %gather3A_1193, %get3A_1211 : vector<16xf32>
        %add3A_1213 = arith.constant 12 : i32
        %add3A_1214 = arith.addi %mul3A_133, %add3A_1213 : i32
        %get3A_1215 = arith.index_cast %add3A_1214 : i32 to index
        %get3A_1216 = arith.constant 32 : index
        %get3A_1217 = tpu.vector_load %arg11[%get3A_1215, %get3A_1216] {strides = array<i32>} : memref<256x128xf32, #tpu.memory_space<vmem>>, vector<1x16xf32>,
        %get3A_1218 = vector.shape_cast %get3A_1217 : vector<1x16xf32> to vector<16xf32>
        %mul3A_1219 = arith.mulf %gather3A_1197, %get3A_1218 : vector<16xf32>
        %add3A_1220 = arith.addf %mul3A_1212, %mul3A_1219 : vector<16xf32>
        %add3A_1221 = arith.constant 12 : i32
        %add3A_1222 = arith.addi %mul3A_133, %add3A_1221 : i32
        %get3A_1223 = arith.index_cast %add3A_1222 : i32 to index
        %get3A_1224 = arith.constant 64 : index
        %get3A_1225 = tpu.vector_load %arg11[%get3A_1223, %get3A_1224] {strides = array<i32>} : memref<256x128xf32, #tpu.memory_space<vmem>>, vector<1x16xf32>,
        %get3A_1226 = vector.shape_cast %get3A_1225 : vector<1x16xf32> to vector<16xf32>
        %mul3A_1227 = arith.mulf %gather3A_1201, %get3A_1226 : vector<16xf32>
        %add3A_1228 = arith.addf %add3A_1220, %mul3A_1227 : vector<16xf32>
        %add3A_1229 = arith.constant 12 : i32
        %add3A_1230 = arith.addi %mul3A_133, %add3A_1229 : i32
        %get3A_1231 = arith.index_cast %add3A_1230 : i32 to index
        %get3A_1232 = arith.constant 96 : index
        %get3A_1233 = tpu.vector_load %arg11[%get3A_1231, %get3A_1232] {strides = array<i32>} : memref<256x128xf32, #tpu.memory_space<vmem>>, vector<1x16xf32>,
        %get3A_1234 = vector.shape_cast %get3A_1233 : vector<1x16xf32> to vector<16xf32>
        %mul3A_1235 = arith.mulf %gather3A_1205, %get3A_1234 : vector<16xf32>
        %add3A_1236 = arith.addf %add3A_1228, %mul3A_1235 : vector<16xf32>
        %add3A_1237 = arith.addf %add3A_1061, %add3A_1236 : vector<16xf32>
        %add3A_1238 = arith.constant 12 : i32
        %add3A_1239 = arith.addi %mul3A_133, %add3A_1238 : i32
        %get3A_1240 = arith.index_cast %add3A_1239 : i32 to index
        %get3A_1241 = arith.constant 16 : index
        %get3A_1242 = tpu.vector_load %arg11[%get3A_1240, %get3A_1241] {strides = array<i32>} : memref<256x128xf32, #tpu.memory_space<vmem>>, vector<1x16xf32>,
        %get3A_1243 = vector.shape_cast %get3A_1242 : vector<1x16xf32> to vector<16xf32>
        %mul3A_1244 = arith.mulf %gather3A_1193, %get3A_1243 : vector<16xf32>
        %add3A_1245 = arith.constant 12 : i32
        %add3A_1246 = arith.addi %mul3A_133, %add3A_1245 : i32
        %get3A_1247 = arith.index_cast %add3A_1246 : i32 to index
        %get3A_1248 = arith.constant 48 : index
        %get3A_1249 = tpu.vector_load %arg11[%get3A_1247, %get3A_1248] {strides = array<i32>} : memref<256x128xf32, #tpu.memory_space<vmem>>, vector<1x16xf32>,
        %get3A_1250 = vector.shape_cast %get3A_1249 : vector<1x16xf32> to vector<16xf32>
        %mul3A_1251 = arith.mulf %gather3A_1197, %get3A_1250 : vector<16xf32>
        %add3A_1252 = arith.addf %mul3A_1244, %mul3A_1251 : vector<16xf32>
        %add3A_1253 = arith.constant 12 : i32
        %add3A_1254 = arith.addi %mul3A_133, %add3A_1253 : i32
        %get3A_1255 = arith.index_cast %add3A_1254 : i32 to index
        %get3A_1256 = arith.constant 80 : index
        %get3A_1257 = tpu.vector_load %arg11[%get3A_1255, %get3A_1256] {strides = array<i32>} : memref<256x128xf32, #tpu.memory_space<vmem>>, vector<1x16xf32>,
        %get3A_1258 = vector.shape_cast %get3A_1257 : vector<1x16xf32> to vector<16xf32>
        %mul3A_1259 = arith.mulf %gather3A_1201, %get3A_1258 : vector<16xf32>
        %add3A_1260 = arith.addf %add3A_1252, %mul3A_1259 : vector<16xf32>
        %add3A_1261 = arith.constant 12 : i32
        %add3A_1262 = arith.addi %mul3A_133, %add3A_1261 : i32
        %get3A_1263 = arith.index_cast %add3A_1262 : i32 to index
        %get3A_1264 = arith.constant 112 : index
        %get3A_1265 = tpu.vector_load %arg11[%get3A_1263, %get3A_1264] {strides = array<i32>} : memref<256x128xf32, #tpu.memory_space<vmem>>, vector<1x16xf32>,
        %get3A_1266 = vector.shape_cast %get3A_1265 : vector<1x16xf32> to vector<16xf32>
        %mul3A_1267 = arith.mulf %gather3A_1205, %get3A_1266 : vector<16xf32>
        %add3A_1268 = arith.addf %add3A_1260, %mul3A_1267 : vector<16xf32>
        %add3A_1269 = arith.addf %add3A_1093, %add3A_1268 : vector<16xf32>
        %broadcast_in_dim3A_1270 = arith.constant 13 : i32
        %broadcast_in_dim3A_1271 = vector.broadcast %broadcast_in_dim3A_1270 : i32 to vector<16x1xi32>
        %gather3A_1272 = vector.shape_cast %broadcast_in_dim3A_1271 : vector<16x1xi32> to vector<16xi32>
        %gather3A_1273 = tpu.dynamic_gather %get3A_116[%gather3A_1272] in [0] : vector<16xf32>, vector<16xi32> -> vector<16xf32>
        %broadcast_in_dim3A_1274 = arith.constant 13 : i32
        %broadcast_in_dim3A_1275 = vector.broadcast %broadcast_in_dim3A_1274 : i32 to vector<16x1xi32>
        %gather3A_1276 = vector.shape_cast %broadcast_in_dim3A_1275 : vector<16x1xi32> to vector<16xi32>
        %gather3A_1277 = tpu.dynamic_gather %get3A_121[%gather3A_1276] in [0] : vector<16xf32>, vector<16xi32> -> vector<16xf32>
        %broadcast_in_dim3A_1278 = arith.constant 13 : i32
        %broadcast_in_dim3A_1279 = vector.broadcast %broadcast_in_dim3A_1278 : i32 to vector<16x1xi32>
        %gather3A_1280 = vector.shape_cast %broadcast_in_dim3A_1279 : vector<16x1xi32> to vector<16xi32>
        %gather3A_1281 = tpu.dynamic_gather %get3A_126[%gather3A_1280] in [0] : vector<16xf32>, vector<16xi32> -> vector<16xf32>
        %broadcast_in_dim3A_1282 = arith.constant 13 : i32
        %broadcast_in_dim3A_1283 = vector.broadcast %broadcast_in_dim3A_1282 : i32 to vector<16x1xi32>
        %gather3A_1284 = vector.shape_cast %broadcast_in_dim3A_1283 : vector<16x1xi32> to vector<16xi32>
        %gather3A_1285 = tpu.dynamic_gather %get3A_131[%gather3A_1284] in [0] : vector<16xf32>, vector<16xi32> -> vector<16xf32>
        %add3A_1286 = arith.constant 12 : i32
        %add3A_1287 = arith.addi %mul3A_133, %add3A_1286 : i32
        %add3A_1288 = arith.constant 1 : i32
        %add3A_1289 = arith.addi %add3A_1287, %add3A_1288 : i32
        %get3A_1290 = arith.index_cast %add3A_1289 : i32 to index
        %get3A_1291 = arith.constant 0 : index
        %get3A_1292 = tpu.vector_load %arg11[%get3A_1290, %get3A_1291] {strides = array<i32>} : memref<256x128xf32, #tpu.memory_space<vmem>>, vector<1x16xf32>,
        %get3A_1293 = vector.shape_cast %get3A_1292 : vector<1x16xf32> to vector<16xf32>
        %mul3A_1294 = arith.mulf %gather3A_1273, %get3A_1293 : vector<16xf32>
        %add3A_1295 = arith.constant 12 : i32
        %add3A_1296 = arith.addi %mul3A_133, %add3A_1295 : i32
        %add3A_1297 = arith.constant 1 : i32
        %add3A_1298 = arith.addi %add3A_1296, %add3A_1297 : i32
        %get3A_1299 = arith.index_cast %add3A_1298 : i32 to index
        %get3A_1300 = arith.constant 32 : index
        %get3A_1301 = tpu.vector_load %arg11[%get3A_1299, %get3A_1300] {strides = array<i32>} : memref<256x128xf32, #tpu.memory_space<vmem>>, vector<1x16xf32>,
        %get3A_1302 = vector.shape_cast %get3A_1301 : vector<1x16xf32> to vector<16xf32>
        %mul3A_1303 = arith.mulf %gather3A_1277, %get3A_1302 : vector<16xf32>
        %add3A_1304 = arith.addf %mul3A_1294, %mul3A_1303 : vector<16xf32>
        %add3A_1305 = arith.constant 12 : i32
        %add3A_1306 = arith.addi %mul3A_133, %add3A_1305 : i32
        %add3A_1307 = arith.constant 1 : i32
        %add3A_1308 = arith.addi %add3A_1306, %add3A_1307 : i32
        %get3A_1309 = arith.index_cast %add3A_1308 : i32 to index
        %get3A_1310 = arith.constant 64 : index
        %get3A_1311 = tpu.vector_load %arg11[%get3A_1309, %get3A_1310] {strides = array<i32>} : memref<256x128xf32, #tpu.memory_space<vmem>>, vector<1x16xf32>,
        %get3A_1312 = vector.shape_cast %get3A_1311 : vector<1x16xf32> to vector<16xf32>
        %mul3A_1313 = arith.mulf %gather3A_1281, %get3A_1312 : vector<16xf32>
        %add3A_1314 = arith.addf %add3A_1304, %mul3A_1313 : vector<16xf32>
        %add3A_1315 = arith.constant 12 : i32
        %add3A_1316 = arith.addi %mul3A_133, %add3A_1315 : i32
        %add3A_1317 = arith.constant 1 : i32
        %add3A_1318 = arith.addi %add3A_1316, %add3A_1317 : i32
        %get3A_1319 = arith.index_cast %add3A_1318 : i32 to index
        %get3A_1320 = arith.constant 96 : index
        %get3A_1321 = tpu.vector_load %arg11[%get3A_1319, %get3A_1320] {strides = array<i32>} : memref<256x128xf32, #tpu.memory_space<vmem>>, vector<1x16xf32>,
        %get3A_1322 = vector.shape_cast %get3A_1321 : vector<1x16xf32> to vector<16xf32>
        %mul3A_1323 = arith.mulf %gather3A_1285, %get3A_1322 : vector<16xf32>
        %add3A_1324 = arith.addf %add3A_1314, %mul3A_1323 : vector<16xf32>
        %add3A_1325 = arith.addf %add3A_1149, %add3A_1324 : vector<16xf32>
        %add3A_1326 = arith.constant 12 : i32
        %add3A_1327 = arith.addi %mul3A_133, %add3A_1326 : i32
        %add3A_1328 = arith.constant 1 : i32
        %add3A_1329 = arith.addi %add3A_1327, %add3A_1328 : i32
        %get3A_1330 = arith.index_cast %add3A_1329 : i32 to index
        %get3A_1331 = arith.constant 16 : index
        %get3A_1332 = tpu.vector_load %arg11[%get3A_1330, %get3A_1331] {strides = array<i32>} : memref<256x128xf32, #tpu.memory_space<vmem>>, vector<1x16xf32>,
        %get3A_1333 = vector.shape_cast %get3A_1332 : vector<1x16xf32> to vector<16xf32>
        %mul3A_1334 = arith.mulf %gather3A_1273, %get3A_1333 : vector<16xf32>
        %add3A_1335 = arith.constant 12 : i32
        %add3A_1336 = arith.addi %mul3A_133, %add3A_1335 : i32
        %add3A_1337 = arith.constant 1 : i32
        %add3A_1338 = arith.addi %add3A_1336, %add3A_1337 : i32
        %get3A_1339 = arith.index_cast %add3A_1338 : i32 to index
        %get3A_1340 = arith.constant 48 : index
        %get3A_1341 = tpu.vector_load %arg11[%get3A_1339, %get3A_1340] {strides = array<i32>} : memref<256x128xf32, #tpu.memory_space<vmem>>, vector<1x16xf32>,
        %get3A_1342 = vector.shape_cast %get3A_1341 : vector<1x16xf32> to vector<16xf32>
        %mul3A_1343 = arith.mulf %gather3A_1277, %get3A_1342 : vector<16xf32>
        %add3A_1344 = arith.addf %mul3A_1334, %mul3A_1343 : vector<16xf32>
        %add3A_1345 = arith.constant 12 : i32
        %add3A_1346 = arith.addi %mul3A_133, %add3A_1345 : i32
        %add3A_1347 = arith.constant 1 : i32
        %add3A_1348 = arith.addi %add3A_1346, %add3A_1347 : i32
        %get3A_1349 = arith.index_cast %add3A_1348 : i32 to index
        %get3A_1350 = arith.constant 80 : index
        %get3A_1351 = tpu.vector_load %arg11[%get3A_1349, %get3A_1350] {strides = array<i32>} : memref<256x128xf32, #tpu.memory_space<vmem>>, vector<1x16xf32>,
        %get3A_1352 = vector.shape_cast %get3A_1351 : vector<1x16xf32> to vector<16xf32>
        %mul3A_1353 = arith.mulf %gather3A_1281, %get3A_1352 : vector<16xf32>
        %add3A_1354 = arith.addf %add3A_1344, %mul3A_1353 : vector<16xf32>
        %add3A_1355 = arith.constant 12 : i32
        %add3A_1356 = arith.addi %mul3A_133, %add3A_1355 : i32
        %add3A_1357 = arith.constant 1 : i32
        %add3A_1358 = arith.addi %add3A_1356, %add3A_1357 : i32
        %get3A_1359 = arith.index_cast %add3A_1358 : i32 to index
        %get3A_1360 = arith.constant 112 : index
        %get3A_1361 = tpu.vector_load %arg11[%get3A_1359, %get3A_1360] {strides = array<i32>} : memref<256x128xf32, #tpu.memory_space<vmem>>, vector<1x16xf32>,
        %get3A_1362 = vector.shape_cast %get3A_1361 : vector<1x16xf32> to vector<16xf32>
        %mul3A_1363 = arith.mulf %gather3A_1285, %get3A_1362 : vector<16xf32>
        %add3A_1364 = arith.addf %add3A_1354, %mul3A_1363 : vector<16xf32>
        %add3A_1365 = arith.addf %add3A_1189, %add3A_1364 : vector<16xf32>
        %broadcast_in_dim3A_1366 = arith.constant 14 : i32
        %broadcast_in_dim3A_1367 = vector.broadcast %broadcast_in_dim3A_1366 : i32 to vector<16x1xi32>
        %gather3A_1368 = vector.shape_cast %broadcast_in_dim3A_1367 : vector<16x1xi32> to vector<16xi32>
        %gather3A_1369 = tpu.dynamic_gather %get3A_116[%gather3A_1368] in [0] : vector<16xf32>, vector<16xi32> -> vector<16xf32>
        %broadcast_in_dim3A_1370 = arith.constant 14 : i32
        %broadcast_in_dim3A_1371 = vector.broadcast %broadcast_in_dim3A_1370 : i32 to vector<16x1xi32>
        %gather3A_1372 = vector.shape_cast %broadcast_in_dim3A_1371 : vector<16x1xi32> to vector<16xi32>
        %gather3A_1373 = tpu.dynamic_gather %get3A_121[%gather3A_1372] in [0] : vector<16xf32>, vector<16xi32> -> vector<16xf32>
        %broadcast_in_dim3A_1374 = arith.constant 14 : i32
        %broadcast_in_dim3A_1375 = vector.broadcast %broadcast_in_dim3A_1374 : i32 to vector<16x1xi32>
        %gather3A_1376 = vector.shape_cast %broadcast_in_dim3A_1375 : vector<16x1xi32> to vector<16xi32>
        %gather3A_1377 = tpu.dynamic_gather %get3A_126[%gather3A_1376] in [0] : vector<16xf32>, vector<16xi32> -> vector<16xf32>
        %broadcast_in_dim3A_1378 = arith.constant 14 : i32
        %broadcast_in_dim3A_1379 = vector.broadcast %broadcast_in_dim3A_1378 : i32 to vector<16x1xi32>
        %gather3A_1380 = vector.shape_cast %broadcast_in_dim3A_1379 : vector<16x1xi32> to vector<16xi32>
        %gather3A_1381 = tpu.dynamic_gather %get3A_131[%gather3A_1380] in [0] : vector<16xf32>, vector<16xi32> -> vector<16xf32>
        %add3A_1382 = arith.constant 14 : i32
        %add3A_1383 = arith.addi %mul3A_133, %add3A_1382 : i32
        %get3A_1384 = arith.index_cast %add3A_1383 : i32 to index
        %get3A_1385 = arith.constant 0 : index
        %get3A_1386 = tpu.vector_load %arg11[%get3A_1384, %get3A_1385] {strides = array<i32>} : memref<256x128xf32, #tpu.memory_space<vmem>>, vector<1x16xf32>,
        %get3A_1387 = vector.shape_cast %get3A_1386 : vector<1x16xf32> to vector<16xf32>
        %mul3A_1388 = arith.mulf %gather3A_1369, %get3A_1387 : vector<16xf32>
        %add3A_1389 = arith.constant 14 : i32
        %add3A_1390 = arith.addi %mul3A_133, %add3A_1389 : i32
        %get3A_1391 = arith.index_cast %add3A_1390 : i32 to index
        %get3A_1392 = arith.constant 32 : index
        %get3A_1393 = tpu.vector_load %arg11[%get3A_1391, %get3A_1392] {strides = array<i32>} : memref<256x128xf32, #tpu.memory_space<vmem>>, vector<1x16xf32>,
        %get3A_1394 = vector.shape_cast %get3A_1393 : vector<1x16xf32> to vector<16xf32>
        %mul3A_1395 = arith.mulf %gather3A_1373, %get3A_1394 : vector<16xf32>
        %add3A_1396 = arith.addf %mul3A_1388, %mul3A_1395 : vector<16xf32>
        %add3A_1397 = arith.constant 14 : i32
        %add3A_1398 = arith.addi %mul3A_133, %add3A_1397 : i32
        %get3A_1399 = arith.index_cast %add3A_1398 : i32 to index
        %get3A_1400 = arith.constant 64 : index
        %get3A_1401 = tpu.vector_load %arg11[%get3A_1399, %get3A_1400] {strides = array<i32>} : memref<256x128xf32, #tpu.memory_space<vmem>>, vector<1x16xf32>,
        %get3A_1402 = vector.shape_cast %get3A_1401 : vector<1x16xf32> to vector<16xf32>
        %mul3A_1403 = arith.mulf %gather3A_1377, %get3A_1402 : vector<16xf32>
        %add3A_1404 = arith.addf %add3A_1396, %mul3A_1403 : vector<16xf32>
        %add3A_1405 = arith.constant 14 : i32
        %add3A_1406 = arith.addi %mul3A_133, %add3A_1405 : i32
        %get3A_1407 = arith.index_cast %add3A_1406 : i32 to index
        %get3A_1408 = arith.constant 96 : index
        %get3A_1409 = tpu.vector_load %arg11[%get3A_1407, %get3A_1408] {strides = array<i32>} : memref<256x128xf32, #tpu.memory_space<vmem>>, vector<1x16xf32>,
        %get3A_1410 = vector.shape_cast %get3A_1409 : vector<1x16xf32> to vector<16xf32>
        %mul3A_1411 = arith.mulf %gather3A_1381, %get3A_1410 : vector<16xf32>
        %add3A_1412 = arith.addf %add3A_1404, %mul3A_1411 : vector<16xf32>
        %add3A_1413 = arith.addf %add3A_1237, %add3A_1412 : vector<16xf32>
        %add3A_1414 = arith.constant 14 : i32
        %add3A_1415 = arith.addi %mul3A_133, %add3A_1414 : i32
        %get3A_1416 = arith.index_cast %add3A_1415 : i32 to index
        %get3A_1417 = arith.constant 16 : index
        %get3A_1418 = tpu.vector_load %arg11[%get3A_1416, %get3A_1417] {strides = array<i32>} : memref<256x128xf32, #tpu.memory_space<vmem>>, vector<1x16xf32>,
        %get3A_1419 = vector.shape_cast %get3A_1418 : vector<1x16xf32> to vector<16xf32>
        %mul3A_1420 = arith.mulf %gather3A_1369, %get3A_1419 : vector<16xf32>
        %add3A_1421 = arith.constant 14 : i32
        %add3A_1422 = arith.addi %mul3A_133, %add3A_1421 : i32
        %get3A_1423 = arith.index_cast %add3A_1422 : i32 to index
        %get3A_1424 = arith.constant 48 : index
        %get3A_1425 = tpu.vector_load %arg11[%get3A_1423, %get3A_1424] {strides = array<i32>} : memref<256x128xf32, #tpu.memory_space<vmem>>, vector<1x16xf32>,
        %get3A_1426 = vector.shape_cast %get3A_1425 : vector<1x16xf32> to vector<16xf32>
        %mul3A_1427 = arith.mulf %gather3A_1373, %get3A_1426 : vector<16xf32>
        %add3A_1428 = arith.addf %mul3A_1420, %mul3A_1427 : vector<16xf32>
        %add3A_1429 = arith.constant 14 : i32
        %add3A_1430 = arith.addi %mul3A_133, %add3A_1429 : i32
        %get3A_1431 = arith.index_cast %add3A_1430 : i32 to index
        %get3A_1432 = arith.constant 80 : index
        %get3A_1433 = tpu.vector_load %arg11[%get3A_1431, %get3A_1432] {strides = array<i32>} : memref<256x128xf32, #tpu.memory_space<vmem>>, vector<1x16xf32>,
        %get3A_1434 = vector.shape_cast %get3A_1433 : vector<1x16xf32> to vector<16xf32>
        %mul3A_1435 = arith.mulf %gather3A_1377, %get3A_1434 : vector<16xf32>
        %add3A_1436 = arith.addf %add3A_1428, %mul3A_1435 : vector<16xf32>
        %add3A_1437 = arith.constant 14 : i32
        %add3A_1438 = arith.addi %mul3A_133, %add3A_1437 : i32
        %get3A_1439 = arith.index_cast %add3A_1438 : i32 to index
        %get3A_1440 = arith.constant 112 : index
        %get3A_1441 = tpu.vector_load %arg11[%get3A_1439, %get3A_1440] {strides = array<i32>} : memref<256x128xf32, #tpu.memory_space<vmem>>, vector<1x16xf32>,
        %get3A_1442 = vector.shape_cast %get3A_1441 : vector<1x16xf32> to vector<16xf32>
        %mul3A_1443 = arith.mulf %gather3A_1381, %get3A_1442 : vector<16xf32>
        %add3A_1444 = arith.addf %add3A_1436, %mul3A_1443 : vector<16xf32>
        %add3A_1445 = arith.addf %add3A_1269, %add3A_1444 : vector<16xf32>
        %broadcast_in_dim3A_1446 = arith.constant 15 : i32
        %broadcast_in_dim3A_1447 = vector.broadcast %broadcast_in_dim3A_1446 : i32 to vector<16x1xi32>
        %gather3A_1448 = vector.shape_cast %broadcast_in_dim3A_1447 : vector<16x1xi32> to vector<16xi32>
        %gather3A_1449 = tpu.dynamic_gather %get3A_116[%gather3A_1448] in [0] : vector<16xf32>, vector<16xi32> -> vector<16xf32>
        %broadcast_in_dim3A_1450 = arith.constant 15 : i32
        %broadcast_in_dim3A_1451 = vector.broadcast %broadcast_in_dim3A_1450 : i32 to vector<16x1xi32>
        %gather3A_1452 = vector.shape_cast %broadcast_in_dim3A_1451 : vector<16x1xi32> to vector<16xi32>
        %gather3A_1453 = tpu.dynamic_gather %get3A_121[%gather3A_1452] in [0] : vector<16xf32>, vector<16xi32> -> vector<16xf32>
        %broadcast_in_dim3A_1454 = arith.constant 15 : i32
        %broadcast_in_dim3A_1455 = vector.broadcast %broadcast_in_dim3A_1454 : i32 to vector<16x1xi32>
        %gather3A_1456 = vector.shape_cast %broadcast_in_dim3A_1455 : vector<16x1xi32> to vector<16xi32>
        %gather3A_1457 = tpu.dynamic_gather %get3A_126[%gather3A_1456] in [0] : vector<16xf32>, vector<16xi32> -> vector<16xf32>
        %broadcast_in_dim3A_1458 = arith.constant 15 : i32
        %broadcast_in_dim3A_1459 = vector.broadcast %broadcast_in_dim3A_1458 : i32 to vector<16x1xi32>
        %gather3A_1460 = vector.shape_cast %broadcast_in_dim3A_1459 : vector<16x1xi32> to vector<16xi32>
        %gather3A_1461 = tpu.dynamic_gather %get3A_131[%gather3A_1460] in [0] : vector<16xf32>, vector<16xi32> -> vector<16xf32>
        %add3A_1462 = arith.constant 14 : i32
        %add3A_1463 = arith.addi %mul3A_133, %add3A_1462 : i32
        %add3A_1464 = arith.constant 1 : i32
        %add3A_1465 = arith.addi %add3A_1463, %add3A_1464 : i32
        %get3A_1466 = arith.index_cast %add3A_1465 : i32 to index
        %get3A_1467 = arith.constant 0 : index
        %get3A_1468 = tpu.vector_load %arg11[%get3A_1466, %get3A_1467] {strides = array<i32>} : memref<256x128xf32, #tpu.memory_space<vmem>>, vector<1x16xf32>,
        %get3A_1469 = vector.shape_cast %get3A_1468 : vector<1x16xf32> to vector<16xf32>
        %mul3A_1470 = arith.mulf %gather3A_1449, %get3A_1469 : vector<16xf32>
        %add3A_1471 = arith.constant 14 : i32
        %add3A_1472 = arith.addi %mul3A_133, %add3A_1471 : i32
        %add3A_1473 = arith.constant 1 : i32
        %add3A_1474 = arith.addi %add3A_1472, %add3A_1473 : i32
        %get3A_1475 = arith.index_cast %add3A_1474 : i32 to index
        %get3A_1476 = arith.constant 32 : index
        %get3A_1477 = tpu.vector_load %arg11[%get3A_1475, %get3A_1476] {strides = array<i32>} : memref<256x128xf32, #tpu.memory_space<vmem>>, vector<1x16xf32>,
        %get3A_1478 = vector.shape_cast %get3A_1477 : vector<1x16xf32> to vector<16xf32>
        %mul3A_1479 = arith.mulf %gather3A_1453, %get3A_1478 : vector<16xf32>
        %add3A_1480 = arith.addf %mul3A_1470, %mul3A_1479 : vector<16xf32>
        %add3A_1481 = arith.constant 14 : i32
        %add3A_1482 = arith.addi %mul3A_133, %add3A_1481 : i32
        %add3A_1483 = arith.constant 1 : i32
        %add3A_1484 = arith.addi %add3A_1482, %add3A_1483 : i32
        %get3A_1485 = arith.index_cast %add3A_1484 : i32 to index
        %get3A_1486 = arith.constant 64 : index
        %get3A_1487 = tpu.vector_load %arg11[%get3A_1485, %get3A_1486] {strides = array<i32>} : memref<256x128xf32, #tpu.memory_space<vmem>>, vector<1x16xf32>,
        %get3A_1488 = vector.shape_cast %get3A_1487 : vector<1x16xf32> to vector<16xf32>
        %mul3A_1489 = arith.mulf %gather3A_1457, %get3A_1488 : vector<16xf32>
        %add3A_1490 = arith.addf %add3A_1480, %mul3A_1489 : vector<16xf32>
        %add3A_1491 = arith.constant 14 : i32
        %add3A_1492 = arith.addi %mul3A_133, %add3A_1491 : i32
        %add3A_1493 = arith.constant 1 : i32
        %add3A_1494 = arith.addi %add3A_1492, %add3A_1493 : i32
        %get3A_1495 = arith.index_cast %add3A_1494 : i32 to index
        %get3A_1496 = arith.constant 96 : index
        %get3A_1497 = tpu.vector_load %arg11[%get3A_1495, %get3A_1496] {strides = array<i32>} : memref<256x128xf32, #tpu.memory_space<vmem>>, vector<1x16xf32>,
        %get3A_1498 = vector.shape_cast %get3A_1497 : vector<1x16xf32> to vector<16xf32>
        %mul3A_1499 = arith.mulf %gather3A_1461, %get3A_1498 : vector<16xf32>
        %add3A_1500 = arith.addf %add3A_1490, %mul3A_1499 : vector<16xf32>
        %add3A_1501 = arith.addf %add3A_1325, %add3A_1500 : vector<16xf32>
        %add3A_1502 = arith.constant 14 : i32
        %add3A_1503 = arith.addi %mul3A_133, %add3A_1502 : i32
        %add3A_1504 = arith.constant 1 : i32
        %add3A_1505 = arith.addi %add3A_1503, %add3A_1504 : i32
        %get3A_1506 = arith.index_cast %add3A_1505 : i32 to index
        %get3A_1507 = arith.constant 16 : index
        %get3A_1508 = tpu.vector_load %arg11[%get3A_1506, %get3A_1507] {strides = array<i32>} : memref<256x128xf32, #tpu.memory_space<vmem>>, vector<1x16xf32>,
        %get3A_1509 = vector.shape_cast %get3A_1508 : vector<1x16xf32> to vector<16xf32>
        %mul3A_1510 = arith.mulf %gather3A_1449, %get3A_1509 : vector<16xf32>
        %add3A_1511 = arith.constant 14 : i32
        %add3A_1512 = arith.addi %mul3A_133, %add3A_1511 : i32
        %add3A_1513 = arith.constant 1 : i32
        %add3A_1514 = arith.addi %add3A_1512, %add3A_1513 : i32
        %get3A_1515 = arith.index_cast %add3A_1514 : i32 to index
        %get3A_1516 = arith.constant 48 : index
        %get3A_1517 = tpu.vector_load %arg11[%get3A_1515, %get3A_1516] {strides = array<i32>} : memref<256x128xf32, #tpu.memory_space<vmem>>, vector<1x16xf32>,
        %get3A_1518 = vector.shape_cast %get3A_1517 : vector<1x16xf32> to vector<16xf32>
        %mul3A_1519 = arith.mulf %gather3A_1453, %get3A_1518 : vector<16xf32>
        %add3A_1520 = arith.addf %mul3A_1510, %mul3A_1519 : vector<16xf32>
        %add3A_1521 = arith.constant 14 : i32
        %add3A_1522 = arith.addi %mul3A_133, %add3A_1521 : i32
        %add3A_1523 = arith.constant 1 : i32
        %add3A_1524 = arith.addi %add3A_1522, %add3A_1523 : i32
        %get3A_1525 = arith.index_cast %add3A_1524 : i32 to index
        %get3A_1526 = arith.constant 80 : index
        %get3A_1527 = tpu.vector_load %arg11[%get3A_1525, %get3A_1526] {strides = array<i32>} : memref<256x128xf32, #tpu.memory_space<vmem>>, vector<1x16xf32>,
        %get3A_1528 = vector.shape_cast %get3A_1527 : vector<1x16xf32> to vector<16xf32>
        %mul3A_1529 = arith.mulf %gather3A_1457, %get3A_1528 : vector<16xf32>
        %add3A_1530 = arith.addf %add3A_1520, %mul3A_1529 : vector<16xf32>
        %add3A_1531 = arith.constant 14 : i32
        %add3A_1532 = arith.addi %mul3A_133, %add3A_1531 : i32
        %add3A_1533 = arith.constant 1 : i32
        %add3A_1534 = arith.addi %add3A_1532, %add3A_1533 : i32
        %get3A_1535 = arith.index_cast %add3A_1534 : i32 to index
        %get3A_1536 = arith.constant 112 : index
        %get3A_1537 = tpu.vector_load %arg11[%get3A_1535, %get3A_1536] {strides = array<i32>} : memref<256x128xf32, #tpu.memory_space<vmem>>, vector<1x16xf32>,
        %get3A_1538 = vector.shape_cast %get3A_1537 : vector<1x16xf32> to vector<16xf32>
        %mul3A_1539 = arith.mulf %gather3A_1461, %get3A_1538 : vector<16xf32>
        %add3A_1540 = arith.addf %add3A_1530, %mul3A_1539 : vector<16xf32>
        %add3A_1541 = arith.addf %add3A_1365, %add3A_1540 : vector<16xf32>
        %add3A_1542 = arith.addf %add3A_1413, %add3A_1501 : vector<16xf32>
        %swap3A = arith.index_cast %scan3A_109 : i32 to index
        %swap3A_1543 = arith.constant 0 : index
        %swap3A_1544 = tpu.vector_load %arg13[%swap3A, %swap3A_1543] {strides = array<i32>} : memref<16x32xf32, #tpu.memory_space<vmem>>, vector<1x16xf32>,
        %swap3A_1545 = vector.shape_cast %swap3A_1544 : vector<1x16xf32> to vector<16xf32>
        %swap3A_1546 = vector.shape_cast %add3A_1542 : vector<16xf32> to vector<1x16xf32>
        tpu.vector_store %arg13[%swap3A, %swap3A_1543], %swap3A_1546 {strides = array<i32>} : memref<16x32xf32, #tpu.memory_space<vmem>>, vector<1x16xf32>,
        %add3A_1547 = arith.addf %add3A_1445, %add3A_1541 : vector<16xf32>
        %swap3A_1548 = arith.index_cast %scan3A_109 : i32 to index
        %swap3A_1549 = arith.constant 16 : index
        %swap3A_1550 = tpu.vector_load %arg13[%swap3A_1548, %swap3A_1549] {strides = array<i32>} : memref<16x32xf32, #tpu.memory_space<vmem>>, vector<1x16xf32>,
        %swap3A_1551 = vector.shape_cast %swap3A_1550 : vector<1x16xf32> to vector<16xf32>
        %swap3A_1552 = vector.shape_cast %add3A_1547 : vector<16xf32> to vector<1x16xf32>
        tpu.vector_store %arg13[%swap3A_1548, %swap3A_1549], %swap3A_1552 {strides = array<i32>} : memref<16x32xf32, #tpu.memory_space<vmem>>, vector<1x16xf32>,
      }
      %scan3A_98 = arith.constant 16 : i32
      %mul3A_99 = arith.constant 4096 : i32
      %mul3A_100 = arith.muli %add3A, %mul3A_99 : i32
      %mul3A_101 = arith.constant 16 : i32
      %mul3A_102 = arith.muli %add3A_77, %mul3A_101 : i32
      %add3A_103 = arith.addi %mul3A_100, %mul3A_102 : i32
      %multiple_of3A_104 = tpu.assume_multiple %add3A_103, 16 : i32
      %dma_start3A_105 = arith.constant 0 : i32
      %dma_start3A_106 = tpu.memref_slice %arg5[%multiple_of3A_104, %dma_start3A_105] : memref<131072x32xf32, #tpu.memory_space<hbm>> -> memref<16x32xf32, #tpu.memory_space<hbm>>
      %dma_start3A_107 = arith.constant 0 : i32
      %dma_start3A_108 = tpu.memref_slice %arg5[%multiple_of3A_104, %dma_start3A_107] : memref<131072x32xf32, #tpu.memory_space<hbm>> -> memref<16x32xf32, #tpu.memory_space<hbm>>
      tpu.enqueue_dma source(%arg13 : memref<16x32xf32, #tpu.memory_space<vmem>>) target(%dma_start3A_108 : memref<16x32xf32, #tpu.memory_space<hbm>>) target_semaphore(%arg17 : memref<!tpu.dma_semaphore, #tpu.memory_space<semaphore_mem>>)
    }
    %scan3A_24 = arith.constant 128 : i32
    %mul3A_25 = arith.constant 4096 : i32
    %mul3A_26 = arith.muli %add3A, %mul3A_25 : i32
    %add3A_27 = arith.constant 4064 : i32
    %add3A_28 = arith.addi %mul3A_26, %add3A_27 : i32
    %multiple_of3A_29 = tpu.assume_multiple %add3A_28, 16 : i32
    %dma_wait3A = arith.constant 0 : i32
    %dma_wait3A_30 = tpu.memref_slice %arg5[%multiple_of3A_29, %dma_wait3A] : memref<131072x32xf32, #tpu.memory_space<hbm>> -> memref<16x32xf32, #tpu.memory_space<hbm>>
    %dma_wait3A_31 = arith.constant 0 : i32
    %dma_wait3A_32 = tpu.memref_slice %arg5[%multiple_of3A_29, %dma_wait3A_31] : memref<131072x32xf32, #tpu.memory_space<hbm>> -> memref<16x32xf32, #tpu.memory_space<hbm>>
    tpu.wait_dma2 semaphore(%arg16 : memref<!tpu.dma_semaphore, #tpu.memory_space<semaphore_mem>>) src(%arg12 : memref<16x32xf32, #tpu.memory_space<vmem>>) dst(%dma_wait3A_32 : memref<16x32xf32, #tpu.memory_space<hbm>>)
    %mul3A_33 = arith.constant 4096 : i32
    %mul3A_34 = arith.muli %add3A, %mul3A_33 : i32
    %add3A_35 = arith.constant 4080 : i32
    %add3A_36 = arith.addi %mul3A_34, %add3A_35 : i32
    %multiple_of3A_37 = tpu.assume_multiple %add3A_36, 16 : i32
    %dma_wait3A_38 = arith.constant 0 : i32
    %dma_wait3A_39 = tpu.memref_slice %arg5[%multiple_of3A_37, %dma_wait3A_38] : memref<131072x32xf32, #tpu.memory_space<hbm>> -> memref<16x32xf32, #tpu.memory_space<hbm>>
    %dma_wait3A_40 = arith.constant 0 : i32
    %dma_wait3A_41 = tpu.memref_slice %arg5[%multiple_of3A_37, %dma_wait3A_40] : memref<131072x32xf32, #tpu.memory_space<hbm>> -> memref<16x32xf32, #tpu.memory_space<hbm>>
    tpu.wait_dma2 semaphore(%arg17 : memref<!tpu.dma_semaphore, #tpu.memory_space<semaphore_mem>>) src(%arg13 : memref<16x32xf32, #tpu.memory_space<vmem>>) dst(%dma_wait3A_41 : memref<16x32xf32, #tpu.memory_space<hbm>>)
    return
  }
}

module attributes {stable_mosaic.version = 14 : i64} {
  func.func @_qside_body(%arg0: i32, %arg1: memref<2048x256xf32, #tpu.memory_space<vmem>>, %arg2: memref<128x256xf32, #tpu.memory_space<vmem>>, %arg3: memref<128x256xf32, #tpu.memory_space<vmem>>, %arg4: memref<128xf32, #tpu.memory_space<vmem>>, %arg5: memref<128xf32, #tpu.memory_space<vmem>>, %arg6: memref<128x256xf32, #tpu.memory_space<vmem>>, %arg7: memref<128xf32, #tpu.memory_space<vmem>>, %arg8: memref<128xi32, #tpu.memory_space<vmem>>, %arg9: memref<128xi32, #tpu.memory_space<vmem>>, %arg10: memref<128xi32, #tpu.memory_space<vmem>>, %arg11: memref<128xi32, #tpu.memory_space<vmem>>, %arg12: memref<128xf32, #tpu.memory_space<vmem>>, %arg13: memref<128xf32, #tpu.memory_space<vmem>>, %arg14: memref<2048x128xi32, #tpu.memory_space<vmem>>, %arg15: memref<2048x512xf32, #tpu.memory_space<vmem>>) attributes {dimension_semantics = [#tpu.dimension_semantics<arbitrary>], iteration_bounds = array<i64: 8>, scalar_prefetch = 0 : i64, scratch_operands = 0 : i64, tpu.core_type = #tpu.core_type<tc>, window_params = [{transform_indices = @transform_0, window_bounds = array<i64: 2048, 256>}, {pipeline_mode = #tpu.pipeline_mode<synchronous>, transform_indices = @transform_1, window_bounds = array<i64: 128, 256>}, {pipeline_mode = #tpu.pipeline_mode<synchronous>, transform_indices = @transform_2, window_bounds = array<i64: 128, 256>}, {pipeline_mode = #tpu.pipeline_mode<synchronous>, transform_indices = @transform_3, window_bounds = array<i64: 128>}, {pipeline_mode = #tpu.pipeline_mode<synchronous>, transform_indices = @transform_4, window_bounds = array<i64: 128>}, {pipeline_mode = #tpu.pipeline_mode<synchronous>, transform_indices = @transform_5, window_bounds = array<i64: 128, 256>}, {pipeline_mode = #tpu.pipeline_mode<synchronous>, transform_indices = @transform_6, window_bounds = array<i64: 128>}, {pipeline_mode = #tpu.pipeline_mode<synchronous>, transform_indices = @transform_7, window_bounds = array<i64: 128>}, {pipeline_mode = #tpu.pipeline_mode<synchronous>, transform_indices = @transform_8, window_bounds = array<i64: 128>}, {pipeline_mode = #tpu.pipeline_mode<synchronous>, transform_indices = @transform_9, window_bounds = array<i64: 128>}, {pipeline_mode = #tpu.pipeline_mode<synchronous>, transform_indices = @transform_10, window_bounds = array<i64: 128>}, {pipeline_mode = #tpu.pipeline_mode<synchronous>, transform_indices = @transform_11, window_bounds = array<i64: 128>}, {pipeline_mode = #tpu.pipeline_mode<synchronous>, transform_indices = @transform_12, window_bounds = array<i64: 128>}, {transform_indices = @transform_13, window_bounds = array<i64: 2048, 128>}, {transform_indices = @transform_14, window_bounds = array<i64: 2048, 512>}]} {
    %get3A = arith.constant 0 : index
    %get3A_0 = arith.constant 0 : index
    %get3A_1 = vector.load %arg1[%get3A, %get3A_0] : memref<2048x256xf32, #tpu.memory_space<vmem>>, vector<2048x256xf32>
    %get3A_2 = arith.constant 0 : index
    %get3A_3 = arith.constant 0 : index
    %get3A_4 = vector.load %arg2[%get3A_2, %get3A_3] : memref<128x256xf32, #tpu.memory_space<vmem>>, vector<128x256xf32>
    %dot_general3A = arith.constant dense<0.000000e+00> : vector<2048x128xf32>
    %dot_general3A_5 = tpu.matmul %get3A_1, %get3A_4, %dot_general3A {dimension_numbers = #tpu.dot_dimension_numbers<[1], [1], [0], [0], [0, 0, 1, 0], [], []>, transpose_lhs_hint = false} : vector<2048x256xf32>, vector<128x256xf32>, vector<2048x128xf32> -> vector<2048x128xf32>
    %get3A_6 = arith.constant 0 : index
    %get3A_7 = vector.load %arg4[%get3A_6] : memref<128xf32, #tpu.memory_space<vmem>>, vector<128xf32>
    %broadcast_in_dim3A = vector.shape_cast %get3A_7 : vector<128xf32> to vector<1x128xf32>
    %add3A = vector.broadcast %broadcast_in_dim3A : vector<1x128xf32> to vector<2048x128xf32>
    %add3A_8 = arith.addf %dot_general3A_5, %add3A : vector<2048x128xf32>
    %get3A_9 = arith.constant 0 : index
    %get3A_10 = arith.constant 0 : index
    %get3A_11 = vector.load %arg3[%get3A_9, %get3A_10] : memref<128x256xf32, #tpu.memory_space<vmem>>, vector<128x256xf32>
    %dot_general3A_12 = arith.constant dense<0.000000e+00> : vector<2048x128xf32>
    %dot_general3A_13 = tpu.matmul %get3A_1, %get3A_11, %dot_general3A_12 {dimension_numbers = #tpu.dot_dimension_numbers<[1], [1], [0], [0], [0, 0, 1, 0], [], []>, transpose_lhs_hint = false} : vector<2048x256xf32>, vector<128x256xf32>, vector<2048x128xf32> -> vector<2048x128xf32>
    %get3A_14 = arith.constant 0 : index
    %get3A_15 = vector.load %arg5[%get3A_14] : memref<128xf32, #tpu.memory_space<vmem>>, vector<128xf32>
    %broadcast_in_dim3A_16 = vector.shape_cast %get3A_15 : vector<128xf32> to vector<1x128xf32>
    %add3A_17 = vector.broadcast %broadcast_in_dim3A_16 : vector<1x128xf32> to vector<2048x128xf32>
    %add3A_18 = arith.addf %dot_general3A_13, %add3A_17 : vector<2048x128xf32>
    %get3A_19 = arith.constant 0 : index
    %get3A_20 = arith.constant 0 : index
    %get3A_21 = vector.load %arg6[%get3A_19, %get3A_20] : memref<128x256xf32, #tpu.memory_space<vmem>>, vector<128x256xf32>
    %dot_general3A_22 = arith.constant dense<0.000000e+00> : vector<2048x128xf32>
    %dot_general3A_23 = tpu.matmul %get3A_1, %get3A_21, %dot_general3A_22 {dimension_numbers = #tpu.dot_dimension_numbers<[1], [1], [0], [0], [0, 0, 1, 0], [], []>, transpose_lhs_hint = false} : vector<2048x256xf32>, vector<128x256xf32>, vector<2048x128xf32> -> vector<2048x128xf32>
    %get3A_24 = arith.constant 0 : index
    %get3A_25 = vector.load %arg7[%get3A_24] : memref<128xf32, #tpu.memory_space<vmem>>, vector<128xf32>
    %broadcast_in_dim3A_26 = vector.shape_cast %get3A_25 : vector<128xf32> to vector<1x128xf32>
    %add3A_27 = vector.broadcast %broadcast_in_dim3A_26 : vector<1x128xf32> to vector<2048x128xf32>
    %add3A_28 = arith.addf %dot_general3A_23, %add3A_27 : vector<2048x128xf32>
    %slice3A = vector.extract_strided_slice %add3A_28 {offsets = [0, 0], sizes = [2048, 16], strides = [1, 1]} : vector<2048x128xf32> to vector<2048x16xf32>
    %reduce_max3A = arith.constant dense<0xFF800000> : vector<2048xf32>
    %reduce_max3A_29 = vector.multi_reduction <maximumf>, %slice3A, %reduce_max3A [1] : vector<2048x16xf32> to vector<2048xf32>
    %broadcast_in_dim3A_30 = vector.shape_cast %reduce_max3A_29 : vector<2048xf32> to vector<2048x1xf32>
    %sub3A = vector.broadcast %broadcast_in_dim3A_30 : vector<2048x1xf32> to vector<2048x16xf32>
    %sub3A_31 = arith.subf %slice3A, %sub3A : vector<2048x16xf32>
    %exp3A = math.exp %sub3A_31 : vector<2048x16xf32>
    %reduce_sum3A = arith.constant dense<0.000000e+00> : vector<2048xf32>
    %reduce_sum3A_32 = vector.multi_reduction <add>, %exp3A, %reduce_sum3A [1] : vector<2048x16xf32> to vector<2048xf32>
    %broadcast_in_dim3A_33 = vector.shape_cast %reduce_sum3A_32 : vector<2048xf32> to vector<2048x1xf32>
    %div3A = vector.broadcast %broadcast_in_dim3A_33 : vector<2048x1xf32> to vector<2048x16xf32>
    %div3A_34 = arith.divf %exp3A, %div3A : vector<2048x16xf32>
    %slice3A_35 = vector.extract_strided_slice %add3A_28 {offsets = [0, 16], sizes = [2048, 16], strides = [1, 1]} : vector<2048x128xf32> to vector<2048x16xf32>
    %reduce_max3A_36 = arith.constant dense<0xFF800000> : vector<2048xf32>
    %reduce_max3A_37 = vector.multi_reduction <maximumf>, %slice3A_35, %reduce_max3A_36 [1] : vector<2048x16xf32> to vector<2048xf32>
    %broadcast_in_dim3A_38 = vector.shape_cast %reduce_max3A_37 : vector<2048xf32> to vector<2048x1xf32>
    %sub3A_39 = vector.broadcast %broadcast_in_dim3A_38 : vector<2048x1xf32> to vector<2048x16xf32>
    %sub3A_40 = arith.subf %slice3A_35, %sub3A_39 : vector<2048x16xf32>
    %exp3A_41 = math.exp %sub3A_40 : vector<2048x16xf32>
    %reduce_sum3A_42 = arith.constant dense<0.000000e+00> : vector<2048xf32>
    %reduce_sum3A_43 = vector.multi_reduction <add>, %exp3A_41, %reduce_sum3A_42 [1] : vector<2048x16xf32> to vector<2048xf32>
    %broadcast_in_dim3A_44 = vector.shape_cast %reduce_sum3A_43 : vector<2048xf32> to vector<2048x1xf32>
    %div3A_45 = vector.broadcast %broadcast_in_dim3A_44 : vector<2048x1xf32> to vector<2048x16xf32>
    %div3A_46 = arith.divf %exp3A_41, %div3A_45 : vector<2048x16xf32>
    %slice3A_47 = vector.extract_strided_slice %add3A_28 {offsets = [0, 32], sizes = [2048, 16], strides = [1, 1]} : vector<2048x128xf32> to vector<2048x16xf32>
    %reduce_max3A_48 = arith.constant dense<0xFF800000> : vector<2048xf32>
    %reduce_max3A_49 = vector.multi_reduction <maximumf>, %slice3A_47, %reduce_max3A_48 [1] : vector<2048x16xf32> to vector<2048xf32>
    %broadcast_in_dim3A_50 = vector.shape_cast %reduce_max3A_49 : vector<2048xf32> to vector<2048x1xf32>
    %sub3A_51 = vector.broadcast %broadcast_in_dim3A_50 : vector<2048x1xf32> to vector<2048x16xf32>
    %sub3A_52 = arith.subf %slice3A_47, %sub3A_51 : vector<2048x16xf32>
    %exp3A_53 = math.exp %sub3A_52 : vector<2048x16xf32>
    %reduce_sum3A_54 = arith.constant dense<0.000000e+00> : vector<2048xf32>
    %reduce_sum3A_55 = vector.multi_reduction <add>, %exp3A_53, %reduce_sum3A_54 [1] : vector<2048x16xf32> to vector<2048xf32>
    %broadcast_in_dim3A_56 = vector.shape_cast %reduce_sum3A_55 : vector<2048xf32> to vector<2048x1xf32>
    %div3A_57 = vector.broadcast %broadcast_in_dim3A_56 : vector<2048x1xf32> to vector<2048x16xf32>
    %div3A_58 = arith.divf %exp3A_53, %div3A_57 : vector<2048x16xf32>
    %slice3A_59 = vector.extract_strided_slice %add3A_28 {offsets = [0, 48], sizes = [2048, 16], strides = [1, 1]} : vector<2048x128xf32> to vector<2048x16xf32>
    %reduce_max3A_60 = arith.constant dense<0xFF800000> : vector<2048xf32>
    %reduce_max3A_61 = vector.multi_reduction <maximumf>, %slice3A_59, %reduce_max3A_60 [1] : vector<2048x16xf32> to vector<2048xf32>
    %broadcast_in_dim3A_62 = vector.shape_cast %reduce_max3A_61 : vector<2048xf32> to vector<2048x1xf32>
    %sub3A_63 = vector.broadcast %broadcast_in_dim3A_62 : vector<2048x1xf32> to vector<2048x16xf32>
    %sub3A_64 = arith.subf %slice3A_59, %sub3A_63 : vector<2048x16xf32>
    %exp3A_65 = math.exp %sub3A_64 : vector<2048x16xf32>
    %reduce_sum3A_66 = arith.constant dense<0.000000e+00> : vector<2048xf32>
    %reduce_sum3A_67 = vector.multi_reduction <add>, %exp3A_65, %reduce_sum3A_66 [1] : vector<2048x16xf32> to vector<2048xf32>
    %broadcast_in_dim3A_68 = vector.shape_cast %reduce_sum3A_67 : vector<2048xf32> to vector<2048x1xf32>
    %div3A_69 = vector.broadcast %broadcast_in_dim3A_68 : vector<2048x1xf32> to vector<2048x16xf32>
    %div3A_70 = arith.divf %exp3A_65, %div3A_69 : vector<2048x16xf32>
    %slice3A_71 = vector.extract_strided_slice %add3A_28 {offsets = [0, 64], sizes = [2048, 16], strides = [1, 1]} : vector<2048x128xf32> to vector<2048x16xf32>
    %reduce_max3A_72 = arith.constant dense<0xFF800000> : vector<2048xf32>
    %reduce_max3A_73 = vector.multi_reduction <maximumf>, %slice3A_71, %reduce_max3A_72 [1] : vector<2048x16xf32> to vector<2048xf32>
    %broadcast_in_dim3A_74 = vector.shape_cast %reduce_max3A_73 : vector<2048xf32> to vector<2048x1xf32>
    %sub3A_75 = vector.broadcast %broadcast_in_dim3A_74 : vector<2048x1xf32> to vector<2048x16xf32>
    %sub3A_76 = arith.subf %slice3A_71, %sub3A_75 : vector<2048x16xf32>
    %exp3A_77 = math.exp %sub3A_76 : vector<2048x16xf32>
    %reduce_sum3A_78 = arith.constant dense<0.000000e+00> : vector<2048xf32>
    %reduce_sum3A_79 = vector.multi_reduction <add>, %exp3A_77, %reduce_sum3A_78 [1] : vector<2048x16xf32> to vector<2048xf32>
    %broadcast_in_dim3A_80 = vector.shape_cast %reduce_sum3A_79 : vector<2048xf32> to vector<2048x1xf32>
    %div3A_81 = vector.broadcast %broadcast_in_dim3A_80 : vector<2048x1xf32> to vector<2048x16xf32>
    %div3A_82 = arith.divf %exp3A_77, %div3A_81 : vector<2048x16xf32>
    %slice3A_83 = vector.extract_strided_slice %add3A_28 {offsets = [0, 80], sizes = [2048, 16], strides = [1, 1]} : vector<2048x128xf32> to vector<2048x16xf32>
    %reduce_max3A_84 = arith.constant dense<0xFF800000> : vector<2048xf32>
    %reduce_max3A_85 = vector.multi_reduction <maximumf>, %slice3A_83, %reduce_max3A_84 [1] : vector<2048x16xf32> to vector<2048xf32>
    %broadcast_in_dim3A_86 = vector.shape_cast %reduce_max3A_85 : vector<2048xf32> to vector<2048x1xf32>
    %sub3A_87 = vector.broadcast %broadcast_in_dim3A_86 : vector<2048x1xf32> to vector<2048x16xf32>
    %sub3A_88 = arith.subf %slice3A_83, %sub3A_87 : vector<2048x16xf32>
    %exp3A_89 = math.exp %sub3A_88 : vector<2048x16xf32>
    %reduce_sum3A_90 = arith.constant dense<0.000000e+00> : vector<2048xf32>
    %reduce_sum3A_91 = vector.multi_reduction <add>, %exp3A_89, %reduce_sum3A_90 [1] : vector<2048x16xf32> to vector<2048xf32>
    %broadcast_in_dim3A_92 = vector.shape_cast %reduce_sum3A_91 : vector<2048xf32> to vector<2048x1xf32>
    %div3A_93 = vector.broadcast %broadcast_in_dim3A_92 : vector<2048x1xf32> to vector<2048x16xf32>
    %div3A_94 = arith.divf %exp3A_89, %div3A_93 : vector<2048x16xf32>
    %slice3A_95 = vector.extract_strided_slice %add3A_28 {offsets = [0, 96], sizes = [2048, 16], strides = [1, 1]} : vector<2048x128xf32> to vector<2048x16xf32>
    %reduce_max3A_96 = arith.constant dense<0xFF800000> : vector<2048xf32>
    %reduce_max3A_97 = vector.multi_reduction <maximumf>, %slice3A_95, %reduce_max3A_96 [1] : vector<2048x16xf32> to vector<2048xf32>
    %broadcast_in_dim3A_98 = vector.shape_cast %reduce_max3A_97 : vector<2048xf32> to vector<2048x1xf32>
    %sub3A_99 = vector.broadcast %broadcast_in_dim3A_98 : vector<2048x1xf32> to vector<2048x16xf32>
    %sub3A_100 = arith.subf %slice3A_95, %sub3A_99 : vector<2048x16xf32>
    %exp3A_101 = math.exp %sub3A_100 : vector<2048x16xf32>
    %reduce_sum3A_102 = arith.constant dense<0.000000e+00> : vector<2048xf32>
    %reduce_sum3A_103 = vector.multi_reduction <add>, %exp3A_101, %reduce_sum3A_102 [1] : vector<2048x16xf32> to vector<2048xf32>
    %broadcast_in_dim3A_104 = vector.shape_cast %reduce_sum3A_103 : vector<2048xf32> to vector<2048x1xf32>
    %div3A_105 = vector.broadcast %broadcast_in_dim3A_104 : vector<2048x1xf32> to vector<2048x16xf32>
    %div3A_106 = arith.divf %exp3A_101, %div3A_105 : vector<2048x16xf32>
    %slice3A_107 = vector.extract_strided_slice %add3A_28 {offsets = [0, 112], sizes = [2048, 16], strides = [1, 1]} : vector<2048x128xf32> to vector<2048x16xf32>
    %reduce_max3A_108 = arith.constant dense<0xFF800000> : vector<2048xf32>
    %reduce_max3A_109 = vector.multi_reduction <maximumf>, %slice3A_107, %reduce_max3A_108 [1] : vector<2048x16xf32> to vector<2048xf32>
    %broadcast_in_dim3A_110 = vector.shape_cast %reduce_max3A_109 : vector<2048xf32> to vector<2048x1xf32>
    %sub3A_111 = vector.broadcast %broadcast_in_dim3A_110 : vector<2048x1xf32> to vector<2048x16xf32>
    %sub3A_112 = arith.subf %slice3A_107, %sub3A_111 : vector<2048x16xf32>
    %exp3A_113 = math.exp %sub3A_112 : vector<2048x16xf32>
    %reduce_sum3A_114 = arith.constant dense<0.000000e+00> : vector<2048xf32>
    %reduce_sum3A_115 = vector.multi_reduction <add>, %exp3A_113, %reduce_sum3A_114 [1] : vector<2048x16xf32> to vector<2048xf32>
    %broadcast_in_dim3A_116 = vector.shape_cast %reduce_sum3A_115 : vector<2048xf32> to vector<2048x1xf32>
    %div3A_117 = vector.broadcast %broadcast_in_dim3A_116 : vector<2048x1xf32> to vector<2048x16xf32>
    %div3A_118 = arith.divf %exp3A_113, %div3A_117 : vector<2048x16xf32>
    %concatenate3A = tpu.concatenate %div3A_34, %div3A_46, %div3A_58, %div3A_70, %div3A_82, %div3A_94, %div3A_106, %div3A_118 in 1 : vector<2048x16xf32>, vector<2048x16xf32>, vector<2048x16xf32>, vector<2048x16xf32>, vector<2048x16xf32>, vector<2048x16xf32>, vector<2048x16xf32>, vector<2048x16xf32> -> vector<2048x128xf32>
    %mul3A = arith.constant 2048 : i32
    %mul3A_119 = arith.muli %arg0, %mul3A : i32
    %iota3A = tpu.iota {dimensions = array<i32: 0>} : vector<2048x1xi32>
    %add3A_120 = vector.broadcast %mul3A_119 : i32 to vector<2048x1xi32>
    %add3A_121 = arith.addi %add3A_120, %iota3A : vector<2048x1xi32>
    %jit3A = arith.constant 128 : i32
    %eq3A = arith.constant 0 : i32
    %eq3A_122 = arith.cmpi eq, %jit3A, %eq3A : i32
    %jit3A_123 = arith.constant 1 : i32
    %select_n3A = arith.select %eq3A_122, %jit3A_123, %jit3A : i32
    %rem3A = vector.broadcast %select_n3A : i32 to vector<2048x1xi32>
    %rem3A_124 = arith.remsi %add3A_121, %rem3A : vector<2048x1xi32>
    %ne3A = arith.constant 0 : i32
    %ne3A_125 = vector.broadcast %ne3A : i32 to vector<2048x1xi32>
    %ne3A_126 = arith.cmpi ne, %rem3A_124, %ne3A_125 : vector<2048x1xi32>
    %lt3A = arith.constant 0 : i32
    %lt3A_127 = vector.broadcast %lt3A : i32 to vector<2048x1xi32>
    %lt3A_128 = arith.cmpi slt, %rem3A_124, %lt3A_127 : vector<2048x1xi32>
    %lt3A_129 = arith.constant 0 : i32
    %lt3A_130 = arith.cmpi slt, %select_n3A, %lt3A_129 : i32
    %ne3A_131 = vector.broadcast %lt3A_130 : i1 to vector<2048x1xi1>
    %ne3A_132 = vector.broadcast %ne3A_131 : vector<2048x1xi1> to vector<2048x1xi1>
    %ne3A_133 = arith.xori %lt3A_128, %ne3A_132 : vector<2048x1xi1>
    %and3A = arith.andi %ne3A_133, %ne3A_126 : vector<2048x1xi1>
    %add3A_134 = vector.broadcast %select_n3A : i32 to vector<2048x1xi32>
    %add3A_135 = arith.addi %rem3A_124, %add3A_134 : vector<2048x1xi32>
    %select_n3A_136 = arith.select %and3A, %add3A_135, %rem3A_124 : vector<2048x1xi1>, vector<2048x1xi32>
    %convert_element_type3A = arith.sitofp %select_n3A_136 : vector<2048x1xi32> to vector<2048x1xf32>
    %div3A_137 = arith.constant 1.270000e+02 : f32
    %div3A_138 = vector.broadcast %div3A_137 : f32 to vector<2048x1xf32>
    %div3A_139 = arith.divf %convert_element_type3A, %div3A_138 : vector<2048x1xf32>
    %jit3A_140 = arith.constant 128 : i32
    %div3A_141 = vector.broadcast %jit3A_140 : i32 to vector<2048x1xi32>
    %div3A_142 = arith.divsi %add3A_121, %div3A_141 : vector<2048x1xi32>
    %sign3A = arith.constant 0 : i32
    %sign3A_143 = vector.broadcast %sign3A : i32 to vector<2048x1xi32>
    %sign3A_144 = arith.cmpi sgt, %add3A_121, %sign3A_143 : vector<2048x1xi32>
    %sign3A_145 = arith.extui %sign3A_144 : vector<2048x1xi1> to vector<2048x1xi32>
    %sign3A_146 = arith.constant 0 : i32
    %sign3A_147 = vector.broadcast %sign3A_146 : i32 to vector<2048x1xi32>
    %sign3A_148 = arith.cmpi slt, %add3A_121, %sign3A_147 : vector<2048x1xi32>
    %sign3A_149 = arith.extui %sign3A_148 : vector<2048x1xi1> to vector<2048x1xi32>
    %sign3A_150 = arith.subi %sign3A_145, %sign3A_149 : vector<2048x1xi32>
    %sign3A_151 = arith.constant 0 : i32
    %sign3A_152 = arith.cmpi sgt, %jit3A_140, %sign3A_151 : i32
    %sign3A_153 = arith.extui %sign3A_152 : i1 to i32
    %sign3A_154 = arith.constant 0 : i32
    %sign3A_155 = arith.cmpi slt, %jit3A_140, %sign3A_154 : i32
    %sign3A_156 = arith.extui %sign3A_155 : i1 to i32
    %sign3A_157 = arith.subi %sign3A_153, %sign3A_156 : i32
    %ne3A_158 = vector.broadcast %sign3A_157 : i32 to vector<2048x1xi32>
    %ne3A_159 = arith.cmpi ne, %sign3A_150, %ne3A_158 : vector<2048x1xi32>
    %rem3A_160 = vector.broadcast %jit3A_140 : i32 to vector<2048x1xi32>
    %rem3A_161 = arith.remsi %add3A_121, %rem3A_160 : vector<2048x1xi32>
    %ne3A_162 = arith.constant 0 : i32
    %ne3A_163 = vector.broadcast %ne3A_162 : i32 to vector<2048x1xi32>
    %ne3A_164 = arith.cmpi ne, %rem3A_161, %ne3A_163 : vector<2048x1xi32>
    %and3A_165 = arith.andi %ne3A_159, %ne3A_164 : vector<2048x1xi1>
    %sub3A_166 = arith.constant 1 : i32
    %sub3A_167 = vector.broadcast %sub3A_166 : i32 to vector<2048x1xi32>
    %sub3A_168 = arith.subi %div3A_142, %sub3A_167 : vector<2048x1xi32>
    %select_n3A_169 = arith.select %and3A_165, %sub3A_168, %div3A_142 : vector<2048x1xi1>, vector<2048x1xi32>
    %convert_element_type3A_170 = arith.sitofp %select_n3A_169 : vector<2048x1xi32> to vector<2048x1xf32>
    %div3A_171 = arith.constant 1.270000e+02 : f32
    %div3A_172 = vector.broadcast %div3A_171 : f32 to vector<2048x1xf32>
    %div3A_173 = arith.divf %convert_element_type3A_170, %div3A_172 : vector<2048x1xf32>
    %get3A_174 = arith.constant 0 : index
    %get3A_175 = vector.load %arg12[%get3A_174] : memref<128xf32, #tpu.memory_space<vmem>>, vector<128xf32>
    %broadcast_in_dim3A_176 = vector.shape_cast %get3A_175 : vector<128xf32> to vector<1x128xf32>
    %get3A_177 = arith.constant 0 : index
    %get3A_178 = vector.load %arg13[%get3A_177] : memref<128xf32, #tpu.memory_space<vmem>>, vector<128xf32>
    %broadcast_in_dim3A_179 = vector.shape_cast %get3A_178 : vector<128xf32> to vector<1x128xf32>
    %get3A_180 = arith.constant 0 : index
    %get3A_181 = vector.load %arg10[%get3A_180] : memref<128xi32, #tpu.memory_space<vmem>>, vector<128xi32>
    %broadcast_in_dim3A_182 = vector.shape_cast %get3A_181 : vector<128xi32> to vector<1x128xi32>
    %get3A_183 = arith.constant 0 : index
    %get3A_184 = vector.load %arg11[%get3A_183] : memref<128xi32, #tpu.memory_space<vmem>>, vector<128xi32>
    %broadcast_in_dim3A_185 = vector.shape_cast %get3A_184 : vector<128xi32> to vector<1x128xi32>
    %get3A_186 = arith.constant 0 : index
    %get3A_187 = vector.load %arg9[%get3A_186] : memref<128xi32, #tpu.memory_space<vmem>>, vector<128xi32>
    %broadcast_in_dim3A_188 = vector.shape_cast %get3A_187 : vector<128xi32> to vector<1x128xi32>
    %get3A_189 = arith.constant 0 : index
    %get3A_190 = vector.load %arg8[%get3A_189] : memref<128xi32, #tpu.memory_space<vmem>>, vector<128xi32>
    %broadcast_in_dim3A_191 = vector.shape_cast %get3A_190 : vector<128xi32> to vector<1x128xi32>
    %mul3A_192 = vector.broadcast %div3A_139 : vector<2048x1xf32> to vector<2048x128xf32>
    %mul3A_193 = vector.broadcast %broadcast_in_dim3A_176 : vector<1x128xf32> to vector<2048x128xf32>
    %mul3A_194 = arith.mulf %mul3A_192, %mul3A_193 : vector<2048x128xf32>
    %add3A_195 = arith.addf %mul3A_194, %add3A_8 : vector<2048x128xf32>
    %sub3A_196 = arith.constant 5.000000e-01 : f32
    %sub3A_197 = vector.broadcast %sub3A_196 : f32 to vector<2048x128xf32>
    %sub3A_198 = arith.subf %add3A_195, %sub3A_197 : vector<2048x128xf32>
    %mul3A_199 = vector.broadcast %div3A_173 : vector<2048x1xf32> to vector<2048x128xf32>
    %mul3A_200 = vector.broadcast %broadcast_in_dim3A_179 : vector<1x128xf32> to vector<2048x128xf32>
    %mul3A_201 = arith.mulf %mul3A_199, %mul3A_200 : vector<2048x128xf32>
    %add3A_202 = arith.addf %mul3A_201, %add3A_18 : vector<2048x128xf32>
    %sub3A_203 = arith.constant 5.000000e-01 : f32
    %sub3A_204 = vector.broadcast %sub3A_203 : f32 to vector<2048x128xf32>
    %sub3A_205 = arith.subf %add3A_202, %sub3A_204 : vector<2048x128xf32>
    %floor3A = math.floor %sub3A_198 : vector<2048x128xf32>
    %floor3A_206 = math.floor %sub3A_205 : vector<2048x128xf32>
    %sub3A_207 = arith.subf %sub3A_198, %floor3A : vector<2048x128xf32>
    %sub3A_208 = arith.constant 1.000000e+00 : f32
    %sub3A_209 = vector.broadcast %sub3A_208 : f32 to vector<2048x128xf32>
    %sub3A_210 = arith.subf %sub3A_209, %sub3A_207 : vector<2048x128xf32>
    %sub3A_211 = arith.subf %sub3A_205, %floor3A_206 : vector<2048x128xf32>
    %sub3A_212 = arith.constant 1.000000e+00 : f32
    %sub3A_213 = vector.broadcast %sub3A_212 : f32 to vector<2048x128xf32>
    %sub3A_214 = arith.subf %sub3A_213, %sub3A_211 : vector<2048x128xf32>
    %convert_element_type3A_215 = arith.fptosi %floor3A : vector<2048x128xf32> to vector<2048x128xi32>
    %convert_element_type3A_216 = arith.fptosi %floor3A_206 : vector<2048x128xf32> to vector<2048x128xi32>
    %add3A_217 = arith.constant 1 : i32
    %add3A_218 = vector.broadcast %add3A_217 : i32 to vector<2048x128xi32>
    %add3A_219 = arith.addi %convert_element_type3A_215, %add3A_218 : vector<2048x128xi32>
    %add3A_220 = arith.constant 1 : i32
    %add3A_221 = vector.broadcast %add3A_220 : i32 to vector<2048x128xi32>
    %add3A_222 = arith.addi %convert_element_type3A_216, %add3A_221 : vector<2048x128xi32>
    %broadcast_in_dim3A_223 = arith.constant 0.000000e+00 : f32
    %broadcast_in_dim3A_224 = vector.broadcast %broadcast_in_dim3A_223 : f32 to vector<2048x128xf32>
    %ge3A = arith.constant 0 : i32
    %ge3A_225 = vector.broadcast %ge3A : i32 to vector<2048x128xi32>
    %ge3A_226 = arith.cmpi sge, %convert_element_type3A_215, %ge3A_225 : vector<2048x128xi32>
    %sub3A_227 = arith.constant 1 : i32
    %sub3A_228 = vector.broadcast %sub3A_227 : i32 to vector<1x128xi32>
    %sub3A_229 = arith.subi %broadcast_in_dim3A_182, %sub3A_228 : vector<1x128xi32>
    %le3A = vector.broadcast %sub3A_229 : vector<1x128xi32> to vector<2048x128xi32>
    %le3A_230 = arith.cmpi sle, %convert_element_type3A_215, %le3A : vector<2048x128xi32>
    %select_n3A_231 = arith.select %le3A_230, %sub3A_210, %broadcast_in_dim3A_224 : vector<2048x128xi1>, vector<2048x128xf32>
    %ge3A_232 = arith.constant 0 : i32
    %ge3A_233 = vector.broadcast %ge3A_232 : i32 to vector<2048x128xi32>
    %ge3A_234 = arith.cmpi sge, %add3A_219, %ge3A_233 : vector<2048x128xi32>
    %sub3A_235 = arith.constant 1 : i32
    %sub3A_236 = vector.broadcast %sub3A_235 : i32 to vector<1x128xi32>
    %sub3A_237 = arith.subi %broadcast_in_dim3A_182, %sub3A_236 : vector<1x128xi32>
    %le3A_238 = vector.broadcast %sub3A_237 : vector<1x128xi32> to vector<2048x128xi32>
    %le3A_239 = arith.cmpi sle, %add3A_219, %le3A_238 : vector<2048x128xi32>
    %and3A_240 = arith.andi %ge3A_234, %le3A_239 : vector<2048x128xi1>
    %select_n3A_241 = arith.select %and3A_240, %sub3A_207, %broadcast_in_dim3A_224 : vector<2048x128xi1>, vector<2048x128xf32>
    %select_n3A_242 = arith.select %ge3A_226, %select_n3A_231, %select_n3A_241 : vector<2048x128xi1>, vector<2048x128xf32>
    %ge3A_243 = arith.constant 0 : i32
    %ge3A_244 = vector.broadcast %ge3A_243 : i32 to vector<2048x128xi32>
    %ge3A_245 = arith.cmpi sge, %convert_element_type3A_215, %ge3A_244 : vector<2048x128xi32>
    %sub3A_246 = arith.constant 1 : i32
    %sub3A_247 = vector.broadcast %sub3A_246 : i32 to vector<1x128xi32>
    %sub3A_248 = arith.subi %broadcast_in_dim3A_182, %sub3A_247 : vector<1x128xi32>
    %le3A_249 = vector.broadcast %sub3A_248 : vector<1x128xi32> to vector<2048x128xi32>
    %le3A_250 = arith.cmpi sle, %add3A_219, %le3A_249 : vector<2048x128xi32>
    %and3A_251 = arith.andi %ge3A_245, %le3A_250 : vector<2048x128xi1>
    %select_n3A_252 = arith.select %and3A_251, %sub3A_207, %broadcast_in_dim3A_224 : vector<2048x128xi1>, vector<2048x128xf32>
    %ge3A_253 = arith.constant 0 : i32
    %ge3A_254 = vector.broadcast %ge3A_253 : i32 to vector<2048x128xi32>
    %ge3A_255 = arith.cmpi sge, %convert_element_type3A_216, %ge3A_254 : vector<2048x128xi32>
    %sub3A_256 = arith.constant 1 : i32
    %sub3A_257 = vector.broadcast %sub3A_256 : i32 to vector<1x128xi32>
    %sub3A_258 = arith.subi %broadcast_in_dim3A_185, %sub3A_257 : vector<1x128xi32>
    %le3A_259 = vector.broadcast %sub3A_258 : vector<1x128xi32> to vector<2048x128xi32>
    %le3A_260 = arith.cmpi sle, %convert_element_type3A_216, %le3A_259 : vector<2048x128xi32>
    %select_n3A_261 = arith.select %le3A_260, %sub3A_214, %broadcast_in_dim3A_224 : vector<2048x128xi1>, vector<2048x128xf32>
    %ge3A_262 = arith.constant 0 : i32
    %ge3A_263 = vector.broadcast %ge3A_262 : i32 to vector<2048x128xi32>
    %ge3A_264 = arith.cmpi sge, %add3A_222, %ge3A_263 : vector<2048x128xi32>
    %sub3A_265 = arith.constant 1 : i32
    %sub3A_266 = vector.broadcast %sub3A_265 : i32 to vector<1x128xi32>
    %sub3A_267 = arith.subi %broadcast_in_dim3A_185, %sub3A_266 : vector<1x128xi32>
    %le3A_268 = vector.broadcast %sub3A_267 : vector<1x128xi32> to vector<2048x128xi32>
    %le3A_269 = arith.cmpi sle, %add3A_222, %le3A_268 : vector<2048x128xi32>
    %and3A_270 = arith.andi %ge3A_264, %le3A_269 : vector<2048x128xi1>
    %select_n3A_271 = arith.select %and3A_270, %sub3A_211, %broadcast_in_dim3A_224 : vector<2048x128xi1>, vector<2048x128xf32>
    %select_n3A_272 = arith.select %ge3A_255, %select_n3A_261, %select_n3A_271 : vector<2048x128xi1>, vector<2048x128xf32>
    %ge3A_273 = arith.constant 0 : i32
    %ge3A_274 = vector.broadcast %ge3A_273 : i32 to vector<2048x128xi32>
    %ge3A_275 = arith.cmpi sge, %convert_element_type3A_216, %ge3A_274 : vector<2048x128xi32>
    %sub3A_276 = arith.constant 1 : i32
    %sub3A_277 = vector.broadcast %sub3A_276 : i32 to vector<1x128xi32>
    %sub3A_278 = arith.subi %broadcast_in_dim3A_185, %sub3A_277 : vector<1x128xi32>
    %le3A_279 = vector.broadcast %sub3A_278 : vector<1x128xi32> to vector<2048x128xi32>
    %le3A_280 = arith.cmpi sle, %add3A_222, %le3A_279 : vector<2048x128xi32>
    %and3A_281 = arith.andi %ge3A_275, %le3A_280 : vector<2048x128xi1>
    %select_n3A_282 = arith.select %and3A_281, %sub3A_211, %broadcast_in_dim3A_224 : vector<2048x128xi1>, vector<2048x128xf32>
    %sub3A_283 = arith.constant 1 : i32
    %sub3A_284 = vector.broadcast %sub3A_283 : i32 to vector<1x128xi32>
    %sub3A_285 = arith.subi %broadcast_in_dim3A_182, %sub3A_284 : vector<1x128xi32>
    %jit3A_286 = arith.constant 0 : i32
    %max3A = vector.broadcast %jit3A_286 : i32 to vector<2048x128xi32>
    %max3A_287 = arith.maxsi %max3A, %convert_element_type3A_215 : vector<2048x128xi32>
    %min3A = vector.broadcast %sub3A_285 : vector<1x128xi32> to vector<2048x128xi32>
    %min3A_288 = arith.minsi %min3A, %max3A_287 : vector<2048x128xi32>
    %sub3A_289 = arith.constant 1 : i32
    %sub3A_290 = vector.broadcast %sub3A_289 : i32 to vector<1x128xi32>
    %sub3A_291 = arith.subi %broadcast_in_dim3A_185, %sub3A_290 : vector<1x128xi32>
    %jit3A_292 = arith.constant 0 : i32
    %max3A_293 = vector.broadcast %jit3A_292 : i32 to vector<2048x128xi32>
    %max3A_294 = arith.maxsi %max3A_293, %convert_element_type3A_216 : vector<2048x128xi32>
    %min3A_295 = vector.broadcast %sub3A_291 : vector<1x128xi32> to vector<2048x128xi32>
    %min3A_296 = arith.minsi %min3A_295, %max3A_294 : vector<2048x128xi32>
    %mul3A_297 = vector.broadcast %broadcast_in_dim3A_182 : vector<1x128xi32> to vector<2048x128xi32>
    %mul3A_298 = arith.muli %min3A_296, %mul3A_297 : vector<2048x128xi32>
    %add3A_299 = vector.broadcast %broadcast_in_dim3A_188 : vector<1x128xi32> to vector<2048x128xi32>
    %add3A_300 = arith.addi %add3A_299, %mul3A_298 : vector<2048x128xi32>
    %add3A_301 = arith.addi %add3A_300, %min3A_288 : vector<2048x128xi32>
    %mul3A_302 = arith.constant 8 : i32
    %mul3A_303 = vector.broadcast %mul3A_302 : i32 to vector<2048x128xi32>
    %mul3A_304 = arith.muli %add3A_301, %mul3A_303 : vector<2048x128xi32>
    %add3A_305 = vector.broadcast %broadcast_in_dim3A_191 : vector<1x128xi32> to vector<2048x128xi32>
    %add3A_306 = arith.addi %mul3A_304, %add3A_305 : vector<2048x128xi32>
    %swap3A = arith.constant 0 : index
    %swap3A_307 = arith.constant 0 : index
    %swap3A_308 = vector.load %arg14[%swap3A, %swap3A_307] : memref<2048x128xi32, #tpu.memory_space<vmem>>, vector<2048x128xi32>
    tpu.vector_store %arg14[%swap3A, %swap3A_307], %add3A_306 {strides = array<i32>} : memref<2048x128xi32, #tpu.memory_space<vmem>>, vector<2048x128xi32>,
    %mul3A_309 = arith.mulf %concatenate3A, %select_n3A_272 : vector<2048x128xf32>
    %mul3A_310 = arith.mulf %mul3A_309, %select_n3A_242 : vector<2048x128xf32>
    %mul3A_311 = arith.mulf %concatenate3A, %select_n3A_272 : vector<2048x128xf32>
    %mul3A_312 = arith.mulf %mul3A_311, %select_n3A_252 : vector<2048x128xf32>
    %mul3A_313 = arith.mulf %concatenate3A, %select_n3A_282 : vector<2048x128xf32>
    %mul3A_314 = arith.mulf %mul3A_313, %select_n3A_242 : vector<2048x128xf32>
    %mul3A_315 = arith.mulf %concatenate3A, %select_n3A_282 : vector<2048x128xf32>
    %mul3A_316 = arith.mulf %mul3A_315, %select_n3A_252 : vector<2048x128xf32>
    %slice3A_317 = vector.extract_strided_slice %mul3A_310 {offsets = [0, 0], sizes = [2048, 16], strides = [1, 1]} : vector<2048x128xf32> to vector<2048x16xf32>
    %slice3A_318 = vector.extract_strided_slice %mul3A_312 {offsets = [0, 0], sizes = [2048, 16], strides = [1, 1]} : vector<2048x128xf32> to vector<2048x16xf32>
    %slice3A_319 = vector.extract_strided_slice %mul3A_314 {offsets = [0, 0], sizes = [2048, 16], strides = [1, 1]} : vector<2048x128xf32> to vector<2048x16xf32>
    %slice3A_320 = vector.extract_strided_slice %mul3A_316 {offsets = [0, 0], sizes = [2048, 16], strides = [1, 1]} : vector<2048x128xf32> to vector<2048x16xf32>
    %slice3A_321 = vector.extract_strided_slice %mul3A_310 {offsets = [0, 16], sizes = [2048, 16], strides = [1, 1]} : vector<2048x128xf32> to vector<2048x16xf32>
    %slice3A_322 = vector.extract_strided_slice %mul3A_312 {offsets = [0, 16], sizes = [2048, 16], strides = [1, 1]} : vector<2048x128xf32> to vector<2048x16xf32>
    %slice3A_323 = vector.extract_strided_slice %mul3A_314 {offsets = [0, 16], sizes = [2048, 16], strides = [1, 1]} : vector<2048x128xf32> to vector<2048x16xf32>
    %slice3A_324 = vector.extract_strided_slice %mul3A_316 {offsets = [0, 16], sizes = [2048, 16], strides = [1, 1]} : vector<2048x128xf32> to vector<2048x16xf32>
    %slice3A_325 = vector.extract_strided_slice %mul3A_310 {offsets = [0, 32], sizes = [2048, 16], strides = [1, 1]} : vector<2048x128xf32> to vector<2048x16xf32>
    %slice3A_326 = vector.extract_strided_slice %mul3A_312 {offsets = [0, 32], sizes = [2048, 16], strides = [1, 1]} : vector<2048x128xf32> to vector<2048x16xf32>
    %slice3A_327 = vector.extract_strided_slice %mul3A_314 {offsets = [0, 32], sizes = [2048, 16], strides = [1, 1]} : vector<2048x128xf32> to vector<2048x16xf32>
    %slice3A_328 = vector.extract_strided_slice %mul3A_316 {offsets = [0, 32], sizes = [2048, 16], strides = [1, 1]} : vector<2048x128xf32> to vector<2048x16xf32>
    %slice3A_329 = vector.extract_strided_slice %mul3A_310 {offsets = [0, 48], sizes = [2048, 16], strides = [1, 1]} : vector<2048x128xf32> to vector<2048x16xf32>
    %slice3A_330 = vector.extract_strided_slice %mul3A_312 {offsets = [0, 48], sizes = [2048, 16], strides = [1, 1]} : vector<2048x128xf32> to vector<2048x16xf32>
    %slice3A_331 = vector.extract_strided_slice %mul3A_314 {offsets = [0, 48], sizes = [2048, 16], strides = [1, 1]} : vector<2048x128xf32> to vector<2048x16xf32>
    %slice3A_332 = vector.extract_strided_slice %mul3A_316 {offsets = [0, 48], sizes = [2048, 16], strides = [1, 1]} : vector<2048x128xf32> to vector<2048x16xf32>
    %slice3A_333 = vector.extract_strided_slice %mul3A_310 {offsets = [0, 64], sizes = [2048, 16], strides = [1, 1]} : vector<2048x128xf32> to vector<2048x16xf32>
    %slice3A_334 = vector.extract_strided_slice %mul3A_312 {offsets = [0, 64], sizes = [2048, 16], strides = [1, 1]} : vector<2048x128xf32> to vector<2048x16xf32>
    %slice3A_335 = vector.extract_strided_slice %mul3A_314 {offsets = [0, 64], sizes = [2048, 16], strides = [1, 1]} : vector<2048x128xf32> to vector<2048x16xf32>
    %slice3A_336 = vector.extract_strided_slice %mul3A_316 {offsets = [0, 64], sizes = [2048, 16], strides = [1, 1]} : vector<2048x128xf32> to vector<2048x16xf32>
    %slice3A_337 = vector.extract_strided_slice %mul3A_310 {offsets = [0, 80], sizes = [2048, 16], strides = [1, 1]} : vector<2048x128xf32> to vector<2048x16xf32>
    %slice3A_338 = vector.extract_strided_slice %mul3A_312 {offsets = [0, 80], sizes = [2048, 16], strides = [1, 1]} : vector<2048x128xf32> to vector<2048x16xf32>
    %slice3A_339 = vector.extract_strided_slice %mul3A_314 {offsets = [0, 80], sizes = [2048, 16], strides = [1, 1]} : vector<2048x128xf32> to vector<2048x16xf32>
    %slice3A_340 = vector.extract_strided_slice %mul3A_316 {offsets = [0, 80], sizes = [2048, 16], strides = [1, 1]} : vector<2048x128xf32> to vector<2048x16xf32>
    %slice3A_341 = vector.extract_strided_slice %mul3A_310 {offsets = [0, 96], sizes = [2048, 16], strides = [1, 1]} : vector<2048x128xf32> to vector<2048x16xf32>
    %slice3A_342 = vector.extract_strided_slice %mul3A_312 {offsets = [0, 96], sizes = [2048, 16], strides = [1, 1]} : vector<2048x128xf32> to vector<2048x16xf32>
    %slice3A_343 = vector.extract_strided_slice %mul3A_314 {offsets = [0, 96], sizes = [2048, 16], strides = [1, 1]} : vector<2048x128xf32> to vector<2048x16xf32>
    %slice3A_344 = vector.extract_strided_slice %mul3A_316 {offsets = [0, 96], sizes = [2048, 16], strides = [1, 1]} : vector<2048x128xf32> to vector<2048x16xf32>
    %slice3A_345 = vector.extract_strided_slice %mul3A_310 {offsets = [0, 112], sizes = [2048, 16], strides = [1, 1]} : vector<2048x128xf32> to vector<2048x16xf32>
    %slice3A_346 = vector.extract_strided_slice %mul3A_312 {offsets = [0, 112], sizes = [2048, 16], strides = [1, 1]} : vector<2048x128xf32> to vector<2048x16xf32>
    %slice3A_347 = vector.extract_strided_slice %mul3A_314 {offsets = [0, 112], sizes = [2048, 16], strides = [1, 1]} : vector<2048x128xf32> to vector<2048x16xf32>
    %slice3A_348 = vector.extract_strided_slice %mul3A_316 {offsets = [0, 112], sizes = [2048, 16], strides = [1, 1]} : vector<2048x128xf32> to vector<2048x16xf32>
    %concatenate3A_349 = tpu.concatenate %slice3A_317, %slice3A_318, %slice3A_319, %slice3A_320, %slice3A_321, %slice3A_322, %slice3A_323, %slice3A_324, %slice3A_325, %slice3A_326, %slice3A_327, %slice3A_328, %slice3A_329, %slice3A_330, %slice3A_331, %slice3A_332, %slice3A_333, %slice3A_334, %slice3A_335, %slice3A_336, %slice3A_337, %slice3A_338, %slice3A_339, %slice3A_340, %slice3A_341, %slice3A_342, %slice3A_343, %slice3A_344, %slice3A_345, %slice3A_346, %slice3A_347, %slice3A_348 in 1 : vector<2048x16xf32>, vector<2048x16xf32>, vector<2048x16xf32>, vector<2048x16xf32>, vector<2048x16xf32>, vector<2048x16xf32>, vector<2048x16xf32>, vector<2048x16xf32>, vector<2048x16xf32>, vector<2048x16xf32>, vector<2048x16xf32>, vector<2048x16xf32>, vector<2048x16xf32>, vector<2048x16xf32>, vector<2048x16xf32>, vector<2048x16xf32>, vector<2048x16xf32>, vector<2048x16xf32>, vector<2048x16xf32>, vector<2048x16xf32>, vector<2048x16xf32>, vector<2048x16xf32>, vector<2048x16xf32>, vector<2048x16xf32>, vector<2048x16xf32>, vector<2048x16xf32>, vector<2048x16xf32>, vector<2048x16xf32>, vector<2048x16xf32>, vector<2048x16xf32>, vector<2048x16xf32>, vector<2048x16xf32> -> vector<2048x512xf32>
    %swap3A_350 = arith.constant 0 : index
    %swap3A_351 = arith.constant 0 : index
    %swap3A_352 = vector.load %arg15[%swap3A_350, %swap3A_351] : memref<2048x512xf32, #tpu.memory_space<vmem>>, vector<2048x512xf32>
    tpu.vector_store %arg15[%swap3A_350, %swap3A_351], %concatenate3A_349 {strides = array<i32>} : memref<2048x512xf32, #tpu.memory_space<vmem>>, vector<2048x512xf32>,
    return
  }
  func.func @transform_0(%arg0: i32) -> (i32, i32) {
    %c0_i32 = arith.constant 0 : i32
    %c0_i32_0 = arith.constant 0 : i32
    return %arg0, %c0_i32 : i32, i32
  }
  func.func @transform_1(%arg0: i32) -> (i32, i32) {
    %c0_i32 = arith.constant 0 : i32
    %c0_i32_0 = arith.constant 0 : i32
    %c0_i32_1 = arith.constant 0 : i32
    return %c0_i32, %c0_i32_0 : i32, i32
  }
  func.func @transform_2(%arg0: i32) -> (i32, i32) {
    %c0_i32 = arith.constant 0 : i32
    %c0_i32_0 = arith.constant 0 : i32
    %c0_i32_1 = arith.constant 0 : i32
    return %c0_i32, %c0_i32_0 : i32, i32
  }
  func.func @transform_3(%arg0: i32) -> i32 {
    %c0_i32 = arith.constant 0 : i32
    %c0_i32_0 = arith.constant 0 : i32
    return %c0_i32 : i32
  }
  func.func @transform_4(%arg0: i32) -> i32 {
    %c0_i32 = arith.constant 0 : i32
    %c0_i32_0 = arith.constant 0 : i32
    return %c0_i32 : i32
  }
  func.func @transform_5(%arg0: i32) -> (i32, i32) {
    %c0_i32 = arith.constant 0 : i32
    %c0_i32_0 = arith.constant 0 : i32
    %c0_i32_1 = arith.constant 0 : i32
    return %c0_i32, %c0_i32_0 : i32, i32
  }
  func.func @transform_6(%arg0: i32) -> i32 {
    %c0_i32 = arith.constant 0 : i32
    %c0_i32_0 = arith.constant 0 : i32
    return %c0_i32 : i32
  }
  func.func @transform_7(%arg0: i32) -> i32 {
    %c0_i32 = arith.constant 0 : i32
    %c0_i32_0 = arith.constant 0 : i32
    return %c0_i32 : i32
  }
  func.func @transform_8(%arg0: i32) -> i32 {
    %c0_i32 = arith.constant 0 : i32
    %c0_i32_0 = arith.constant 0 : i32
    return %c0_i32 : i32
  }
  func.func @transform_9(%arg0: i32) -> i32 {
    %c0_i32 = arith.constant 0 : i32
    %c0_i32_0 = arith.constant 0 : i32
    return %c0_i32 : i32
  }
  func.func @transform_10(%arg0: i32) -> i32 {
    %c0_i32 = arith.constant 0 : i32
    %c0_i32_0 = arith.constant 0 : i32
    return %c0_i32 : i32
  }
  func.func @transform_11(%arg0: i32) -> i32 {
    %c0_i32 = arith.constant 0 : i32
    %c0_i32_0 = arith.constant 0 : i32
    return %c0_i32 : i32
  }
  func.func @transform_12(%arg0: i32) -> i32 {
    %c0_i32 = arith.constant 0 : i32
    %c0_i32_0 = arith.constant 0 : i32
    return %c0_i32 : i32
  }
  func.func @transform_13(%arg0: i32) -> (i32, i32) {
    %c0_i32 = arith.constant 0 : i32
    %c0_i32_0 = arith.constant 0 : i32
    return %arg0, %c0_i32 : i32, i32
  }
  func.func @transform_14(%arg0: i32) -> (i32, i32) {
    %c0_i32 = arith.constant 0 : i32
    %c0_i32_0 = arith.constant 0 : i32
    return %arg0, %c0_i32 : i32, i32
  }
}

module attributes {stable_mosaic.version = 14 : i64} {
  func.func @_level_body(%arg0: memref<24x16384xf32, #tpu.memory_space<vmem>>, %arg1: memref<256x24xf32, #tpu.memory_space<vmem>>, %arg2: memref<256xf32, #tpu.memory_space<vmem>>, %arg3: memref<256xf32, #tpu.memory_space<vmem>>, %arg4: memref<256xf32, #tpu.memory_space<vmem>>, %arg5: memref<256x256xf32, #tpu.memory_space<vmem>>, %arg6: memref<256xf32, #tpu.memory_space<vmem>>, %arg7: memref<16384x256xf32, #tpu.memory_space<vmem>>) attributes {dimension_semantics = [], scalar_prefetch = 0 : i64, scratch_operands = 0 : i64, tpu.core_type = #tpu.core_type<tc>} {
    %get3A = arith.constant 0 : index
    %get3A_0 = arith.constant 0 : index
    %get3A_1 = vector.load %arg0[%get3A, %get3A_0] : memref<24x16384xf32, #tpu.memory_space<vmem>>, vector<24x16384xf32>
    %get3A_2 = arith.constant 0 : index
    %get3A_3 = arith.constant 0 : index
    %get3A_4 = vector.load %arg1[%get3A_2, %get3A_3] : memref<256x24xf32, #tpu.memory_space<vmem>>, vector<256x24xf32>
    %dot_general3A = arith.constant dense<0.000000e+00> : vector<256x16384xf32>
    %dot_general3A_5 = tpu.matmul %get3A_4, %get3A_1, %dot_general3A {dimension_numbers = #tpu.dot_dimension_numbers<[1], [0], [0], [1], [0, 0, 1, 1], [], []>, transpose_lhs_hint = false} : vector<256x24xf32>, vector<24x16384xf32>, vector<256x16384xf32> -> vector<256x16384xf32>
    %get3A_6 = arith.constant 0 : index
    %get3A_7 = vector.load %arg2[%get3A_6] : memref<256xf32, #tpu.memory_space<vmem>>, vector<256xf32>
    %broadcast_in_dim3A = vector.shape_cast %get3A_7 : vector<256xf32> to vector<256x1xf32>
    %add3A = vector.broadcast %broadcast_in_dim3A : vector<256x1xf32> to vector<256x16384xf32>
    %add3A_8 = arith.addf %dot_general3A_5, %add3A : vector<256x16384xf32>
    %iota3A = tpu.iota {dimensions = array<i32: 0>} : vector<256x32xi32>
    %jit3A = arith.constant 8 : i32
    %div3A = vector.broadcast %jit3A : i32 to vector<256x32xi32>
    %div3A_9 = arith.divsi %iota3A, %div3A : vector<256x32xi32>
    %sign3A = arith.constant 0 : i32
    %sign3A_10 = vector.broadcast %sign3A : i32 to vector<256x32xi32>
    %sign3A_11 = arith.cmpi sgt, %iota3A, %sign3A_10 : vector<256x32xi32>
    %sign3A_12 = arith.extui %sign3A_11 : vector<256x32xi1> to vector<256x32xi32>
    %sign3A_13 = arith.constant 0 : i32
    %sign3A_14 = vector.broadcast %sign3A_13 : i32 to vector<256x32xi32>
    %sign3A_15 = arith.cmpi slt, %iota3A, %sign3A_14 : vector<256x32xi32>
    %sign3A_16 = arith.extui %sign3A_15 : vector<256x32xi1> to vector<256x32xi32>
    %sign3A_17 = arith.subi %sign3A_12, %sign3A_16 : vector<256x32xi32>
    %sign3A_18 = arith.constant 0 : i32
    %sign3A_19 = arith.cmpi sgt, %jit3A, %sign3A_18 : i32
    %sign3A_20 = arith.extui %sign3A_19 : i1 to i32
    %sign3A_21 = arith.constant 0 : i32
    %sign3A_22 = arith.cmpi slt, %jit3A, %sign3A_21 : i32
    %sign3A_23 = arith.extui %sign3A_22 : i1 to i32
    %sign3A_24 = arith.subi %sign3A_20, %sign3A_23 : i32
    %ne3A = vector.broadcast %sign3A_24 : i32 to vector<256x32xi32>
    %ne3A_25 = arith.cmpi ne, %sign3A_17, %ne3A : vector<256x32xi32>
    %rem3A = vector.broadcast %jit3A : i32 to vector<256x32xi32>
    %rem3A_26 = arith.remsi %iota3A, %rem3A : vector<256x32xi32>
    %ne3A_27 = arith.constant 0 : i32
    %ne3A_28 = vector.broadcast %ne3A_27 : i32 to vector<256x32xi32>
    %ne3A_29 = arith.cmpi ne, %rem3A_26, %ne3A_28 : vector<256x32xi32>
    %and3A = arith.andi %ne3A_25, %ne3A_29 : vector<256x32xi1>
    %sub3A = arith.constant 1 : i32
    %sub3A_30 = vector.broadcast %sub3A : i32 to vector<256x32xi32>
    %sub3A_31 = arith.subi %div3A_9, %sub3A_30 : vector<256x32xi32>
    %select_n3A = arith.select %and3A, %sub3A_31, %div3A_9 : vector<256x32xi1>, vector<256x32xi32>
    %iota3A_32 = tpu.iota {dimensions = array<i32: 1>} : vector<256x32xi32>
    %eq3A = arith.cmpi eq, %select_n3A, %iota3A_32 : vector<256x32xi32>
    %convert_element_type3A = arith.extui %eq3A : vector<256x32xi1> to vector<256x32xi32>
    %convert_element_type3A_33 = arith.sitofp %convert_element_type3A : vector<256x32xi32> to vector<256x32xf32>
    %reduce_sum3A = arith.constant dense<0.000000e+00> : vector<256xf32>
    %reduce_sum3A_34 = vector.multi_reduction <add>, %add3A_8, %reduce_sum3A [1] : vector<256x16384xf32> to vector<256xf32>
    %broadcast_in_dim3A_35 = vector.shape_cast %reduce_sum3A_34 : vector<256xf32> to vector<1x256xf32>
    %mul3A = arith.mulf %add3A_8, %add3A_8 : vector<256x16384xf32>
    %reduce_sum3A_36 = arith.constant dense<0.000000e+00> : vector<256xf32>
    %reduce_sum3A_37 = vector.multi_reduction <add>, %mul3A, %reduce_sum3A_36 [1] : vector<256x16384xf32> to vector<256xf32>
    %broadcast_in_dim3A_38 = vector.shape_cast %reduce_sum3A_37 : vector<256xf32> to vector<1x256xf32>
    %dot_general3A_39 = arith.constant dense<0.000000e+00> : vector<1x32xf32>
    %dot_general3A_40 = tpu.matmul %broadcast_in_dim3A_35, %convert_element_type3A_33, %dot_general3A_39 {dimension_numbers = #tpu.dot_dimension_numbers<[1], [0], [0], [1], [0, 0, 1, 1], [], []>, transpose_lhs_hint = false} : vector<1x256xf32>, vector<256x32xf32>, vector<1x32xf32> -> vector<1x32xf32>
    %div3A_41 = arith.constant 1.310720e+05 : f32
    %div3A_42 = vector.broadcast %div3A_41 : f32 to vector<1x32xf32>
    %div3A_43 = arith.divf %dot_general3A_40, %div3A_42 : vector<1x32xf32>
    %dot_general3A_44 = arith.constant dense<0.000000e+00> : vector<1x32xf32>
    %dot_general3A_45 = tpu.matmul %broadcast_in_dim3A_38, %convert_element_type3A_33, %dot_general3A_44 {dimension_numbers = #tpu.dot_dimension_numbers<[1], [0], [0], [1], [0, 0, 1, 1], [], []>, transpose_lhs_hint = false} : vector<1x256xf32>, vector<256x32xf32>, vector<1x32xf32> -> vector<1x32xf32>
    %div3A_46 = arith.constant 1.310720e+05 : f32
    %div3A_47 = vector.broadcast %div3A_46 : f32 to vector<1x32xf32>
    %div3A_48 = arith.divf %dot_general3A_45, %div3A_47 : vector<1x32xf32>
    %mul3A_49 = arith.mulf %div3A_43, %div3A_43 : vector<1x32xf32>
    %sub3A_50 = arith.subf %div3A_48, %mul3A_49 : vector<1x32xf32>
    %add3A_51 = arith.constant 9.99999974E-6 : f32
    %add3A_52 = vector.broadcast %add3A_51 : f32 to vector<1x32xf32>
    %add3A_53 = arith.addf %sub3A_50, %add3A_52 : vector<1x32xf32>
    %rsqrt3A = math.rsqrt %add3A_53 : vector<1x32xf32>
    %transpose3A = tpu.transpose %div3A_43, [1, 0] : vector<1x32xf32> -> vector<32x1xf32>
    %dot_general3A_54 = arith.constant dense<0.000000e+00> : vector<256x1xf32>
    %dot_general3A_55 = tpu.matmul %convert_element_type3A_33, %transpose3A, %dot_general3A_54 {dimension_numbers = #tpu.dot_dimension_numbers<[1], [0], [0], [1], [0, 0, 1, 1], [], []>, transpose_lhs_hint = false} : vector<256x32xf32>, vector<32x1xf32>, vector<256x1xf32> -> vector<256x1xf32>
    %transpose3A_56 = tpu.transpose %rsqrt3A, [1, 0] : vector<1x32xf32> -> vector<32x1xf32>
    %dot_general3A_57 = arith.constant dense<0.000000e+00> : vector<256x1xf32>
    %dot_general3A_58 = tpu.matmul %convert_element_type3A_33, %transpose3A_56, %dot_general3A_57 {dimension_numbers = #tpu.dot_dimension_numbers<[1], [0], [0], [1], [0, 0, 1, 1], [], []>, transpose_lhs_hint = false} : vector<256x32xf32>, vector<32x1xf32>, vector<256x1xf32> -> vector<256x1xf32>
    %sub3A_59 = vector.broadcast %dot_general3A_55 : vector<256x1xf32> to vector<256x16384xf32>
    %sub3A_60 = arith.subf %add3A_8, %sub3A_59 : vector<256x16384xf32>
    %mul3A_61 = vector.broadcast %dot_general3A_58 : vector<256x1xf32> to vector<256x16384xf32>
    %mul3A_62 = arith.mulf %sub3A_60, %mul3A_61 : vector<256x16384xf32>
    %get3A_63 = arith.constant 0 : index
    %get3A_64 = vector.load %arg3[%get3A_63] : memref<256xf32, #tpu.memory_space<vmem>>, vector<256xf32>
    %broadcast_in_dim3A_65 = vector.shape_cast %get3A_64 : vector<256xf32> to vector<256x1xf32>
    %mul3A_66 = vector.broadcast %broadcast_in_dim3A_65 : vector<256x1xf32> to vector<256x16384xf32>
    %mul3A_67 = arith.mulf %mul3A_62, %mul3A_66 : vector<256x16384xf32>
    %get3A_68 = arith.constant 0 : index
    %get3A_69 = vector.load %arg4[%get3A_68] : memref<256xf32, #tpu.memory_space<vmem>>, vector<256xf32>
    %broadcast_in_dim3A_70 = vector.shape_cast %get3A_69 : vector<256xf32> to vector<256x1xf32>
    %add3A_71 = vector.broadcast %broadcast_in_dim3A_70 : vector<256x1xf32> to vector<256x16384xf32>
    %add3A_72 = arith.addf %mul3A_67, %add3A_71 : vector<256x16384xf32>
    %get3A_73 = arith.constant 0 : index
    %get3A_74 = arith.constant 0 : index
    %get3A_75 = vector.load %arg5[%get3A_73, %get3A_74] : memref<256x256xf32, #tpu.memory_space<vmem>>, vector<256x256xf32>
    %dot_general3A_76 = arith.constant dense<0.000000e+00> : vector<16384x256xf32>
    %dot_general3A_77 = tpu.matmul %add3A_72, %get3A_75, %dot_general3A_76 {dimension_numbers = #tpu.dot_dimension_numbers<[0], [1], [1], [0], [0, 1, 1, 0], [], []>, transpose_lhs_hint = false} : vector<256x16384xf32>, vector<256x256xf32>, vector<16384x256xf32> -> vector<16384x256xf32>
    %get3A_78 = arith.constant 0 : index
    %get3A_79 = vector.load %arg6[%get3A_78] : memref<256xf32, #tpu.memory_space<vmem>>, vector<256xf32>
    %broadcast_in_dim3A_80 = vector.shape_cast %get3A_79 : vector<256xf32> to vector<1x256xf32>
    %add3A_81 = vector.broadcast %broadcast_in_dim3A_80 : vector<1x256xf32> to vector<16384x256xf32>
    %add3A_82 = arith.addf %dot_general3A_77, %add3A_81 : vector<16384x256xf32>
    %swap3A = arith.constant 0 : index
    %swap3A_83 = arith.constant 0 : index
    %swap3A_84 = vector.load %arg7[%swap3A, %swap3A_83] : memref<16384x256xf32, #tpu.memory_space<vmem>>, vector<16384x256xf32>
    tpu.vector_store %arg7[%swap3A, %swap3A_83], %add3A_82 {strides = array<i32>} : memref<16384x256xf32, #tpu.memory_space<vmem>>, vector<16384x256xf32>,
    return
  }
}

module attributes {stable_mosaic.version = 14 : i64} {
  func.func @_level_body(%arg0: memref<40x4096xf32, #tpu.memory_space<vmem>>, %arg1: memref<256x40xf32, #tpu.memory_space<vmem>>, %arg2: memref<256xf32, #tpu.memory_space<vmem>>, %arg3: memref<256xf32, #tpu.memory_space<vmem>>, %arg4: memref<256xf32, #tpu.memory_space<vmem>>, %arg5: memref<256x256xf32, #tpu.memory_space<vmem>>, %arg6: memref<256xf32, #tpu.memory_space<vmem>>, %arg7: memref<4096x256xf32, #tpu.memory_space<vmem>>) attributes {dimension_semantics = [], scalar_prefetch = 0 : i64, scratch_operands = 0 : i64, tpu.core_type = #tpu.core_type<tc>} {
    %get3A = arith.constant 0 : index
    %get3A_0 = arith.constant 0 : index
    %get3A_1 = vector.load %arg0[%get3A, %get3A_0] : memref<40x4096xf32, #tpu.memory_space<vmem>>, vector<40x4096xf32>
    %get3A_2 = arith.constant 0 : index
    %get3A_3 = arith.constant 0 : index
    %get3A_4 = vector.load %arg1[%get3A_2, %get3A_3] : memref<256x40xf32, #tpu.memory_space<vmem>>, vector<256x40xf32>
    %dot_general3A = arith.constant dense<0.000000e+00> : vector<256x4096xf32>
    %dot_general3A_5 = tpu.matmul %get3A_4, %get3A_1, %dot_general3A {dimension_numbers = #tpu.dot_dimension_numbers<[1], [0], [0], [1], [0, 0, 1, 1], [], []>, transpose_lhs_hint = false} : vector<256x40xf32>, vector<40x4096xf32>, vector<256x4096xf32> -> vector<256x4096xf32>
    %get3A_6 = arith.constant 0 : index
    %get3A_7 = vector.load %arg2[%get3A_6] : memref<256xf32, #tpu.memory_space<vmem>>, vector<256xf32>
    %broadcast_in_dim3A = vector.shape_cast %get3A_7 : vector<256xf32> to vector<256x1xf32>
    %add3A = vector.broadcast %broadcast_in_dim3A : vector<256x1xf32> to vector<256x4096xf32>
    %add3A_8 = arith.addf %dot_general3A_5, %add3A : vector<256x4096xf32>
    %iota3A = tpu.iota {dimensions = array<i32: 0>} : vector<256x32xi32>
    %jit3A = arith.constant 8 : i32
    %div3A = vector.broadcast %jit3A : i32 to vector<256x32xi32>
    %div3A_9 = arith.divsi %iota3A, %div3A : vector<256x32xi32>
    %sign3A = arith.constant 0 : i32
    %sign3A_10 = vector.broadcast %sign3A : i32 to vector<256x32xi32>
    %sign3A_11 = arith.cmpi sgt, %iota3A, %sign3A_10 : vector<256x32xi32>
    %sign3A_12 = arith.extui %sign3A_11 : vector<256x32xi1> to vector<256x32xi32>
    %sign3A_13 = arith.constant 0 : i32
    %sign3A_14 = vector.broadcast %sign3A_13 : i32 to vector<256x32xi32>
    %sign3A_15 = arith.cmpi slt, %iota3A, %sign3A_14 : vector<256x32xi32>
    %sign3A_16 = arith.extui %sign3A_15 : vector<256x32xi1> to vector<256x32xi32>
    %sign3A_17 = arith.subi %sign3A_12, %sign3A_16 : vector<256x32xi32>
    %sign3A_18 = arith.constant 0 : i32
    %sign3A_19 = arith.cmpi sgt, %jit3A, %sign3A_18 : i32
    %sign3A_20 = arith.extui %sign3A_19 : i1 to i32
    %sign3A_21 = arith.constant 0 : i32
    %sign3A_22 = arith.cmpi slt, %jit3A, %sign3A_21 : i32
    %sign3A_23 = arith.extui %sign3A_22 : i1 to i32
    %sign3A_24 = arith.subi %sign3A_20, %sign3A_23 : i32
    %ne3A = vector.broadcast %sign3A_24 : i32 to vector<256x32xi32>
    %ne3A_25 = arith.cmpi ne, %sign3A_17, %ne3A : vector<256x32xi32>
    %rem3A = vector.broadcast %jit3A : i32 to vector<256x32xi32>
    %rem3A_26 = arith.remsi %iota3A, %rem3A : vector<256x32xi32>
    %ne3A_27 = arith.constant 0 : i32
    %ne3A_28 = vector.broadcast %ne3A_27 : i32 to vector<256x32xi32>
    %ne3A_29 = arith.cmpi ne, %rem3A_26, %ne3A_28 : vector<256x32xi32>
    %and3A = arith.andi %ne3A_25, %ne3A_29 : vector<256x32xi1>
    %sub3A = arith.constant 1 : i32
    %sub3A_30 = vector.broadcast %sub3A : i32 to vector<256x32xi32>
    %sub3A_31 = arith.subi %div3A_9, %sub3A_30 : vector<256x32xi32>
    %select_n3A = arith.select %and3A, %sub3A_31, %div3A_9 : vector<256x32xi1>, vector<256x32xi32>
    %iota3A_32 = tpu.iota {dimensions = array<i32: 1>} : vector<256x32xi32>
    %eq3A = arith.cmpi eq, %select_n3A, %iota3A_32 : vector<256x32xi32>
    %convert_element_type3A = arith.extui %eq3A : vector<256x32xi1> to vector<256x32xi32>
    %convert_element_type3A_33 = arith.sitofp %convert_element_type3A : vector<256x32xi32> to vector<256x32xf32>
    %reduce_sum3A = arith.constant dense<0.000000e+00> : vector<256xf32>
    %reduce_sum3A_34 = vector.multi_reduction <add>, %add3A_8, %reduce_sum3A [1] : vector<256x4096xf32> to vector<256xf32>
    %broadcast_in_dim3A_35 = vector.shape_cast %reduce_sum3A_34 : vector<256xf32> to vector<1x256xf32>
    %mul3A = arith.mulf %add3A_8, %add3A_8 : vector<256x4096xf32>
    %reduce_sum3A_36 = arith.constant dense<0.000000e+00> : vector<256xf32>
    %reduce_sum3A_37 = vector.multi_reduction <add>, %mul3A, %reduce_sum3A_36 [1] : vector<256x4096xf32> to vector<256xf32>
    %broadcast_in_dim3A_38 = vector.shape_cast %reduce_sum3A_37 : vector<256xf32> to vector<1x256xf32>
    %dot_general3A_39 = arith.constant dense<0.000000e+00> : vector<1x32xf32>
    %dot_general3A_40 = tpu.matmul %broadcast_in_dim3A_35, %convert_element_type3A_33, %dot_general3A_39 {dimension_numbers = #tpu.dot_dimension_numbers<[1], [0], [0], [1], [0, 0, 1, 1], [], []>, transpose_lhs_hint = false} : vector<1x256xf32>, vector<256x32xf32>, vector<1x32xf32> -> vector<1x32xf32>
    %div3A_41 = arith.constant 3.276800e+04 : f32
    %div3A_42 = vector.broadcast %div3A_41 : f32 to vector<1x32xf32>
    %div3A_43 = arith.divf %dot_general3A_40, %div3A_42 : vector<1x32xf32>
    %dot_general3A_44 = arith.constant dense<0.000000e+00> : vector<1x32xf32>
    %dot_general3A_45 = tpu.matmul %broadcast_in_dim3A_38, %convert_element_type3A_33, %dot_general3A_44 {dimension_numbers = #tpu.dot_dimension_numbers<[1], [0], [0], [1], [0, 0, 1, 1], [], []>, transpose_lhs_hint = false} : vector<1x256xf32>, vector<256x32xf32>, vector<1x32xf32> -> vector<1x32xf32>
    %div3A_46 = arith.constant 3.276800e+04 : f32
    %div3A_47 = vector.broadcast %div3A_46 : f32 to vector<1x32xf32>
    %div3A_48 = arith.divf %dot_general3A_45, %div3A_47 : vector<1x32xf32>
    %mul3A_49 = arith.mulf %div3A_43, %div3A_43 : vector<1x32xf32>
    %sub3A_50 = arith.subf %div3A_48, %mul3A_49 : vector<1x32xf32>
    %add3A_51 = arith.constant 9.99999974E-6 : f32
    %add3A_52 = vector.broadcast %add3A_51 : f32 to vector<1x32xf32>
    %add3A_53 = arith.addf %sub3A_50, %add3A_52 : vector<1x32xf32>
    %rsqrt3A = math.rsqrt %add3A_53 : vector<1x32xf32>
    %transpose3A = tpu.transpose %div3A_43, [1, 0] : vector<1x32xf32> -> vector<32x1xf32>
    %dot_general3A_54 = arith.constant dense<0.000000e+00> : vector<256x1xf32>
    %dot_general3A_55 = tpu.matmul %convert_element_type3A_33, %transpose3A, %dot_general3A_54 {dimension_numbers = #tpu.dot_dimension_numbers<[1], [0], [0], [1], [0, 0, 1, 1], [], []>, transpose_lhs_hint = false} : vector<256x32xf32>, vector<32x1xf32>, vector<256x1xf32> -> vector<256x1xf32>
    %transpose3A_56 = tpu.transpose %rsqrt3A, [1, 0] : vector<1x32xf32> -> vector<32x1xf32>
    %dot_general3A_57 = arith.constant dense<0.000000e+00> : vector<256x1xf32>
    %dot_general3A_58 = tpu.matmul %convert_element_type3A_33, %transpose3A_56, %dot_general3A_57 {dimension_numbers = #tpu.dot_dimension_numbers<[1], [0], [0], [1], [0, 0, 1, 1], [], []>, transpose_lhs_hint = false} : vector<256x32xf32>, vector<32x1xf32>, vector<256x1xf32> -> vector<256x1xf32>
    %sub3A_59 = vector.broadcast %dot_general3A_55 : vector<256x1xf32> to vector<256x4096xf32>
    %sub3A_60 = arith.subf %add3A_8, %sub3A_59 : vector<256x4096xf32>
    %mul3A_61 = vector.broadcast %dot_general3A_58 : vector<256x1xf32> to vector<256x4096xf32>
    %mul3A_62 = arith.mulf %sub3A_60, %mul3A_61 : vector<256x4096xf32>
    %get3A_63 = arith.constant 0 : index
    %get3A_64 = vector.load %arg3[%get3A_63] : memref<256xf32, #tpu.memory_space<vmem>>, vector<256xf32>
    %broadcast_in_dim3A_65 = vector.shape_cast %get3A_64 : vector<256xf32> to vector<256x1xf32>
    %mul3A_66 = vector.broadcast %broadcast_in_dim3A_65 : vector<256x1xf32> to vector<256x4096xf32>
    %mul3A_67 = arith.mulf %mul3A_62, %mul3A_66 : vector<256x4096xf32>
    %get3A_68 = arith.constant 0 : index
    %get3A_69 = vector.load %arg4[%get3A_68] : memref<256xf32, #tpu.memory_space<vmem>>, vector<256xf32>
    %broadcast_in_dim3A_70 = vector.shape_cast %get3A_69 : vector<256xf32> to vector<256x1xf32>
    %add3A_71 = vector.broadcast %broadcast_in_dim3A_70 : vector<256x1xf32> to vector<256x4096xf32>
    %add3A_72 = arith.addf %mul3A_67, %add3A_71 : vector<256x4096xf32>
    %get3A_73 = arith.constant 0 : index
    %get3A_74 = arith.constant 0 : index
    %get3A_75 = vector.load %arg5[%get3A_73, %get3A_74] : memref<256x256xf32, #tpu.memory_space<vmem>>, vector<256x256xf32>
    %dot_general3A_76 = arith.constant dense<0.000000e+00> : vector<4096x256xf32>
    %dot_general3A_77 = tpu.matmul %add3A_72, %get3A_75, %dot_general3A_76 {dimension_numbers = #tpu.dot_dimension_numbers<[0], [1], [1], [0], [0, 1, 1, 0], [], []>, transpose_lhs_hint = false} : vector<256x4096xf32>, vector<256x256xf32>, vector<4096x256xf32> -> vector<4096x256xf32>
    %get3A_78 = arith.constant 0 : index
    %get3A_79 = vector.load %arg6[%get3A_78] : memref<256xf32, #tpu.memory_space<vmem>>, vector<256xf32>
    %broadcast_in_dim3A_80 = vector.shape_cast %get3A_79 : vector<256xf32> to vector<1x256xf32>
    %add3A_81 = vector.broadcast %broadcast_in_dim3A_80 : vector<1x256xf32> to vector<4096x256xf32>
    %add3A_82 = arith.addf %dot_general3A_77, %add3A_81 : vector<4096x256xf32>
    %swap3A = arith.constant 0 : index
    %swap3A_83 = arith.constant 0 : index
    %swap3A_84 = vector.load %arg7[%swap3A, %swap3A_83] : memref<4096x256xf32, #tpu.memory_space<vmem>>, vector<4096x256xf32>
    tpu.vector_store %arg7[%swap3A, %swap3A_83], %add3A_82 {strides = array<i32>} : memref<4096x256xf32, #tpu.memory_space<vmem>>, vector<4096x256xf32>,
    return
  }
}

module attributes {stable_mosaic.version = 14 : i64} {
  func.func @_level_body(%arg0: memref<112x1024xf32, #tpu.memory_space<vmem>>, %arg1: memref<256x112xf32, #tpu.memory_space<vmem>>, %arg2: memref<256xf32, #tpu.memory_space<vmem>>, %arg3: memref<256xf32, #tpu.memory_space<vmem>>, %arg4: memref<256xf32, #tpu.memory_space<vmem>>, %arg5: memref<256x256xf32, #tpu.memory_space<vmem>>, %arg6: memref<256xf32, #tpu.memory_space<vmem>>, %arg7: memref<1024x256xf32, #tpu.memory_space<vmem>>) attributes {dimension_semantics = [], scalar_prefetch = 0 : i64, scratch_operands = 0 : i64, tpu.core_type = #tpu.core_type<tc>} {
    %get3A = arith.constant 0 : index
    %get3A_0 = arith.constant 0 : index
    %get3A_1 = vector.load %arg0[%get3A, %get3A_0] : memref<112x1024xf32, #tpu.memory_space<vmem>>, vector<112x1024xf32>
    %get3A_2 = arith.constant 0 : index
    %get3A_3 = arith.constant 0 : index
    %get3A_4 = vector.load %arg1[%get3A_2, %get3A_3] : memref<256x112xf32, #tpu.memory_space<vmem>>, vector<256x112xf32>
    %dot_general3A = arith.constant dense<0.000000e+00> : vector<256x1024xf32>
    %dot_general3A_5 = tpu.matmul %get3A_4, %get3A_1, %dot_general3A {dimension_numbers = #tpu.dot_dimension_numbers<[1], [0], [0], [1], [0, 0, 1, 1], [], []>, transpose_lhs_hint = false} : vector<256x112xf32>, vector<112x1024xf32>, vector<256x1024xf32> -> vector<256x1024xf32>
    %get3A_6 = arith.constant 0 : index
    %get3A_7 = vector.load %arg2[%get3A_6] : memref<256xf32, #tpu.memory_space<vmem>>, vector<256xf32>
    %broadcast_in_dim3A = vector.shape_cast %get3A_7 : vector<256xf32> to vector<256x1xf32>
    %add3A = vector.broadcast %broadcast_in_dim3A : vector<256x1xf32> to vector<256x1024xf32>
    %add3A_8 = arith.addf %dot_general3A_5, %add3A : vector<256x1024xf32>
    %iota3A = tpu.iota {dimensions = array<i32: 0>} : vector<256x32xi32>
    %jit3A = arith.constant 8 : i32
    %div3A = vector.broadcast %jit3A : i32 to vector<256x32xi32>
    %div3A_9 = arith.divsi %iota3A, %div3A : vector<256x32xi32>
    %sign3A = arith.constant 0 : i32
    %sign3A_10 = vector.broadcast %sign3A : i32 to vector<256x32xi32>
    %sign3A_11 = arith.cmpi sgt, %iota3A, %sign3A_10 : vector<256x32xi32>
    %sign3A_12 = arith.extui %sign3A_11 : vector<256x32xi1> to vector<256x32xi32>
    %sign3A_13 = arith.constant 0 : i32
    %sign3A_14 = vector.broadcast %sign3A_13 : i32 to vector<256x32xi32>
    %sign3A_15 = arith.cmpi slt, %iota3A, %sign3A_14 : vector<256x32xi32>
    %sign3A_16 = arith.extui %sign3A_15 : vector<256x32xi1> to vector<256x32xi32>
    %sign3A_17 = arith.subi %sign3A_12, %sign3A_16 : vector<256x32xi32>
    %sign3A_18 = arith.constant 0 : i32
    %sign3A_19 = arith.cmpi sgt, %jit3A, %sign3A_18 : i32
    %sign3A_20 = arith.extui %sign3A_19 : i1 to i32
    %sign3A_21 = arith.constant 0 : i32
    %sign3A_22 = arith.cmpi slt, %jit3A, %sign3A_21 : i32
    %sign3A_23 = arith.extui %sign3A_22 : i1 to i32
    %sign3A_24 = arith.subi %sign3A_20, %sign3A_23 : i32
    %ne3A = vector.broadcast %sign3A_24 : i32 to vector<256x32xi32>
    %ne3A_25 = arith.cmpi ne, %sign3A_17, %ne3A : vector<256x32xi32>
    %rem3A = vector.broadcast %jit3A : i32 to vector<256x32xi32>
    %rem3A_26 = arith.remsi %iota3A, %rem3A : vector<256x32xi32>
    %ne3A_27 = arith.constant 0 : i32
    %ne3A_28 = vector.broadcast %ne3A_27 : i32 to vector<256x32xi32>
    %ne3A_29 = arith.cmpi ne, %rem3A_26, %ne3A_28 : vector<256x32xi32>
    %and3A = arith.andi %ne3A_25, %ne3A_29 : vector<256x32xi1>
    %sub3A = arith.constant 1 : i32
    %sub3A_30 = vector.broadcast %sub3A : i32 to vector<256x32xi32>
    %sub3A_31 = arith.subi %div3A_9, %sub3A_30 : vector<256x32xi32>
    %select_n3A = arith.select %and3A, %sub3A_31, %div3A_9 : vector<256x32xi1>, vector<256x32xi32>
    %iota3A_32 = tpu.iota {dimensions = array<i32: 1>} : vector<256x32xi32>
    %eq3A = arith.cmpi eq, %select_n3A, %iota3A_32 : vector<256x32xi32>
    %convert_element_type3A = arith.extui %eq3A : vector<256x32xi1> to vector<256x32xi32>
    %convert_element_type3A_33 = arith.sitofp %convert_element_type3A : vector<256x32xi32> to vector<256x32xf32>
    %reduce_sum3A = arith.constant dense<0.000000e+00> : vector<256xf32>
    %reduce_sum3A_34 = vector.multi_reduction <add>, %add3A_8, %reduce_sum3A [1] : vector<256x1024xf32> to vector<256xf32>
    %broadcast_in_dim3A_35 = vector.shape_cast %reduce_sum3A_34 : vector<256xf32> to vector<1x256xf32>
    %mul3A = arith.mulf %add3A_8, %add3A_8 : vector<256x1024xf32>
    %reduce_sum3A_36 = arith.constant dense<0.000000e+00> : vector<256xf32>
    %reduce_sum3A_37 = vector.multi_reduction <add>, %mul3A, %reduce_sum3A_36 [1] : vector<256x1024xf32> to vector<256xf32>
    %broadcast_in_dim3A_38 = vector.shape_cast %reduce_sum3A_37 : vector<256xf32> to vector<1x256xf32>
    %dot_general3A_39 = arith.constant dense<0.000000e+00> : vector<1x32xf32>
    %dot_general3A_40 = tpu.matmul %broadcast_in_dim3A_35, %convert_element_type3A_33, %dot_general3A_39 {dimension_numbers = #tpu.dot_dimension_numbers<[1], [0], [0], [1], [0, 0, 1, 1], [], []>, transpose_lhs_hint = false} : vector<1x256xf32>, vector<256x32xf32>, vector<1x32xf32> -> vector<1x32xf32>
    %div3A_41 = arith.constant 8.192000e+03 : f32
    %div3A_42 = vector.broadcast %div3A_41 : f32 to vector<1x32xf32>
    %div3A_43 = arith.divf %dot_general3A_40, %div3A_42 : vector<1x32xf32>
    %dot_general3A_44 = arith.constant dense<0.000000e+00> : vector<1x32xf32>
    %dot_general3A_45 = tpu.matmul %broadcast_in_dim3A_38, %convert_element_type3A_33, %dot_general3A_44 {dimension_numbers = #tpu.dot_dimension_numbers<[1], [0], [0], [1], [0, 0, 1, 1], [], []>, transpose_lhs_hint = false} : vector<1x256xf32>, vector<256x32xf32>, vector<1x32xf32> -> vector<1x32xf32>
    %div3A_46 = arith.constant 8.192000e+03 : f32
    %div3A_47 = vector.broadcast %div3A_46 : f32 to vector<1x32xf32>
    %div3A_48 = arith.divf %dot_general3A_45, %div3A_47 : vector<1x32xf32>
    %mul3A_49 = arith.mulf %div3A_43, %div3A_43 : vector<1x32xf32>
    %sub3A_50 = arith.subf %div3A_48, %mul3A_49 : vector<1x32xf32>
    %add3A_51 = arith.constant 9.99999974E-6 : f32
    %add3A_52 = vector.broadcast %add3A_51 : f32 to vector<1x32xf32>
    %add3A_53 = arith.addf %sub3A_50, %add3A_52 : vector<1x32xf32>
    %rsqrt3A = math.rsqrt %add3A_53 : vector<1x32xf32>
    %transpose3A = tpu.transpose %div3A_43, [1, 0] : vector<1x32xf32> -> vector<32x1xf32>
    %dot_general3A_54 = arith.constant dense<0.000000e+00> : vector<256x1xf32>
    %dot_general3A_55 = tpu.matmul %convert_element_type3A_33, %transpose3A, %dot_general3A_54 {dimension_numbers = #tpu.dot_dimension_numbers<[1], [0], [0], [1], [0, 0, 1, 1], [], []>, transpose_lhs_hint = false} : vector<256x32xf32>, vector<32x1xf32>, vector<256x1xf32> -> vector<256x1xf32>
    %transpose3A_56 = tpu.transpose %rsqrt3A, [1, 0] : vector<1x32xf32> -> vector<32x1xf32>
    %dot_general3A_57 = arith.constant dense<0.000000e+00> : vector<256x1xf32>
    %dot_general3A_58 = tpu.matmul %convert_element_type3A_33, %transpose3A_56, %dot_general3A_57 {dimension_numbers = #tpu.dot_dimension_numbers<[1], [0], [0], [1], [0, 0, 1, 1], [], []>, transpose_lhs_hint = false} : vector<256x32xf32>, vector<32x1xf32>, vector<256x1xf32> -> vector<256x1xf32>
    %sub3A_59 = vector.broadcast %dot_general3A_55 : vector<256x1xf32> to vector<256x1024xf32>
    %sub3A_60 = arith.subf %add3A_8, %sub3A_59 : vector<256x1024xf32>
    %mul3A_61 = vector.broadcast %dot_general3A_58 : vector<256x1xf32> to vector<256x1024xf32>
    %mul3A_62 = arith.mulf %sub3A_60, %mul3A_61 : vector<256x1024xf32>
    %get3A_63 = arith.constant 0 : index
    %get3A_64 = vector.load %arg3[%get3A_63] : memref<256xf32, #tpu.memory_space<vmem>>, vector<256xf32>
    %broadcast_in_dim3A_65 = vector.shape_cast %get3A_64 : vector<256xf32> to vector<256x1xf32>
    %mul3A_66 = vector.broadcast %broadcast_in_dim3A_65 : vector<256x1xf32> to vector<256x1024xf32>
    %mul3A_67 = arith.mulf %mul3A_62, %mul3A_66 : vector<256x1024xf32>
    %get3A_68 = arith.constant 0 : index
    %get3A_69 = vector.load %arg4[%get3A_68] : memref<256xf32, #tpu.memory_space<vmem>>, vector<256xf32>
    %broadcast_in_dim3A_70 = vector.shape_cast %get3A_69 : vector<256xf32> to vector<256x1xf32>
    %add3A_71 = vector.broadcast %broadcast_in_dim3A_70 : vector<256x1xf32> to vector<256x1024xf32>
    %add3A_72 = arith.addf %mul3A_67, %add3A_71 : vector<256x1024xf32>
    %get3A_73 = arith.constant 0 : index
    %get3A_74 = arith.constant 0 : index
    %get3A_75 = vector.load %arg5[%get3A_73, %get3A_74] : memref<256x256xf32, #tpu.memory_space<vmem>>, vector<256x256xf32>
    %dot_general3A_76 = arith.constant dense<0.000000e+00> : vector<1024x256xf32>
    %dot_general3A_77 = tpu.matmul %add3A_72, %get3A_75, %dot_general3A_76 {dimension_numbers = #tpu.dot_dimension_numbers<[0], [1], [1], [0], [0, 1, 1, 0], [], []>, transpose_lhs_hint = false} : vector<256x1024xf32>, vector<256x256xf32>, vector<1024x256xf32> -> vector<1024x256xf32>
    %get3A_78 = arith.constant 0 : index
    %get3A_79 = vector.load %arg6[%get3A_78] : memref<256xf32, #tpu.memory_space<vmem>>, vector<256xf32>
    %broadcast_in_dim3A_80 = vector.shape_cast %get3A_79 : vector<256xf32> to vector<1x256xf32>
    %add3A_81 = vector.broadcast %broadcast_in_dim3A_80 : vector<1x256xf32> to vector<1024x256xf32>
    %add3A_82 = arith.addf %dot_general3A_77, %add3A_81 : vector<1024x256xf32>
    %swap3A = arith.constant 0 : index
    %swap3A_83 = arith.constant 0 : index
    %swap3A_84 = vector.load %arg7[%swap3A, %swap3A_83] : memref<1024x256xf32, #tpu.memory_space<vmem>>, vector<1024x256xf32>
    tpu.vector_store %arg7[%swap3A, %swap3A_83], %add3A_82 {strides = array<i32>} : memref<1024x256xf32, #tpu.memory_space<vmem>>, vector<1024x256xf32>,
    return
  }
}

module attributes {stable_mosaic.version = 14 : i64} {
  func.func @_level_body(%arg0: memref<1280x256xf32, #tpu.memory_space<vmem>>, %arg1: memref<256x1280xf32, #tpu.memory_space<vmem>>, %arg2: memref<256xf32, #tpu.memory_space<vmem>>, %arg3: memref<256xf32, #tpu.memory_space<vmem>>, %arg4: memref<256xf32, #tpu.memory_space<vmem>>, %arg5: memref<256x256xf32, #tpu.memory_space<vmem>>, %arg6: memref<256xf32, #tpu.memory_space<vmem>>, %arg7: memref<256x256xf32, #tpu.memory_space<vmem>>) attributes {dimension_semantics = [], scalar_prefetch = 0 : i64, scratch_operands = 0 : i64, tpu.core_type = #tpu.core_type<tc>} {
    %get3A = arith.constant 0 : index
    %get3A_0 = arith.constant 0 : index
    %get3A_1 = vector.load %arg0[%get3A, %get3A_0] : memref<1280x256xf32, #tpu.memory_space<vmem>>, vector<1280x256xf32>
    %get3A_2 = arith.constant 0 : index
    %get3A_3 = arith.constant 0 : index
    %get3A_4 = vector.load %arg1[%get3A_2, %get3A_3] : memref<256x1280xf32, #tpu.memory_space<vmem>>, vector<256x1280xf32>
    %dot_general3A = arith.constant dense<0.000000e+00> : vector<256x256xf32>
    %dot_general3A_5 = tpu.matmul %get3A_4, %get3A_1, %dot_general3A {dimension_numbers = #tpu.dot_dimension_numbers<[1], [0], [0], [1], [0, 0, 1, 1], [], []>, transpose_lhs_hint = false} : vector<256x1280xf32>, vector<1280x256xf32>, vector<256x256xf32> -> vector<256x256xf32>
    %get3A_6 = arith.constant 0 : index
    %get3A_7 = vector.load %arg2[%get3A_6] : memref<256xf32, #tpu.memory_space<vmem>>, vector<256xf32>
    %broadcast_in_dim3A = vector.shape_cast %get3A_7 : vector<256xf32> to vector<256x1xf32>
    %add3A = vector.broadcast %broadcast_in_dim3A : vector<256x1xf32> to vector<256x256xf32>
    %add3A_8 = arith.addf %dot_general3A_5, %add3A : vector<256x256xf32>
    %iota3A = tpu.iota {dimensions = array<i32: 0>} : vector<256x32xi32>
    %jit3A = arith.constant 8 : i32
    %div3A = vector.broadcast %jit3A : i32 to vector<256x32xi32>
    %div3A_9 = arith.divsi %iota3A, %div3A : vector<256x32xi32>
    %sign3A = arith.constant 0 : i32
    %sign3A_10 = vector.broadcast %sign3A : i32 to vector<256x32xi32>
    %sign3A_11 = arith.cmpi sgt, %iota3A, %sign3A_10 : vector<256x32xi32>
    %sign3A_12 = arith.extui %sign3A_11 : vector<256x32xi1> to vector<256x32xi32>
    %sign3A_13 = arith.constant 0 : i32
    %sign3A_14 = vector.broadcast %sign3A_13 : i32 to vector<256x32xi32>
    %sign3A_15 = arith.cmpi slt, %iota3A, %sign3A_14 : vector<256x32xi32>
    %sign3A_16 = arith.extui %sign3A_15 : vector<256x32xi1> to vector<256x32xi32>
    %sign3A_17 = arith.subi %sign3A_12, %sign3A_16 : vector<256x32xi32>
    %sign3A_18 = arith.constant 0 : i32
    %sign3A_19 = arith.cmpi sgt, %jit3A, %sign3A_18 : i32
    %sign3A_20 = arith.extui %sign3A_19 : i1 to i32
    %sign3A_21 = arith.constant 0 : i32
    %sign3A_22 = arith.cmpi slt, %jit3A, %sign3A_21 : i32
    %sign3A_23 = arith.extui %sign3A_22 : i1 to i32
    %sign3A_24 = arith.subi %sign3A_20, %sign3A_23 : i32
    %ne3A = vector.broadcast %sign3A_24 : i32 to vector<256x32xi32>
    %ne3A_25 = arith.cmpi ne, %sign3A_17, %ne3A : vector<256x32xi32>
    %rem3A = vector.broadcast %jit3A : i32 to vector<256x32xi32>
    %rem3A_26 = arith.remsi %iota3A, %rem3A : vector<256x32xi32>
    %ne3A_27 = arith.constant 0 : i32
    %ne3A_28 = vector.broadcast %ne3A_27 : i32 to vector<256x32xi32>
    %ne3A_29 = arith.cmpi ne, %rem3A_26, %ne3A_28 : vector<256x32xi32>
    %and3A = arith.andi %ne3A_25, %ne3A_29 : vector<256x32xi1>
    %sub3A = arith.constant 1 : i32
    %sub3A_30 = vector.broadcast %sub3A : i32 to vector<256x32xi32>
    %sub3A_31 = arith.subi %div3A_9, %sub3A_30 : vector<256x32xi32>
    %select_n3A = arith.select %and3A, %sub3A_31, %div3A_9 : vector<256x32xi1>, vector<256x32xi32>
    %iota3A_32 = tpu.iota {dimensions = array<i32: 1>} : vector<256x32xi32>
    %eq3A = arith.cmpi eq, %select_n3A, %iota3A_32 : vector<256x32xi32>
    %convert_element_type3A = arith.extui %eq3A : vector<256x32xi1> to vector<256x32xi32>
    %convert_element_type3A_33 = arith.sitofp %convert_element_type3A : vector<256x32xi32> to vector<256x32xf32>
    %reduce_sum3A = arith.constant dense<0.000000e+00> : vector<256xf32>
    %reduce_sum3A_34 = vector.multi_reduction <add>, %add3A_8, %reduce_sum3A [1] : vector<256x256xf32> to vector<256xf32>
    %broadcast_in_dim3A_35 = vector.shape_cast %reduce_sum3A_34 : vector<256xf32> to vector<1x256xf32>
    %mul3A = arith.mulf %add3A_8, %add3A_8 : vector<256x256xf32>
    %reduce_sum3A_36 = arith.constant dense<0.000000e+00> : vector<256xf32>
    %reduce_sum3A_37 = vector.multi_reduction <add>, %mul3A, %reduce_sum3A_36 [1] : vector<256x256xf32> to vector<256xf32>
    %broadcast_in_dim3A_38 = vector.shape_cast %reduce_sum3A_37 : vector<256xf32> to vector<1x256xf32>
    %dot_general3A_39 = arith.constant dense<0.000000e+00> : vector<1x32xf32>
    %dot_general3A_40 = tpu.matmul %broadcast_in_dim3A_35, %convert_element_type3A_33, %dot_general3A_39 {dimension_numbers = #tpu.dot_dimension_numbers<[1], [0], [0], [1], [0, 0, 1, 1], [], []>, transpose_lhs_hint = false} : vector<1x256xf32>, vector<256x32xf32>, vector<1x32xf32> -> vector<1x32xf32>
    %div3A_41 = arith.constant 2.048000e+03 : f32
    %div3A_42 = vector.broadcast %div3A_41 : f32 to vector<1x32xf32>
    %div3A_43 = arith.divf %dot_general3A_40, %div3A_42 : vector<1x32xf32>
    %dot_general3A_44 = arith.constant dense<0.000000e+00> : vector<1x32xf32>
    %dot_general3A_45 = tpu.matmul %broadcast_in_dim3A_38, %convert_element_type3A_33, %dot_general3A_44 {dimension_numbers = #tpu.dot_dimension_numbers<[1], [0], [0], [1], [0, 0, 1, 1], [], []>, transpose_lhs_hint = false} : vector<1x256xf32>, vector<256x32xf32>, vector<1x32xf32> -> vector<1x32xf32>
    %div3A_46 = arith.constant 2.048000e+03 : f32
    %div3A_47 = vector.broadcast %div3A_46 : f32 to vector<1x32xf32>
    %div3A_48 = arith.divf %dot_general3A_45, %div3A_47 : vector<1x32xf32>
    %mul3A_49 = arith.mulf %div3A_43, %div3A_43 : vector<1x32xf32>
    %sub3A_50 = arith.subf %div3A_48, %mul3A_49 : vector<1x32xf32>
    %add3A_51 = arith.constant 9.99999974E-6 : f32
    %add3A_52 = vector.broadcast %add3A_51 : f32 to vector<1x32xf32>
    %add3A_53 = arith.addf %sub3A_50, %add3A_52 : vector<1x32xf32>
    %rsqrt3A = math.rsqrt %add3A_53 : vector<1x32xf32>
    %transpose3A = tpu.transpose %div3A_43, [1, 0] : vector<1x32xf32> -> vector<32x1xf32>
    %dot_general3A_54 = arith.constant dense<0.000000e+00> : vector<256x1xf32>
    %dot_general3A_55 = tpu.matmul %convert_element_type3A_33, %transpose3A, %dot_general3A_54 {dimension_numbers = #tpu.dot_dimension_numbers<[1], [0], [0], [1], [0, 0, 1, 1], [], []>, transpose_lhs_hint = false} : vector<256x32xf32>, vector<32x1xf32>, vector<256x1xf32> -> vector<256x1xf32>
    %transpose3A_56 = tpu.transpose %rsqrt3A, [1, 0] : vector<1x32xf32> -> vector<32x1xf32>
    %dot_general3A_57 = arith.constant dense<0.000000e+00> : vector<256x1xf32>
    %dot_general3A_58 = tpu.matmul %convert_element_type3A_33, %transpose3A_56, %dot_general3A_57 {dimension_numbers = #tpu.dot_dimension_numbers<[1], [0], [0], [1], [0, 0, 1, 1], [], []>, transpose_lhs_hint = false} : vector<256x32xf32>, vector<32x1xf32>, vector<256x1xf32> -> vector<256x1xf32>
    %sub3A_59 = vector.broadcast %dot_general3A_55 : vector<256x1xf32> to vector<256x256xf32>
    %sub3A_60 = arith.subf %add3A_8, %sub3A_59 : vector<256x256xf32>
    %mul3A_61 = vector.broadcast %dot_general3A_58 : vector<256x1xf32> to vector<256x256xf32>
    %mul3A_62 = arith.mulf %sub3A_60, %mul3A_61 : vector<256x256xf32>
    %get3A_63 = arith.constant 0 : index
    %get3A_64 = vector.load %arg3[%get3A_63] : memref<256xf32, #tpu.memory_space<vmem>>, vector<256xf32>
    %broadcast_in_dim3A_65 = vector.shape_cast %get3A_64 : vector<256xf32> to vector<256x1xf32>
    %mul3A_66 = vector.broadcast %broadcast_in_dim3A_65 : vector<256x1xf32> to vector<256x256xf32>
    %mul3A_67 = arith.mulf %mul3A_62, %mul3A_66 : vector<256x256xf32>
    %get3A_68 = arith.constant 0 : index
    %get3A_69 = vector.load %arg4[%get3A_68] : memref<256xf32, #tpu.memory_space<vmem>>, vector<256xf32>
    %broadcast_in_dim3A_70 = vector.shape_cast %get3A_69 : vector<256xf32> to vector<256x1xf32>
    %add3A_71 = vector.broadcast %broadcast_in_dim3A_70 : vector<256x1xf32> to vector<256x256xf32>
    %add3A_72 = arith.addf %mul3A_67, %add3A_71 : vector<256x256xf32>
    %get3A_73 = arith.constant 0 : index
    %get3A_74 = arith.constant 0 : index
    %get3A_75 = vector.load %arg5[%get3A_73, %get3A_74] : memref<256x256xf32, #tpu.memory_space<vmem>>, vector<256x256xf32>
    %dot_general3A_76 = arith.constant dense<0.000000e+00> : vector<256x256xf32>
    %dot_general3A_77 = tpu.matmul %add3A_72, %get3A_75, %dot_general3A_76 {dimension_numbers = #tpu.dot_dimension_numbers<[0], [1], [1], [0], [0, 1, 1, 0], [], []>, transpose_lhs_hint = false} : vector<256x256xf32>, vector<256x256xf32>, vector<256x256xf32> -> vector<256x256xf32>
    %get3A_78 = arith.constant 0 : index
    %get3A_79 = vector.load %arg6[%get3A_78] : memref<256xf32, #tpu.memory_space<vmem>>, vector<256xf32>
    %broadcast_in_dim3A_80 = vector.shape_cast %get3A_79 : vector<256xf32> to vector<1x256xf32>
    %add3A_81 = vector.broadcast %broadcast_in_dim3A_80 : vector<1x256xf32> to vector<256x256xf32>
    %add3A_82 = arith.addf %dot_general3A_77, %add3A_81 : vector<256x256xf32>
    %swap3A = arith.constant 0 : index
    %swap3A_83 = arith.constant 0 : index
    %swap3A_84 = vector.load %arg7[%swap3A, %swap3A_83] : memref<256x256xf32, #tpu.memory_space<vmem>>, vector<256x256xf32>
    tpu.vector_store %arg7[%swap3A, %swap3A_83], %add3A_82 {strides = array<i32>} : memref<256x256xf32, #tpu.memory_space<vmem>>, vector<256x256xf32>,
    return
  }
}

module attributes {stable_mosaic.version = 14 : i64} {
  func.func @_patch_body(%arg0: i32, %arg1: memref<44032x128xf32, #tpu.memory_space<vmem>>, %arg2: memref<44032x128xf32, #tpu.memory_space<vmem>>, %arg3: memref<512x512xf32, #tpu.memory_space<vmem>>) attributes {dimension_semantics = [#tpu.dimension_semantics<arbitrary>], iteration_bounds = array<i64: 85>, scalar_prefetch = 0 : i64, scratch_operands = 0 : i64, tpu.core_type = #tpu.core_type<tc>, window_params = [{pipeline_mode = #tpu.pipeline_mode<synchronous>, transform_indices = @transform_0, window_bounds = array<i64: 44032, 128>}, {pipeline_mode = #tpu.pipeline_mode<synchronous>, transform_indices = @transform_1, window_bounds = array<i64: 44032, 128>}, {transform_indices = @transform_2, window_bounds = array<i64: 512, 512>}]} {
    %lt3A = arith.constant 64 : i32
    %lt3A_0 = arith.cmpi slt, %arg0, %lt3A : i32
    %lt3A_1 = arith.constant 80 : i32
    %lt3A_2 = arith.cmpi slt, %arg0, %lt3A_1 : i32
    %lt3A_3 = arith.constant 84 : i32
    %lt3A_4 = arith.cmpi slt, %arg0, %lt3A_3 : i32
    %jit3A = arith.constant 64 : i32
    %jit3A_5 = arith.constant 32 : i32
    %select_n3A = arith.select %lt3A_4, %jit3A, %jit3A_5 : i32
    %jit3A_6 = arith.constant 128 : i32
    %select_n3A_7 = arith.select %lt3A_2, %jit3A_6, %select_n3A : i32
    %jit3A_8 = arith.constant 256 : i32
    %select_n3A_9 = arith.select %lt3A_0, %jit3A_8, %select_n3A_7 : i32
    %mul3A = arith.constant 512 : i32
    %mul3A_10 = arith.muli %arg0, %mul3A : i32
    %multiple_of3A = tpu.assume_multiple %mul3A_10, 512 : i32
    %multiple_of3A_11 = tpu.assume_multiple %select_n3A_9, 32 : i32
    %get3A = arith.index_cast %multiple_of3A : i32 to index
    %get3A_12 = arith.constant 0 : index
    %get3A_13 = vector.load %arg1[%get3A, %get3A_12] : memref<44032x128xf32, #tpu.memory_space<vmem>>, vector<512x32xf32>
    %get3A_14 = arith.index_cast %multiple_of3A : i32 to index
    %get3A_15 = arith.constant 0 : index
    %get3A_16 = vector.load %arg2[%get3A_14, %get3A_15] : memref<44032x128xf32, #tpu.memory_space<vmem>>, vector<512x32xf32>
    %add3A = arith.addi %multiple_of3A, %multiple_of3A_11 : i32
    %get3A_17 = arith.index_cast %add3A : i32 to index
    %get3A_18 = arith.constant 0 : index
    %get3A_19 = vector.load %arg1[%get3A_17, %get3A_18] : memref<44032x128xf32, #tpu.memory_space<vmem>>, vector<512x32xf32>
    %add3A_20 = arith.addi %multiple_of3A, %multiple_of3A_11 : i32
    %get3A_21 = arith.index_cast %add3A_20 : i32 to index
    %get3A_22 = arith.constant 0 : index
    %get3A_23 = vector.load %arg2[%get3A_21, %get3A_22] : memref<44032x128xf32, #tpu.memory_space<vmem>>, vector<512x32xf32>
    %swap3A = arith.constant 0 : index
    %swap3A_24 = arith.constant 0 : index
    %swap3A_25 = vector.load %arg3[%swap3A, %swap3A_24] : memref<512x512xf32, #tpu.memory_space<vmem>>, vector<512x32xf32>
    tpu.vector_store %arg3[%swap3A, %swap3A_24], %get3A_13 {strides = array<i32>} : memref<512x512xf32, #tpu.memory_space<vmem>>, vector<512x32xf32>,
    %swap3A_26 = arith.constant 0 : index
    %swap3A_27 = arith.constant 32 : index
    %swap3A_28 = vector.load %arg3[%swap3A_26, %swap3A_27] : memref<512x512xf32, #tpu.memory_space<vmem>>, vector<512x32xf32>
    tpu.vector_store %arg3[%swap3A_26, %swap3A_27], %get3A_16 {strides = array<i32>} : memref<512x512xf32, #tpu.memory_space<vmem>>, vector<512x32xf32>,
    %swap3A_29 = arith.constant 0 : index
    %swap3A_30 = arith.constant 64 : index
    %swap3A_31 = vector.load %arg3[%swap3A_29, %swap3A_30] : memref<512x512xf32, #tpu.memory_space<vmem>>, vector<512x32xf32>
    tpu.vector_store %arg3[%swap3A_29, %swap3A_30], %get3A_19 {strides = array<i32>} : memref<512x512xf32, #tpu.memory_space<vmem>>, vector<512x32xf32>,
    %swap3A_32 = arith.constant 0 : index
    %swap3A_33 = arith.constant 96 : index
    %swap3A_34 = vector.load %arg3[%swap3A_32, %swap3A_33] : memref<512x512xf32, #tpu.memory_space<vmem>>, vector<512x32xf32>
    tpu.vector_store %arg3[%swap3A_32, %swap3A_33], %get3A_23 {strides = array<i32>} : memref<512x512xf32, #tpu.memory_space<vmem>>, vector<512x32xf32>,
    %get3A_35 = arith.index_cast %multiple_of3A : i32 to index
    %get3A_36 = arith.constant 32 : index
    %get3A_37 = vector.load %arg1[%get3A_35, %get3A_36] : memref<44032x128xf32, #tpu.memory_space<vmem>>, vector<512x32xf32>
    %get3A_38 = arith.index_cast %multiple_of3A : i32 to index
    %get3A_39 = arith.constant 32 : index
    %get3A_40 = vector.load %arg2[%get3A_38, %get3A_39] : memref<44032x128xf32, #tpu.memory_space<vmem>>, vector<512x32xf32>
    %add3A_41 = arith.addi %multiple_of3A, %multiple_of3A_11 : i32
    %get3A_42 = arith.index_cast %add3A_41 : i32 to index
    %get3A_43 = arith.constant 32 : index
    %get3A_44 = vector.load %arg1[%get3A_42, %get3A_43] : memref<44032x128xf32, #tpu.memory_space<vmem>>, vector<512x32xf32>
    %add3A_45 = arith.addi %multiple_of3A, %multiple_of3A_11 : i32
    %get3A_46 = arith.index_cast %add3A_45 : i32 to index
    %get3A_47 = arith.constant 32 : index
    %get3A_48 = vector.load %arg2[%get3A_46, %get3A_47] : memref<44032x128xf32, #tpu.memory_space<vmem>>, vector<512x32xf32>
    %swap3A_49 = arith.constant 0 : index
    %swap3A_50 = arith.constant 128 : index
    %swap3A_51 = vector.load %arg3[%swap3A_49, %swap3A_50] : memref<512x512xf32, #tpu.memory_space<vmem>>, vector<512x32xf32>
    tpu.vector_store %arg3[%swap3A_49, %swap3A_50], %get3A_37 {strides = array<i32>} : memref<512x512xf32, #tpu.memory_space<vmem>>, vector<512x32xf32>,
    %swap3A_52 = arith.constant 0 : index
    %swap3A_53 = arith.constant 160 : index
    %swap3A_54 = vector.load %arg3[%swap3A_52, %swap3A_53] : memref<512x512xf32, #tpu.memory_space<vmem>>, vector<512x32xf32>
    tpu.vector_store %arg3[%swap3A_52, %swap3A_53], %get3A_40 {strides = array<i32>} : memref<512x512xf32, #tpu.memory_space<vmem>>, vector<512x32xf32>,
    %swap3A_55 = arith.constant 0 : index
    %swap3A_56 = arith.constant 192 : index
    %swap3A_57 = vector.load %arg3[%swap3A_55, %swap3A_56] : memref<512x512xf32, #tpu.memory_space<vmem>>, vector<512x32xf32>
    tpu.vector_store %arg3[%swap3A_55, %swap3A_56], %get3A_44 {strides = array<i32>} : memref<512x512xf32, #tpu.memory_space<vmem>>, vector<512x32xf32>,
    %swap3A_58 = arith.constant 0 : index
    %swap3A_59 = arith.constant 224 : index
    %swap3A_60 = vector.load %arg3[%swap3A_58, %swap3A_59] : memref<512x512xf32, #tpu.memory_space<vmem>>, vector<512x32xf32>
    tpu.vector_store %arg3[%swap3A_58, %swap3A_59], %get3A_48 {strides = array<i32>} : memref<512x512xf32, #tpu.memory_space<vmem>>, vector<512x32xf32>,
    %get3A_61 = arith.index_cast %multiple_of3A : i32 to index
    %get3A_62 = arith.constant 64 : index
    %get3A_63 = vector.load %arg1[%get3A_61, %get3A_62] : memref<44032x128xf32, #tpu.memory_space<vmem>>, vector<512x32xf32>
    %get3A_64 = arith.index_cast %multiple_of3A : i32 to index
    %get3A_65 = arith.constant 64 : index
    %get3A_66 = vector.load %arg2[%get3A_64, %get3A_65] : memref<44032x128xf32, #tpu.memory_space<vmem>>, vector<512x32xf32>
    %add3A_67 = arith.addi %multiple_of3A, %multiple_of3A_11 : i32
    %get3A_68 = arith.index_cast %add3A_67 : i32 to index
    %get3A_69 = arith.constant 64 : index
    %get3A_70 = vector.load %arg1[%get3A_68, %get3A_69] : memref<44032x128xf32, #tpu.memory_space<vmem>>, vector<512x32xf32>
    %add3A_71 = arith.addi %multiple_of3A, %multiple_of3A_11 : i32
    %get3A_72 = arith.index_cast %add3A_71 : i32 to index
    %get3A_73 = arith.constant 64 : index
    %get3A_74 = vector.load %arg2[%get3A_72, %get3A_73] : memref<44032x128xf32, #tpu.memory_space<vmem>>, vector<512x32xf32>
    %swap3A_75 = arith.constant 0 : index
    %swap3A_76 = arith.constant 256 : index
    %swap3A_77 = vector.load %arg3[%swap3A_75, %swap3A_76] : memref<512x512xf32, #tpu.memory_space<vmem>>, vector<512x32xf32>
    tpu.vector_store %arg3[%swap3A_75, %swap3A_76], %get3A_63 {strides = array<i32>} : memref<512x512xf32, #tpu.memory_space<vmem>>, vector<512x32xf32>,
    %swap3A_78 = arith.constant 0 : index
    %swap3A_79 = arith.constant 288 : index
    %swap3A_80 = vector.load %arg3[%swap3A_78, %swap3A_79] : memref<512x512xf32, #tpu.memory_space<vmem>>, vector<512x32xf32>
    tpu.vector_store %arg3[%swap3A_78, %swap3A_79], %get3A_66 {strides = array<i32>} : memref<512x512xf32, #tpu.memory_space<vmem>>, vector<512x32xf32>,
    %swap3A_81 = arith.constant 0 : index
    %swap3A_82 = arith.constant 320 : index
    %swap3A_83 = vector.load %arg3[%swap3A_81, %swap3A_82] : memref<512x512xf32, #tpu.memory_space<vmem>>, vector<512x32xf32>
    tpu.vector_store %arg3[%swap3A_81, %swap3A_82], %get3A_70 {strides = array<i32>} : memref<512x512xf32, #tpu.memory_space<vmem>>, vector<512x32xf32>,
    %swap3A_84 = arith.constant 0 : index
    %swap3A_85 = arith.constant 352 : index
    %swap3A_86 = vector.load %arg3[%swap3A_84, %swap3A_85] : memref<512x512xf32, #tpu.memory_space<vmem>>, vector<512x32xf32>
    tpu.vector_store %arg3[%swap3A_84, %swap3A_85], %get3A_74 {strides = array<i32>} : memref<512x512xf32, #tpu.memory_space<vmem>>, vector<512x32xf32>,
    %get3A_87 = arith.index_cast %multiple_of3A : i32 to index
    %get3A_88 = arith.constant 96 : index
    %get3A_89 = vector.load %arg1[%get3A_87, %get3A_88] : memref<44032x128xf32, #tpu.memory_space<vmem>>, vector<512x32xf32>
    %get3A_90 = arith.index_cast %multiple_of3A : i32 to index
    %get3A_91 = arith.constant 96 : index
    %get3A_92 = vector.load %arg2[%get3A_90, %get3A_91] : memref<44032x128xf32, #tpu.memory_space<vmem>>, vector<512x32xf32>
    %add3A_93 = arith.addi %multiple_of3A, %multiple_of3A_11 : i32
    %get3A_94 = arith.index_cast %add3A_93 : i32 to index
    %get3A_95 = arith.constant 96 : index
    %get3A_96 = vector.load %arg1[%get3A_94, %get3A_95] : memref<44032x128xf32, #tpu.memory_space<vmem>>, vector<512x32xf32>
    %add3A_97 = arith.addi %multiple_of3A, %multiple_of3A_11 : i32
    %get3A_98 = arith.index_cast %add3A_97 : i32 to index
    %get3A_99 = arith.constant 96 : index
    %get3A_100 = vector.load %arg2[%get3A_98, %get3A_99] : memref<44032x128xf32, #tpu.memory_space<vmem>>, vector<512x32xf32>
    %swap3A_101 = arith.constant 0 : index
    %swap3A_102 = arith.constant 384 : index
    %swap3A_103 = vector.load %arg3[%swap3A_101, %swap3A_102] : memref<512x512xf32, #tpu.memory_space<vmem>>, vector<512x32xf32>
    tpu.vector_store %arg3[%swap3A_101, %swap3A_102], %get3A_89 {strides = array<i32>} : memref<512x512xf32, #tpu.memory_space<vmem>>, vector<512x32xf32>,
    %swap3A_104 = arith.constant 0 : index
    %swap3A_105 = arith.constant 416 : index
    %swap3A_106 = vector.load %arg3[%swap3A_104, %swap3A_105] : memref<512x512xf32, #tpu.memory_space<vmem>>, vector<512x32xf32>
    tpu.vector_store %arg3[%swap3A_104, %swap3A_105], %get3A_92 {strides = array<i32>} : memref<512x512xf32, #tpu.memory_space<vmem>>, vector<512x32xf32>,
    %swap3A_107 = arith.constant 0 : index
    %swap3A_108 = arith.constant 448 : index
    %swap3A_109 = vector.load %arg3[%swap3A_107, %swap3A_108] : memref<512x512xf32, #tpu.memory_space<vmem>>, vector<512x32xf32>
    tpu.vector_store %arg3[%swap3A_107, %swap3A_108], %get3A_96 {strides = array<i32>} : memref<512x512xf32, #tpu.memory_space<vmem>>, vector<512x32xf32>,
    %swap3A_110 = arith.constant 0 : index
    %swap3A_111 = arith.constant 480 : index
    %swap3A_112 = vector.load %arg3[%swap3A_110, %swap3A_111] : memref<512x512xf32, #tpu.memory_space<vmem>>, vector<512x32xf32>
    tpu.vector_store %arg3[%swap3A_110, %swap3A_111], %get3A_100 {strides = array<i32>} : memref<512x512xf32, #tpu.memory_space<vmem>>, vector<512x32xf32>,
    return
  }
  func.func @transform_0(%arg0: i32) -> (i32, i32) {
    %c0_i32 = arith.constant 0 : i32
    %c0_i32_0 = arith.constant 0 : i32
    %c0_i32_1 = arith.constant 0 : i32
    return %c0_i32, %c0_i32_0 : i32, i32
  }
  func.func @transform_1(%arg0: i32) -> (i32, i32) {
    %c0_i32 = arith.constant 0 : i32
    %c0_i32_0 = arith.constant 0 : i32
    %c0_i32_1 = arith.constant 0 : i32
    return %c0_i32, %c0_i32_0 : i32, i32
  }
  func.func @transform_2(%arg0: i32) -> (i32, i32) {
    %c0_i32 = arith.constant 0 : i32
    %c0_i32_0 = arith.constant 0 : i32
    return %arg0, %c0_i32 : i32, i32
  }
}

module attributes {stable_mosaic.version = 14 : i64} {
  func.func @_ffn_body(%arg0: i32, %arg1: memref<2048x256xf32, #tpu.memory_space<vmem>>, %arg2: memref<2048x256xf32, #tpu.memory_space<vmem>>, %arg3: memref<256x256xf32, #tpu.memory_space<vmem>>, %arg4: memref<256xf32, #tpu.memory_space<vmem>>, %arg5: memref<512x256xf32, #tpu.memory_space<vmem>>, %arg6: memref<512xf32, #tpu.memory_space<vmem>>, %arg7: memref<256x512xf32, #tpu.memory_space<vmem>>, %arg8: memref<256xf32, #tpu.memory_space<vmem>>, %arg9: memref<256xf32, #tpu.memory_space<vmem>>, %arg10: memref<256xf32, #tpu.memory_space<vmem>>, %arg11: memref<2048x256xf32, #tpu.memory_space<vmem>>) attributes {dimension_semantics = [#tpu.dimension_semantics<arbitrary>], iteration_bounds = array<i64: 8>, scalar_prefetch = 0 : i64, scratch_operands = 0 : i64, tpu.core_type = #tpu.core_type<tc>, window_params = [{transform_indices = @transform_0, window_bounds = array<i64: 2048, 256>}, {transform_indices = @transform_1, window_bounds = array<i64: 2048, 256>}, {pipeline_mode = #tpu.pipeline_mode<synchronous>, transform_indices = @transform_2, window_bounds = array<i64: 256, 256>}, {pipeline_mode = #tpu.pipeline_mode<synchronous>, transform_indices = @transform_3, window_bounds = array<i64: 256>}, {pipeline_mode = #tpu.pipeline_mode<synchronous>, transform_indices = @transform_4, window_bounds = array<i64: 512, 256>}, {pipeline_mode = #tpu.pipeline_mode<synchronous>, transform_indices = @transform_5, window_bounds = array<i64: 512>}, {pipeline_mode = #tpu.pipeline_mode<synchronous>, transform_indices = @transform_6, window_bounds = array<i64: 256, 512>}, {pipeline_mode = #tpu.pipeline_mode<synchronous>, transform_indices = @transform_7, window_bounds = array<i64: 256>}, {pipeline_mode = #tpu.pipeline_mode<synchronous>, transform_indices = @transform_8, window_bounds = array<i64: 256>}, {pipeline_mode = #tpu.pipeline_mode<synchronous>, transform_indices = @transform_9, window_bounds = array<i64: 256>}, {transform_indices = @transform_10, window_bounds = array<i64: 2048, 256>}]} {
    %get3A = arith.constant 0 : index
    %get3A_0 = arith.constant 0 : index
    %get3A_1 = vector.load %arg1[%get3A, %get3A_0] : memref<2048x256xf32, #tpu.memory_space<vmem>>, vector<2048x256xf32>
    %get3A_2 = arith.constant 0 : index
    %get3A_3 = arith.constant 0 : index
    %get3A_4 = vector.load %arg2[%get3A_2, %get3A_3] : memref<2048x256xf32, #tpu.memory_space<vmem>>, vector<2048x256xf32>
    %get3A_5 = arith.constant 0 : index
    %get3A_6 = arith.constant 0 : index
    %get3A_7 = vector.load %arg3[%get3A_5, %get3A_6] : memref<256x256xf32, #tpu.memory_space<vmem>>, vector<256x256xf32>
    %dot_general3A = arith.constant dense<0.000000e+00> : vector<2048x256xf32>
    %dot_general3A_8 = tpu.matmul %get3A_1, %get3A_7, %dot_general3A {dimension_numbers = #tpu.dot_dimension_numbers<[1], [1], [0], [0], [0, 0, 1, 0], [], []>, transpose_lhs_hint = false} : vector<2048x256xf32>, vector<256x256xf32>, vector<2048x256xf32> -> vector<2048x256xf32>
    %get3A_9 = arith.constant 0 : index
    %get3A_10 = vector.load %arg4[%get3A_9] : memref<256xf32, #tpu.memory_space<vmem>>, vector<256xf32>
    %broadcast_in_dim3A = vector.shape_cast %get3A_10 : vector<256xf32> to vector<1x256xf32>
    %add3A = vector.broadcast %broadcast_in_dim3A : vector<1x256xf32> to vector<2048x256xf32>
    %add3A_11 = arith.addf %dot_general3A_8, %add3A : vector<2048x256xf32>
    %mul3A = arith.constant 2.000000e+00 : f32
    %mul3A_12 = vector.broadcast %mul3A : f32 to vector<2048x256xf32>
    %mul3A_13 = arith.mulf %mul3A_12, %get3A_4 : vector<2048x256xf32>
    %add3A_14 = arith.addf %add3A_11, %mul3A_13 : vector<2048x256xf32>
    %get3A_15 = arith.constant 0 : index
    %get3A_16 = arith.constant 0 : index
    %get3A_17 = vector.load %arg5[%get3A_15, %get3A_16] : memref<512x256xf32, #tpu.memory_space<vmem>>, vector<512x256xf32>
    %dot_general3A_18 = arith.constant dense<0.000000e+00> : vector<2048x512xf32>
    %dot_general3A_19 = tpu.matmul %add3A_14, %get3A_17, %dot_general3A_18 {dimension_numbers = #tpu.dot_dimension_numbers<[1], [1], [0], [0], [0, 0, 1, 0], [], []>, transpose_lhs_hint = false} : vector<2048x256xf32>, vector<512x256xf32>, vector<2048x512xf32> -> vector<2048x512xf32>
    %get3A_20 = arith.constant 0 : index
    %get3A_21 = vector.load %arg6[%get3A_20] : memref<512xf32, #tpu.memory_space<vmem>>, vector<512xf32>
    %broadcast_in_dim3A_22 = vector.shape_cast %get3A_21 : vector<512xf32> to vector<1x512xf32>
    %add3A_23 = vector.broadcast %broadcast_in_dim3A_22 : vector<1x512xf32> to vector<2048x512xf32>
    %add3A_24 = arith.addf %dot_general3A_19, %add3A_23 : vector<2048x512xf32>
    %max3A = arith.constant 0.000000e+00 : f32
    %max3A_25 = vector.broadcast %max3A : f32 to vector<2048x512xf32>
    %max3A_26 = arith.maximumf %add3A_24, %max3A_25 : vector<2048x512xf32>
    %get3A_27 = arith.constant 0 : index
    %get3A_28 = arith.constant 0 : index
    %get3A_29 = vector.load %arg7[%get3A_27, %get3A_28] : memref<256x512xf32, #tpu.memory_space<vmem>>, vector<256x512xf32>
    %dot_general3A_30 = arith.constant dense<0.000000e+00> : vector<2048x256xf32>
    %dot_general3A_31 = tpu.matmul %max3A_26, %get3A_29, %dot_general3A_30 {dimension_numbers = #tpu.dot_dimension_numbers<[1], [1], [0], [0], [0, 0, 1, 0], [], []>, transpose_lhs_hint = false} : vector<2048x512xf32>, vector<256x512xf32>, vector<2048x256xf32> -> vector<2048x256xf32>
    %get3A_32 = arith.constant 0 : index
    %get3A_33 = vector.load %arg8[%get3A_32] : memref<256xf32, #tpu.memory_space<vmem>>, vector<256xf32>
    %broadcast_in_dim3A_34 = vector.shape_cast %get3A_33 : vector<256xf32> to vector<1x256xf32>
    %add3A_35 = vector.broadcast %broadcast_in_dim3A_34 : vector<1x256xf32> to vector<2048x256xf32>
    %add3A_36 = arith.addf %dot_general3A_31, %add3A_35 : vector<2048x256xf32>
    %reduce_sum3A = arith.constant dense<0.000000e+00> : vector<2048xf32>
    %reduce_sum3A_37 = vector.multi_reduction <add>, %add3A_36, %reduce_sum3A [1] : vector<2048x256xf32> to vector<2048xf32>
    %broadcast_in_dim3A_38 = vector.shape_cast %reduce_sum3A_37 : vector<2048xf32> to vector<2048x1xf32>
    %div3A = arith.constant 2.560000e+02 : f32
    %div3A_39 = vector.broadcast %div3A : f32 to vector<2048x1xf32>
    %div3A_40 = arith.divf %broadcast_in_dim3A_38, %div3A_39 : vector<2048x1xf32>
    %sub3A = vector.broadcast %div3A_40 : vector<2048x1xf32> to vector<2048x256xf32>
    %sub3A_41 = arith.subf %add3A_36, %sub3A : vector<2048x256xf32>
    %integer_pow3A = arith.mulf %sub3A_41, %sub3A_41 : vector<2048x256xf32>
    %reduce_sum3A_42 = arith.constant dense<0.000000e+00> : vector<2048xf32>
    %reduce_sum3A_43 = vector.multi_reduction <add>, %integer_pow3A, %reduce_sum3A_42 [1] : vector<2048x256xf32> to vector<2048xf32>
    %broadcast_in_dim3A_44 = vector.shape_cast %reduce_sum3A_43 : vector<2048xf32> to vector<2048x1xf32>
    %div3A_45 = arith.constant 2.560000e+02 : f32
    %div3A_46 = vector.broadcast %div3A_45 : f32 to vector<2048x1xf32>
    %div3A_47 = arith.divf %broadcast_in_dim3A_44, %div3A_46 : vector<2048x1xf32>
    %sub3A_48 = vector.broadcast %div3A_40 : vector<2048x1xf32> to vector<2048x256xf32>
    %sub3A_49 = arith.subf %add3A_36, %sub3A_48 : vector<2048x256xf32>
    %add3A_50 = arith.constant 9.99999974E-6 : f32
    %add3A_51 = vector.broadcast %add3A_50 : f32 to vector<2048x1xf32>
    %add3A_52 = arith.addf %div3A_47, %add3A_51 : vector<2048x1xf32>
    %rsqrt3A = math.rsqrt %add3A_52 : vector<2048x1xf32>
    %mul3A_53 = vector.broadcast %rsqrt3A : vector<2048x1xf32> to vector<2048x256xf32>
    %mul3A_54 = arith.mulf %sub3A_49, %mul3A_53 : vector<2048x256xf32>
    %get3A_55 = arith.constant 0 : index
    %get3A_56 = vector.load %arg9[%get3A_55] : memref<256xf32, #tpu.memory_space<vmem>>, vector<256xf32>
    %broadcast_in_dim3A_57 = vector.shape_cast %get3A_56 : vector<256xf32> to vector<1x256xf32>
    %mul3A_58 = vector.broadcast %broadcast_in_dim3A_57 : vector<1x256xf32> to vector<2048x256xf32>
    %mul3A_59 = arith.mulf %mul3A_54, %mul3A_58 : vector<2048x256xf32>
    %add3A_60 = arith.addf %add3A_14, %mul3A_59 : vector<2048x256xf32>
    %get3A_61 = arith.constant 0 : index
    %get3A_62 = vector.load %arg10[%get3A_61] : memref<256xf32, #tpu.memory_space<vmem>>, vector<256xf32>
    %broadcast_in_dim3A_63 = vector.shape_cast %get3A_62 : vector<256xf32> to vector<1x256xf32>
    %add3A_64 = vector.broadcast %broadcast_in_dim3A_63 : vector<1x256xf32> to vector<2048x256xf32>
    %add3A_65 = arith.addf %add3A_60, %add3A_64 : vector<2048x256xf32>
    %swap3A = arith.constant 0 : index
    %swap3A_66 = arith.constant 0 : index
    %swap3A_67 = vector.load %arg11[%swap3A, %swap3A_66] : memref<2048x256xf32, #tpu.memory_space<vmem>>, vector<2048x256xf32>
    tpu.vector_store %arg11[%swap3A, %swap3A_66], %add3A_65 {strides = array<i32>} : memref<2048x256xf32, #tpu.memory_space<vmem>>, vector<2048x256xf32>,
    return
  }
  func.func @transform_0(%arg0: i32) -> (i32, i32) {
    %c0_i32 = arith.constant 0 : i32
    %c0_i32_0 = arith.constant 0 : i32
    return %arg0, %c0_i32 : i32, i32
  }
  func.func @transform_1(%arg0: i32) -> (i32, i32) {
    %c0_i32 = arith.constant 0 : i32
    %c0_i32_0 = arith.constant 0 : i32
    return %arg0, %c0_i32 : i32, i32
  }
  func.func @transform_2(%arg0: i32) -> (i32, i32) {
    %c0_i32 = arith.constant 0 : i32
    %c0_i32_0 = arith.constant 0 : i32
    %c0_i32_1 = arith.constant 0 : i32
    return %c0_i32, %c0_i32_0 : i32, i32
  }
  func.func @transform_3(%arg0: i32) -> i32 {
    %c0_i32 = arith.constant 0 : i32
    %c0_i32_0 = arith.constant 0 : i32
    return %c0_i32 : i32
  }
  func.func @transform_4(%arg0: i32) -> (i32, i32) {
    %c0_i32 = arith.constant 0 : i32
    %c0_i32_0 = arith.constant 0 : i32
    %c0_i32_1 = arith.constant 0 : i32
    return %c0_i32, %c0_i32_0 : i32, i32
  }
  func.func @transform_5(%arg0: i32) -> i32 {
    %c0_i32 = arith.constant 0 : i32
    %c0_i32_0 = arith.constant 0 : i32
    return %c0_i32 : i32
  }
  func.func @transform_6(%arg0: i32) -> (i32, i32) {
    %c0_i32 = arith.constant 0 : i32
    %c0_i32_0 = arith.constant 0 : i32
    %c0_i32_1 = arith.constant 0 : i32
    return %c0_i32, %c0_i32_0 : i32, i32
  }
  func.func @transform_7(%arg0: i32) -> i32 {
    %c0_i32 = arith.constant 0 : i32
    %c0_i32_0 = arith.constant 0 : i32
    return %c0_i32 : i32
  }
  func.func @transform_8(%arg0: i32) -> i32 {
    %c0_i32 = arith.constant 0 : i32
    %c0_i32_0 = arith.constant 0 : i32
    return %c0_i32 : i32
  }
  func.func @transform_9(%arg0: i32) -> i32 {
    %c0_i32 = arith.constant 0 : i32
    %c0_i32_0 = arith.constant 0 : i32
    return %c0_i32 : i32
  }
  func.func @transform_10(%arg0: i32) -> (i32, i32) {
    %c0_i32 = arith.constant 0 : i32
    %c0_i32_0 = arith.constant 0 : i32
    return %arg0, %c0_i32 : i32, i32
  }
}

</mosaic_0001>

<sc_bundles>
// kernel: kernel.10.cloned.1.call-start
scs
__scs_entry_jumppad:
0x0: {  	(pc) =	sbr.rel $0x88, $3  }
0x1: {  	(tag) =	ssettag $0x0;
	lr =	simm.s32 $0x1  }
0x2: {  	[smem:$0x3F7E] =	sst lr;
	_ =	strace $0xD0000000  }
0x3: {  	_ = 	snop  }
0x4: {  	_ = 	snop  }
0x5: {  	_ = 	snop  }
0x6: {  	_ = 	snop  }
0x7: {  	_ = 	snop  }
__scs_overlays_trampoline_lowered:
0x8: {  	[smem:$0x3F8D] =	sst s0  }
0x9: {  	[smem:$0x3F8E] =	sst s1  }
0xa: {  	[smem:$0x3F8F] =	sst s2  }
0xb: {  	[smem:$0x3F90] =	sst s3  }
0xc: {  	[smem:$0x3F91] =	sst s4  }
0xd: {  	[smem:$0x3F92] =	sst s5  }
0xe: {  	[smem:$0x3F93] =	sst s6  }
0xf: {  	[smem:$0x3F94] =	sst s7  }
0x10: {  	[smem:$0x3F95] =	sst s8  }
0x11: {  	[smem:$0x3F96] =	sst s9;
	s0 =	simm.s32 @!p0 $0x0  }
0x12: {  	s1 =	sld [smem:$0x3F7C];
	s0 =	simm.s32 @p0 $0x1  }
0x13: {  	[smem:$0x3F97] =	sst s0;
	s0 =	simm.s32 @!p1 $0x0  }
0x14: {  	s2 =	sld [smem:$0x3F7B];
	s0 =	simm.s32 @p1 $0x1  }
0x15: {  	[smem:$0x3F98] =	sst s0;
	s0 =	simm.s32 @!p2 $0x0  }
0x16: {  	s3 =	sld [smem:$0x3FDB];
	s0 =	simm.s32 @p2 $0x1  }
0x17: {  	s4 =	simm.s32 $0x1BF5;
	[smem:$0x3F9A] =	sst s0  }
0x18: {  	s0 =	sld [smem:$0x3F7D];
	_ =	swait.ge [sflag:s4], $0x0  }
0x19: {  	s7 =	sld [smem:$0x3F7E]  }
0x1a: {  	s8 =	sadd.s32 $0xFFFFE003, lr  }
0x1b: {  	s9 =	sadd.s32 $0xFFFFFEF7, lr;
	s5 =	simm.s32 $0xFFFFFFFF;
	p2 =	slt.u32 s8, $0xFFFFF086  }
0x1c: {  	p1 =	slt.u32 s9, $0xF7A;
	s5 =	simm.s32 @!p2 $0x0  }
0x1d: {  	s5 =	simm.s32 @p1 $0x1;
	p0 =	seq.s32 s7, s2  }
0x1e: {  	s7 =	smul.u32 @!p0 $0xF7A, s2;
	p2 =	seq.s32 @!p0 s5, $0x0  }
0x1f: {  	s9 =	smul.u32 $0xF7A, s1;
	s8 =	simm.s32 @!p0 $0x1BF5;
	p2 =	por !p2, p0  }
0x20: {  	[sflag:s8] =	ssyncset.s32 @!p0 $0xFFFFF086;
	s6 =	sadd.s32 @!p0 s3, s7;
	s7 =	simm.s32 @!p0 $0x108  }
0x21: {  	s3 =	sadd.s32 s3, s9;
	s6 =	sadd.s32 @!p0 $0x88, s6;
	s7 =	simm.s32 @p2 $0x1082  }
0x22: {  	[simem:s7], [sflag:s8] =	dma.local @!p0 [hbm:s6], $0xF7A  }
0x23: {  	s9 =	sor.u32 $0xD0000000, s2;
	s6 =	simm.s32 $0x108;
	_ =	swait.ge @!p0 [sflag:s8], $0x0  }
0x24: {  	s3 =	sadd.s32 $0x88, s3;
	s6 =	simm.s32 @!p1 $0x1082;
	[sflag:s4] =	ssyncset.s32 $0xFFFFF086  }
0x25: {  	[simem:s6], [sflag:s4] =	dma.local [hbm:s3], $0xF7A  }
0x26: {  	[smem:$0x3F7E] =	sst s1;
	(tag) =	ssettag s2;
	_ =	strace s9  }
0x27: {  	s1 =	sld [smem:$0x3F8E]  }
0x28: {  	s2 =	sld [smem:$0x3F8F]  }
0x29: {  	s4 =	sld [smem:$0x3F91]  }
0x2a: {  	p0 =	seq.s32 s5, $0x0;
	s5 =	sld [smem:$0x3F92]  }
0x2b: {  	s6 =	sld [smem:$0x3F93]  }
0x2c: {  	s7 =	sld [smem:$0x3F94]  }
0x2d: {  	s3 =	simm.s32 $0x108;
	s8 =	sld [smem:$0x3F95]  }
0x2e: {  	s3 =	simm.s32 @!p0 $0x1082;
	s9 =	sld [smem:$0x3F96]  }
0x2f: {  	lr =	sadd.s32 s0, s3;
	s0 =	sld [smem:$0x3F8D]  }
0x30: {  	s3 =	sld [smem:$0x3F90]  }
0x31: {  	[smem:$0x3F99] =	sst s10  }
0x32: {  	s10 =	sld [smem:$0x3F97];
	_ =	sdelay $0x3  }
0x33: {  	p0 =	seq.s32 s10, $0x1;
	s10 =	sld [smem:$0x3F99];
	_ =	sdelay $0x3  }
0x34: {  	[smem:$0x3F99] =	sst s10  }
0x35: {  	s10 =	sld [smem:$0x3F98];
	_ =	sdelay $0x3  }
0x36: {  	p1 =	seq.s32 s10, $0x1;
	s10 =	sld [smem:$0x3F99];
	_ =	sdelay $0x3  }
0x37: {  	[smem:$0x3F99] =	sst s10  }
0x38: {  	s10 =	sld [smem:$0x3F9A]  }
0x39: {  	_ = 	snop;
	(pc) =	sbr.ind lr, $3  }
0x3a: {  	_ = 	snop  }
0x3b: {  	_ = 	snop  }
0x3c: {  	p2 =	seq.s32 s10, $0x1;
	s10 =	sld [smem:$0x3F99]  }
0x3d: {  	_ =	shalt  }
0x3e: {  	_ =	shalt  }
0x3f: {  	_ =	shalt  }
0x40: {  	_ =	shalt  }
0x41: {  	_ =	shalt  }
0x42: {  	_ =	shalt  }
0x43: {  	_ =	shalt  }
0x44: {  	_ =	shalt  }
0x45: {  	_ =	shalt  }
0x46: {  	_ =	shalt  }
0x47: {  	_ =	shalt  }
0x48: {  	_ =	shalt  }
0x49: {  	_ =	shalt  }
0x4a: {  	_ =	shalt  }
0x4b: {  	_ =	shalt  }
0x4c: {  	_ =	shalt  }
0x4d: {  	_ =	shalt  }
0x4e: {  	_ =	shalt  }
0x4f: {  	_ =	shalt  }
0x50: {  	_ =	shalt  }
0x51: {  	_ =	shalt  }
0x52: {  	_ =	shalt  }
0x53: {  	_ =	shalt  }
0x54: {  	_ =	shalt  }
0x55: {  	_ =	shalt  }
0x56: {  	_ =	shalt  }
0x57: {  	_ =	shalt  }
0x58: {  	_ =	shalt  }
0x59: {  	_ =	shalt  }
0x5a: {  	_ =	shalt  }
0x5b: {  	_ =	shalt  }
0x5c: {  	_ =	shalt  }
0x5d: {  	_ =	shalt  }
0x5e: {  	_ =	shalt  }
0x5f: {  	_ =	shalt  }
0x60: {  	_ =	shalt  }
0x61: {  	_ =	shalt  }
0x62: {  	_ =	shalt  }
0x63: {  	_ =	shalt  }
0x64: {  	_ =	shalt  }
0x65: {  	_ =	shalt  }
0x66: {  	_ =	shalt  }
0x67: {  	_ =	shalt  }
0x68: {  	_ =	shalt  }
0x69: {  	_ =	shalt  }
0x6a: {  	_ =	shalt  }
0x6b: {  	_ =	shalt  }
0x6c: {  	_ =	shalt  }
0x6d: {  	_ =	shalt  }
0x6e: {  	_ =	shalt  }
0x6f: {  	_ =	shalt  }
0x70: {  	_ =	shalt  }
0x71: {  	_ =	shalt  }
0x72: {  	_ =	shalt  }
0x73: {  	_ =	shalt  }
0x74: {  	_ =	shalt  }
0x75: {  	_ =	shalt  }
0x76: {  	_ =	shalt  }
0x77: {  	_ =	shalt  }
0x78: {  	_ =	shalt  }
0x79: {  	_ =	shalt  }
0x7a: {  	_ =	shalt  }
0x7b: {  	_ =	shalt  }
0x7c: {  	_ =	shalt  }
0x7d: {  	_ =	shalt  }
0x7e: {  	_ =	shalt  }
0x7f: {  	_ =	shalt  }
0x80: {  	_ =	shalt  }
0x81: {  	_ =	shalt  }
0x82: {  	_ =	shalt  }
0x83: {  	_ =	shalt  }
0x84: {  	_ =	shalt  }
0x85: {  	_ =	shalt  }
0x86: {  	_ =	shalt  }
0x87: {  	_ =	shalt  }
.Lfunc_end0:
.L_simem_size_0:
called_computation.2_lowered:
.L_overlay_start_0:
0x88: {  	s2 =	sld [smem:$0x3FD9]  }
0x89: {  	s3 =	sld [smem:$0x3FFE];
	_ =	sdelay $0x1  }
0x8a: {  	s1 =	srdreg.scid  }
0x8b: {  	s0 =	sand.u32 $0x1, s1  }
0x8c: {  	s17 =	sshll.u32 s0, $0xA;
	s2 =	sadd.s32 s3, s2  }
0x8d: {  	s2 =	sadd.s32 s2, s17  }
0x8e: {  	[smem:$0x3FA5] =	sst s2  }
0x8f: {  	_ = 	snop  }
0x90: {  	s2 =	sld [smem:$0x3FD0];
	(tm) =	ssettm $0x1  }
0x91: {  	s18 =	sld [smem:$0x3FFB];
	_ =	sdelay $0x3  }
0x92: {  	_ =	strace s18  }
0x93: {  	s3 =	sld [smem:$0x3FFC];
	_ =	sdelay $0x3  }
0x94: {  	_ =	strace s3  }
0x95: {  	s3 =	sld [smem:$0x3FFD];
	_ =	sdelay $0x3  }
0x96: {  	_ =	strace s3  }
0x97: {  	_ =	strace $0x8FFFFFFF  }
0x98: {  	s19 =	sld [smem:$0x3FDB];
	_ =	sdelay $0x1  }
0x99: {  	s4 =	simm.s32 $_scs_section_size  }
0x9a: {  	s5 =	simm.s32 $_size__tile_overlayer_lowered;
	s6 =	simm.s32 $_tile_overlayer_lowered  }
0x9b: {  	s22 =	simm.s32 $0x1BFF;
	s21 =	sshll.u32 s6, $0x1;
	s3 =	sadd.s32 s4, s19  }
0x9c: {  	s7 =	simm.s32 $0x0;
	s20 =	sshll.u32 s5, $0x1;
	s5 =	sadd.s32 s21, s3  }
0x9d: {  	[timem:s7], [sflag:s22] =	dma.local [hbm:s5], s20  }
0x9e: {  	_ =	swait.ge [sflag:s22], s20  }
0x9f: {  	s4 =	ssub.s32 $0x0, s20;
	[sflag:s22] =	ssyncset.done $0x0  }
0xa0: {  	[sflag:s22] =	ssyncadd.s32 s4;
	_ =	sdelay $0x1  }
0xa1: {  	s23 =	simm.s32 $0x1B8B  }
0xa2: {  	_ =	swait.ge [sflag:s23], $0x1  }
0xa3: {  	[sflag:s23] =	ssyncset.done $0x0  }
0xa4: {  	s25 =	simm.s32 $0x1B8E;
	s24 =	sld [smem:$0x3FFE];
	[sflag:s23] =	ssyncadd.s32 $0xFFFFFFFF  }
0xa5: {  	s26 =	simm.s32 $execute0_lowered;
	[smem:$0x3FD2] =	sst s25  }
0xa6: {  	s5 =	sshll.u32 s26, $0x1;
	_ =	strace $0x8000004C;
	[dreg:$0x1] =	wrdreg $0xFFFFFFFF  }
0xa7: {  	s28 =	simm.s32 $_size_execute0_lowered;
	s3 =	sadd.s32 s3, s5;
	[dreg:$0x0] =	wrdreg $0x0  }
0xa8: {  	s5 =	sshll.u32 s28, $0x1;
	[dreg:$0x2] =	wrdreg s3  }
0xa9: {  	[dreg:$0x3] =	wrdreg s5  }
0xaa: {  	[dreg:$0x4] =	wrdreg $0xC0  }
0xab: {  	_ =	task [dreg:s7], $0x5FFFF  }
0xac: {  	[dreg:$0x1] =	wrdreg $0xFFFFFFFF  }
0xad: {  	[dreg:$0x0] =	wrdreg $0x60  }
0xae: {  	[dreg:$0x2] =	wrdreg s24  }
0xaf: {  	[dreg:$0x3] =	wrdreg s2  }
0xb0: {  	[dreg:$0x4] =	wrdreg $0x9  }
0xb1: {  	_ =	task.clear_ibuf [dreg:s7], $0x5FFFF;
	_ =	strace $0x9000004C  }
0xb2: {  	s29 =	simm.s32 $0x9;
	_ =	strace $0x8000004E  }
0xb3: {  	_ =	swait.ge [sflag:s29], $0x1  }
0xb4: {  	[sflag:s29] =	ssyncadd.s32 $0xFFFFFFFF  }
0xb5: {  	_ =	strace $0x9000004E  }
0xb6: {  	_ =	sfence  }
0xb7: {  	s30 =	sld [smem:$0x0];
	_ =	sdelay $0x2  }
0xb8: {  	s31 =	sshll.u32 s1, $0xD;
	s1 =	sshrl.u32 s1, $0x2  }
0xb9: {  	s3 =	sand.u32 $0x4000, s31;
	s1 =	sadd.s32 s1, s30  }
0xba: {  	s0 =	sor.u32 s3, s0;
	s1 =	sshll.u32 s1, $0x11  }
0xbb: {  	s0 =	sor.u32 s1, s0  }
0xbc: {  	s0 =	sadd.s32 $0x8F2B, s0  }
0xbd: {  	[sflag:s0] =	ssyncadd.remote.s32 $0x1  }
0xbe: {  	_ =	sfence.sel $0xFFFF  }
0xbf: {  	[dreg:$0x0] =	wrdreg $0xFFFFFFFF;
	(pc) =	sbr.abs _section_cstart, $3  }
0xc0: {  	[dreg:$0x1] =	wrdreg $0xFFFFFFFF  }
0xc1: {  	_ =	task.clear_ibuf [dreg:s7], $0x2FFFF;
	_ =	strace $0x9FFFFFFF  }
0xc2: {  	(tm) =	ssettm $0x7FFFFFFF  }
0xc3: {  	_ =	shalt  }
tec
execute0_lowered:
.L_overlay_start_1:
0x0: {  	(tag) =	ssettag $0x1  }
0x1: {  	s5 =	rddreg [dreg:$0x0]  }
0x2: {  	s9 =	rddreg [dreg:$0x1]  }
0x3: {  	s0 =	rddreg [dreg:$0x2]  }
0x4: {  	s1 =	simm.s32 $0x0;
	s2 =	srdreg.scid;
	s12 =	simm.s32 $0x5  }
0x5: {  	s13 =	simm.s32 $0x200;
	s14 =	simm.s32 $0x100;
	s15 =	simm.s32 $0xA00  }
0x6: {  	s16 =	simm.s32 $0x600;
	s17 =	simm.s32 $0x8A00;
	s18 =	simm.s32 $0x1  }
0x7: {  	s19 =	simm.s32 $0x10A00;
	s20 =	simm.s32 $0x2;
	s21 =	simm.s32 $0x4  }
0x8: {  	s22 =	simm.s32 $0x10C00;
	s23 =	simm.s32 $0x3;
	s24 =	simm.s32 $0x0  }
0x9: {  	[smem:$0x7FF] =	sst s1;
	s3 =	sadd.s32 $0x6EFA00, s5;
	s6 =	sand.u32 $0x1, s2  }
0xa: {  	v0 =	vimm.s32 $0x0;
	s4 =	sadd.s32 $0x105A00, s5;
	s2 =	stileid.u32;
	s5 =	sadd.s32 $0x145A00, s5  }
0xb: {  	v1 =	vimm.s32 $0x1;
	v2 =	vimm.s32 $0x2;
	v3 =	vimm.s32 $0x3;
	s7 =	ssub.s32 $0x2, s6;
	s10 =	sshll.u32 s2, $0xD;
	s6 =	sshll.u32 s6, $0xC  }
0xc: {  	v4 =	vimm.s32 $0x4;
	v5 =	vimm.s32 $0x5;
	v6 =	vimm.s32 $0x6;
	_ =	strace $0x8000004D;
	s8 =	sshrl.u32 s7, $0x1;
	s6 =	sor.u32 s6, s10  }
0xd: {  	v7 =	vimm.s32 $0x7;
	v8 =	vimm.s32 $0x8;
	v9 =	vimm.s32 $0x9;
	s11 =	ssub.s32 s7, s8;
	s30 =	sshll.u32 s6, $0x1;
	s31 =	sshll.u32 s6, $0x3  }
0xe: {  	v10 =	vimm.s32 $0xA;
	v11 =	vimm.s32 $0xB;
	v12 =	vimm.s32 $0xC;
	s10 =	sshll.u32 s6, $0x2;
	s7 =	sadd.s32 s4, s30;
	s8 =	sadd.s32 s5, s31  }
0xf: {  	v13 =	vimm.s32 $0xD;
	v14 =	vimm.s32 $0xE;
	v15 =	vimm.s32 $0xF;
	s9 =	sadd.s32 s9, s10;
	s10 =	sor.u32 $0x20, s6;
	s11 =	smax.u32 s11, $0x1  }
.LBB2_1:
0x10: {  	[tilespmem:s1], [sflag:$0x5] =	stream.linear.gather [hbm4b:s7+s1], $0x100, $0x38;
	[tilespmem:$0x10E00] =	vst v63  }
0x11: {  	_ =	swait.ge [sflag:s12], $0x100  }
0x12: {  	[sflag:s12] =	ssyncset.done $0x0  }
0x13: {  	[sflag:s12] =	ssyncadd.s32 $0xFFFFFF00  }
0x14: {  	[tilespmem:s13], [sflag:$0x5] =	stream.linear.gather [hbm4b:s8+s1], $0x400, $0x38;
	[tilespmem:$0x10E00] =	vst v63  }
0x15: {  	_ =	swait.ge [sflag:s12], $0x400  }
0x16: {  	[sflag:s12] =	ssyncset.done $0x0  }
0x17: {  	s25 =	simm.s32 $0x0;
	[sflag:s12] =	ssyncadd.s32 $0xFFFFFC00  }
0x18: {  	[tilespmem:s15], [sflag:$0x1] =	stream.indirect.gather [hbm4b:s3+s14], $0x80, s1, s14, $0xb8;
	[tilespmem:$0x10E00] =	vst v63  }
.LBB2_2:
0x19: {  	s26 =	sshllo.u32 s25, $0x1  }
0x1a: {  	s28 =	sshll.u32 s26, $0x4  }
0x1b: {  	s28 =	sadd.s32 s6, s28  }
0x1c: {  	s29 =	sshll.u32 s28, $0x1  }
0x1d: {  	s29 =	sand.u32 $0x1FFFFFE0, s29  }
0x1e: {  	s29 =	sadd.s32 s4, s29  }
0x1f: {  	[tilespmem:s14], [sflag:$0x5] =	stream.linear.gather [hbm4b:s29+s1], $0x100, $0x38;
	[tilespmem:$0x10E00] =	vst v63  }
0x20: {  	s28 =	sshll.u32 s28, $0x3;
	_ =	swait.ge [sflag:s12], $0x100  }
0x21: {  	s28 =	sand.u32 $0x1FFFFF80, s28;
	[sflag:s12] =	ssyncset.done $0x0  }
0x22: {  	s28 =	sadd.s32 s5, s28;
	[sflag:s12] =	ssyncadd.s32 $0xFFFFFF00  }
0x23: {  	[tilespmem:s16], [sflag:$0x5] =	stream.linear.gather [hbm4b:s28+s1], $0x400, $0x38;
	[tilespmem:$0x10E00] =	vst v63  }
0x24: {  	_ =	swait.ge [sflag:s12], $0x400  }
0x25: {  	[sflag:s12] =	ssyncset.done $0x0  }
0x26: {  	[sflag:s12] =	ssyncadd.s32 $0xFFFFFC00  }
0x27: {  	[tilespmem:s17], [sflag:$0x2] =	stream.indirect.gather [hbm4b:s3+s14], $0x80, s14, s14, $0xb8;
	[tilespmem:$0x10E00] =	vst v63  }
0x28: {  	_ =	swait.ge [sflag:s18], $0x8000  }
0x29: {  	p0 =	seq.s32 s25, $0x0;
	[sflag:s18] =	ssyncset.done $0x0  }
0x2a: {  	s28 =	simm.s32 @!p0 $0x3;
	[sflag:s18] =	ssyncadd.s32 $0xFFFF8000  }
0x2b: {  	_ =	swait.ge @!p0 [sflag:s28], $0x200  }
0x2c: {  	s30 =	simm.s32 $0x220;
	[sflag:s28] =	ssyncset.done @!p0 $0x0  }
0x2d: {  	s29 =	simm.s32 $0xE00;
	[sflag:s28] =	ssyncadd.s32 @!p0 $0xFFFFFE00;
	s28 =	simm.s32 $0x0  }
.LBB2_3:
0x2e: {  	v19 =	vld [tilespmem:s30+$0xFFFFFFE0]  }
0x2f: {  	v18 =	vld [tilespmem:s30+$0xFFFFFFF0]  }
0x30: {  	v17 =	vld [tilespmem:s30+$0x0]  }
0x31: {  	v16 =	vld [tilespmem:s30+$0x10]  }
0x32: {  	v20 =	vld [tilespmem:s29+$0xFFFFFC00]  }
0x33: {  	v21 =	vld [tilespmem:s29+$0xFFFFFC20]  }
0x34: {  	v22 =	vld [tilespmem:s29+$0xFFFFFC40]  }
0x35: {  	v23 =	vld [tilespmem:s29+$0xFFFFFC60]  }
0x36: {  	v24 =	vld [tilespmem:s29+$0xFFFFFC10]  }
0x37: {  	v25 =	vld [tilespmem:s29+$0xFFFFFC30]  }
0x38: {  	v26 =	vld [tilespmem:s29+$0xFFFFFC50]  }
0x39: {  	v27 =	vld [tilespmem:s29+$0xFFFFFC70]  }
0x3a: {  	v28 =	vld [tilespmem:s29+$0xFFFFFC80]  }
0x3b: {  	v29 =	vld [tilespmem:s29+$0xFFFFFCA0]  }
0x3c: {  	v30 =	vld [tilespmem:s29+$0xFFFFFCC0]  }
0x3d: {  	v31 =	vld [tilespmem:s29+$0xFFFFFCE0]  }
0x3e: {  	v32 =	vld [tilespmem:s29+$0xFFFFFC90]  }
0x3f: {  	v33 =	vld [tilespmem:s29+$0xFFFFFCB0]  }
0x40: {  	v34 =	vld [tilespmem:s29+$0xFFFFFCD0]  }
0x41: {  	v35 =	vld [tilespmem:s29+$0xFFFFFCF0]  }
0x42: {  	v36 =	vld [tilespmem:s29+$0xFFFFFD00]  }
0x43: {  	v37 =	vld [tilespmem:s29+$0xFFFFFD20]  }
0x44: {  	v38 =	vld [tilespmem:s29+$0xFFFFFD40]  }
0x45: {  	v39 =	vld [tilespmem:s29+$0xFFFFFD60]  }
0x46: {  	v40 =	vld [tilespmem:s29+$0xFFFFFD10]  }
0x47: {  	v41 =	vld [tilespmem:s29+$0xFFFFFD30]  }
0x48: {  	v42 =	vld [tilespmem:s29+$0xFFFFFD50]  }
0x49: {  	v43 =	vld [tilespmem:s29+$0xFFFFFD70];
	v45 =	vperm.xlane v19, v0;
	v46 =	vperm.xlane v18, v0  }
0x4a: {  	v44 =	vld [tilespmem:s29+$0xFFFFFD80];
	v48 =	vperm.xlane v17, v0;
	v49 =	vperm.xlane v16, v0  }
0x4b: {  	v47 =	vld [tilespmem:s29+$0xFFFFFDA0];
	v59 =	vperm.xlane v19, v1;
	v60 =	vperm.xlane v18, v1  }
0x4c: {  	v50 =	vld [tilespmem:s29+$0xFFFFFDC0];
	v62 =	vperm.xlane v17, v1;
	v55 =	vperm.xlane v16, v1  }
0x4d: {  	v51 =	vld [tilespmem:s29+$0xFFFFFDE0];
	v20 =	vmul.f32 v20, v45;
	v21 =	vmul.f32 v21, v46  }
0x4e: {  	v52 =	vld [tilespmem:s29+$0xFFFFFD90];
	v57 =	vmul.f32 v22, v48;
	v58 =	vmul.f32 v23, v49  }
0x4f: {  	v53 =	vld [tilespmem:s29+$0xFFFFFDF0];
	v24 =	vmul.f32 v24, v45;
	v25 =	vmul.f32 v25, v46  }
0x50: {  	v54 =	vld [tilespmem:s29+$0xFFFFFE20];
	v61 =	vmul.f32 v26, v48;
	v28 =	vmul.f32 v28, v59  }
0x51: {  	v23 =	vld [tilespmem:s29+$0xFFFFFDB0];
	v29 =	vmul.f32 v29, v60;
	v49 =	vmul.f32 v27, v49  }
0x52: {  	v45 =	vld [tilespmem:s29+$0xFFFFFDD0];
	v56 =	vmul.f32 v30, v62;
	v26 =	vmul.f32 v34, v62  }
0x53: {  	v48 =	vld [tilespmem:s29+$0xFFFFFE00];
	v46 =	vperm.xlane v16, v2;
	v27 =	vmul.f32 v35, v55;
	v20 =	vadd.f32 v21, v20  }
0x54: {  	v30 =	vld [tilespmem:s29+$0xFFFFFE60];
	v24 =	vadd.f32 v25, v24;
	v28 =	vadd.f32 v29, v28;
	v21 =	vmul.f32 v32, v59  }
0x55: {  	v34 =	vld [tilespmem:s29+$0xFFFFFE50];
	v59 =	vperm.xlane v19, v2;
	v20 =	vadd.f32 v57, v20;
	v57 =	vmul.f32 v33, v60  }
0x56: {  	v35 =	vld [tilespmem:s29+$0xFFFFFEA0];
	v63 =	vadd.f32 v61, v24;
	v60 =	vperm.xlane v18, v2;
	v61 =	vperm.xlane v17, v2  }
0x57: {  	v25 =	vld [tilespmem:s29+$0xFFFFFE40];
	v28 =	vadd.f32 v56, v28;
	v62 =	vmul.f32 v36, v59;
	v56 =	vmul.f32 v39, v46  }
0x58: {  	v32 =	vld [tilespmem:s29+$0xFFFFFE10];
	v24 =	vmul.f32 v40, v59;
	v36 =	vperm.xlane v19, v3;
	v20 =	vadd.f32 v58, v20  }
0x59: {  	v29 =	vld [tilespmem:s29+$0xFFFFFF60];
	v22 =	vadd.f32 v49, v63;
	v58 =	vmul.f32 v31, v55;
	v63 =	vmul.f32 v37, v60  }
0x5a: {  	v39 =	vld [tilespmem:s29+$0xFFFFFEC0];
	v21 =	vadd.f32 v57, v21;
	v55 =	vmul.f32 v38, v61;
	v57 =	vmul.f32 v41, v60  }
0x5b: {  	v33 =	vld [tilespmem:s29+$0xFFFFFEE0];
	v59 =	vmul.f32 v42, v61;
	v60 =	vperm.xlane v17, v3  }
0x5c: {  	v40 =	vld [tilespmem:s29+$0xFFFFFFC0];
	v61 =	vmul.f32 v44, v36;
	v28 =	vadd.f32 v58, v28;
	v21 =	vadd.f32 v26, v21  }
0x5d: {  	v31 =	vld [tilespmem:s29+$0xFFFFFE30];
	v36 =	vmul.f32 v52, v36;
	v20 =	vadd.f32 $0.0e+00, v20;
	v22 =	vadd.f32 $0.0e+00, v22  }
0x5e: {  	v49 =	vld [tilespmem:s29+$0xFFFFFE70];
	v26 =	vadd.f32 v63, v62;
	v58 =	vperm.xlane v18, v3;
	v24 =	vadd.f32 v57, v24  }
0x5f: {  	v37 =	vld [tilespmem:s29+$0xFFFFFE80];
	v63 =	vmul.f32 v43, v46;
	v46 =	vperm.xlane v16, v3;
	v21 =	vadd.f32 v27, v21  }
0x60: {  	v41 =	vld [tilespmem:s29+$0xFFFFFE90];
	v26 =	vadd.f32 v55, v26;
	v62 =	vmul.f32 v47, v58;
	v55 =	vmul.f32 v50, v60  }
0x61: {  	v42 =	vld [tilespmem:s29+$0xFFFFFEB0];
	v28 =	vadd.f32 $0.0e+00, v28;
	v57 =	vmul.f32 v51, v46;
	v23 =	vmul.f32 v23, v58  }
0x62: {  	v44 =	vld [tilespmem:s29+$0xFFFFFF40];
	v24 =	vadd.f32 v59, v24;
	v58 =	vmul.f32 v45, v60;
	v59 =	vperm.xlane v19, v4  }
0x63: {  	v52 =	vld [tilespmem:s29+$0xFFFFFF30];
	v60 =	vperm.xlane v18, v4;
	v51 =	vperm.xlane v16, v4;
	v26 =	vadd.f32 v56, v26  }
0x64: {  	v43 =	vld [tilespmem:s29+$0xFFFFFEF0];
	v38 =	vadd.f32 v62, v61;
	v24 =	vadd.f32 v63, v24;
	v61 =	vperm.xlane v17, v4  }
0x65: {  	v47 =	vld [tilespmem:s29+$0xFFFFFED0];
	v23 =	vadd.f32 v23, v36;
	v62 =	vmul.f32 v48, v59;
	v63 =	vmul.f32 v54, v60  }
0x66: {  	v50 =	vld [tilespmem:s29+$0xFFFFFF00];
	v30 =	vmul.f32 v30, v51;
	v31 =	vmul.f32 v31, v60;
	v56 =	vadd.f32 v55, v38  }
0x67: {  	v45 =	vld [tilespmem:s29+$0xFFFFFF10];
	v23 =	vadd.f32 v58, v23;
	v25 =	vmul.f32 v25, v61;
	v58 =	vperm.xlane v19, v5  }
0x68: {  	v54 =	vld [tilespmem:s29+$0xFFFFFF50];
	v21 =	vadd.f32 $0.0e+00, v21;
	v60 =	vmul.f32 v34, v61;
	v61 =	vperm.xlane v17, v5  }
0x69: {  	v48 =	vld [tilespmem:s29+$0xFFFFFF80];
	v27 =	vadd.f32 v57, v56;
	v56 =	vmul.f32 v53, v46;
	v57 =	vmul.f32 v32, v59  }
0x6a: {  	v36 =	vld [tilespmem:s29+$0xFFFFFFE0];
	v20 =	vadd.f32 v26, v20;
	v59 =	vperm.xlane v18, v5;
	v53 =	vperm.xlane v16, v5  }
0x6b: {  	v26 =	vld [tilespmem:s29+$0xFFFFFF20];
	v22 =	vadd.f32 v24, v22;
	v55 =	vmul.f32 v39, v61;
	v34 =	vmul.f32 v47, v61  }
0x6c: {  	v46 =	vld [tilespmem:s29+$0xFFFFFF70];
	v27 =	vadd.f32 v27, v28;
	v28 =	vadd.f32 v63, v62;
	v62 =	vmul.f32 v37, v58  }
0x6d: {  	v32 =	vld [tilespmem:s29+$0xFFFFFFA0];
	v23 =	vadd.f32 v56, v23;
	v35 =	vmul.f32 v35, v59;
	v63 =	vmul.f32 v49, v51  }
0x6e: {  	v39 =	vld [tilespmem:s29+$0xFFFFFFD0];
	v24 =	vadd.f32 v31, v57;
	v56 =	vmul.f32 v33, v53;
	v57 =	vmul.f32 v42, v59  }
0x6f: {  	v47 =	vld [tilespmem:s29+$0x60];
	v59 =	vperm.xlane v18, v6;
	v42 =	vperm.xlane v16, v6  }
0x70: {  	v37 =	vld [tilespmem:s29+$0xFFFFFF90];
	v61 =	vmul.f32 v43, v53;
	v25 =	vadd.f32 v25, v28;
	v21 =	vadd.f32 v23, v21  }
0x71: {  	v31 =	vld [tilespmem:s29+$0xFFFFFFB0];
	v24 =	vadd.f32 v60, v24;
	v28 =	vmul.f32 v41, v58;
	v58 =	vperm.xlane v19, v6  }
0x72: {  	v33 =	vld [tilespmem:s29+$0x0];
	v23 =	vadd.f32 v35, v62;
	v26 =	vmul.f32 v26, v59;
	v38 =	vmul.f32 v52, v59  }
0x73: {  	v49 =	vld [tilespmem:s29+$0x70];
	v25 =	vadd.f32 v30, v25;
	v24 =	vadd.f32 v63, v24;
	v60 =	vmul.f32 v50, v58  }
0x74: {  	v51 =	vld [tilespmem:s29+$0x80];
	v23 =	vadd.f32 v55, v23;
	v63 =	vmul.f32 v29, v42;
	v55 =	vmul.f32 v45, v58  }
0x75: {  	v43 =	vld [tilespmem:s29+$0x1F0];
	v58 =	vperm.xlane v17, v7;
	v42 =	vmul.f32 v46, v42;
	v22 =	vadd.f32 v24, v22  }
0x76: {  	v35 =	vld [tilespmem:s29+$0x20];
	v23 =	vadd.f32 v56, v23;
	v24 =	vadd.f32 v57, v28;
	v28 =	vperm.xlane v17, v6  }
0x77: {  	v41 =	vld [tilespmem:s29+$0x40];
	v26 =	vadd.f32 v26, v60;
	v56 =	vperm.xlane v19, v7;
	v57 =	vperm.xlane v18, v7  }
0x78: {  	v50 =	vld [tilespmem:s29+$0x10];
	v60 =	vadd.f32 v38, v55;
	v53 =	vmul.f32 v39, v58;
	v55 =	vperm.xlane v18, v8  }
0x79: {  	v30 =	vld [tilespmem:s29+$0x50];
	v62 =	vmul.f32 v44, v28;
	v59 =	vmul.f32 v48, v56  }
0x7a: {  	v29 =	vld [tilespmem:s29+$0xC0];
	v20 =	vadd.f32 v25, v20;
	v32 =	vmul.f32 v32, v57;
	v28 =	vmul.f32 v54, v28  }
0x7b: {  	v45 =	vld [tilespmem:s29+$0x100];
	v24 =	vadd.f32 v34, v24;
	v34 =	vmul.f32 v37, v56;
	v52 =	vmul.f32 v31, v57  }
0x7c: {  	v25 =	vld [tilespmem:s29+$0xFFFFFFF0];
	v23 =	vadd.f32 v23, v27;
	v54 =	vperm.xlane v19, v8;
	v56 =	vperm.xlane v17, v8  }
0x7d: {  	v38 =	vld [tilespmem:s29+$0x160];
	v57 =	vperm.xlane v16, v8;
	v24 =	vadd.f32 v61, v24;
	v26 =	vadd.f32 v62, v26  }
0x7e: {  	v39 =	vld [tilespmem:s29+$0x110];
	v61 =	vperm.xlane v16, v7;
	v62 =	vmul.f32 v40, v58;
	v27 =	vadd.f32 v52, v34  }
0x7f: {  	v44 =	vld [tilespmem:s29+$0x30];
	v58 =	vmul.f32 v33, v54;
	v52 =	vperm.xlane v19, v9;
	v21 =	vadd.f32 v24, v21  }
0x80: {  	v48 =	vld [tilespmem:s29+$0xA0];
	v30 =	vmul.f32 v30, v56;
	v26 =	vadd.f32 v63, v26;
	v24 =	vadd.f32 v32, v59  }
0x81: {  	v37 =	vld [tilespmem:s29+$0xD0];
	v63 =	vadd.f32 v28, v60;
	v46 =	vmul.f32 v36, v61;
	v59 =	vmul.f32 v35, v55  }
0x82: {  	v31 =	vld [tilespmem:s29+$0x1C0];
	v60 =	vadd.f32 v53, v27;
	v25 =	vmul.f32 v25, v61;
	v61 =	vmul.f32 v41, v56  }
0x83: {  	v40 =	vld [tilespmem:s29+$0xE0];
	v53 =	vperm.xlane v18, v9;
	v20 =	vadd.f32 v26, v20;
	v24 =	vadd.f32 v62, v24  }
0x84: {  	v34 =	vld [tilespmem:s29+$0x150];
	v26 =	vadd.f32 v42, v63;
	v62 =	vmul.f32 v47, v57;
	v63 =	vmul.f32 v50, v54  }
0x85: {  	v28 =	vld [tilespmem:s29+$0x90];
	v50 =	vmul.f32 v44, v55;
	v54 =	vperm.xlane v17, v9  }
0x86: {  	v35 =	vld [tilespmem:s29+$0x120];
	v55 =	vmul.f32 v51, v52;
	v56 =	vmul.f32 v48, v53  }
0x87: {  	v36 =	vld [tilespmem:s29+$0xB0];
	v57 =	vmul.f32 v49, v57;
	v48 =	vperm.xlane v19, v10  }
0x88: {  	v33 =	vld [tilespmem:s29+$0x180];
	v49 =	vperm.xlane v18, v10;
	v51 =	vperm.xlane v16, v10;
	v24 =	vadd.f32 v46, v24  }
0x89: {  	v42 =	vld [tilespmem:s29+$0xF0];
	v22 =	vadd.f32 v26, v22;
	v26 =	vadd.f32 v59, v58;
	v58 =	vperm.xlane v16, v9  }
0x8a: {  	v27 =	vld [tilespmem:s29+$0x140];
	v29 =	vmul.f32 v29, v54;
	v59 =	vmul.f32 v28, v52  }
0x8b: {  	v41 =	vld [tilespmem:s29+$0x290];
	v52 =	vmul.f32 v45, v48;
	v35 =	vmul.f32 v35, v49;
	v23 =	vadd.f32 v24, v23  }
0x8c: {  	v44 =	vld [tilespmem:s29+$0x130];
	v24 =	vadd.f32 v25, v60;
	v26 =	vadd.f32 v61, v26;
	v60 =	vmul.f32 v36, v53  }
0x8d: {  	v47 =	vld [tilespmem:s29+$0x170];
	v25 =	vadd.f32 v50, v63;
	v61 =	vmul.f32 v40, v58;
	v50 =	vperm.xlane v17, v10  }
0x8e: {  	v46 =	vld [tilespmem:s29+$0x1A0];
	v63 =	vmul.f32 v42, v58;
	v58 =	vperm.xlane v18, v11  }
0x8f: {  	v45 =	vld [tilespmem:s29+$0x250];
	v21 =	vadd.f32 v24, v21;
	v26 =	vadd.f32 v62, v26;
	v62 =	vmul.f32 v37, v54  }
0x90: {  	v36 =	vld [tilespmem:s29+$0x190];
	v24 =	vadd.f32 v56, v55;
	v27 =	vmul.f32 v27, v50;
	v54 =	vmul.f32 v38, v51  }
0x91: {  	v40 =	vld [tilespmem:s29+$0x1B0];
	v25 =	vadd.f32 v30, v25;
	v55 =	vmul.f32 v39, v48;
	v56 =	vmul.f32 v44, v49  }
0x92: {  	v42 =	vld [tilespmem:s29+$0x1D0];
	v28 =	vmul.f32 v34, v50;
	v20 =	vadd.f32 v26, v20;
	v24 =	vadd.f32 v29, v24  }
0x93: {  	v30 =	vld [tilespmem:s29+$0x1E0];
	v25 =	vadd.f32 v57, v25;
	v26 =	vadd.f32 v60, v59;
	v57 =	vperm.xlane v19, v11  }
0x94: {  	v37 =	vld [tilespmem:s29+$0x240];
	v50 =	vperm.xlane v19, v12;
	v59 =	vperm.xlane v17, v11;
	v24 =	vadd.f32 v61, v24  }
0x95: {  	v34 =	vld [tilespmem:s29+$0x210];
	v26 =	vadd.f32 v62, v26;
	v22 =	vadd.f32 v25, v22;
	v60 =	vmul.f32 v33, v57  }
0x96: {  	v39 =	vld [tilespmem:s29+$0x260];
	v25 =	vadd.f32 v35, v52;
	v61 =	vmul.f32 v46, v58;
	v62 =	vmul.f32 v47, v51  }
0x97: {  	v44 =	vld [tilespmem:s29+$0x230];
	v31 =	vmul.f32 v31, v59;
	v51 =	vperm.xlane v18, v12;
	v23 =	vadd.f32 v24, v23  }
0x98: {  	v35 =	vld [tilespmem:s29+$0x220];
	v46 =	vperm.xlane v18, v13;
	v53 =	vadd.f32 v63, v26;
	v25 =	vadd.f32 v27, v25  }
0x99: {  	v52 =	vld [tilespmem:s29+$0x2A0];
	v24 =	vadd.f32 v56, v55;
	v63 =	vperm.xlane v16, v11;
	v27 =	vmul.f32 v36, v57  }
0x9a: {  	v48 =	vld [tilespmem:s29+$0x270];
	v47 =	vadd.f32 v61, v60;
	v56 =	vmul.f32 v42, v59;
	v61 =	vmul.f32 v34, v50  }
0x9b: {  	v26 =	vld [tilespmem:s29+$0x200];
	v21 =	vadd.f32 v53, v21;
	v49 =	vmul.f32 v30, v63;
	v53 =	vmul.f32 v40, v58  }
0x9c: {  	v60 =	vld [tilespmem:s29+$0x2B0];
	v25 =	vadd.f32 v54, v25;
	v54 =	vperm.xlane v17, v12;
	v57 =	vmul.f32 v43, v63  }
0x9d: {  	v42 =	vld [tilespmem:s29+$0x380];
	v24 =	vadd.f32 v28, v24;
	v58 =	vperm.xlane v16, v12;
	v55 =	vmul.f32 v35, v51  }
0x9e: {  	v30 =	vld [tilespmem:s29+$0x280];
	v52 =	vmul.f32 v52, v46;
	v20 =	vadd.f32 v25, v20;
	v59 =	vmul.f32 v37, v54  }
0x9f: {  	v40 =	vld [tilespmem:s29+$0x2C0];
	v24 =	vadd.f32 v62, v24;
	v62 =	vmul.f32 v44, v51;
	v43 =	vmul.f32 v39, v58  }
0xa0: {  	v63 =	vld [tilespmem:s29+$0x2D0];
	v25 =	vadd.f32 v31, v47;
	v44 =	vmul.f32 v45, v54;
	v45 =	vperm.xlane v19, v13  }
0xa1: {  	v28 =	vld [tilespmem:s29+$0x2F0];
	v48 =	vmul.f32 v48, v58;
	v26 =	vmul.f32 v26, v50;
	v22 =	vadd.f32 v24, v22  }
0xa2: {  	v35 =	vld [tilespmem:s29+$0x2E0];
	v25 =	vadd.f32 v49, v25;
	v49 =	vperm.xlane v17, v13;
	v58 =	vmul.f32 v41, v45  }
0xa3: {  	v47 =	vld [tilespmem:s29+$0x320];
	v24 =	vadd.f32 v53, v27;
	v41 =	vperm.xlane v18, v14;
	v18 =	vperm.xlane v18, v15  }
0xa4: {  	v31 =	vld [tilespmem:s29+$0x300];
	v26 =	vadd.f32 v55, v26;
	v51 =	vmul.f32 v30, v45;
	v55 =	vperm.xlane v16, v13  }
0xa5: {  	v54 =	vld [tilespmem:s29+$0x310];
	v24 =	vadd.f32 v56, v24;
	v56 =	vmul.f32 v40, v49;
	v32 =	vmul.f32 v63, v49  }
0xa6: {  	v50 =	vld [tilespmem:s29+$0x340];
	v27 =	vadd.f32 v62, v61;
	v63 =	vperm.xlane v19, v14;
	v19 =	vperm.xlane v19, v15  }
0xa7: {  	v62 =	vld [tilespmem:s29+$0x370];
	v34 =	vadd.f32 v59, v26;
	v59 =	vmul.f32 v60, v46;
	v61 =	vmul.f32 v35, v55  }
0xa8: {  	v27 =	vadd.f32 v44, v27;
	v44 =	vld [tilespmem:s29+$0x3A0];
	v28 =	vmul.f32 v28, v55;
	v45 =	vmul.f32 v47, v41  }
0xa9: {  	v23 =	vadd.f32 v25, v23;
	v46 =	vld [tilespmem:s29+$0x390];
	v55 =	vperm.xlane v16, v14;
	v16 =	vperm.xlane v16, v15  }
0xaa: {  	v24 =	vadd.f32 v57, v24;
	v53 =	vadd.f32 v48, v27;
	v57 =	vld [tilespmem:s29+$0x330];
	v31 =	vmul.f32 v31, v63  }
0xab: {  	v26 =	vmul.f32 v54, v63;
	v48 =	vld [tilespmem:s29+$0x3B0];
	v25 =	vadd.f32 v43, v34;
	v43 =	vperm.xlane v17, v14  }
0xac: {  	v60 =	vld [tilespmem:s29+$0x350];
	v17 =	vperm.xlane v17, v15;
	v21 =	vadd.f32 v24, v21;
	v24 =	vadd.f32 v52, v51  }
0xad: {  	v51 =	vld [tilespmem:s29+$0x3D0];
	v52 =	vmul.f32 v42, v19;
	v20 =	vadd.f32 v25, v20;
	v25 =	vadd.f32 v59, v58  }
0xae: {  	v22 =	vadd.f32 v53, v22;
	v47 =	vmul.f32 v50, v43;
	v50 =	vld [tilespmem:s29+$0x3C0];
	v30 =	vmul.f32 v44, v18  }
0xaf: {  	v53 =	vld [tilespmem:s29+$0x3E0];
	v24 =	vadd.f32 v56, v24;
	v19 =	vmul.f32 v46, v19;
	v25 =	vadd.f32 v32, v25  }
0xb0: {  	v54 =	vld [tilespmem:s29+$0x3F0];
	v31 =	vadd.f32 v45, v31;
	v49 =	vmul.f32 v57, v41;
	v18 =	vmul.f32 v48, v18  }
0xb1: {  	v36 =	vld [tilespmem:s29+$0x360];
	v27 =	vmul.f32 v62, v55;
	v24 =	vadd.f32 v61, v24;
	v25 =	vadd.f32 v28, v25  }
0xb2: {  	v29 =	vmul.f32 v60, v43;
	v26 =	vadd.f32 v49, v26;
	v18 =	vadd.f32 v18, v19  }
0xb3: {  	v23 =	vadd.f32 v24, v23;
	v56 =	vmul.f32 v50, v17;
	v17 =	vmul.f32 v51, v17  }
0xb4: {  	v59 =	vmul.f32 v53, v16;
	v21 =	vadd.f32 v25, v21;
	v25 =	vadd.f32 v30, v52  }
0xb5: {  	v16 =	vmul.f32 v54, v16;
	v26 =	vadd.f32 v29, v26;
	v17 =	vadd.f32 v17, v18  }
0xb6: {  	v58 =	vmul.f32 v36, v55;
	v24 =	vadd.f32 v47, v31;
	v57 =	vadd.f32 v56, v25  }
0xb7: {  	v61 =	vadd.f32 v27, v26;
	v16 =	vadd.f32 v16, v17  }
0xb8: {  	v60 =	vadd.f32 v58, v24;
	v19 =	vadd.f32 v59, v57  }
0xb9: {  	p1 =	sne.s32 s28, $0x780;
	v63 =	vadd.f32 v61, v22;
	v16 =	vadd.f32 v16, v21  }
.Ltmp0:
0xba: {  	v17 =	vadd.f32 v60, v20;
	v62 =	vadd.f32 v19, v23;
	(pc) =	sbr.rel @p1 .LBB2_3-.Ltmp0, $4  }
0xbb: {  	v16 =	vadd.f32 v16, v63  }
0xbc: {  	s31 =	sshra.s32 s28, $0x2;
	v17 =	vadd.f32 v62, v17  }
0xbd: {  	[tilespmem:s31+$0x10A10] =	vst v16  }
0xbe: {  	s30 =	sadd.s32 $0x40, s30;
	s28 =	sadd.s32 $0x80, s28;
	s29 =	sadd.s32 $0x800, s29;
	[tilespmem:s31+$0x10A00] =	vst v17  }
0xbf: {  	p1 =	sne.s32 s25, $0x7F  }
.Ltmp1:
0xc0: {  	_ = 	snop;
	(pc) =	sbr.rel @p1 .LBB2_6-.Ltmp1, $4  }
0xc1: {  	_ = 	snop  }
0xc2: {  	s28 =	sshll.u32 s25, $0x7  }
0xc3: {  	s28 =	sadd.s32 s28, s9  }
0xc4: {  	[hbm4b:s28+s1] =	stream.linear.scatter [tilespmem:s19], [sflag:$0x3], $0x200, $0x38;
	[tilespmem:$0x10E00] =	vst v63  }
.Ltmp2:
0xc5: {  	(pc) =	sbr.rel .LBB2_7-.Ltmp2, $4  }
0xc6: {  	_ = 	snop  }
0xc7: {  	_ =	swait.ge [sflag:s20], $0x8000  }
0xc8: {  	[sflag:s20] =	ssyncset.done $0x0  }
0xc9: {  	[sflag:s20] =	ssyncadd.s32 $0xFFFF8000  }
.LBB2_6:
0xca: {  	s28 =	sshll.u32 s25, $0x5  }
0xcb: {  	s28 =	sadd.s32 s28, s10  }
0xcc: {  	s29 =	sshll.u32 s28, $0x1  }
0xcd: {  	s29 =	sadd.s32 s4, s29  }
0xce: {  	[tilespmem:s1], [sflag:$0x5] =	stream.linear.gather [hbm4b:s29+s1], $0x100, $0x38;
	[tilespmem:$0x10E00] =	vst v63  }
0xcf: {  	_ =	swait.ge [sflag:s12], $0x100  }
0xd0: {  	s28 =	sshll.u32 s28, $0x3;
	[sflag:s12] =	ssyncset.done $0x0  }
0xd1: {  	s28 =	sadd.s32 s5, s28;
	[sflag:s12] =	ssyncadd.s32 $0xFFFFFF00  }
0xd2: {  	[tilespmem:s13], [sflag:$0x5] =	stream.linear.gather [hbm4b:s28+s1], $0x400, $0x38;
	[tilespmem:$0x10E00] =	vst v63  }
0xd3: {  	_ =	swait.ge [sflag:s12], $0x400  }
0xd4: {  	[sflag:s12] =	ssyncset.done $0x0  }
.Ltmp3:
0xd5: {  	[sflag:s12] =	ssyncadd.s32 $0xFFFFFC00;
	(pc) =	sbr.rel @p0 .LBB2_8-.Ltmp3, $4  }
0xd6: {  	[tilespmem:s15], [sflag:$0x1] =	stream.indirect.gather [hbm4b:s3+s14], $0x80, s1, s14, $0xb8;
	[tilespmem:$0x10E00] =	vst v63  }
0xd7: {  	_ =	swait.ge [sflag:s20], $0x8000  }
0xd8: {  	[sflag:s20] =	ssyncset.done $0x0  }
0xd9: {  	[sflag:s20] =	ssyncadd.s32 $0xFFFF8000  }
.LBB2_7:
0xda: {  	_ =	swait.ge [sflag:s21], $0x200  }
0xdb: {  	[sflag:s21] =	ssyncset.done $0x0  }
0xdc: {  	[sflag:s21] =	ssyncadd.s32 $0xFFFFFE00  }
.LBB2_8:
0xdd: {  	s28 =	simm.s32 $0x0;
	s29 =	simm.s32 $0x8E00;
	s30 =	simm.s32 $0x620  }
.LBB2_9:
0xde: {  	v19 =	vld [tilespmem:s30+$0xFFFFFFE0]  }
0xdf: {  	v18 =	vld [tilespmem:s30+$0xFFFFFFF0]  }
0xe0: {  	v17 =	vld [tilespmem:s30+$0x0]  }
0xe1: {  	v16 =	vld [tilespmem:s30+$0x10]  }
0xe2: {  	v20 =	vld [tilespmem:s29+$0xFFFFFC00]  }
0xe3: {  	v21 =	vld [tilespmem:s29+$0xFFFFFC20]  }
0xe4: {  	v22 =	vld [tilespmem:s29+$0xFFFFFC40]  }
0xe5: {  	v23 =	vld [tilespmem:s29+$0xFFFFFC60]  }
0xe6: {  	v24 =	vld [tilespmem:s29+$0xFFFFFC10]  }
0xe7: {  	v25 =	vld [tilespmem:s29+$0xFFFFFC30]  }
0xe8: {  	v26 =	vld [tilespmem:s29+$0xFFFFFC50]  }
0xe9: {  	v27 =	vld [tilespmem:s29+$0xFFFFFC70]  }
0xea: {  	v28 =	vld [tilespmem:s29+$0xFFFFFC80]  }
0xeb: {  	v29 =	vld [tilespmem:s29+$0xFFFFFCA0]  }
0xec: {  	v30 =	vld [tilespmem:s29+$0xFFFFFCC0]  }
0xed: {  	v31 =	vld [tilespmem:s29+$0xFFFFFCE0]  }
0xee: {  	v32 =	vld [tilespmem:s29+$0xFFFFFC90]  }
0xef: {  	v33 =	vld [tilespmem:s29+$0xFFFFFCB0]  }
0xf0: {  	v34 =	vld [tilespmem:s29+$0xFFFFFCD0]  }
0xf1: {  	v35 =	vld [tilespmem:s29+$0xFFFFFCF0]  }
0xf2: {  	v36 =	vld [tilespmem:s29+$0xFFFFFD00]  }
0xf3: {  	v37 =	vld [tilespmem:s29+$0xFFFFFD20]  }
0xf4: {  	v38 =	vld [tilespmem:s29+$0xFFFFFD40]  }
0xf5: {  	v39 =	vld [tilespmem:s29+$0xFFFFFD60]  }
0xf6: {  	v40 =	vld [tilespmem:s29+$0xFFFFFD10]  }
0xf7: {  	v41 =	vld [tilespmem:s29+$0xFFFFFD30]  }
0xf8: {  	v42 =	vld [tilespmem:s29+$0xFFFFFD50]  }
0xf9: {  	v43 =	vld [tilespmem:s29+$0xFFFFFD70];
	v45 =	vperm.xlane v19, v0;
	v46 =	vperm.xlane v18, v0  }
0xfa: {  	v44 =	vld [tilespmem:s29+$0xFFFFFD80];
	v48 =	vperm.xlane v17, v0;
	v49 =	vperm.xlane v16, v0  }
0xfb: {  	v47 =	vld [tilespmem:s29+$0xFFFFFDA0];
	v59 =	vperm.xlane v19, v1;
	v60 =	vperm.xlane v18, v1  }
0xfc: {  	v50 =	vld [tilespmem:s29+$0xFFFFFDC0];
	v62 =	vperm.xlane v17, v1;
	v55 =	vperm.xlane v16, v1  }
0xfd: {  	v51 =	vld [tilespmem:s29+$0xFFFFFDE0];
	v20 =	vmul.f32 v20, v45;
	v21 =	vmul.f32 v21, v46  }
0xfe: {  	v52 =	vld [tilespmem:s29+$0xFFFFFD90];
	v57 =	vmul.f32 v22, v48;
	v58 =	vmul.f32 v23, v49  }
0xff: {  	v53 =	vld [tilespmem:s29+$0xFFFFFDF0];
	v24 =	vmul.f32 v24, v45;
	v25 =	vmul.f32 v25, v46  }
0x100: {  	v54 =	vld [tilespmem:s29+$0xFFFFFE20];
	v61 =	vmul.f32 v26, v48;
	v28 =	vmul.f32 v28, v59  }
0x101: {  	v23 =	vld [tilespmem:s29+$0xFFFFFDB0];
	v29 =	vmul.f32 v29, v60;
	v49 =	vmul.f32 v27, v49  }
0x102: {  	v45 =	vld [tilespmem:s29+$0xFFFFFDD0];
	v56 =	vmul.f32 v30, v62;
	v26 =	vmul.f32 v34, v62  }
0x103: {  	v48 =	vld [tilespmem:s29+$0xFFFFFE00];
	v46 =	vperm.xlane v16, v2;
	v27 =	vmul.f32 v35, v55;
	v20 =	vadd.f32 v21, v20  }
0x104: {  	v30 =	vld [tilespmem:s29+$0xFFFFFE60];
	v24 =	vadd.f32 v25, v24;
	v28 =	vadd.f32 v29, v28;
	v21 =	vmul.f32 v32, v59  }
0x105: {  	v34 =	vld [tilespmem:s29+$0xFFFFFE50];
	v59 =	vperm.xlane v19, v2;
	v20 =	vadd.f32 v57, v20;
	v57 =	vmul.f32 v33, v60  }
0x106: {  	v35 =	vld [tilespmem:s29+$0xFFFFFEA0];
	v63 =	vadd.f32 v61, v24;
	v60 =	vperm.xlane v18, v2;
	v61 =	vperm.xlane v17, v2  }
0x107: {  	v25 =	vld [tilespmem:s29+$0xFFFFFE40];
	v28 =	vadd.f32 v56, v28;
	v62 =	vmul.f32 v36, v59;
	v56 =	vmul.f32 v39, v46  }
0x108: {  	v32 =	vld [tilespmem:s29+$0xFFFFFE10];
	v24 =	vmul.f32 v40, v59;
	v36 =	vperm.xlane v19, v3;
	v20 =	vadd.f32 v58, v20  }
0x109: {  	v29 =	vld [tilespmem:s29+$0xFFFFFF60];
	v22 =	vadd.f32 v49, v63;
	v58 =	vmul.f32 v31, v55;
	v63 =	vmul.f32 v37, v60  }
0x10a: {  	v39 =	vld [tilespmem:s29+$0xFFFFFEC0];
	v21 =	vadd.f32 v57, v21;
	v55 =	vmul.f32 v38, v61;
	v57 =	vmul.f32 v41, v60  }
0x10b: {  	v33 =	vld [tilespmem:s29+$0xFFFFFEE0];
	v59 =	vmul.f32 v42, v61;
	v60 =	vperm.xlane v17, v3  }
0x10c: {  	v40 =	vld [tilespmem:s29+$0xFFFFFFC0];
	v61 =	vmul.f32 v44, v36;
	v28 =	vadd.f32 v58, v28;
	v21 =	vadd.f32 v26, v21  }
0x10d: {  	v31 =	vld [tilespmem:s29+$0xFFFFFE30];
	v36 =	vmul.f32 v52, v36;
	v20 =	vadd.f32 $0.0e+00, v20;
	v22 =	vadd.f32 $0.0e+00, v22  }
0x10e: {  	v49 =	vld [tilespmem:s29+$0xFFFFFE70];
	v26 =	vadd.f32 v63, v62;
	v58 =	vperm.xlane v18, v3;
	v24 =	vadd.f32 v57, v24  }
0x10f: {  	v37 =	vld [tilespmem:s29+$0xFFFFFE80];
	v63 =	vmul.f32 v43, v46;
	v46 =	vperm.xlane v16, v3;
	v21 =	vadd.f32 v27, v21  }
0x110: {  	v41 =	vld [tilespmem:s29+$0xFFFFFE90];
	v26 =	vadd.f32 v55, v26;
	v62 =	vmul.f32 v47, v58;
	v55 =	vmul.f32 v50, v60  }
0x111: {  	v42 =	vld [tilespmem:s29+$0xFFFFFEB0];
	v28 =	vadd.f32 $0.0e+00, v28;
	v57 =	vmul.f32 v51, v46;
	v23 =	vmul.f32 v23, v58  }
0x112: {  	v44 =	vld [tilespmem:s29+$0xFFFFFF40];
	v24 =	vadd.f32 v59, v24;
	v58 =	vmul.f32 v45, v60;
	v59 =	vperm.xlane v19, v4  }
0x113: {  	v52 =	vld [tilespmem:s29+$0xFFFFFF30];
	v60 =	vperm.xlane v18, v4;
	v51 =	vperm.xlane v16, v4;
	v26 =	vadd.f32 v56, v26  }
0x114: {  	v43 =	vld [tilespmem:s29+$0xFFFFFEF0];
	v38 =	vadd.f32 v62, v61;
	v24 =	vadd.f32 v63, v24;
	v61 =	vperm.xlane v17, v4  }
0x115: {  	v47 =	vld [tilespmem:s29+$0xFFFFFED0];
	v23 =	vadd.f32 v23, v36;
	v62 =	vmul.f32 v48, v59;
	v63 =	vmul.f32 v54, v60  }
0x116: {  	v50 =	vld [tilespmem:s29+$0xFFFFFF00];
	v30 =	vmul.f32 v30, v51;
	v31 =	vmul.f32 v31, v60;
	v56 =	vadd.f32 v55, v38  }
0x117: {  	v45 =	vld [tilespmem:s29+$0xFFFFFF10];
	v23 =	vadd.f32 v58, v23;
	v25 =	vmul.f32 v25, v61;
	v58 =	vperm.xlane v19, v5  }
0x118: {  	v54 =	vld [tilespmem:s29+$0xFFFFFF50];
	v21 =	vadd.f32 $0.0e+00, v21;
	v60 =	vmul.f32 v34, v61;
	v61 =	vperm.xlane v17, v5  }
0x119: {  	v48 =	vld [tilespmem:s29+$0xFFFFFF80];
	v27 =	vadd.f32 v57, v56;
	v56 =	vmul.f32 v53, v46;
	v57 =	vmul.f32 v32, v59  }
0x11a: {  	v36 =	vld [tilespmem:s29+$0xFFFFFFE0];
	v20 =	vadd.f32 v26, v20;
	v59 =	vperm.xlane v18, v5;
	v53 =	vperm.xlane v16, v5  }
0x11b: {  	v26 =	vld [tilespmem:s29+$0xFFFFFF20];
	v22 =	vadd.f32 v24, v22;
	v55 =	vmul.f32 v39, v61;
	v34 =	vmul.f32 v47, v61  }
0x11c: {  	v46 =	vld [tilespmem:s29+$0xFFFFFF70];
	v27 =	vadd.f32 v27, v28;
	v28 =	vadd.f32 v63, v62;
	v62 =	vmul.f32 v37, v58  }
0x11d: {  	v32 =	vld [tilespmem:s29+$0xFFFFFFA0];
	v23 =	vadd.f32 v56, v23;
	v35 =	vmul.f32 v35, v59;
	v63 =	vmul.f32 v49, v51  }
0x11e: {  	v39 =	vld [tilespmem:s29+$0xFFFFFFD0];
	v24 =	vadd.f32 v31, v57;
	v56 =	vmul.f32 v33, v53;
	v57 =	vmul.f32 v42, v59  }
0x11f: {  	v47 =	vld [tilespmem:s29+$0x60];
	v59 =	vperm.xlane v18, v6;
	v42 =	vperm.xlane v16, v6  }
0x120: {  	v37 =	vld [tilespmem:s29+$0xFFFFFF90];
	v61 =	vmul.f32 v43, v53;
	v25 =	vadd.f32 v25, v28;
	v21 =	vadd.f32 v23, v21  }
0x121: {  	v31 =	vld [tilespmem:s29+$0xFFFFFFB0];
	v24 =	vadd.f32 v60, v24;
	v28 =	vmul.f32 v41, v58;
	v58 =	vperm.xlane v19, v6  }
0x122: {  	v33 =	vld [tilespmem:s29+$0x0];
	v23 =	vadd.f32 v35, v62;
	v26 =	vmul.f32 v26, v59;
	v38 =	vmul.f32 v52, v59  }
0x123: {  	v49 =	vld [tilespmem:s29+$0x70];
	v25 =	vadd.f32 v30, v25;
	v24 =	vadd.f32 v63, v24;
	v60 =	vmul.f32 v50, v58  }
0x124: {  	v51 =	vld [tilespmem:s29+$0x80];
	v23 =	vadd.f32 v55, v23;
	v63 =	vmul.f32 v29, v42;
	v55 =	vmul.f32 v45, v58  }
0x125: {  	v43 =	vld [tilespmem:s29+$0x1F0];
	v58 =	vperm.xlane v17, v7;
	v42 =	vmul.f32 v46, v42;
	v22 =	vadd.f32 v24, v22  }
0x126: {  	v35 =	vld [tilespmem:s29+$0x20];
	v23 =	vadd.f32 v56, v23;
	v24 =	vadd.f32 v57, v28;
	v28 =	vperm.xlane v17, v6  }
0x127: {  	v41 =	vld [tilespmem:s29+$0x40];
	v26 =	vadd.f32 v26, v60;
	v56 =	vperm.xlane v19, v7;
	v57 =	vperm.xlane v18, v7  }
0x128: {  	v50 =	vld [tilespmem:s29+$0x10];
	v60 =	vadd.f32 v38, v55;
	v53 =	vmul.f32 v39, v58;
	v55 =	vperm.xlane v18, v8  }
0x129: {  	v30 =	vld [tilespmem:s29+$0x50];
	v62 =	vmul.f32 v44, v28;
	v59 =	vmul.f32 v48, v56  }
0x12a: {  	v29 =	vld [tilespmem:s29+$0xC0];
	v20 =	vadd.f32 v25, v20;
	v32 =	vmul.f32 v32, v57;
	v28 =	vmul.f32 v54, v28  }
0x12b: {  	v45 =	vld [tilespmem:s29+$0x100];
	v24 =	vadd.f32 v34, v24;
	v34 =	vmul.f32 v37, v56;
	v52 =	vmul.f32 v31, v57  }
0x12c: {  	v25 =	vld [tilespmem:s29+$0xFFFFFFF0];
	v23 =	vadd.f32 v23, v27;
	v54 =	vperm.xlane v19, v8;
	v56 =	vperm.xlane v17, v8  }
0x12d: {  	v38 =	vld [tilespmem:s29+$0x160];
	v57 =	vperm.xlane v16, v8;
	v24 =	vadd.f32 v61, v24;
	v26 =	vadd.f32 v62, v26  }
0x12e: {  	v39 =	vld [tilespmem:s29+$0x110];
	v61 =	vperm.xlane v16, v7;
	v62 =	vmul.f32 v40, v58;
	v27 =	vadd.f32 v52, v34  }
0x12f: {  	v44 =	vld [tilespmem:s29+$0x30];
	v58 =	vmul.f32 v33, v54;
	v52 =	vperm.xlane v19, v9;
	v21 =	vadd.f32 v24, v21  }
0x130: {  	v48 =	vld [tilespmem:s29+$0xA0];
	v30 =	vmul.f32 v30, v56;
	v26 =	vadd.f32 v63, v26;
	v24 =	vadd.f32 v32, v59  }
0x131: {  	v37 =	vld [tilespmem:s29+$0xD0];
	v63 =	vadd.f32 v28, v60;
	v46 =	vmul.f32 v36, v61;
	v59 =	vmul.f32 v35, v55  }
0x132: {  	v31 =	vld [tilespmem:s29+$0x1C0];
	v60 =	vadd.f32 v53, v27;
	v25 =	vmul.f32 v25, v61;
	v61 =	vmul.f32 v41, v56  }
0x133: {  	v40 =	vld [tilespmem:s29+$0xE0];
	v53 =	vperm.xlane v18, v9;
	v20 =	vadd.f32 v26, v20;
	v24 =	vadd.f32 v62, v24  }
0x134: {  	v34 =	vld [tilespmem:s29+$0x150];
	v26 =	vadd.f32 v42, v63;
	v62 =	vmul.f32 v47, v57;
	v63 =	vmul.f32 v50, v54  }
0x135: {  	v28 =	vld [tilespmem:s29+$0x90];
	v50 =	vmul.f32 v44, v55;
	v54 =	vperm.xlane v17, v9  }
0x136: {  	v35 =	vld [tilespmem:s29+$0x120];
	v55 =	vmul.f32 v51, v52;
	v56 =	vmul.f32 v48, v53  }
0x137: {  	v36 =	vld [tilespmem:s29+$0xB0];
	v57 =	vmul.f32 v49, v57;
	v48 =	vperm.xlane v19, v10  }
0x138: {  	v33 =	vld [tilespmem:s29+$0x180];
	v49 =	vperm.xlane v18, v10;
	v51 =	vperm.xlane v16, v10;
	v24 =	vadd.f32 v46, v24  }
0x139: {  	v42 =	vld [tilespmem:s29+$0xF0];
	v22 =	vadd.f32 v26, v22;
	v26 =	vadd.f32 v59, v58;
	v58 =	vperm.xlane v16, v9  }
0x13a: {  	v27 =	vld [tilespmem:s29+$0x140];
	v29 =	vmul.f32 v29, v54;
	v59 =	vmul.f32 v28, v52  }
0x13b: {  	v41 =	vld [tilespmem:s29+$0x290];
	v52 =	vmul.f32 v45, v48;
	v35 =	vmul.f32 v35, v49;
	v23 =	vadd.f32 v24, v23  }
0x13c: {  	v44 =	vld [tilespmem:s29+$0x130];
	v24 =	vadd.f32 v25, v60;
	v26 =	vadd.f32 v61, v26;
	v60 =	vmul.f32 v36, v53  }
0x13d: {  	v47 =	vld [tilespmem:s29+$0x170];
	v25 =	vadd.f32 v50, v63;
	v61 =	vmul.f32 v40, v58;
	v50 =	vperm.xlane v17, v10  }
0x13e: {  	v46 =	vld [tilespmem:s29+$0x1A0];
	v63 =	vmul.f32 v42, v58;
	v58 =	vperm.xlane v18, v11  }
0x13f: {  	v45 =	vld [tilespmem:s29+$0x250];
	v21 =	vadd.f32 v24, v21;
	v26 =	vadd.f32 v62, v26;
	v62 =	vmul.f32 v37, v54  }
0x140: {  	v36 =	vld [tilespmem:s29+$0x190];
	v24 =	vadd.f32 v56, v55;
	v27 =	vmul.f32 v27, v50;
	v54 =	vmul.f32 v38, v51  }
0x141: {  	v40 =	vld [tilespmem:s29+$0x1B0];
	v25 =	vadd.f32 v30, v25;
	v55 =	vmul.f32 v39, v48;
	v56 =	vmul.f32 v44, v49  }
0x142: {  	v42 =	vld [tilespmem:s29+$0x1D0];
	v28 =	vmul.f32 v34, v50;
	v20 =	vadd.f32 v26, v20;
	v24 =	vadd.f32 v29, v24  }
0x143: {  	v30 =	vld [tilespmem:s29+$0x1E0];
	v25 =	vadd.f32 v57, v25;
	v26 =	vadd.f32 v60, v59;
	v57 =	vperm.xlane v19, v11  }
0x144: {  	v37 =	vld [tilespmem:s29+$0x240];
	v50 =	vperm.xlane v19, v12;
	v59 =	vperm.xlane v17, v11;
	v24 =	vadd.f32 v61, v24  }
0x145: {  	v34 =	vld [tilespmem:s29+$0x210];
	v26 =	vadd.f32 v62, v26;
	v22 =	vadd.f32 v25, v22;
	v60 =	vmul.f32 v33, v57  }
0x146: {  	v39 =	vld [tilespmem:s29+$0x260];
	v25 =	vadd.f32 v35, v52;
	v61 =	vmul.f32 v46, v58;
	v62 =	vmul.f32 v47, v51  }
0x147: {  	v44 =	vld [tilespmem:s29+$0x230];
	v31 =	vmul.f32 v31, v59;
	v51 =	vperm.xlane v18, v12;
	v23 =	vadd.f32 v24, v23  }
0x148: {  	v35 =	vld [tilespmem:s29+$0x220];
	v46 =	vperm.xlane v18, v13;
	v53 =	vadd.f32 v63, v26;
	v25 =	vadd.f32 v27, v25  }
0x149: {  	v52 =	vld [tilespmem:s29+$0x2A0];
	v24 =	vadd.f32 v56, v55;
	v63 =	vperm.xlane v16, v11;
	v27 =	vmul.f32 v36, v57  }
0x14a: {  	v48 =	vld [tilespmem:s29+$0x270];
	v47 =	vadd.f32 v61, v60;
	v56 =	vmul.f32 v42, v59;
	v61 =	vmul.f32 v34, v50  }
0x14b: {  	v26 =	vld [tilespmem:s29+$0x200];
	v21 =	vadd.f32 v53, v21;
	v49 =	vmul.f32 v30, v63;
	v53 =	vmul.f32 v40, v58  }
0x14c: {  	v60 =	vld [tilespmem:s29+$0x2B0];
	v25 =	vadd.f32 v54, v25;
	v54 =	vperm.xlane v17, v12;
	v57 =	vmul.f32 v43, v63  }
0x14d: {  	v42 =	vld [tilespmem:s29+$0x380];
	v24 =	vadd.f32 v28, v24;
	v58 =	vperm.xlane v16, v12;
	v55 =	vmul.f32 v35, v51  }
0x14e: {  	v30 =	vld [tilespmem:s29+$0x280];
	v52 =	vmul.f32 v52, v46;
	v20 =	vadd.f32 v25, v20;
	v59 =	vmul.f32 v37, v54  }
0x14f: {  	v40 =	vld [tilespmem:s29+$0x2C0];
	v24 =	vadd.f32 v62, v24;
	v62 =	vmul.f32 v44, v51;
	v43 =	vmul.f32 v39, v58  }
0x150: {  	v63 =	vld [tilespmem:s29+$0x2D0];
	v25 =	vadd.f32 v31, v47;
	v44 =	vmul.f32 v45, v54;
	v45 =	vperm.xlane v19, v13  }
0x151: {  	v28 =	vld [tilespmem:s29+$0x2F0];
	v48 =	vmul.f32 v48, v58;
	v26 =	vmul.f32 v26, v50;
	v22 =	vadd.f32 v24, v22  }
0x152: {  	v35 =	vld [tilespmem:s29+$0x2E0];
	v25 =	vadd.f32 v49, v25;
	v49 =	vperm.xlane v17, v13;
	v58 =	vmul.f32 v41, v45  }
0x153: {  	v47 =	vld [tilespmem:s29+$0x320];
	v24 =	vadd.f32 v53, v27;
	v41 =	vperm.xlane v18, v14;
	v18 =	vperm.xlane v18, v15  }
0x154: {  	v31 =	vld [tilespmem:s29+$0x300];
	v26 =	vadd.f32 v55, v26;
	v51 =	vmul.f32 v30, v45;
	v55 =	vperm.xlane v16, v13  }
0x155: {  	v54 =	vld [tilespmem:s29+$0x310];
	v24 =	vadd.f32 v56, v24;
	v56 =	vmul.f32 v40, v49;
	v32 =	vmul.f32 v63, v49  }
0x156: {  	v50 =	vld [tilespmem:s29+$0x340];
	v27 =	vadd.f32 v62, v61;
	v63 =	vperm.xlane v19, v14;
	v19 =	vperm.xlane v19, v15  }
0x157: {  	v62 =	vld [tilespmem:s29+$0x370];
	v34 =	vadd.f32 v59, v26;
	v59 =	vmul.f32 v60, v46;
	v61 =	vmul.f32 v35, v55  }
0x158: {  	v27 =	vadd.f32 v44, v27;
	v44 =	vld [tilespmem:s29+$0x3A0];
	v28 =	vmul.f32 v28, v55;
	v45 =	vmul.f32 v47, v41  }
0x159: {  	v23 =	vadd.f32 v25, v23;
	v46 =	vld [tilespmem:s29+$0x390];
	v55 =	vperm.xlane v16, v14;
	v16 =	vperm.xlane v16, v15  }
0x15a: {  	v24 =	vadd.f32 v57, v24;
	v53 =	vadd.f32 v48, v27;
	v57 =	vld [tilespmem:s29+$0x330];
	v31 =	vmul.f32 v31, v63  }
0x15b: {  	v26 =	vmul.f32 v54, v63;
	v48 =	vld [tilespmem:s29+$0x3B0];
	v25 =	vadd.f32 v43, v34;
	v43 =	vperm.xlane v17, v14  }
0x15c: {  	v60 =	vld [tilespmem:s29+$0x350];
	v17 =	vperm.xlane v17, v15;
	v21 =	vadd.f32 v24, v21;
	v24 =	vadd.f32 v52, v51  }
0x15d: {  	v51 =	vld [tilespmem:s29+$0x3D0];
	v52 =	vmul.f32 v42, v19;
	v20 =	vadd.f32 v25, v20;
	v25 =	vadd.f32 v59, v58  }
0x15e: {  	v22 =	vadd.f32 v53, v22;
	v47 =	vmul.f32 v50, v43;
	v50 =	vld [tilespmem:s29+$0x3C0];
	v30 =	vmul.f32 v44, v18  }
0x15f: {  	v53 =	vld [tilespmem:s29+$0x3E0];
	v24 =	vadd.f32 v56, v24;
	v19 =	vmul.f32 v46, v19;
	v25 =	vadd.f32 v32, v25  }
0x160: {  	v54 =	vld [tilespmem:s29+$0x3F0];
	v31 =	vadd.f32 v45, v31;
	v49 =	vmul.f32 v57, v41;
	v18 =	vmul.f32 v48, v18  }
0x161: {  	v36 =	vld [tilespmem:s29+$0x360];
	v27 =	vmul.f32 v62, v55;
	v24 =	vadd.f32 v61, v24;
	v25 =	vadd.f32 v28, v25  }
0x162: {  	v29 =	vmul.f32 v60, v43;
	v26 =	vadd.f32 v49, v26;
	v18 =	vadd.f32 v18, v19  }
0x163: {  	v23 =	vadd.f32 v24, v23;
	v56 =	vmul.f32 v50, v17;
	v17 =	vmul.f32 v51, v17  }
0x164: {  	v59 =	vmul.f32 v53, v16;
	v21 =	vadd.f32 v25, v21;
	v25 =	vadd.f32 v30, v52  }
0x165: {  	v16 =	vmul.f32 v54, v16;
	v26 =	vadd.f32 v29, v26;
	v17 =	vadd.f32 v17, v18  }
0x166: {  	v58 =	vmul.f32 v36, v55;
	v24 =	vadd.f32 v47, v31;
	v57 =	vadd.f32 v56, v25  }
0x167: {  	v61 =	vadd.f32 v27, v26;
	v16 =	vadd.f32 v16, v17  }
0x168: {  	v60 =	vadd.f32 v58, v24;
	v19 =	vadd.f32 v59, v57  }
0x169: {  	p0 =	sne.s32 s28, $0x780;
	v63 =	vadd.f32 v61, v22;
	v16 =	vadd.f32 v16, v21  }
.Ltmp4:
0x16a: {  	v17 =	vadd.f32 v60, v20;
	v62 =	vadd.f32 v19, v23;
	(pc) =	sbr.rel @p0 .LBB2_9-.Ltmp4, $4  }
0x16b: {  	v16 =	vadd.f32 v16, v63  }
0x16c: {  	s31 =	sshra.s32 s28, $0x2;
	v17 =	vadd.f32 v62, v17  }
0x16d: {  	[tilespmem:s31+$0x10C10] =	vst v16  }
0x16e: {  	s30 =	sadd.s32 $0x40, s30;
	s28 =	sadd.s32 $0x80, s28;
	s29 =	sadd.s32 $0x800, s29;
	[tilespmem:s31+$0x10C00] =	vst v17  }
0x16f: {  	s25 =	sadd.s32 $0x1, s25  }
0x170: {  	p0 =	sne.s32 s25, $0x80  }
.Ltmp5:
0x171: {  	_ = 	snop;
	(pc) =	sbr.rel @p0 .LBB2_2-.Ltmp5, $4  }
0x172: {  	_ = 	snop  }
0x173: {  	s26 =	sshll.u32 s26, $0x6  }
0x174: {  	s26 =	sadd.s32 s26, s9  }
0x175: {  	[hbm4b:s26+s1] =	stream.linear.scatter [tilespmem:s22], [sflag:$0x4], $0x200, $0x38;
	[tilespmem:$0x10E00] =	vst v63  }
0x176: {  	s24 =	sadd.s32 $0x1, s24  }
0x177: {  	_ =	swait.ge [sflag:s23], $0x200;
	p0 =	sne.s32 s24, s11  }
.Ltmp6:
0x178: {  	[sflag:s23] =	ssyncset.done $0x0;
	(pc) =	sbr.rel @p0 .LBB2_1-.Ltmp6, $4  }
0x179: {  	[sflag:s23] =	ssyncadd.s32 $0xFFFFFE00  }
0x17a: {  	_ =	swait.ge [sflag:s21], $0x200  }
0x17b: {  	[sflag:s21] =	ssyncset.done $0x0  }
0x17c: {  	[sflag:s21] =	ssyncadd.s32 $0xFFFFFE00  }
0x17d: {  	_ =	sfence.sel $0x180000  }
0x17e: {  	[bflag:$0x0] =	sbarrier.arrive $0xFFFF  }
0x17f: {  	p0 =	sne.s32 s2, $0x0;
	_ =	strace $0x9000004D  }
0x180: {  	s0 =	sadd.s32 @!p0 $0x100000, s0;
	[bflag:$0x2] =	sbarrier.arrive $0xFFFF  }
0x181: {  	[sflag:s0] =	ssyncadd.tile.s32 @!p0 $0x1;
	_ =	shalt  }
.Lfunc_end2:
_tile_overlayer_lowered:
.L_overlay_start_2:
0x182: {  	(tag) =	ssettag $0x2  }
0x183: {  	s0 =	rddreg [dreg:$0x0];
	s2 =	stileid.u32  }
0x184: {  	s1 =	rddreg [dreg:$0x1];
	p0 =	sne.s32 s2, $0x0  }
0x185: {  	s3 =	rddreg [dreg:$0x2];
	[bflag:$0x3] =	sbarrier.arrive $0xFFFF;
	s2 =	simm.s32 @!p0 $0x1C05  }
0x186: {  	[timem:s3], [sflag:s2] =	dma.local @!p0 [hbm:s0], s1  }
0x187: {  	s0 =	simm.s32 @!p0 $0x5  }
0x188: {  	_ =	swait.ge @!p0 [sflag:s0], s1  }
0x189: {  	s1 =	ssub.s32 @!p0 $0x0, s1;
	[sflag:s0] =	ssyncset.done @!p0 $0x0  }
0x18a: {  	[sflag:s0] =	ssyncadd.s32 @!p0 s1  }
0x18b: {  	[bflag:$0x3] =	sbarrier.arrive $0xFFFF  }
0x18c: {  	_ =	shalt  }

// kernel: sparse-core-data-format-call.1.cloned.1.call-start
scs
called_computation.1_lowered:
.L_overlay_start_0:
0x0: {  	s2 =	sld [smem:$0x3FD9]  }
0x1: {  	s3 =	sld [smem:$0x3FFE];
	_ =	sdelay $0x1  }
0x2: {  	s1 =	srdreg.scid  }
0x3: {  	s0 =	sand.u32 $0x1, s1  }
0x4: {  	s18 =	sshll.u32 s0, $0xA;
	s2 =	sadd.s32 s3, s2  }
0x5: {  	s2 =	sadd.s32 s2, s18  }
0x6: {  	[smem:$0x3FA5] =	sst s2  }
0x7: {  	_ = 	snop  }
0x8: {  	(tm) =	ssettm $0x1  }
0x9: {  	s19 =	sld [smem:$0x3FFB];
	_ =	sdelay $0x3  }
0xa: {  	_ =	strace s19  }
0xb: {  	s2 =	sld [smem:$0x3FFC];
	_ =	sdelay $0x3  }
0xc: {  	_ =	strace s2  }
0xd: {  	s2 =	sld [smem:$0x3FFD];
	_ =	sdelay $0x3  }
0xe: {  	_ =	strace s2  }
0xf: {  	_ =	strace $0x8FFFFFFF  }
0x10: {  	s20 =	sld [smem:$0x3FDB];
	_ =	sdelay $0x1  }
0x11: {  	s21 =	simm.s32 $_scs_section_size  }
0x12: {  	s4 =	simm.s32 $_size__tile_overlayer_lowered;
	s5 =	simm.s32 $_tile_overlayer_lowered  }
0x13: {  	s6 =	simm.s32 $0x1BFF;
	s22 =	sshll.u32 s5, $0x1;
	s3 =	sadd.s32 s21, s20  }
0x14: {  	s23 =	simm.s32 $0x0;
	s4 =	sshll.u32 s4, $0x1;
	s5 =	sadd.s32 s22, s3  }
0x15: {  	[timem:s23], [sflag:s6] =	dma.local [hbm:s5], s4  }
0x16: {  	_ =	swait.ge [sflag:s6], s4  }
0x17: {  	s4 =	ssub.s32 $0x0, s4;
	[sflag:s6] =	ssyncset.done $0x0  }
0x18: {  	[sflag:s6] =	ssyncadd.s32 s4;
	_ =	sdelay $0x1  }
0x19: {  	s24 =	simm.s32 $0x1B8B  }
0x1a: {  	_ =	swait.ge [sflag:s24], $0x1  }
0x1b: {  	[sflag:s24] =	ssyncset.done $0x0  }
0x1c: {  	[sflag:s24] =	ssyncadd.s32 $0xFFFFFFFF  }
0x1d: {  	s4 =	sld [smem:$0x0]  }
0x1e: {  	s5 =	sand.u32 $0xFFFFFFFE, s1  }
0x1f: {  	p0 =	sne.s32 s1, s5  }
0x20: {  	s5 =	sshll.u32 @p0 s5, $0xE  }
0x21: {  	s5 =	sadd.s32 @p0 $0x11B8D, s5;
	s6 =	sshll.u32 @p0 s4, $0x11  }
0x22: {  	s5 =	sor.u32 @p0 s6, s5  }
0x23: {  	[sflag:s5] =	ssyncadd.remote.s32 @p0 $0x1;
	_ =	sdelay $0x1  }
0x24: {  	s5 =	simm.s32 @p0 $0x1B8D  }
0x25: {  	_ =	swait.eq @p0 [sflag:s5], $0x1  }
0x26: {  	[sflag:s5] =	ssyncadd.s32 @p0 $0xFFFFFFFF  }
0x27: {  	s6 =	sshll.u32 @!p0 s1, $0xE  }
0x28: {  	s6 =	sor.u32 @!p0 $0x4000, s6;
	s5 =	simm.s32 @!p0 $0x1B8D  }
0x29: {  	s4 =	sshll.u32 @!p0 s4, $0x11;
	s6 =	sadd.s32 @!p0 $0x11B8D, s6;
	_ =	swait.eq @!p0 [sflag:s5], $0x1  }
0x2a: {  	s4 =	sor.u32 @!p0 s4, s6;
	[sflag:s5] =	ssyncadd.s32 @!p0 $0xFFFFFFFF  }
0x2b: {  	s26 =	simm.s32 $0x1B8E;
	s25 =	sld [smem:$0x3FFE];
	[sflag:s4] =	ssyncadd.remote.s32 @!p0 $0x1  }
0x2c: {  	s27 =	simm.s32 $execute0_lowered;
	[smem:$0x3FD2] =	sst s26  }
0x2d: {  	s5 =	sshll.u32 s27, $0x1;
	_ =	strace $0x80000049;
	[dreg:$0x1] =	wrdreg $0xFFFFFFFF  }
0x2e: {  	s28 =	simm.s32 $_size_execute0_lowered;
	s3 =	sadd.s32 s3, s5;
	[dreg:$0x0] =	wrdreg $0x0  }
0x2f: {  	s5 =	sshll.u32 s28, $0x1;
	[dreg:$0x2] =	wrdreg s3  }
0x30: {  	[dreg:$0x3] =	wrdreg s5  }
0x31: {  	[dreg:$0x4] =	wrdreg $0xC0  }
0x32: {  	_ =	task [dreg:s23], $0x5FFFF  }
0x33: {  	[dreg:$0x1] =	wrdreg $0xFFFFFFFF  }
0x34: {  	[dreg:$0x0] =	wrdreg $0x60  }
0x35: {  	[dreg:$0x2] =	wrdreg s25  }
0x36: {  	[dreg:$0x3] =	wrdreg $0xA  }
0x37: {  	_ =	task.clear_ibuf [dreg:s23], $0x4FFFF;
	_ =	strace $0x90000049  }
0x38: {  	s29 =	simm.s32 $0xA;
	_ =	strace $0x8000004B  }
0x39: {  	_ =	swait.ge [sflag:s29], $0x1  }
0x3a: {  	[sflag:s29] =	ssyncadd.s32 $0xFFFFFFFF  }
0x3b: {  	_ =	strace $0x9000004B  }
0x3c: {  	_ =	sfence  }
0x3d: {  	s30 =	sld [smem:$0x0];
	_ =	sdelay $0x2  }
0x3e: {  	s31 =	sshll.u32 s1, $0xD;
	s1 =	sshrl.u32 s1, $0x2  }
0x3f: {  	s4 =	sand.u32 $0x4000, s31;
	s1 =	sadd.s32 s1, s30  }
0x40: {  	s0 =	sor.u32 s4, s0;
	s1 =	sshll.u32 s1, $0x11  }
0x41: {  	s0 =	sor.u32 s1, s0  }
0x42: {  	s0 =	sadd.s32 $0x8F2B, s0  }
0x43: {  	[sflag:s0] =	ssyncadd.remote.s32 $0x1  }
0x44: {  	_ =	sfence.sel $0xFFFF  }
0x45: {  	[dreg:$0x0] =	wrdreg $0xFFFFFFFF;
	(pc) =	sbr.abs _section_cstart, $3  }
0x46: {  	[dreg:$0x1] =	wrdreg $0xFFFFFFFF  }
0x47: {  	_ =	task.clear_ibuf [dreg:s23], $0x2FFFF;
	_ =	strace $0x9FFFFFFF  }
0x48: {  	(tm) =	ssettm $0x7FFFFFFF  }
0x49: {  	_ =	shalt  }
tec
execute0_lowered:
.L_overlay_start_1:
0x0: {  	(tag) =	ssettag $0x1  }
0x1: {  	s0 =	srdreg.scid  }
0x2: {  	s1 =	sshll.u32 s0, $0x4  }
0x3: {  	s4 =	rddreg [dreg:$0x0];
	s0 =	stileid.u32;
	s1 =	sand.u32 $0x10, s1  }
0x4: {  	s7 =	simm.s32 $0x1;
	s8 =	simm.s32 $0x2;
	s2 =	sor.u32 s0, s1  }
0x5: {  	s9 =	simm.s32 $0x0;
	s12 =	simm.s32 $0x0;
	s2 =	sshll.u32 s2, $0x2  }
0x6: {  	s11 =	simm.s32 $0x0;
	s3 =	sadd.s32 $0x447A00, s4;
	s6 =	ssub.s32 $0x1540, s2  }
.Ltmp0:
0x7: {  	s4 =	sadd.s32 $0x6EFA00, s4;
	s5 =	sand.u32 $0x7C, s6;
	(pc) =	sbr.rel .LBB1_1-.Ltmp0, $4  }
0x8: {  	s1 =	rddreg [dreg:$0x1];
	_ =	strace $0x8000004A;
	p0 =	sne.s32 s5, $0x0  }
0x9: {  	s6 =	sshrl.u32 s6, $0x7;
	s5 =	simm.s32 $0x1;
	s7 =	simm.s32 @!p0 $0x0  }
0xa: {  	s10 =	smov.u32 s2;
	[sflag:s5] =	ssyncpa.u1 $0x0;
	s6 =	sadd.s32 s7, s6  }
0xb: {  	[sflag:s8] =	ssyncpa.u1 $0x0;
	s8 =	simm.s32 $0x0;
	s7 =	sadd.s32 $0x1, s6  }
.LBB1_9:
0xc: {  	s14 =	sadd.s32 $0x80, s10  }
0xd: {  	p1 =	sgt.s32 s14, $0x153F  }
0xe: {  	s14 =	smov.u32 @p1 s2;
	p1 =	sne.s32 s11, s7  }
.Ltmp1:
0xf: {  	p0 =	slt.u32 s11, $0x2;
	(pc) =	sbr.rel @!p1 .LBB1_10-.Ltmp1, $4  }
0x10: {  	s13 =	simm.s32 @!p0 $0x2  }
0x11: {  	s15 =	sadd.s32 $0x1, s11;
	_ =	swait.ge @!p0 [sflag:s13], $0x4000  }
0x12: {  	s12 =	smov.u32 s10;
	s9 =	sadd.s32 $0x4000, s9;
	[sflag:s13] =	ssyncset.done @!p0 $0x0  }
0x13: {  	s11 =	smov.u32 s15;
	s10 =	smov.u32 s14;
	[sflag:s13] =	ssyncadd.s32 @!p0 $0xFFFFC000  }
.LBB1_1:
0x14: {  	p0 =	sge.u32 s11, s6  }
0x15: {  	s13 =	sxor.u32 @!p0 $0xFFFFFFFF, s11  }
0x16: {  	s31 =	sadd.s32 $0xFFFFFFFF, s11;
	s14 =	sshll.u32 @!p0 s10, $0x9;
	s13 =	sshll.u32 @!p0 s13, $0xE  }
0x17: {  	s15 =	simm.s32 @!p0 $0x0;
	s14 =	sadd.s32 @!p0 s3, s14;
	s13 =	sand.u32 @!p0 $0x4000, s13  }
0x18: {  	[tilespmem:s13], [sflag:$0x1] =	stream.linear.gather @!p0 [hbm4b:s14+s15], $0x4000, $0x38;
	[tilespmem:$0x10000] =	vst v63  }
0x19: {  	p0 =	sge.u32 s31, s6  }
.Ltmp2:
0x1a: {  	_ = 	snop;
	(pc) =	sbr.rel @p0 .LBB1_9-.Ltmp2, $1  }
0x1b: {  	_ =	sdelay $0x3  }
0x1c: {  	s14 =	sand.u32 $0x4000, s9  }
0x1d: {  	_ =	swait.ge [sflag:s5], $0x4000;
	s15 =	sshll.u32 s11, $0xE;
	s16 =	simm.s32 $0x0  }
0x1e: {  	s13 =	sor.u32 $0x40, s14;
	[sflag:s5] =	ssyncset.done $0x0;
	s15 =	sand.u32 $0x4000, s15  }
0x1f: {  	s14 =	sor.u32 $0x8040, s14;
	[sflag:s5] =	ssyncadd.s32 $0xFFFFC000;
	s15 =	sor.u32 $0x8000, s15  }
.LBB1_3:
0x20: {  	s17 =	smov.u32 s14;
	s18 =	smov.u32 s13;
	s19 =	simm.s32 $0x0  }
.LBB1_4:
0x21: {  	v0 =	vmov s17;
	v2 =	vld [tilespmem:s18+$0x30]  }
0x22: {  	v4 =	vld [tilespmem:s18+$0xFFFFFFD0]  }
0x23: {  	v6 =	vld [tilespmem:s18+$0xFFFFFFE0]  }
0x24: {  	v7 =	vld [tilespmem:s18+$0xFFFFFFF0]  }
0x25: {  	s20 =	simm.s32 $0x0;
	v1 =	vld [tilespmem:s18+$0x0]  }
0x26: {  	v3 =	vld [tilespmem:s18+$0x10];
	[tilespmem:v0+s20+$0x30 ss:$0x1] =	vst.idx.msk $0xffff, v2  }
0x27: {  	v5 =	vld [tilespmem:s18+$0x20];
	[tilespmem:v0+s20+$0xFFFFFFD0 ss:$0x1] =	vst.idx.msk $0xffff, v4  }
0x28: {  	s21 =	sadd.s32 $0x80, s18;
	v2 =	vld [tilespmem:s18+$0xFFFFFFC0];
	[tilespmem:v0+s20+$0xFFFFFFE0 ss:$0x1] =	vst.idx.msk $0xffff, v6  }
0x29: {  	s22 =	simm.s32 $0x800;
	s23 =	simm.s32 $0x1000;
	v4 =	vld [tilespmem:s21+$0x30];
	[tilespmem:v0+s20+$0xFFFFFFF0 ss:$0x1] =	vst.idx.msk $0xffff, v7  }
.LBB1_5:
0x2a: {  	p0 =	sne.s32 s23, $0x3800;
	v6 =	vld [tilespmem:s21+$0xFFFFFFD0];
	[tilespmem:v0+s20+$0x0 ss:$0x1] =	vst.idx.msk $0xffff, v1  }
0x2b: {  	v7 =	vld [tilespmem:s21+$0xFFFFFFE0];
	[tilespmem:v0+s20+$0x10 ss:$0x1] =	vst.idx.msk $0xffff, v3  }
0x2c: {  	v8 =	vld [tilespmem:s21+$0xFFFFFFF0];
	[tilespmem:v0+s20+$0x20 ss:$0x1] =	vst.idx.msk $0xffff, v5  }
.Ltmp3:
0x2d: {  	v1 =	vld [tilespmem:s21+$0x0];
	[tilespmem:v0+s20+$0xFFFFFFC0 ss:$0x1] =	vst.idx.msk $0xffff, v2;
	s20 =	sshra.s32 s22, $0x2;
	s22 =	smov.u32 s23;
	(pc) =	sbr.rel @p0 .LBB1_5-.Ltmp3, $4  }
0x2e: {  	v3 =	vld [tilespmem:s21+$0x10];
	[tilespmem:v0+s20+$0x30 ss:$0x1] =	vst.idx.msk $0xffff, v4  }
0x2f: {  	[tilespmem:v0+s20+$0xFFFFFFD0 ss:$0x1] =	vst.idx.msk $0xffff, v6;
	v5 =	vld [tilespmem:s21+$0x20]  }
0x30: {  	v2 =	vld [tilespmem:s21+$0xFFFFFFC0];
	[tilespmem:v0+s20+$0xFFFFFFE0 ss:$0x1] =	vst.idx.msk $0xffff, v7;
	s21 =	sadd.s32 $0x80, s21  }
0x31: {  	s23 =	sadd.s32 $0x800, s23;
	v4 =	vld [tilespmem:s21+$0x30];
	[tilespmem:v0+s20+$0xFFFFFFF0 ss:$0x1] =	vst.idx.msk $0xffff, v8  }
0x32: {  	_ =	sdelay $0x3  }
0x33: {  	v6 =	vld [tilespmem:s21+$0xFFFFFFD0];
	[tilespmem:v0+s20+$0x0 ss:$0x1] =	vst.idx.msk $0xffff, v1  }
0x34: {  	v58 =	vld [tilespmem:s21+$0xFFFFFFE0];
	[tilespmem:v0+s20+$0x10 ss:$0x1] =	vst.idx.msk $0xffff, v3  }
0x35: {  	v59 =	vld [tilespmem:s21+$0xFFFFFFF0];
	[tilespmem:v0+s20+$0x20 ss:$0x1] =	vst.idx.msk $0xffff, v5  }
0x36: {  	s22 =	sshra.s32 s22, $0x2;
	v60 =	vld [tilespmem:s21+$0x0];
	[tilespmem:v0+s20+$0xFFFFFFC0 ss:$0x1] =	vst.idx.msk $0xffff, v2  }
0x37: {  	v61 =	vld [tilespmem:s21+$0x10];
	[tilespmem:v0+s22+$0x30 ss:$0x1] =	vst.idx.msk $0xffff, v4  }
0x38: {  	v62 =	vld [tilespmem:s21+$0x20];
	s19 =	sadd.s32 $0x1, s19;
	[tilespmem:v0+s22+$0xFFFFFFD0 ss:$0x1] =	vst.idx.msk $0xffff, v6  }
0x39: {  	v63 =	vld [tilespmem:s21+$0xFFFFFFC0];
	p0 =	sne.s32 s19, $0x4;
	[tilespmem:v0+s22+$0xFFFFFFE0 ss:$0x1] =	vst.idx.msk $0xffff, v58  }
.Ltmp4:
0x3a: {  	[tilespmem:v0+s22+$0xFFFFFFF0 ss:$0x1] =	vst.idx.msk $0xffff, v59;
	(pc) =	sbr.rel @p0 .LBB1_4-.Ltmp4, $4  }
0x3b: {  	[tilespmem:v0+s22+$0x0 ss:$0x1] =	vst.idx.msk $0xffff, v60  }
0x3c: {  	[tilespmem:v0+s22+$0x10 ss:$0x1] =	vst.idx.msk $0xffff, v61  }
0x3d: {  	[tilespmem:v0+s22+$0x20 ss:$0x1] =	vst.idx.msk $0xffff, v62  }
0x3e: {  	s18 =	sadd.s32 $0x400, s18;
	s17 =	sadd.s32 $0x80, s17;
	[tilespmem:v0+s22+$0xFFFFFFC0 ss:$0x1] =	vst.idx.msk $0xffff, v63  }
0x3f: {  	s16 =	sadd.s32 $0x1, s16  }
0x40: {  	p0 =	sne.s32 s16, $0x4  }
.Ltmp5:
0x41: {  	_ = 	snop;
	(pc) =	sbr.rel @p0 .LBB1_3-.Ltmp5, $2  }
0x42: {  	_ =	sdelay $0x2  }
0x43: {  	s13 =	sadd.s32 $0x1000, s13;
	s14 =	sadd.s32 $0x1000, s14  }
.Ltmp6:
0x44: {  	(pc) =	sbr.rel .LBB1_9-.Ltmp6, $4  }
0x45: {  	_ = 	snop  }
0x46: {  	s12 =	sshll.u32 s12, $0x9  }
0x47: {  	s12 =	sadd.s32 s4, s12  }
0x48: {  	[hbm4b:s12+s8] =	stream.linear.scatter [tilespmem:s15], [sflag:$0x2], $0x4000, $0x38;
	[tilespmem:$0x10000] =	vst v63  }
.LBB1_10:
0x49: {  	_ =	sfence.sel $0x180000  }
0x4a: {  	s2 =	simm.s32 $0x1;
	[bflag:$0x0] =	sbarrier.arrive $0xFFFF  }
0x4b: {  	s31 =	simm.s32 $0x2;
	[sflag:s2] =	ssyncpa.u1 $0x1  }
0x4c: {  	[sflag:s31] =	ssyncpa.u1 $0x1  }
0x4d: {  	p0 =	sne.s32 s0, $0x0;
	_ =	strace $0x9000004A  }
0x4e: {  	s0 =	sadd.s32 @!p0 $0x100000, s1;
	[bflag:$0x2] =	sbarrier.arrive $0xFFFF  }
0x4f: {  	[sflag:s0] =	ssyncadd.tile.s32 @!p0 $0x1;
	_ =	shalt  }
.Lfunc_end1:
_tile_overlayer_lowered:
.L_overlay_start_2:
0x50: {  	(tag) =	ssettag $0x2  }
0x51: {  	s0 =	rddreg [dreg:$0x0];
	s2 =	stileid.u32  }
0x52: {  	s1 =	rddreg [dreg:$0x1];
	p0 =	sne.s32 s2, $0x0  }
0x53: {  	s3 =	rddreg [dreg:$0x2];
	[bflag:$0x3] =	sbarrier.arrive $0xFFFF;
	s2 =	simm.s32 @!p0 $0x1C01  }
0x54: {  	[timem:s3], [sflag:s2] =	dma.local @!p0 [hbm:s0], s1  }
0x55: {  	s0 =	simm.s32 @!p0 $0x1  }
0x56: {  	_ =	swait.ge @!p0 [sflag:s0], s1  }
0x57: {  	s1 =	ssub.s32 @!p0 $0x0, s1;
	[sflag:s0] =	ssyncset.done @!p0 $0x0  }
0x58: {  	[sflag:s0] =	ssyncadd.s32 @!p0 s1  }
0x59: {  	[bflag:$0x3] =	sbarrier.arrive $0xFFFF  }
0x5a: {  	_ =	shalt  }

// kernel: sparse-core-data-format-call.cloned.1.call-start
scs
called_computation_lowered:
.L_overlay_start_0:
0x0: {  	s1 =	sld [smem:$0x3FD9]  }
0x1: {  	s2 =	sld [smem:$0x3FFE];
	_ =	sdelay $0x1  }
0x2: {  	s3 =	srdreg.scid  }
0x3: {  	s0 =	sand.u32 $0x1, s3  }
0x4: {  	s17 =	sshll.u32 s0, $0xA;
	s1 =	sadd.s32 s2, s1  }
0x5: {  	s1 =	sadd.s32 s1, s17  }
0x6: {  	[smem:$0x3FA5] =	sst s1  }
0x7: {  	_ = 	snop  }
0x8: {  	(tm) =	ssettm $0x1  }
0x9: {  	s18 =	sld [smem:$0x3FFB];
	_ =	sdelay $0x3  }
0xa: {  	_ =	strace s18  }
0xb: {  	s1 =	sld [smem:$0x3FFC];
	_ =	sdelay $0x3  }
0xc: {  	_ =	strace s1  }
0xd: {  	s1 =	sld [smem:$0x3FFD];
	_ =	sdelay $0x3  }
0xe: {  	_ =	strace s1  }
0xf: {  	_ =	strace $0x8FFFFFFF  }
0x10: {  	s19 =	sld [smem:$0x3FDB];
	_ =	sdelay $0x1  }
0x11: {  	s20 =	simm.s32 $_scs_section_size  }
0x12: {  	s4 =	simm.s32 $_size__tile_overlayer_lowered;
	s5 =	simm.s32 $_tile_overlayer_lowered  }
0x13: {  	s23 =	simm.s32 $0x1BFF;
	s22 =	sshll.u32 s5, $0x1;
	s1 =	sadd.s32 s20, s19  }
0x14: {  	s6 =	simm.s32 $0x0;
	s21 =	sshll.u32 s4, $0x1;
	s4 =	sadd.s32 s22, s1  }
0x15: {  	[timem:s6], [sflag:s23] =	dma.local [hbm:s4], s21  }
0x16: {  	_ =	swait.ge [sflag:s23], s21  }
0x17: {  	s2 =	ssub.s32 $0x0, s21;
	[sflag:s23] =	ssyncset.done $0x0  }
0x18: {  	[sflag:s23] =	ssyncadd.s32 s2;
	_ =	sdelay $0x1  }
0x19: {  	s24 =	simm.s32 $0x1B8B  }
0x1a: {  	_ =	swait.ge [sflag:s24], $0x1  }
0x1b: {  	[sflag:s24] =	ssyncset.done $0x0  }
0x1c: {  	s26 =	simm.s32 $0x1B8E;
	s25 =	sld [smem:$0x3FFE];
	[sflag:s24] =	ssyncadd.s32 $0xFFFFFFFF  }
0x1d: {  	s27 =	simm.s32 $execute0_lowered;
	[smem:$0x3FD2] =	sst s26  }
0x1e: {  	s4 =	sshll.u32 s27, $0x1;
	_ =	strace $0x80000046;
	[dreg:$0x1] =	wrdreg $0xFFFFFFFF  }
0x1f: {  	s28 =	simm.s32 $_size_execute0_lowered;
	s1 =	sadd.s32 s1, s4;
	[dreg:$0x0] =	wrdreg $0x0  }
0x20: {  	s4 =	sshll.u32 s28, $0x1;
	[dreg:$0x2] =	wrdreg s1  }
0x21: {  	[dreg:$0x3] =	wrdreg s4  }
0x22: {  	[dreg:$0x4] =	wrdreg $0xC0  }
0x23: {  	_ =	task [dreg:s6], $0x5FFFF  }
0x24: {  	[dreg:$0x1] =	wrdreg $0xFFFFFFFF  }
0x25: {  	[dreg:$0x0] =	wrdreg $0x60  }
0x26: {  	[dreg:$0x2] =	wrdreg s25  }
0x27: {  	[dreg:$0x3] =	wrdreg $0x9  }
0x28: {  	_ =	task.clear_ibuf [dreg:s6], $0x4FFFF;
	_ =	strace $0x90000046  }
0x29: {  	s29 =	simm.s32 $0x9;
	_ =	strace $0x80000048  }
0x2a: {  	_ =	swait.ge [sflag:s29], $0x1  }
0x2b: {  	[sflag:s29] =	ssyncadd.s32 $0xFFFFFFFF  }
0x2c: {  	_ =	strace $0x90000048  }
0x2d: {  	_ =	sfence  }
0x2e: {  	s30 =	sld [smem:$0x0];
	_ =	sdelay $0x2  }
0x2f: {  	s31 =	sshll.u32 s3, $0xD;
	s3 =	sshrl.u32 s3, $0x2  }
0x30: {  	s2 =	sand.u32 $0x4000, s31;
	s1 =	sadd.s32 s3, s30  }
0x31: {  	s0 =	sor.u32 s2, s0;
	s1 =	sshll.u32 s1, $0x11  }
0x32: {  	s0 =	sor.u32 s1, s0  }
0x33: {  	s0 =	sadd.s32 $0x8F2B, s0  }
0x34: {  	[sflag:s0] =	ssyncadd.remote.s32 $0x1  }
0x35: {  	_ =	sfence.sel $0xFFFF  }
0x36: {  	[dreg:$0x0] =	wrdreg $0xFFFFFFFF;
	(pc) =	sbr.abs _section_cstart, $3  }
0x37: {  	[dreg:$0x1] =	wrdreg $0xFFFFFFFF  }
0x38: {  	_ =	task.clear_ibuf [dreg:s6], $0x2FFFF;
	_ =	strace $0x9FFFFFFF  }
0x39: {  	(tm) =	ssettm $0x7FFFFFFF  }
tec
execute0_lowered:
.L_overlay_start_1:
0x0: {  	(tag) =	ssettag $0x1  }
0x1: {  	s0 =	srdreg.scid  }
0x2: {  	s1 =	sshll.u32 s0, $0x4  }
0x3: {  	s4 =	rddreg [dreg:$0x0];
	s0 =	stileid.u32;
	s1 =	sand.u32 $0x10, s1  }
0x4: {  	s7 =	simm.s32 $0x1;
	s8 =	simm.s32 $0x2;
	s1 =	sor.u32 s0, s1  }
0x5: {  	s9 =	simm.s32 $0x0;
	s12 =	simm.s32 $0x0;
	s2 =	sshll.u32 s1, $0x2  }
0x6: {  	s11 =	simm.s32 $0x0;
	s3 =	sadd.s32 $0x5A00, s4;
	s6 =	ssub.s32 $0x800, s2  }
.Ltmp0:
0x7: {  	s4 =	sadd.s32 $0x145A00, s4;
	s5 =	sand.u32 $0x7C, s6;
	(pc) =	sbr.rel .LBB1_1-.Ltmp0, $4  }
0x8: {  	s1 =	rddreg [dreg:$0x1];
	_ =	strace $0x80000047;
	p0 =	sne.s32 s5, $0x0  }
0x9: {  	s6 =	sshrl.u32 s6, $0x7;
	s5 =	simm.s32 $0x1;
	s7 =	simm.s32 @!p0 $0x0  }
0xa: {  	s10 =	smov.u32 s2;
	[sflag:s5] =	ssyncpa.u1 $0x0;
	s6 =	sadd.s32 s7, s6  }
0xb: {  	[sflag:s8] =	ssyncpa.u1 $0x0;
	s8 =	simm.s32 $0x0;
	s7 =	sadd.s32 $0x1, s6  }
.LBB1_9:
0xc: {  	s14 =	sadd.s32 $0x80, s10  }
0xd: {  	p1 =	sgt.s32 s14, $0x7FF  }
0xe: {  	s14 =	smov.u32 @p1 s2;
	p1 =	sne.s32 s11, s7  }
.Ltmp1:
0xf: {  	p0 =	slt.u32 s11, $0x2;
	(pc) =	sbr.rel @!p1 .LBB1_10-.Ltmp1, $4  }
0x10: {  	s13 =	simm.s32 @!p0 $0x2  }
0x11: {  	s15 =	sadd.s32 $0x1, s11;
	_ =	swait.ge @!p0 [sflag:s13], $0x4000  }
0x12: {  	s12 =	smov.u32 s10;
	s9 =	sadd.s32 $0x4000, s9;
	[sflag:s13] =	ssyncset.done @!p0 $0x0  }
0x13: {  	s11 =	smov.u32 s15;
	s10 =	smov.u32 s14;
	[sflag:s13] =	ssyncadd.s32 @!p0 $0xFFFFC000  }
.LBB1_1:
0x14: {  	p0 =	sge.u32 s11, s6  }
0x15: {  	s13 =	sxor.u32 @!p0 $0xFFFFFFFF, s11  }
0x16: {  	s31 =	sadd.s32 $0xFFFFFFFF, s11;
	s14 =	sshll.u32 @!p0 s10, $0x9;
	s13 =	sshll.u32 @!p0 s13, $0xE  }
0x17: {  	s15 =	simm.s32 @!p0 $0x0;
	s14 =	sadd.s32 @!p0 s3, s14;
	s13 =	sand.u32 @!p0 $0x4000, s13  }
0x18: {  	[tilespmem:s13], [sflag:$0x1] =	stream.linear.gather @!p0 [hbm4b:s14+s15], $0x4000, $0x38;
	[tilespmem:$0x10000] =	vst v63  }
0x19: {  	p0 =	sge.u32 s31, s6  }
.Ltmp2:
0x1a: {  	_ = 	snop;
	(pc) =	sbr.rel @p0 .LBB1_9-.Ltmp2, $1  }
0x1b: {  	_ =	sdelay $0x3  }
0x1c: {  	s14 =	sand.u32 $0x4000, s9  }
0x1d: {  	_ =	swait.ge [sflag:s5], $0x4000;
	s15 =	sshll.u32 s11, $0xE;
	s16 =	simm.s32 $0x0  }
0x1e: {  	s13 =	sor.u32 $0x40, s14;
	[sflag:s5] =	ssyncset.done $0x0;
	s15 =	sand.u32 $0x4000, s15  }
0x1f: {  	s14 =	sor.u32 $0x8040, s14;
	[sflag:s5] =	ssyncadd.s32 $0xFFFFC000;
	s15 =	sor.u32 $0x8000, s15  }
.LBB1_3:
0x20: {  	s17 =	smov.u32 s14;
	s18 =	smov.u32 s13;
	s19 =	simm.s32 $0x0  }
.LBB1_4:
0x21: {  	v0 =	vmov s17;
	v2 =	vld [tilespmem:s18+$0x30]  }
0x22: {  	v4 =	vld [tilespmem:s18+$0xFFFFFFD0]  }
0x23: {  	v6 =	vld [tilespmem:s18+$0xFFFFFFE0]  }
0x24: {  	v7 =	vld [tilespmem:s18+$0xFFFFFFF0]  }
0x25: {  	s20 =	simm.s32 $0x0;
	v1 =	vld [tilespmem:s18+$0x0]  }
0x26: {  	v3 =	vld [tilespmem:s18+$0x10];
	[tilespmem:v0+s20+$0x30 ss:$0x1] =	vst.idx.msk $0xffff, v2  }
0x27: {  	v5 =	vld [tilespmem:s18+$0x20];
	[tilespmem:v0+s20+$0xFFFFFFD0 ss:$0x1] =	vst.idx.msk $0xffff, v4  }
0x28: {  	s21 =	sadd.s32 $0x80, s18;
	v2 =	vld [tilespmem:s18+$0xFFFFFFC0];
	[tilespmem:v0+s20+$0xFFFFFFE0 ss:$0x1] =	vst.idx.msk $0xffff, v6  }
0x29: {  	s22 =	simm.s32 $0x800;
	s23 =	simm.s32 $0x1000;
	v4 =	vld [tilespmem:s21+$0x30];
	[tilespmem:v0+s20+$0xFFFFFFF0 ss:$0x1] =	vst.idx.msk $0xffff, v7  }
.LBB1_5:
0x2a: {  	p0 =	sne.s32 s23, $0x3800;
	v6 =	vld [tilespmem:s21+$0xFFFFFFD0];
	[tilespmem:v0+s20+$0x0 ss:$0x1] =	vst.idx.msk $0xffff, v1  }
0x2b: {  	v7 =	vld [tilespmem:s21+$0xFFFFFFE0];
	[tilespmem:v0+s20+$0x10 ss:$0x1] =	vst.idx.msk $0xffff, v3  }
0x2c: {  	v8 =	vld [tilespmem:s21+$0xFFFFFFF0];
	[tilespmem:v0+s20+$0x20 ss:$0x1] =	vst.idx.msk $0xffff, v5  }
.Ltmp3:
0x2d: {  	v1 =	vld [tilespmem:s21+$0x0];
	[tilespmem:v0+s20+$0xFFFFFFC0 ss:$0x1] =	vst.idx.msk $0xffff, v2;
	s20 =	sshra.s32 s22, $0x2;
	s22 =	smov.u32 s23;
	(pc) =	sbr.rel @p0 .LBB1_5-.Ltmp3, $4  }
0x2e: {  	v3 =	vld [tilespmem:s21+$0x10];
	[tilespmem:v0+s20+$0x30 ss:$0x1] =	vst.idx.msk $0xffff, v4  }
0x2f: {  	[tilespmem:v0+s20+$0xFFFFFFD0 ss:$0x1] =	vst.idx.msk $0xffff, v6;
	v5 =	vld [tilespmem:s21+$0x20]  }
0x30: {  	v2 =	vld [tilespmem:s21+$0xFFFFFFC0];
	[tilespmem:v0+s20+$0xFFFFFFE0 ss:$0x1] =	vst.idx.msk $0xffff, v7;
	s21 =	sadd.s32 $0x80, s21  }
0x31: {  	s23 =	sadd.s32 $0x800, s23;
	v4 =	vld [tilespmem:s21+$0x30];
	[tilespmem:v0+s20+$0xFFFFFFF0 ss:$0x1] =	vst.idx.msk $0xffff, v8  }
0x32: {  	_ =	sdelay $0x3  }
0x33: {  	v6 =	vld [tilespmem:s21+$0xFFFFFFD0];
	[tilespmem:v0+s20+$0x0 ss:$0x1] =	vst.idx.msk $0xffff, v1  }
0x34: {  	v58 =	vld [tilespmem:s21+$0xFFFFFFE0];
	[tilespmem:v0+s20+$0x10 ss:$0x1] =	vst.idx.msk $0xffff, v3  }
0x35: {  	v59 =	vld [tilespmem:s21+$0xFFFFFFF0];
	[tilespmem:v0+s20+$0x20 ss:$0x1] =	vst.idx.msk $0xffff, v5  }
0x36: {  	s22 =	sshra.s32 s22, $0x2;
	v60 =	vld [tilespmem:s21+$0x0];
	[tilespmem:v0+s20+$0xFFFFFFC0 ss:$0x1] =	vst.idx.msk $0xffff, v2  }
0x37: {  	v61 =	vld [tilespmem:s21+$0x10];
	[tilespmem:v0+s22+$0x30 ss:$0x1] =	vst.idx.msk $0xffff, v4  }
0x38: {  	v62 =	vld [tilespmem:s21+$0x20];
	s19 =	sadd.s32 $0x1, s19;
	[tilespmem:v0+s22+$0xFFFFFFD0 ss:$0x1] =	vst.idx.msk $0xffff, v6  }
0x39: {  	v63 =	vld [tilespmem:s21+$0xFFFFFFC0];
	p0 =	sne.s32 s19, $0x4;
	[tilespmem:v0+s22+$0xFFFFFFE0 ss:$0x1] =	vst.idx.msk $0xffff, v58  }
.Ltmp4:
0x3a: {  	[tilespmem:v0+s22+$0xFFFFFFF0 ss:$0x1] =	vst.idx.msk $0xffff, v59;
	(pc) =	sbr.rel @p0 .LBB1_4-.Ltmp4, $4  }
0x3b: {  	[tilespmem:v0+s22+$0x0 ss:$0x1] =	vst.idx.msk $0xffff, v60  }
0x3c: {  	[tilespmem:v0+s22+$0x10 ss:$0x1] =	vst.idx.msk $0xffff, v61  }
0x3d: {  	[tilespmem:v0+s22+$0x20 ss:$0x1] =	vst.idx.msk $0xffff, v62  }
0x3e: {  	s18 =	sadd.s32 $0x400, s18;
	s17 =	sadd.s32 $0x80, s17;
	[tilespmem:v0+s22+$0xFFFFFFC0 ss:$0x1] =	vst.idx.msk $0xffff, v63  }
0x3f: {  	s16 =	sadd.s32 $0x1, s16  }
0x40: {  	p0 =	sne.s32 s16, $0x4  }
.Ltmp5:
0x41: {  	_ = 	snop;
	(pc) =	sbr.rel @p0 .LBB1_3-.Ltmp5, $2  }
0x42: {  	_ =	sdelay $0x2  }
0x43: {  	s13 =	sadd.s32 $0x1000, s13;
	s14 =	sadd.s32 $0x1000, s14  }
.Ltmp6:
0x44: {  	(pc) =	sbr.rel .LBB1_9-.Ltmp6, $4  }
0x45: {  	_ = 	snop  }
0x46: {  	s12 =	sshll.u32 s12, $0x9  }
0x47: {  	s12 =	sadd.s32 s4, s12  }
0x48: {  	[hbm4b:s12+s8] =	stream.linear.scatter [tilespmem:s15], [sflag:$0x2], $0x4000, $0x38;
	[tilespmem:$0x10000] =	vst v63  }
.LBB1_10:
0x49: {  	_ =	sfence.sel $0x180000  }
0x4a: {  	s2 =	simm.s32 $0x1;
	[bflag:$0x0] =	sbarrier.arrive $0xFFFF  }
0x4b: {  	s31 =	simm.s32 $0x2;
	[sflag:s2] =	ssyncpa.u1 $0x1  }
0x4c: {  	[sflag:s31] =	ssyncpa.u1 $0x1  }
0x4d: {  	p0 =	sne.s32 s0, $0x0;
	_ =	strace $0x90000047  }
0x4e: {  	s0 =	sadd.s32 @!p0 $0x100000, s1;
	[bflag:$0x2] =	sbarrier.arrive $0xFFFF  }
0x4f: {  	[sflag:s0] =	ssyncadd.tile.s32 @!p0 $0x1;
	_ =	shalt  }
.Lfunc_end1:
_tile_overlayer_lowered:
.L_overlay_start_2:
0x50: {  	(tag) =	ssettag $0x2  }
0x51: {  	s0 =	rddreg [dreg:$0x0];
	s2 =	stileid.u32  }
0x52: {  	s1 =	rddreg [dreg:$0x1];
	p0 =	sne.s32 s2, $0x0  }
0x53: {  	s3 =	rddreg [dreg:$0x2];
	[bflag:$0x3] =	sbarrier.arrive $0xFFFF;
	s2 =	simm.s32 @!p0 $0x1C01  }
0x54: {  	[timem:s3], [sflag:s2] =	dma.local @!p0 [hbm:s0], s1  }
0x55: {  	s0 =	simm.s32 @!p0 $0x1  }
0x56: {  	_ =	swait.ge @!p0 [sflag:s0], s1  }
0x57: {  	s1 =	ssub.s32 @!p0 $0x0, s1;
	[sflag:s0] =	ssyncset.done @!p0 $0x0  }
0x58: {  	[sflag:s0] =	ssyncadd.s32 @!p0 s1  }
0x59: {  	[bflag:$0x3] =	sbarrier.arrive $0xFFFF  }
0x5a: {  	_ =	shalt  }

</sc_bundles>
